<compile_context>
chip_gen: v7x
topology: tpu7x:2x2x1
jax: 0.10.2.dev20260603
libtpu: 0.0.44.dev20260713+nightly
codegen_flags: <defaults>
</compile_context>

<pallas_src>
import functools

import jax
import jax.numpy as jnp
from jax import lax
from jax.experimental import pallas as pl
from jax.experimental.pallas import tpu as pltpu
from jax.experimental.pallas import tpu_sc as plsc

NC = 2
NS = 16
GSZ = 512
FAST_CORE_SHARE = 0.535


def _mesh():
  return plsc.VectorSubcoreMesh(core_axis_name="c", subcore_axis_name="s")


def _make_deg_kernel(groups, rpt, np_rows):

  @functools.partial(
      pl.kernel,
      out_type=jax.ShapeDtypeStruct((NC, np_rows, 16), jnp.float32),
      mesh=_mesh(),
      compiler_params=pltpu.CompilerParams(use_tc_tiling_on_sc=False),
      scratch_types=[
          pltpu.VMEM((GSZ,), jnp.int32),
          pltpu.VMEM((GSZ,), jnp.int32),
          pltpu.VMEM((GSZ, 16), jnp.float32),
          pltpu.SemaphoreType.DMA,
          pltpu.SemaphoreType.DMA,
          pltpu.VMEM_SHARED((np_rows, 16), jnp.float32),
      ],
  )
  def deg_kernel(dst_hbm, ones_hbm, zeros_hbm, out_hbm,
                 dbuf0, dbuf1, ones_v, ssem0, ssem1, deg_sh):
    c = lax.axis_index("c")
    s = lax.axis_index("s")
    dbuf = (dbuf0, dbuf1)
    ssem = (ssem0, ssem1)
    pltpu.sync_copy(ones_hbm, ones_v)
    pltpu.sync_copy(zeros_hbm, deg_sh.at[pl.ds(s * rpt, rpt)])
    plsc.subcore_barrier()
    tb = (c * NS + s) * groups * GSZ

    def fire(gv, p):
      pltpu.sync_copy(dst_hbm.at[pl.ds(tb + gv * GSZ, GSZ)], dbuf[p])
      pltpu.async_copy(ones_v, deg_sh.at[dbuf[p]], ssem[p], add=True)

    def drain(p):
      pltpu.make_async_copy(ones_v, deg_sh.at[dbuf[p]], ssem[p]).wait()

    fire(0, 0)
    fire(1, 1)

    def body(k, carry):
      g = 2 + 2 * k
      drain(0)
      fire(g, 0)
      drain(1)
      fire(g + 1, 1)
      return carry

    lax.fori_loop(0, (groups - 2) // 2, body, 0)
    drain(0)
    drain(1)
    plsc.subcore_barrier()
    pltpu.sync_copy(deg_sh.at[pl.ds(s * rpt, rpt)],
                    out_hbm.at[c].at[pl.ds(s * rpt, rpt)])

  return deg_kernel


def _make_edge_kernel(g0, g1, rpt, np_rows):

  @functools.partial(
      pl.kernel,
      out_type=jax.ShapeDtypeStruct((NC, np_rows, 16), jnp.float32),
      mesh=_mesh(),
      compiler_params=pltpu.CompilerParams(use_tc_tiling_on_sc=False),
      scratch_types=[
          [pltpu.VMEM((GSZ,), jnp.int32)] * 4,
          [pltpu.VMEM((GSZ,), jnp.int32)] * 4,
          [pltpu.VMEM((GSZ, 16), jnp.float32)] * 2,
          [pltpu.SemaphoreType.DMA] * 2,
          [pltpu.SemaphoreType.DMA] * 2,
          pltpu.VMEM_SHARED((np_rows, 16), jnp.float32),
      ],
  )
  def edge_kernel(src_hbm, dst_hbm, u_hbm, zeros_hbm, out_hbm,
                  sbuf, dbuf, rows, gsem, ssem, agg_sh):
    c = lax.axis_index("c")
    s = lax.axis_index("s")
    pltpu.sync_copy(zeros_hbm, agg_sh.at[pl.ds(s * rpt, rpt)])
    plsc.subcore_barrier()
    groups = lax.select(c == 0, g0, g1)
    tb = lax.select(c == 0, s * g0, NS * g0 + s * g1) * GSZ

    def load_idx(gv, q):
      pltpu.sync_copy(src_hbm.at[pl.ds(tb + gv * GSZ, GSZ)], sbuf[q])
      pltpu.sync_copy(dst_hbm.at[pl.ds(tb + gv * GSZ, GSZ)], dbuf[q])

    def fire_gather(q, p):
      pltpu.async_copy(u_hbm.at[sbuf[q]], rows[p], gsem[p])

    def wait_gather(q, p):
      pltpu.make_async_copy(u_hbm.at[sbuf[q]], rows[p], gsem[p]).wait()

    def fire_scatter(q, p):
      pltpu.async_copy(rows[p], agg_sh.at[dbuf[q]], ssem[p], add=True)

    def drain_scatter(q, p):
      pltpu.make_async_copy(rows[p], agg_sh.at[dbuf[q]], ssem[p]).wait()

    load_idx(0, 0)
    load_idx(1, 1)
    fire_gather(0, 0)
    wait_gather(0, 0)
    fire_scatter(0, 0)
    fire_gather(1, 1)
    load_idx(2, 2)
    wait_gather(1, 1)
    fire_scatter(1, 1)
    drain_scatter(0, 0)
    fire_gather(2, 0)
    load_idx(3, 3)

    def step(gv, q, p):
      wait_gather(q, p)
      fire_scatter(q, p)
      drain_scatter((q - 1) % 4, 1 - p)
      fire_gather((q + 1) % 4, 1 - p)
      load_idx(gv + 2, (q + 2) % 4)

    def body(k, carry):
      g0v = 2 + 4 * k
      step(g0v, 2, 0)
      step(g0v + 1, 3, 1)
      step(g0v + 2, 0, 0)
      step(g0v + 3, 1, 1)
      return carry

    lax.fori_loop(0, (groups - 2) // 4, body, 0)
    wait_gather(2, 0)
    drain_scatter(1, 1)
    plsc.subcore_barrier()
    pltpu.sync_copy(agg_sh.at[pl.ds(s * rpt, rpt)],
                    out_hbm.at[c].at[pl.ds(s * rpt, rpt)])

  return edge_kernel


def _prep_body(degp_ref, x_ref, w_ref, dinv_ref, u_ref):
  d = degp_ref[0] + degp_ref[1] + 1.0
  dv = lax.rsqrt(d)
  dinv_ref[...] = dv
  u_ref[...] = dv * jnp.dot(x_ref[...], w_ref[...],
                            preferred_element_type=jnp.float32)


def _layer_body(agg_ref, u_ref, dinv_ref, b_ref, w_ref, un_ref):
  t = agg_ref[0] + agg_ref[1] + u_ref[...]
  o = jnp.maximum(dinv_ref[...] * t + b_ref[...], 0.0)
  un_ref[...] = dinv_ref[...] * jnp.dot(o, w_ref[...],
                                        preferred_element_type=jnp.float32)


def _make_final_body(nblk, nbp, npk_x):
  def _final_body(agg_ref, u_ref, dinv_ref, b_ref, batch_ref, wl_ref, bl_ref,
                  out_ref, acc_ref):
    i = pl.program_id(0)
    t = agg_ref[0] + agg_ref[1] + u_ref[...]
    o = jnp.maximum(dinv_ref[...] * t + b_ref[...], 0.0)
    rows = lax.broadcasted_iota(jnp.int32, (nbp, 1), 0) + i * nbp
    o = jnp.where(rows < npk_x, o, 0.0)
    ids = lax.broadcasted_iota(jnp.int32, (1, 64), 1)
    ones = jnp.ones((nbp, 16), jnp.float32)
    part = jnp.zeros((64, 32), jnp.float32)
    for k in range(8):
      oh = (batch_ref[:, k:k + 1] == ids).astype(jnp.float32)
      ext = jnp.concatenate([o[:, 16 * k:16 * k + 16], ones], axis=1)
      part = part + lax.dot_general(oh, ext, (((0,), (0,)), ((), ())),
                                    preferred_element_type=jnp.float32)

    @pl.when(i == 0)
    def _():
      acc_ref[...] = jnp.zeros_like(acc_ref)

    acc_ref[...] += part

    @pl.when(i == nblk - 1)
    def _():
      sums = acc_ref[:, :16]
      cnt = acc_ref[:, 16:17]
      pooled = sums / jnp.maximum(cnt, 1.0)
      out_ref[...] = jnp.dot(pooled, wl_ref[...],
                             preferred_element_type=jnp.float32) + bl_ref[...]

  return _final_body


def kernel(x, edge_index, batch, W1, b1, W2, b2, W3, b3, Wl, bl):
  n = x.shape[0]
  e = edge_index.shape[1]
  f32 = jnp.float32

  rpt = ((n + NS - 1) // NS + 7) // 8 * 8
  np_rows = NS * rpt
  npk = np_rows // 8
  npk_x = n * 16 // 128
  nblk = 4
  nbp = npk // nblk
  t_pair = (e + 16 * GSZ - 1) // (16 * GSZ)
  t_pair += (-t_pair) % 4
  g0 = 2 + 4 * max(1, int(round((t_pair * FAST_CORE_SHARE - 2) / 4)))
  g1 = t_pair - g0
  e_pad = 16 * GSZ * t_pair
  pad = e_pad - e
  e_arr = e_pad + 2 * GSZ

  src = edge_index[0]
  dst = edge_index[1]
  pad_src = jnp.zeros((e_arr - e,), jnp.int32)
  pad_dst = jnp.concatenate([
      n + (jnp.arange(pad, dtype=jnp.int32) % (np_rows - n)),
      jnp.zeros((2 * GSZ,), jnp.int32),
  ])
  src_p = jnp.concatenate([src, pad_src])
  dst_p = jnp.concatenate([dst, pad_dst])

  ones16 = jnp.ones((GSZ, 16), f32)
  zeros16 = jnp.zeros((rpt, 16), f32)

  x_p = x.reshape(npk_x, 128)
  batch_p = jnp.concatenate(
      [batch, jnp.full((np_rows - n,), 64, batch.dtype)]).reshape(npk, 8)
  eye8 = jnp.eye(8, dtype=f32)
  w1bd = jnp.kron(eye8, W1)
  w2bd = jnp.kron(eye8, W2)
  w3bd = jnp.kron(eye8, W3)
  b1t = jnp.tile(b1, 8).reshape(1, 128)
  b2t = jnp.tile(b2, 8).reshape(1, 128)
  b3t = jnp.tile(b3, 8).reshape(1, 128)

  deg_parts = _make_deg_kernel(t_pair // 2, rpt, np_rows)(
      dst_p, ones16, zeros16)
  deg_r = deg_parts.reshape(NC, npk, 128)
  edge_kernel = _make_edge_kernel(g0, g1, rpt, np_rows)

  row_spec = pl.BlockSpec((nbp, 128), lambda i: (i, 0))
  agg_spec = pl.BlockSpec((2, nbp, 128), lambda i: (0, i, 0))
  w_spec = pl.BlockSpec((128, 128), lambda i: (0, 0))
  b_spec = pl.BlockSpec((1, 128), lambda i: (0, 0))

  dinv, u = pl.pallas_call(
      _prep_body,
      grid=(nblk,),
      in_specs=[agg_spec, row_spec, w_spec],
      out_specs=[row_spec, row_spec],
      out_shape=[
          jax.ShapeDtypeStruct((npk_x, 128), f32),
          jax.ShapeDtypeStruct((npk_x, 128), f32),
      ],
  )(deg_r, x_p, w1bd)

  layer_call = pl.pallas_call(
      _layer_body,
      grid=(nblk,),
      in_specs=[agg_spec, row_spec, row_spec, b_spec, w_spec],
      out_specs=row_spec,
      out_shape=jax.ShapeDtypeStruct((npk_x, 128), f32),
  )

  agg = edge_kernel(src_p, dst_p, u.reshape(n, 16), zeros16)
  u = layer_call(agg.reshape(NC, npk, 128), u, dinv, b1t, w2bd)
  agg = edge_kernel(src_p, dst_p, u.reshape(n, 16), zeros16)
  u = layer_call(agg.reshape(NC, npk, 128), u, dinv, b2t, w3bd)
  agg = edge_kernel(src_p, dst_p, u.reshape(n, 16), zeros16)

  out = pl.pallas_call(
      _make_final_body(nblk, nbp, npk_x),
      grid=(nblk,),
      in_specs=[
          agg_spec, row_spec, row_spec, b_spec,
          pl.BlockSpec((nbp, 8), lambda i: (i, 0)),
          pl.BlockSpec((16, 2), lambda i: (0, 0)),
          pl.BlockSpec((1, 2), lambda i: (0, 0)),
      ],
      out_specs=pl.BlockSpec((64, 2), lambda i: (0, 0)),
      out_shape=jax.ShapeDtypeStruct((64, 2), f32),
      scratch_shapes=[pltpu.VMEM((64, 32), f32)],
  )(agg.reshape(NC, npk, 128), u, dinv, b3t, batch_p, Wl,
    bl.reshape(1, 2))

  return out

# --- scband reference (transcript-rebuilt; emitter-appended) ---
"""Pipeline reference for scband-gcnmodel-40750649704920 (READ-ONLY COPY).

The authoritative reference and input builder live on the scoring server;
editing this copy changes nothing except your own understanding.
"""

import jax, jax.numpy as jnp
import numpy as np

N = 100000
E = 3200000
F_IN = 16
H = 16
C = 2
B = 64


def setup_inputs(seed: int = 0) -> dict:
    key = jax.random.key(seed)
    ks = jax.random.split(key, 12)
    x = jax.random.normal(ks[0], (N, F_IN), dtype=jnp.float32)
    edge_index = jax.random.randint(ks[1], (2, E), 0, N, dtype=jnp.int32)
    batch = jnp.sort(jax.random.randint(ks[2], (N,), 0, B, dtype=jnp.int32))
    W1 = jax.random.normal(ks[3], (F_IN, H), dtype=jnp.float32) * 0.1
    b1 = jnp.zeros((H,), dtype=jnp.float32)
    W2 = jax.random.normal(ks[4], (H, H), dtype=jnp.float32) * 0.1
    b2 = jnp.zeros((H,), dtype=jnp.float32)
    W3 = jax.random.normal(ks[5], (H, H), dtype=jnp.float32) * 0.1
    b3 = jnp.zeros((H,), dtype=jnp.float32)
    Wl = jax.random.normal(ks[6], (H, C), dtype=jnp.float32) * 0.1
    bl = jnp.zeros((C,), dtype=jnp.float32)
    return {"x": x, "edge_index": edge_index, "batch": batch,
            "W1": W1, "b1": b1, "W2": W2, "b2": b2, "W3": W3, "b3": b3,
            "Wl": Wl, "bl": bl}


def _gcn_conv(x, src, dst, W, b, n):
    # GCNConv: x' = D^{-1/2} (A + I) D^{-1/2} (x W) + b
    h = x @ W
    loop = jnp.arange(n, dtype=src.dtype)
    src_a = jnp.concatenate([src, loop])
    dst_a = jnp.concatenate([dst, loop])
    deg = jnp.zeros((n,), dtype=h.dtype).at[dst_a].add(1.0)
    dinv = jnp.where(deg > 0, jax.lax.rsqrt(deg), 0.0)
    norm = dinv[src_a] * dinv[dst_a]
    msg = h[src_a] * norm[:, None]
    out = jnp.zeros((n, h.shape[1]), dtype=h.dtype).at[dst_a].add(msg)
    return out + b


def reference(x, edge_index, batch, W1, b1, W2, b2, W3, b3, Wl, bl):
    src = edge_index[0]
    dst = edge_index[1]
    n = x.shape[0]
    h = jax.nn.relu(_gcn_conv(x, src, dst, W1, b1, n))
    # dropout(p=0.7) is identity in eval mode
    h = jax.nn.relu(_gcn_conv(h, src, dst, W2, b2, n))
    h = jax.nn.relu(_gcn_conv(h, src, dst, W3, b3, n))
    # global_mean_pool over graph ids in `batch`
    sums = jax.ops.segment_sum(h, batch, num_segments=B)
    cnt = jax.ops.segment_sum(jnp.ones((n, 1), dtype=h.dtype), batch, num_segments=B)
    pooled = sums / jnp.maximum(cnt, 1.0)
    return pooled @ Wl + bl

if __name__ == "__main__":
    import jax
    _d = setup_inputs()
    print(jax.jit(kernel)(*tuple(_d.values())))

</pallas_src>

<mosaic_0001>
#map = affine_map<(d0, d1) -> (0)>
#map1 = affine_map<(d0, d1) -> (0, 0)>
#map2 = affine_map<(d0, d1) -> (0, 0, 0)>
module attributes {stable_mosaic.version = 14 : i64} {
  func.func @deg_kernel(%arg0: i32, %arg1: i32, %arg2: memref<3212288xi32, #tpu.memory_space<hbm>>, %arg3: memref<512x16xf32, #tpu.memory_space<hbm>>, %arg4: memref<6256x16xf32, #tpu.memory_space<hbm>>, %arg5: memref<2x100096x16xf32, #tpu.memory_space<hbm>>, %arg6: memref<512xi32, #tpu.memory_space<vmem>>, %arg7: memref<512xi32, #tpu.memory_space<vmem>>, %arg8: memref<512x16xf32, #tpu.memory_space<vmem>>, %arg9: memref<!tpu.dma_semaphore, #tpu.memory_space<semaphore_mem>>, %arg10: memref<!tpu.dma_semaphore, #tpu.memory_space<semaphore_mem>>, %arg11: memref<100096x16xf32, #tpu.memory_space<vmem_shared>>) attributes {dimension_semantics = [#tpu.dimension_semantics<core_parallel>, #tpu.dimension_semantics<subcore_parallel>], iteration_bounds = array<i64: 2, 16>, scalar_prefetch = 0 : i64, scratch_operands = 6 : i64, tpu.core_type = #tpu.core_type<sc_vector_subcore>, window_params = [{transform_indices = #map}, {transform_indices = #map1}, {transform_indices = #map1}, {transform_indices = #map2}]} {
    "tpu.region"() ({
      %run_scoped3A = tpu.sem_alloc : memref<!tpu.dma_semaphore, #tpu.memory_space<semaphore_mem>>
      tpu.enqueue_dma source(%arg3 : memref<512x16xf32, #tpu.memory_space<hbm>>) target(%arg8 : memref<512x16xf32, #tpu.memory_space<vmem>>) target_semaphore(%run_scoped3A : memref<!tpu.dma_semaphore, #tpu.memory_space<semaphore_mem>>)
      tpu.wait_dma2 semaphore(%run_scoped3A : memref<!tpu.dma_semaphore, #tpu.memory_space<semaphore_mem>>) src(%arg3 : memref<512x16xf32, #tpu.memory_space<hbm>>) dst(%arg8 : memref<512x16xf32, #tpu.memory_space<vmem>>)
      tpu.yield
    }) : () -> ()
    %mul3A = arith.constant 6256 : i32
    %mul3A_0 = arith.muli %arg1, %mul3A : i32
    "tpu.region"() ({
      %run_scoped3A = tpu.sem_alloc : memref<!tpu.dma_semaphore, #tpu.memory_space<semaphore_mem>>
      %dma_start3A_31 = arith.constant 0 : i32
      %dma_start3A_32 = tpu.memref_slice %arg11[%mul3A_0, %dma_start3A_31] : memref<100096x16xf32, #tpu.memory_space<vmem_shared>> -> memref<6256x16xf32, #tpu.memory_space<vmem_shared>>
      tpu.enqueue_dma source(%arg4 : memref<6256x16xf32, #tpu.memory_space<hbm>>) target(%dma_start3A_32 : memref<6256x16xf32, #tpu.memory_space<vmem_shared>>) target_semaphore(%run_scoped3A : memref<!tpu.dma_semaphore, #tpu.memory_space<semaphore_mem>>)
      %dma_wait3A_33 = arith.constant 0 : i32
      %dma_wait3A_34 = tpu.memref_slice %arg11[%mul3A_0, %dma_wait3A_33] : memref<100096x16xf32, #tpu.memory_space<vmem_shared>> -> memref<6256x16xf32, #tpu.memory_space<vmem_shared>>
      tpu.wait_dma2 semaphore(%run_scoped3A : memref<!tpu.dma_semaphore, #tpu.memory_space<semaphore_mem>>) src(%arg4 : memref<6256x16xf32, #tpu.memory_space<hbm>>) dst(%dma_wait3A_34 : memref<6256x16xf32, #tpu.memory_space<vmem_shared>>)
      tpu.yield
    }) : () -> ()
    %barrier3A = arith.constant 0 : index
    tpu.barrier barrier_id(%barrier3A)
    %mul3A_1 = arith.constant 16 : i32
    %mul3A_2 = arith.muli %arg0, %mul3A_1 : i32
    %add3A = arith.addi %mul3A_2, %arg1 : i32
    %mul3A_3 = arith.constant 196 : i32
    %mul3A_4 = arith.muli %add3A, %mul3A_3 : i32
    %mul3A_5 = arith.constant 512 : i32
    %mul3A_6 = arith.muli %mul3A_4, %mul3A_5 : i32
    %add3A_7 = arith.constant 0 : i32
    %add3A_8 = arith.addi %mul3A_6, %add3A_7 : i32
    "tpu.region"() ({
      %run_scoped3A = tpu.sem_alloc : memref<!tpu.dma_semaphore, #tpu.memory_space<semaphore_mem>>
      %dma_start3A_31 = tpu.memref_slice %arg2[%add3A_8] : memref<3212288xi32, #tpu.memory_space<hbm>> -> memref<512xi32, #tpu.memory_space<hbm>>
      %dma_start3A_32 = tpu.memref_slice %arg2[%add3A_8] : memref<3212288xi32, #tpu.memory_space<hbm>> -> memref<512xi32, #tpu.memory_space<hbm>>
      tpu.enqueue_dma source(%dma_start3A_32 : memref<512xi32, #tpu.memory_space<hbm>>) target(%arg6 : memref<512xi32, #tpu.memory_space<vmem>>) target_semaphore(%run_scoped3A : memref<!tpu.dma_semaphore, #tpu.memory_space<semaphore_mem>>)
      %dma_wait3A_33 = tpu.memref_slice %arg2[%add3A_8] : memref<3212288xi32, #tpu.memory_space<hbm>> -> memref<512xi32, #tpu.memory_space<hbm>>
      %dma_wait3A_34 = tpu.memref_slice %arg2[%add3A_8] : memref<3212288xi32, #tpu.memory_space<hbm>> -> memref<512xi32, #tpu.memory_space<hbm>>
      tpu.wait_dma2 semaphore(%run_scoped3A : memref<!tpu.dma_semaphore, #tpu.memory_space<semaphore_mem>>) src(%dma_wait3A_34 : memref<512xi32, #tpu.memory_space<hbm>>) dst(%arg6 : memref<512xi32, #tpu.memory_space<vmem>>)
      tpu.yield
    }) : () -> ()
    %dma_start3A = arith.constant 0 : i32
    %dma_start3A_9 = arith.constant 0 : i32
    %dma_start3A_10 = tpu.memref_slice %arg11[%dma_start3A, %dma_start3A_9] : memref<100096x16xf32, #tpu.memory_space<vmem_shared>> -> memref<100096x16xf32, #tpu.memory_space<vmem_shared>>
    tpu.enqueue_indirect_dma source(%arg8 : memref<512x16xf32, #tpu.memory_space<vmem>>) target(%dma_start3A_10 : memref<100096x16xf32, #tpu.memory_space<vmem_shared>>) offsets(%arg6 : memref<512xi32, #tpu.memory_space<vmem>>) semaphore(%arg9 : memref<!tpu.dma_semaphore, #tpu.memory_space<semaphore_mem>>) {add = true}
    %add3A_11 = arith.constant 512 : i32
    %add3A_12 = arith.addi %mul3A_6, %add3A_11 : i32
    "tpu.region"() ({
      %run_scoped3A = tpu.sem_alloc : memref<!tpu.dma_semaphore, #tpu.memory_space<semaphore_mem>>
      %dma_start3A_31 = tpu.memref_slice %arg2[%add3A_12] : memref<3212288xi32, #tpu.memory_space<hbm>> -> memref<512xi32, #tpu.memory_space<hbm>>
      %dma_start3A_32 = tpu.memref_slice %arg2[%add3A_12] : memref<3212288xi32, #tpu.memory_space<hbm>> -> memref<512xi32, #tpu.memory_space<hbm>>
      tpu.enqueue_dma source(%dma_start3A_32 : memref<512xi32, #tpu.memory_space<hbm>>) target(%arg7 : memref<512xi32, #tpu.memory_space<vmem>>) target_semaphore(%run_scoped3A : memref<!tpu.dma_semaphore, #tpu.memory_space<semaphore_mem>>)
      %dma_wait3A_33 = tpu.memref_slice %arg2[%add3A_12] : memref<3212288xi32, #tpu.memory_space<hbm>> -> memref<512xi32, #tpu.memory_space<hbm>>
      %dma_wait3A_34 = tpu.memref_slice %arg2[%add3A_12] : memref<3212288xi32, #tpu.memory_space<hbm>> -> memref<512xi32, #tpu.memory_space<hbm>>
      tpu.wait_dma2 semaphore(%run_scoped3A : memref<!tpu.dma_semaphore, #tpu.memory_space<semaphore_mem>>) src(%dma_wait3A_34 : memref<512xi32, #tpu.memory_space<hbm>>) dst(%arg7 : memref<512xi32, #tpu.memory_space<vmem>>)
      tpu.yield
    }) : () -> ()
    %dma_start3A_13 = arith.constant 0 : i32
    %dma_start3A_14 = arith.constant 0 : i32
    %dma_start3A_15 = tpu.memref_slice %arg11[%dma_start3A_13, %dma_start3A_14] : memref<100096x16xf32, #tpu.memory_space<vmem_shared>> -> memref<100096x16xf32, #tpu.memory_space<vmem_shared>>
    tpu.enqueue_indirect_dma source(%arg8 : memref<512x16xf32, #tpu.memory_space<vmem>>) target(%dma_start3A_15 : memref<100096x16xf32, #tpu.memory_space<vmem_shared>>) offsets(%arg7 : memref<512xi32, #tpu.memory_space<vmem>>) semaphore(%arg10 : memref<!tpu.dma_semaphore, #tpu.memory_space<semaphore_mem>>) {add = true}
    %scan3A = arith.constant 0 : i32
    %scan3A_16 = arith.constant 0 : i32
    %scan3A_17 = arith.constant 97 : i32
    %scan3A_18 = arith.addi %scan3A_16, %scan3A_17 : i32
    %scan3A_19 = arith.constant 1 : i32
    scf.for %scan3A_31 = %scan3A_16 to %scan3A_18 step %scan3A_19  : i32 {
      %mul3A_32 = arith.constant 2 : i32
      %mul3A_33 = arith.muli %mul3A_32, %scan3A_31 : i32
      %add3A_34 = arith.constant 2 : i32
      %add3A_35 = arith.addi %add3A_34, %mul3A_33 : i32
      %dma_wait3A_36 = arith.constant 0 : i32
      %dma_wait3A_37 = arith.constant 0 : i32
      %dma_wait3A_38 = tpu.memref_slice %arg11[%dma_wait3A_36, %dma_wait3A_37] : memref<100096x16xf32, #tpu.memory_space<vmem_shared>> -> memref<100096x16xf32, #tpu.memory_space<vmem_shared>>
      tpu.wait_indirect_dma semaphore(%arg9 : memref<!tpu.dma_semaphore, #tpu.memory_space<semaphore_mem>>) src(%arg8 : memref<512x16xf32, #tpu.memory_space<vmem>>) dst(%dma_wait3A_38 : memref<100096x16xf32, #tpu.memory_space<vmem_shared>>)
      %mul3A_39 = arith.constant 512 : i32
      %mul3A_40 = arith.muli %add3A_35, %mul3A_39 : i32
      %add3A_41 = arith.addi %mul3A_6, %mul3A_40 : i32
      "tpu.region"() ({
        %run_scoped3A = tpu.sem_alloc : memref<!tpu.dma_semaphore, #tpu.memory_space<semaphore_mem>>
        %dma_start3A_56 = tpu.memref_slice %arg2[%add3A_41] : memref<3212288xi32, #tpu.memory_space<hbm>> -> memref<512xi32, #tpu.memory_space<hbm>>
        %dma_start3A_57 = tpu.memref_slice %arg2[%add3A_41] : memref<3212288xi32, #tpu.memory_space<hbm>> -> memref<512xi32, #tpu.memory_space<hbm>>
        tpu.enqueue_dma source(%dma_start3A_57 : memref<512xi32, #tpu.memory_space<hbm>>) target(%arg6 : memref<512xi32, #tpu.memory_space<vmem>>) target_semaphore(%run_scoped3A : memref<!tpu.dma_semaphore, #tpu.memory_space<semaphore_mem>>)
        %dma_wait3A_58 = tpu.memref_slice %arg2[%add3A_41] : memref<3212288xi32, #tpu.memory_space<hbm>> -> memref<512xi32, #tpu.memory_space<hbm>>
        %dma_wait3A_59 = tpu.memref_slice %arg2[%add3A_41] : memref<3212288xi32, #tpu.memory_space<hbm>> -> memref<512xi32, #tpu.memory_space<hbm>>
        tpu.wait_dma2 semaphore(%run_scoped3A : memref<!tpu.dma_semaphore, #tpu.memory_space<semaphore_mem>>) src(%dma_wait3A_59 : memref<512xi32, #tpu.memory_space<hbm>>) dst(%arg6 : memref<512xi32, #tpu.memory_space<vmem>>)
        tpu.yield
      }) : () -> ()
      %dma_start3A_42 = arith.constant 0 : i32
      %dma_start3A_43 = arith.constant 0 : i32
      %dma_start3A_44 = tpu.memref_slice %arg11[%dma_start3A_42, %dma_start3A_43] : memref<100096x16xf32, #tpu.memory_space<vmem_shared>> -> memref<100096x16xf32, #tpu.memory_space<vmem_shared>>
      tpu.enqueue_indirect_dma source(%arg8 : memref<512x16xf32, #tpu.memory_space<vmem>>) target(%dma_start3A_44 : memref<100096x16xf32, #tpu.memory_space<vmem_shared>>) offsets(%arg6 : memref<512xi32, #tpu.memory_space<vmem>>) semaphore(%arg9 : memref<!tpu.dma_semaphore, #tpu.memory_space<semaphore_mem>>) {add = true}
      %dma_wait3A_45 = arith.constant 0 : i32
      %dma_wait3A_46 = arith.constant 0 : i32
      %dma_wait3A_47 = tpu.memref_slice %arg11[%dma_wait3A_45, %dma_wait3A_46] : memref<100096x16xf32, #tpu.memory_space<vmem_shared>> -> memref<100096x16xf32, #tpu.memory_space<vmem_shared>>
      tpu.wait_indirect_dma semaphore(%arg10 : memref<!tpu.dma_semaphore, #tpu.memory_space<semaphore_mem>>) src(%arg8 : memref<512x16xf32, #tpu.memory_space<vmem>>) dst(%dma_wait3A_47 : memref<100096x16xf32, #tpu.memory_space<vmem_shared>>)
      %add3A_48 = arith.constant 1 : i32
      %add3A_49 = arith.addi %add3A_35, %add3A_48 : i32
      %mul3A_50 = arith.constant 512 : i32
      %mul3A_51 = arith.muli %add3A_49, %mul3A_50 : i32
      %add3A_52 = arith.addi %mul3A_6, %mul3A_51 : i32
      "tpu.region"() ({
        %run_scoped3A = tpu.sem_alloc : memref<!tpu.dma_semaphore, #tpu.memory_space<semaphore_mem>>
        %dma_start3A_56 = tpu.memref_slice %arg2[%add3A_52] : memref<3212288xi32, #tpu.memory_space<hbm>> -> memref<512xi32, #tpu.memory_space<hbm>>
        %dma_start3A_57 = tpu.memref_slice %arg2[%add3A_52] : memref<3212288xi32, #tpu.memory_space<hbm>> -> memref<512xi32, #tpu.memory_space<hbm>>
        tpu.enqueue_dma source(%dma_start3A_57 : memref<512xi32, #tpu.memory_space<hbm>>) target(%arg7 : memref<512xi32, #tpu.memory_space<vmem>>) target_semaphore(%run_scoped3A : memref<!tpu.dma_semaphore, #tpu.memory_space<semaphore_mem>>)
        %dma_wait3A_58 = tpu.memref_slice %arg2[%add3A_52] : memref<3212288xi32, #tpu.memory_space<hbm>> -> memref<512xi32, #tpu.memory_space<hbm>>
        %dma_wait3A_59 = tpu.memref_slice %arg2[%add3A_52] : memref<3212288xi32, #tpu.memory_space<hbm>> -> memref<512xi32, #tpu.memory_space<hbm>>
        tpu.wait_dma2 semaphore(%run_scoped3A : memref<!tpu.dma_semaphore, #tpu.memory_space<semaphore_mem>>) src(%dma_wait3A_59 : memref<512xi32, #tpu.memory_space<hbm>>) dst(%arg7 : memref<512xi32, #tpu.memory_space<vmem>>)
        tpu.yield
      }) : () -> ()
      %dma_start3A_53 = arith.constant 0 : i32
      %dma_start3A_54 = arith.constant 0 : i32
      %dma_start3A_55 = tpu.memref_slice %arg11[%dma_start3A_53, %dma_start3A_54] : memref<100096x16xf32, #tpu.memory_space<vmem_shared>> -> memref<100096x16xf32, #tpu.memory_space<vmem_shared>>
      tpu.enqueue_indirect_dma source(%arg8 : memref<512x16xf32, #tpu.memory_space<vmem>>) target(%dma_start3A_55 : memref<100096x16xf32, #tpu.memory_space<vmem_shared>>) offsets(%arg7 : memref<512xi32, #tpu.memory_space<vmem>>) semaphore(%arg10 : memref<!tpu.dma_semaphore, #tpu.memory_space<semaphore_mem>>) {add = true}
    }
    %scan3A_20 = arith.constant 97 : i32
    %dma_wait3A = arith.constant 0 : i32
    %dma_wait3A_21 = arith.constant 0 : i32
    %dma_wait3A_22 = tpu.memref_slice %arg11[%dma_wait3A, %dma_wait3A_21] : memref<100096x16xf32, #tpu.memory_space<vmem_shared>> -> memref<100096x16xf32, #tpu.memory_space<vmem_shared>>
    tpu.wait_indirect_dma semaphore(%arg9 : memref<!tpu.dma_semaphore, #tpu.memory_space<semaphore_mem>>) src(%arg8 : memref<512x16xf32, #tpu.memory_space<vmem>>) dst(%dma_wait3A_22 : memref<100096x16xf32, #tpu.memory_space<vmem_shared>>)
    %dma_wait3A_23 = arith.constant 0 : i32
    %dma_wait3A_24 = arith.constant 0 : i32
    %dma_wait3A_25 = tpu.memref_slice %arg11[%dma_wait3A_23, %dma_wait3A_24] : memref<100096x16xf32, #tpu.memory_space<vmem_shared>> -> memref<100096x16xf32, #tpu.memory_space<vmem_shared>>
    tpu.wait_indirect_dma semaphore(%arg10 : memref<!tpu.dma_semaphore, #tpu.memory_space<semaphore_mem>>) src(%arg8 : memref<512x16xf32, #tpu.memory_space<vmem>>) dst(%dma_wait3A_25 : memref<100096x16xf32, #tpu.memory_space<vmem_shared>>)
    %barrier3A_26 = arith.constant 0 : index
    tpu.barrier barrier_id(%barrier3A_26)
    %mul3A_27 = arith.constant 6256 : i32
    %mul3A_28 = arith.muli %arg1, %mul3A_27 : i32
    %mul3A_29 = arith.constant 6256 : i32
    %mul3A_30 = arith.muli %arg1, %mul3A_29 : i32
    "tpu.region"() ({
      %run_scoped3A = tpu.sem_alloc : memref<!tpu.dma_semaphore, #tpu.memory_space<semaphore_mem>>
      %dma_start3A_31 = arith.constant 0 : i32
      %dma_start3A_32 = arith.constant 0 : i32
      %dma_start3A_33 = tpu.memref_slice %arg5[%arg0, %dma_start3A_31, %dma_start3A_32] : memref<2x100096x16xf32, #tpu.memory_space<hbm>> -> memref<1x100096x16xf32, #tpu.memory_space<hbm>>
      %dma_start3A_34 = tpu.memref_squeeze %dma_start3A_33 : memref<1x100096x16xf32, #tpu.memory_space<hbm>> -> memref<100096x16xf32, #tpu.memory_space<hbm>>
      %dma_start3A_35 = arith.constant 0 : i32
      %dma_start3A_36 = tpu.memref_slice %dma_start3A_34[%mul3A_30, %dma_start3A_35] : memref<100096x16xf32, #tpu.memory_space<hbm>> -> memref<6256x16xf32, #tpu.memory_space<hbm>>
      %dma_start3A_37 = arith.constant 0 : i32
      %dma_start3A_38 = tpu.memref_slice %arg11[%mul3A_28, %dma_start3A_37] : memref<100096x16xf32, #tpu.memory_space<vmem_shared>> -> memref<6256x16xf32, #tpu.memory_space<vmem_shared>>
      tpu.enqueue_dma source(%dma_start3A_38 : memref<6256x16xf32, #tpu.memory_space<vmem_shared>>) target(%dma_start3A_36 : memref<6256x16xf32, #tpu.memory_space<hbm>>) target_semaphore(%run_scoped3A : memref<!tpu.dma_semaphore, #tpu.memory_space<semaphore_mem>>)
      %dma_wait3A_39 = arith.constant 0 : i32
      %dma_wait3A_40 = arith.constant 0 : i32
      %dma_wait3A_41 = tpu.memref_slice %arg5[%arg0, %dma_wait3A_39, %dma_wait3A_40] : memref<2x100096x16xf32, #tpu.memory_space<hbm>> -> memref<1x100096x16xf32, #tpu.memory_space<hbm>>
      %dma_wait3A_42 = tpu.memref_squeeze %dma_wait3A_41 : memref<1x100096x16xf32, #tpu.memory_space<hbm>> -> memref<100096x16xf32, #tpu.memory_space<hbm>>
      %dma_wait3A_43 = arith.constant 0 : i32
      %dma_wait3A_44 = tpu.memref_slice %dma_wait3A_42[%mul3A_30, %dma_wait3A_43] : memref<100096x16xf32, #tpu.memory_space<hbm>> -> memref<6256x16xf32, #tpu.memory_space<hbm>>
      %dma_wait3A_45 = arith.constant 0 : i32
      %dma_wait3A_46 = tpu.memref_slice %arg11[%mul3A_28, %dma_wait3A_45] : memref<100096x16xf32, #tpu.memory_space<vmem_shared>> -> memref<6256x16xf32, #tpu.memory_space<vmem_shared>>
      tpu.wait_dma2 semaphore(%run_scoped3A : memref<!tpu.dma_semaphore, #tpu.memory_space<semaphore_mem>>) src(%dma_wait3A_46 : memref<6256x16xf32, #tpu.memory_space<vmem_shared>>) dst(%dma_wait3A_44 : memref<6256x16xf32, #tpu.memory_space<hbm>>)
      tpu.yield
    }) : () -> ()
    return
  }
}

#map = affine_map<(d0, d1) -> (0)>
#map1 = affine_map<(d0, d1) -> (0, 0)>
#map2 = affine_map<(d0, d1) -> (0, 0, 0)>
module attributes {stable_mosaic.version = 14 : i64} {
  func.func @edge_kernel(%arg0: i32, %arg1: i32, %arg2: memref<3212288xi32, #tpu.memory_space<hbm>>, %arg3: memref<3212288xi32, #tpu.memory_space<hbm>>, %arg4: memref<100000x16xf32, #tpu.memory_space<hbm>>, %arg5: memref<6256x16xf32, #tpu.memory_space<hbm>>, %arg6: memref<2x100096x16xf32, #tpu.memory_space<hbm>>, %arg7: memref<512xi32, #tpu.memory_space<vmem>>, %arg8: memref<512xi32, #tpu.memory_space<vmem>>, %arg9: memref<512xi32, #tpu.memory_space<vmem>>, %arg10: memref<512xi32, #tpu.memory_space<vmem>>, %arg11: memref<512xi32, #tpu.memory_space<vmem>>, %arg12: memref<512xi32, #tpu.memory_space<vmem>>, %arg13: memref<512xi32, #tpu.memory_space<vmem>>, %arg14: memref<512xi32, #tpu.memory_space<vmem>>, %arg15: memref<512x16xf32, #tpu.memory_space<vmem>>, %arg16: memref<512x16xf32, #tpu.memory_space<vmem>>, %arg17: memref<!tpu.dma_semaphore, #tpu.memory_space<semaphore_mem>>, %arg18: memref<!tpu.dma_semaphore, #tpu.memory_space<semaphore_mem>>, %arg19: memref<!tpu.dma_semaphore, #tpu.memory_space<semaphore_mem>>, %arg20: memref<!tpu.dma_semaphore, #tpu.memory_space<semaphore_mem>>, %arg21: memref<100096x16xf32, #tpu.memory_space<vmem_shared>>) attributes {dimension_semantics = [#tpu.dimension_semantics<core_parallel>, #tpu.dimension_semantics<subcore_parallel>], iteration_bounds = array<i64: 2, 16>, scalar_prefetch = 0 : i64, scratch_operands = 15 : i64, tpu.core_type = #tpu.core_type<sc_vector_subcore>, window_params = [{transform_indices = #map}, {transform_indices = #map}, {transform_indices = #map1}, {transform_indices = #map1}, {transform_indices = #map2}]} {
    %mul3A = arith.constant 6256 : i32
    %mul3A_0 = arith.muli %arg1, %mul3A : i32
    "tpu.region"() ({
      %run_scoped3A = tpu.sem_alloc : memref<!tpu.dma_semaphore, #tpu.memory_space<semaphore_mem>>
      %dma_start3A_91 = arith.constant 0 : i32
      %dma_start3A_92 = tpu.memref_slice %arg21[%mul3A_0, %dma_start3A_91] : memref<100096x16xf32, #tpu.memory_space<vmem_shared>> -> memref<6256x16xf32, #tpu.memory_space<vmem_shared>>
      tpu.enqueue_dma source(%arg5 : memref<6256x16xf32, #tpu.memory_space<hbm>>) target(%dma_start3A_92 : memref<6256x16xf32, #tpu.memory_space<vmem_shared>>) target_semaphore(%run_scoped3A : memref<!tpu.dma_semaphore, #tpu.memory_space<semaphore_mem>>)
      %dma_wait3A_93 = arith.constant 0 : i32
      %dma_wait3A_94 = tpu.memref_slice %arg21[%mul3A_0, %dma_wait3A_93] : memref<100096x16xf32, #tpu.memory_space<vmem_shared>> -> memref<6256x16xf32, #tpu.memory_space<vmem_shared>>
      tpu.wait_dma2 semaphore(%run_scoped3A : memref<!tpu.dma_semaphore, #tpu.memory_space<semaphore_mem>>) src(%arg5 : memref<6256x16xf32, #tpu.memory_space<hbm>>) dst(%dma_wait3A_94 : memref<6256x16xf32, #tpu.memory_space<vmem_shared>>)
      tpu.yield
    }) : () -> ()
    %barrier3A = arith.constant 0 : index
    tpu.barrier barrier_id(%barrier3A)
    %eq3A = arith.constant 0 : i32
    %eq3A_1 = arith.cmpi eq, %arg0, %eq3A : i32
    %select_n3A = arith.constant 182 : i32
    %select_n3A_2 = arith.constant 210 : i32
    %select_n3A_3 = arith.select %eq3A_1, %select_n3A_2, %select_n3A : i32
    %eq3A_4 = arith.constant 0 : i32
    %eq3A_5 = arith.cmpi eq, %arg0, %eq3A_4 : i32
    %mul3A_6 = arith.constant 210 : i32
    %mul3A_7 = arith.muli %arg1, %mul3A_6 : i32
    %mul3A_8 = arith.constant 182 : i32
    %mul3A_9 = arith.muli %arg1, %mul3A_8 : i32
    %add3A = arith.constant 3360 : i32
    %add3A_10 = arith.addi %add3A, %mul3A_9 : i32
    %select_n3A_11 = arith.select %eq3A_5, %mul3A_7, %add3A_10 : i32
    %mul3A_12 = arith.constant 512 : i32
    %mul3A_13 = arith.muli %select_n3A_11, %mul3A_12 : i32
    %add3A_14 = arith.constant 0 : i32
    %add3A_15 = arith.addi %mul3A_13, %add3A_14 : i32
    "tpu.region"() ({
      %run_scoped3A = tpu.sem_alloc : memref<!tpu.dma_semaphore, #tpu.memory_space<semaphore_mem>>
      %dma_start3A_91 = tpu.memref_slice %arg2[%add3A_15] : memref<3212288xi32, #tpu.memory_space<hbm>> -> memref<512xi32, #tpu.memory_space<hbm>>
      %dma_start3A_92 = tpu.memref_slice %arg2[%add3A_15] : memref<3212288xi32, #tpu.memory_space<hbm>> -> memref<512xi32, #tpu.memory_space<hbm>>
      tpu.enqueue_dma source(%dma_start3A_92 : memref<512xi32, #tpu.memory_space<hbm>>) target(%arg7 : memref<512xi32, #tpu.memory_space<vmem>>) target_semaphore(%run_scoped3A : memref<!tpu.dma_semaphore, #tpu.memory_space<semaphore_mem>>)
      %dma_wait3A_93 = tpu.memref_slice %arg2[%add3A_15] : memref<3212288xi32, #tpu.memory_space<hbm>> -> memref<512xi32, #tpu.memory_space<hbm>>
      %dma_wait3A_94 = tpu.memref_slice %arg2[%add3A_15] : memref<3212288xi32, #tpu.memory_space<hbm>> -> memref<512xi32, #tpu.memory_space<hbm>>
      tpu.wait_dma2 semaphore(%run_scoped3A : memref<!tpu.dma_semaphore, #tpu.memory_space<semaphore_mem>>) src(%dma_wait3A_94 : memref<512xi32, #tpu.memory_space<hbm>>) dst(%arg7 : memref<512xi32, #tpu.memory_space<vmem>>)
      tpu.yield
    }) : () -> ()
    %add3A_16 = arith.constant 0 : i32
    %add3A_17 = arith.addi %mul3A_13, %add3A_16 : i32
    "tpu.region"() ({
      %run_scoped3A = tpu.sem_alloc : memref<!tpu.dma_semaphore, #tpu.memory_space<semaphore_mem>>
      %dma_start3A_91 = tpu.memref_slice %arg3[%add3A_17] : memref<3212288xi32, #tpu.memory_space<hbm>> -> memref<512xi32, #tpu.memory_space<hbm>>
      %dma_start3A_92 = tpu.memref_slice %arg3[%add3A_17] : memref<3212288xi32, #tpu.memory_space<hbm>> -> memref<512xi32, #tpu.memory_space<hbm>>
      tpu.enqueue_dma source(%dma_start3A_92 : memref<512xi32, #tpu.memory_space<hbm>>) target(%arg11 : memref<512xi32, #tpu.memory_space<vmem>>) target_semaphore(%run_scoped3A : memref<!tpu.dma_semaphore, #tpu.memory_space<semaphore_mem>>)
      %dma_wait3A_93 = tpu.memref_slice %arg3[%add3A_17] : memref<3212288xi32, #tpu.memory_space<hbm>> -> memref<512xi32, #tpu.memory_space<hbm>>
      %dma_wait3A_94 = tpu.memref_slice %arg3[%add3A_17] : memref<3212288xi32, #tpu.memory_space<hbm>> -> memref<512xi32, #tpu.memory_space<hbm>>
      tpu.wait_dma2 semaphore(%run_scoped3A : memref<!tpu.dma_semaphore, #tpu.memory_space<semaphore_mem>>) src(%dma_wait3A_94 : memref<512xi32, #tpu.memory_space<hbm>>) dst(%arg11 : memref<512xi32, #tpu.memory_space<vmem>>)
      tpu.yield
    }) : () -> ()
    %add3A_18 = arith.constant 512 : i32
    %add3A_19 = arith.addi %mul3A_13, %add3A_18 : i32
    "tpu.region"() ({
      %run_scoped3A = tpu.sem_alloc : memref<!tpu.dma_semaphore, #tpu.memory_space<semaphore_mem>>
      %dma_start3A_91 = tpu.memref_slice %arg2[%add3A_19] : memref<3212288xi32, #tpu.memory_space<hbm>> -> memref<512xi32, #tpu.memory_space<hbm>>
      %dma_start3A_92 = tpu.memref_slice %arg2[%add3A_19] : memref<3212288xi32, #tpu.memory_space<hbm>> -> memref<512xi32, #tpu.memory_space<hbm>>
      tpu.enqueue_dma source(%dma_start3A_92 : memref<512xi32, #tpu.memory_space<hbm>>) target(%arg8 : memref<512xi32, #tpu.memory_space<vmem>>) target_semaphore(%run_scoped3A : memref<!tpu.dma_semaphore, #tpu.memory_space<semaphore_mem>>)
      %dma_wait3A_93 = tpu.memref_slice %arg2[%add3A_19] : memref<3212288xi32, #tpu.memory_space<hbm>> -> memref<512xi32, #tpu.memory_space<hbm>>
      %dma_wait3A_94 = tpu.memref_slice %arg2[%add3A_19] : memref<3212288xi32, #tpu.memory_space<hbm>> -> memref<512xi32, #tpu.memory_space<hbm>>
      tpu.wait_dma2 semaphore(%run_scoped3A : memref<!tpu.dma_semaphore, #tpu.memory_space<semaphore_mem>>) src(%dma_wait3A_94 : memref<512xi32, #tpu.memory_space<hbm>>) dst(%arg8 : memref<512xi32, #tpu.memory_space<vmem>>)
      tpu.yield
    }) : () -> ()
    %add3A_20 = arith.constant 512 : i32
    %add3A_21 = arith.addi %mul3A_13, %add3A_20 : i32
    "tpu.region"() ({
      %run_scoped3A = tpu.sem_alloc : memref<!tpu.dma_semaphore, #tpu.memory_space<semaphore_mem>>
      %dma_start3A_91 = tpu.memref_slice %arg3[%add3A_21] : memref<3212288xi32, #tpu.memory_space<hbm>> -> memref<512xi32, #tpu.memory_space<hbm>>
      %dma_start3A_92 = tpu.memref_slice %arg3[%add3A_21] : memref<3212288xi32, #tpu.memory_space<hbm>> -> memref<512xi32, #tpu.memory_space<hbm>>
      tpu.enqueue_dma source(%dma_start3A_92 : memref<512xi32, #tpu.memory_space<hbm>>) target(%arg12 : memref<512xi32, #tpu.memory_space<vmem>>) target_semaphore(%run_scoped3A : memref<!tpu.dma_semaphore, #tpu.memory_space<semaphore_mem>>)
      %dma_wait3A_93 = tpu.memref_slice %arg3[%add3A_21] : memref<3212288xi32, #tpu.memory_space<hbm>> -> memref<512xi32, #tpu.memory_space<hbm>>
      %dma_wait3A_94 = tpu.memref_slice %arg3[%add3A_21] : memref<3212288xi32, #tpu.memory_space<hbm>> -> memref<512xi32, #tpu.memory_space<hbm>>
      tpu.wait_dma2 semaphore(%run_scoped3A : memref<!tpu.dma_semaphore, #tpu.memory_space<semaphore_mem>>) src(%dma_wait3A_94 : memref<512xi32, #tpu.memory_space<hbm>>) dst(%arg12 : memref<512xi32, #tpu.memory_space<vmem>>)
      tpu.yield
    }) : () -> ()
    %dma_start3A = arith.constant 0 : i32
    %dma_start3A_22 = arith.constant 0 : i32
    %dma_start3A_23 = tpu.memref_slice %arg4[%dma_start3A, %dma_start3A_22] : memref<100000x16xf32, #tpu.memory_space<hbm>> -> memref<100000x16xf32, #tpu.memory_space<hbm>>
    tpu.enqueue_indirect_dma source(%dma_start3A_23 : memref<100000x16xf32, #tpu.memory_space<hbm>>) target(%arg15 : memref<512x16xf32, #tpu.memory_space<vmem>>) offsets(%arg7 : memref<512xi32, #tpu.memory_space<vmem>>) semaphore(%arg17 : memref<!tpu.dma_semaphore, #tpu.memory_space<semaphore_mem>>)
    %dma_wait3A = arith.constant 0 : i32
    %dma_wait3A_24 = arith.constant 0 : i32
    %dma_wait3A_25 = tpu.memref_slice %arg4[%dma_wait3A, %dma_wait3A_24] : memref<100000x16xf32, #tpu.memory_space<hbm>> -> memref<100000x16xf32, #tpu.memory_space<hbm>>
    tpu.wait_indirect_dma semaphore(%arg17 : memref<!tpu.dma_semaphore, #tpu.memory_space<semaphore_mem>>) src(%dma_wait3A_25 : memref<100000x16xf32, #tpu.memory_space<hbm>>) dst(%arg15 : memref<512x16xf32, #tpu.memory_space<vmem>>)
    %dma_start3A_26 = arith.constant 0 : i32
    %dma_start3A_27 = arith.constant 0 : i32
    %dma_start3A_28 = tpu.memref_slice %arg21[%dma_start3A_26, %dma_start3A_27] : memref<100096x16xf32, #tpu.memory_space<vmem_shared>> -> memref<100096x16xf32, #tpu.memory_space<vmem_shared>>
    tpu.enqueue_indirect_dma source(%arg15 : memref<512x16xf32, #tpu.memory_space<vmem>>) target(%dma_start3A_28 : memref<100096x16xf32, #tpu.memory_space<vmem_shared>>) offsets(%arg11 : memref<512xi32, #tpu.memory_space<vmem>>) semaphore(%arg19 : memref<!tpu.dma_semaphore, #tpu.memory_space<semaphore_mem>>) {add = true}
    %dma_start3A_29 = arith.constant 0 : i32
    %dma_start3A_30 = arith.constant 0 : i32
    %dma_start3A_31 = tpu.memref_slice %arg4[%dma_start3A_29, %dma_start3A_30] : memref<100000x16xf32, #tpu.memory_space<hbm>> -> memref<100000x16xf32, #tpu.memory_space<hbm>>
    tpu.enqueue_indirect_dma source(%dma_start3A_31 : memref<100000x16xf32, #tpu.memory_space<hbm>>) target(%arg16 : memref<512x16xf32, #tpu.memory_space<vmem>>) offsets(%arg8 : memref<512xi32, #tpu.memory_space<vmem>>) semaphore(%arg18 : memref<!tpu.dma_semaphore, #tpu.memory_space<semaphore_mem>>)
    %add3A_32 = arith.constant 1024 : i32
    %add3A_33 = arith.addi %mul3A_13, %add3A_32 : i32
    "tpu.region"() ({
      %run_scoped3A = tpu.sem_alloc : memref<!tpu.dma_semaphore, #tpu.memory_space<semaphore_mem>>
      %dma_start3A_91 = tpu.memref_slice %arg2[%add3A_33] : memref<3212288xi32, #tpu.memory_space<hbm>> -> memref<512xi32, #tpu.memory_space<hbm>>
      %dma_start3A_92 = tpu.memref_slice %arg2[%add3A_33] : memref<3212288xi32, #tpu.memory_space<hbm>> -> memref<512xi32, #tpu.memory_space<hbm>>
      tpu.enqueue_dma source(%dma_start3A_92 : memref<512xi32, #tpu.memory_space<hbm>>) target(%arg9 : memref<512xi32, #tpu.memory_space<vmem>>) target_semaphore(%run_scoped3A : memref<!tpu.dma_semaphore, #tpu.memory_space<semaphore_mem>>)
      %dma_wait3A_93 = tpu.memref_slice %arg2[%add3A_33] : memref<3212288xi32, #tpu.memory_space<hbm>> -> memref<512xi32, #tpu.memory_space<hbm>>
      %dma_wait3A_94 = tpu.memref_slice %arg2[%add3A_33] : memref<3212288xi32, #tpu.memory_space<hbm>> -> memref<512xi32, #tpu.memory_space<hbm>>
      tpu.wait_dma2 semaphore(%run_scoped3A : memref<!tpu.dma_semaphore, #tpu.memory_space<semaphore_mem>>) src(%dma_wait3A_94 : memref<512xi32, #tpu.memory_space<hbm>>) dst(%arg9 : memref<512xi32, #tpu.memory_space<vmem>>)
      tpu.yield
    }) : () -> ()
    %add3A_34 = arith.constant 1024 : i32
    %add3A_35 = arith.addi %mul3A_13, %add3A_34 : i32
    "tpu.region"() ({
      %run_scoped3A = tpu.sem_alloc : memref<!tpu.dma_semaphore, #tpu.memory_space<semaphore_mem>>
      %dma_start3A_91 = tpu.memref_slice %arg3[%add3A_35] : memref<3212288xi32, #tpu.memory_space<hbm>> -> memref<512xi32, #tpu.memory_space<hbm>>
      %dma_start3A_92 = tpu.memref_slice %arg3[%add3A_35] : memref<3212288xi32, #tpu.memory_space<hbm>> -> memref<512xi32, #tpu.memory_space<hbm>>
      tpu.enqueue_dma source(%dma_start3A_92 : memref<512xi32, #tpu.memory_space<hbm>>) target(%arg13 : memref<512xi32, #tpu.memory_space<vmem>>) target_semaphore(%run_scoped3A : memref<!tpu.dma_semaphore, #tpu.memory_space<semaphore_mem>>)
      %dma_wait3A_93 = tpu.memref_slice %arg3[%add3A_35] : memref<3212288xi32, #tpu.memory_space<hbm>> -> memref<512xi32, #tpu.memory_space<hbm>>
      %dma_wait3A_94 = tpu.memref_slice %arg3[%add3A_35] : memref<3212288xi32, #tpu.memory_space<hbm>> -> memref<512xi32, #tpu.memory_space<hbm>>
      tpu.wait_dma2 semaphore(%run_scoped3A : memref<!tpu.dma_semaphore, #tpu.memory_space<semaphore_mem>>) src(%dma_wait3A_94 : memref<512xi32, #tpu.memory_space<hbm>>) dst(%arg13 : memref<512xi32, #tpu.memory_space<vmem>>)
      tpu.yield
    }) : () -> ()
    %dma_wait3A_36 = arith.constant 0 : i32
    %dma_wait3A_37 = arith.constant 0 : i32
    %dma_wait3A_38 = tpu.memref_slice %arg4[%dma_wait3A_36, %dma_wait3A_37] : memref<100000x16xf32, #tpu.memory_space<hbm>> -> memref<100000x16xf32, #tpu.memory_space<hbm>>
    tpu.wait_indirect_dma semaphore(%arg18 : memref<!tpu.dma_semaphore, #tpu.memory_space<semaphore_mem>>) src(%dma_wait3A_38 : memref<100000x16xf32, #tpu.memory_space<hbm>>) dst(%arg16 : memref<512x16xf32, #tpu.memory_space<vmem>>)
    %dma_start3A_39 = arith.constant 0 : i32
    %dma_start3A_40 = arith.constant 0 : i32
    %dma_start3A_41 = tpu.memref_slice %arg21[%dma_start3A_39, %dma_start3A_40] : memref<100096x16xf32, #tpu.memory_space<vmem_shared>> -> memref<100096x16xf32, #tpu.memory_space<vmem_shared>>
    tpu.enqueue_indirect_dma source(%arg16 : memref<512x16xf32, #tpu.memory_space<vmem>>) target(%dma_start3A_41 : memref<100096x16xf32, #tpu.memory_space<vmem_shared>>) offsets(%arg12 : memref<512xi32, #tpu.memory_space<vmem>>) semaphore(%arg20 : memref<!tpu.dma_semaphore, #tpu.memory_space<semaphore_mem>>) {add = true}
    %dma_wait3A_42 = arith.constant 0 : i32
    %dma_wait3A_43 = arith.constant 0 : i32
    %dma_wait3A_44 = tpu.memref_slice %arg21[%dma_wait3A_42, %dma_wait3A_43] : memref<100096x16xf32, #tpu.memory_space<vmem_shared>> -> memref<100096x16xf32, #tpu.memory_space<vmem_shared>>
    tpu.wait_indirect_dma semaphore(%arg19 : memref<!tpu.dma_semaphore, #tpu.memory_space<semaphore_mem>>) src(%arg15 : memref<512x16xf32, #tpu.memory_space<vmem>>) dst(%dma_wait3A_44 : memref<100096x16xf32, #tpu.memory_space<vmem_shared>>)
    %dma_start3A_45 = arith.constant 0 : i32
    %dma_start3A_46 = arith.constant 0 : i32
    %dma_start3A_47 = tpu.memref_slice %arg4[%dma_start3A_45, %dma_start3A_46] : memref<100000x16xf32, #tpu.memory_space<hbm>> -> memref<100000x16xf32, #tpu.memory_space<hbm>>
    tpu.enqueue_indirect_dma source(%dma_start3A_47 : memref<100000x16xf32, #tpu.memory_space<hbm>>) target(%arg15 : memref<512x16xf32, #tpu.memory_space<vmem>>) offsets(%arg9 : memref<512xi32, #tpu.memory_space<vmem>>) semaphore(%arg17 : memref<!tpu.dma_semaphore, #tpu.memory_space<semaphore_mem>>)
    %add3A_48 = arith.constant 1536 : i32
    %add3A_49 = arith.addi %mul3A_13, %add3A_48 : i32
    "tpu.region"() ({
      %run_scoped3A = tpu.sem_alloc : memref<!tpu.dma_semaphore, #tpu.memory_space<semaphore_mem>>
      %dma_start3A_91 = tpu.memref_slice %arg2[%add3A_49] : memref<3212288xi32, #tpu.memory_space<hbm>> -> memref<512xi32, #tpu.memory_space<hbm>>
      %dma_start3A_92 = tpu.memref_slice %arg2[%add3A_49] : memref<3212288xi32, #tpu.memory_space<hbm>> -> memref<512xi32, #tpu.memory_space<hbm>>
      tpu.enqueue_dma source(%dma_start3A_92 : memref<512xi32, #tpu.memory_space<hbm>>) target(%arg10 : memref<512xi32, #tpu.memory_space<vmem>>) target_semaphore(%run_scoped3A : memref<!tpu.dma_semaphore, #tpu.memory_space<semaphore_mem>>)
      %dma_wait3A_93 = tpu.memref_slice %arg2[%add3A_49] : memref<3212288xi32, #tpu.memory_space<hbm>> -> memref<512xi32, #tpu.memory_space<hbm>>
      %dma_wait3A_94 = tpu.memref_slice %arg2[%add3A_49] : memref<3212288xi32, #tpu.memory_space<hbm>> -> memref<512xi32, #tpu.memory_space<hbm>>
      tpu.wait_dma2 semaphore(%run_scoped3A : memref<!tpu.dma_semaphore, #tpu.memory_space<semaphore_mem>>) src(%dma_wait3A_94 : memref<512xi32, #tpu.memory_space<hbm>>) dst(%arg10 : memref<512xi32, #tpu.memory_space<vmem>>)
      tpu.yield
    }) : () -> ()
    %add3A_50 = arith.constant 1536 : i32
    %add3A_51 = arith.addi %mul3A_13, %add3A_50 : i32
    "tpu.region"() ({
      %run_scoped3A = tpu.sem_alloc : memref<!tpu.dma_semaphore, #tpu.memory_space<semaphore_mem>>
      %dma_start3A_91 = tpu.memref_slice %arg3[%add3A_51] : memref<3212288xi32, #tpu.memory_space<hbm>> -> memref<512xi32, #tpu.memory_space<hbm>>
      %dma_start3A_92 = tpu.memref_slice %arg3[%add3A_51] : memref<3212288xi32, #tpu.memory_space<hbm>> -> memref<512xi32, #tpu.memory_space<hbm>>
      tpu.enqueue_dma source(%dma_start3A_92 : memref<512xi32, #tpu.memory_space<hbm>>) target(%arg14 : memref<512xi32, #tpu.memory_space<vmem>>) target_semaphore(%run_scoped3A : memref<!tpu.dma_semaphore, #tpu.memory_space<semaphore_mem>>)
      %dma_wait3A_93 = tpu.memref_slice %arg3[%add3A_51] : memref<3212288xi32, #tpu.memory_space<hbm>> -> memref<512xi32, #tpu.memory_space<hbm>>
      %dma_wait3A_94 = tpu.memref_slice %arg3[%add3A_51] : memref<3212288xi32, #tpu.memory_space<hbm>> -> memref<512xi32, #tpu.memory_space<hbm>>
      tpu.wait_dma2 semaphore(%run_scoped3A : memref<!tpu.dma_semaphore, #tpu.memory_space<semaphore_mem>>) src(%dma_wait3A_94 : memref<512xi32, #tpu.memory_space<hbm>>) dst(%arg14 : memref<512xi32, #tpu.memory_space<vmem>>)
      tpu.yield
    }) : () -> ()
    %sub3A = arith.constant 2 : i32
    %sub3A_52 = arith.subi %select_n3A_3, %sub3A : i32
    %jit3A = arith.constant 4 : i32
    %div3A = arith.divsi %sub3A_52, %jit3A : i32
    %sign3A = arith.constant 0 : i32
    %sign3A_53 = arith.cmpi sgt, %sub3A_52, %sign3A : i32
    %sign3A_54 = arith.extui %sign3A_53 : i1 to i32
    %sign3A_55 = arith.constant 0 : i32
    %sign3A_56 = arith.cmpi slt, %sub3A_52, %sign3A_55 : i32
    %sign3A_57 = arith.extui %sign3A_56 : i1 to i32
    %sign3A_58 = arith.subi %sign3A_54, %sign3A_57 : i32
    %sign3A_59 = arith.constant 0 : i32
    %sign3A_60 = arith.cmpi sgt, %jit3A, %sign3A_59 : i32
    %sign3A_61 = arith.extui %sign3A_60 : i1 to i32
    %sign3A_62 = arith.constant 0 : i32
    %sign3A_63 = arith.cmpi slt, %jit3A, %sign3A_62 : i32
    %sign3A_64 = arith.extui %sign3A_63 : i1 to i32
    %sign3A_65 = arith.subi %sign3A_61, %sign3A_64 : i32
    %ne3A = arith.cmpi ne, %sign3A_58, %sign3A_65 : i32
    %rem3A = arith.remsi %sub3A_52, %jit3A : i32
    %ne3A_66 = arith.constant 0 : i32
    %ne3A_67 = arith.cmpi ne, %rem3A, %ne3A_66 : i32
    %and3A = arith.andi %ne3A, %ne3A_67 : i1
    %sub3A_68 = arith.constant 1 : i32
    %sub3A_69 = arith.subi %div3A, %sub3A_68 : i32
    %select_n3A_70 = arith.select %and3A, %sub3A_69, %div3A : i32
    %while3A = arith.constant 0 : i32
    %while3A_71 = arith.constant 0 : i32
    %while3A_72 = arith.subi %select_n3A_70, %while3A_71 : i32
    %while3A_73 = arith.addi %while3A_71, %while3A_72 : i32
    %while3A_74 = arith.constant 1 : i32
    %while3A_75 = arith.divsi %while3A_72, %while3A_74 : i32
    %while3A_76 = arith.muli %while3A_75, %while3A_74 : i32
    %while3A_77 = arith.addi %while3A_71, %while3A_76 : i32
    %while3A_78 = arith.constant 1 : i32
    scf.for %while3A_91 = %while3A_71 to %while3A_77 step %while3A_78  : i32 {
      %mul3A_92 = arith.constant 4 : i32
      %mul3A_93 = arith.muli %mul3A_92, %while3A_91 : i32
      %add3A_94 = arith.constant 2 : i32
      %add3A_95 = arith.addi %add3A_94, %mul3A_93 : i32
      %dma_wait3A_96 = arith.constant 0 : i32
      %dma_wait3A_97 = arith.constant 0 : i32
      %dma_wait3A_98 = tpu.memref_slice %arg4[%dma_wait3A_96, %dma_wait3A_97] : memref<100000x16xf32, #tpu.memory_space<hbm>> -> memref<100000x16xf32, #tpu.memory_space<hbm>>
      tpu.wait_indirect_dma semaphore(%arg17 : memref<!tpu.dma_semaphore, #tpu.memory_space<semaphore_mem>>) src(%dma_wait3A_98 : memref<100000x16xf32, #tpu.memory_space<hbm>>) dst(%arg15 : memref<512x16xf32, #tpu.memory_space<vmem>>)
      %dma_start3A_99 = arith.constant 0 : i32
      %dma_start3A_100 = arith.constant 0 : i32
      %dma_start3A_101 = tpu.memref_slice %arg21[%dma_start3A_99, %dma_start3A_100] : memref<100096x16xf32, #tpu.memory_space<vmem_shared>> -> memref<100096x16xf32, #tpu.memory_space<vmem_shared>>
      tpu.enqueue_indirect_dma source(%arg15 : memref<512x16xf32, #tpu.memory_space<vmem>>) target(%dma_start3A_101 : memref<100096x16xf32, #tpu.memory_space<vmem_shared>>) offsets(%arg13 : memref<512xi32, #tpu.memory_space<vmem>>) semaphore(%arg19 : memref<!tpu.dma_semaphore, #tpu.memory_space<semaphore_mem>>) {add = true}
      %dma_wait3A_102 = arith.constant 0 : i32
      %dma_wait3A_103 = arith.constant 0 : i32
      %dma_wait3A_104 = tpu.memref_slice %arg21[%dma_wait3A_102, %dma_wait3A_103] : memref<100096x16xf32, #tpu.memory_space<vmem_shared>> -> memref<100096x16xf32, #tpu.memory_space<vmem_shared>>
      tpu.wait_indirect_dma semaphore(%arg20 : memref<!tpu.dma_semaphore, #tpu.memory_space<semaphore_mem>>) src(%arg16 : memref<512x16xf32, #tpu.memory_space<vmem>>) dst(%dma_wait3A_104 : memref<100096x16xf32, #tpu.memory_space<vmem_shared>>)
      %dma_start3A_105 = arith.constant 0 : i32
      %dma_start3A_106 = arith.constant 0 : i32
      %dma_start3A_107 = tpu.memref_slice %arg4[%dma_start3A_105, %dma_start3A_106] : memref<100000x16xf32, #tpu.memory_space<hbm>> -> memref<100000x16xf32, #tpu.memory_space<hbm>>
      tpu.enqueue_indirect_dma source(%dma_start3A_107 : memref<100000x16xf32, #tpu.memory_space<hbm>>) target(%arg16 : memref<512x16xf32, #tpu.memory_space<vmem>>) offsets(%arg10 : memref<512xi32, #tpu.memory_space<vmem>>) semaphore(%arg18 : memref<!tpu.dma_semaphore, #tpu.memory_space<semaphore_mem>>)
      %add3A_108 = arith.constant 2 : i32
      %add3A_109 = arith.addi %add3A_95, %add3A_108 : i32
      %mul3A_110 = arith.constant 512 : i32
      %mul3A_111 = arith.muli %add3A_109, %mul3A_110 : i32
      %add3A_112 = arith.addi %mul3A_13, %mul3A_111 : i32
      "tpu.region"() ({
        %run_scoped3A = tpu.sem_alloc : memref<!tpu.dma_semaphore, #tpu.memory_space<semaphore_mem>>
        %dma_start3A_182 = tpu.memref_slice %arg2[%add3A_112] : memref<3212288xi32, #tpu.memory_space<hbm>> -> memref<512xi32, #tpu.memory_space<hbm>>
        %dma_start3A_183 = tpu.memref_slice %arg2[%add3A_112] : memref<3212288xi32, #tpu.memory_space<hbm>> -> memref<512xi32, #tpu.memory_space<hbm>>
        tpu.enqueue_dma source(%dma_start3A_183 : memref<512xi32, #tpu.memory_space<hbm>>) target(%arg7 : memref<512xi32, #tpu.memory_space<vmem>>) target_semaphore(%run_scoped3A : memref<!tpu.dma_semaphore, #tpu.memory_space<semaphore_mem>>)
        %dma_wait3A_184 = tpu.memref_slice %arg2[%add3A_112] : memref<3212288xi32, #tpu.memory_space<hbm>> -> memref<512xi32, #tpu.memory_space<hbm>>
        %dma_wait3A_185 = tpu.memref_slice %arg2[%add3A_112] : memref<3212288xi32, #tpu.memory_space<hbm>> -> memref<512xi32, #tpu.memory_space<hbm>>
        tpu.wait_dma2 semaphore(%run_scoped3A : memref<!tpu.dma_semaphore, #tpu.memory_space<semaphore_mem>>) src(%dma_wait3A_185 : memref<512xi32, #tpu.memory_space<hbm>>) dst(%arg7 : memref<512xi32, #tpu.memory_space<vmem>>)
        tpu.yield
      }) : () -> ()
      %mul3A_113 = arith.constant 512 : i32
      %mul3A_114 = arith.muli %add3A_109, %mul3A_113 : i32
      %add3A_115 = arith.addi %mul3A_13, %mul3A_114 : i32
      "tpu.region"() ({
        %run_scoped3A = tpu.sem_alloc : memref<!tpu.dma_semaphore, #tpu.memory_space<semaphore_mem>>
        %dma_start3A_182 = tpu.memref_slice %arg3[%add3A_115] : memref<3212288xi32, #tpu.memory_space<hbm>> -> memref<512xi32, #tpu.memory_space<hbm>>
        %dma_start3A_183 = tpu.memref_slice %arg3[%add3A_115] : memref<3212288xi32, #tpu.memory_space<hbm>> -> memref<512xi32, #tpu.memory_space<hbm>>
        tpu.enqueue_dma source(%dma_start3A_183 : memref<512xi32, #tpu.memory_space<hbm>>) target(%arg11 : memref<512xi32, #tpu.memory_space<vmem>>) target_semaphore(%run_scoped3A : memref<!tpu.dma_semaphore, #tpu.memory_space<semaphore_mem>>)
        %dma_wait3A_184 = tpu.memref_slice %arg3[%add3A_115] : memref<3212288xi32, #tpu.memory_space<hbm>> -> memref<512xi32, #tpu.memory_space<hbm>>
        %dma_wait3A_185 = tpu.memref_slice %arg3[%add3A_115] : memref<3212288xi32, #tpu.memory_space<hbm>> -> memref<512xi32, #tpu.memory_space<hbm>>
        tpu.wait_dma2 semaphore(%run_scoped3A : memref<!tpu.dma_semaphore, #tpu.memory_space<semaphore_mem>>) src(%dma_wait3A_185 : memref<512xi32, #tpu.memory_space<hbm>>) dst(%arg11 : memref<512xi32, #tpu.memory_space<vmem>>)
        tpu.yield
      }) : () -> ()
      %add3A_116 = arith.constant 1 : i32
      %add3A_117 = arith.addi %add3A_95, %add3A_116 : i32
      %dma_wait3A_118 = arith.constant 0 : i32
      %dma_wait3A_119 = arith.constant 0 : i32
      %dma_wait3A_120 = tpu.memref_slice %arg4[%dma_wait3A_118, %dma_wait3A_119] : memref<100000x16xf32, #tpu.memory_space<hbm>> -> memref<100000x16xf32, #tpu.memory_space<hbm>>
      tpu.wait_indirect_dma semaphore(%arg18 : memref<!tpu.dma_semaphore, #tpu.memory_space<semaphore_mem>>) src(%dma_wait3A_120 : memref<100000x16xf32, #tpu.memory_space<hbm>>) dst(%arg16 : memref<512x16xf32, #tpu.memory_space<vmem>>)
      %dma_start3A_121 = arith.constant 0 : i32
      %dma_start3A_122 = arith.constant 0 : i32
      %dma_start3A_123 = tpu.memref_slice %arg21[%dma_start3A_121, %dma_start3A_122] : memref<100096x16xf32, #tpu.memory_space<vmem_shared>> -> memref<100096x16xf32, #tpu.memory_space<vmem_shared>>
      tpu.enqueue_indirect_dma source(%arg16 : memref<512x16xf32, #tpu.memory_space<vmem>>) target(%dma_start3A_123 : memref<100096x16xf32, #tpu.memory_space<vmem_shared>>) offsets(%arg14 : memref<512xi32, #tpu.memory_space<vmem>>) semaphore(%arg20 : memref<!tpu.dma_semaphore, #tpu.memory_space<semaphore_mem>>) {add = true}
      %dma_wait3A_124 = arith.constant 0 : i32
      %dma_wait3A_125 = arith.constant 0 : i32
      %dma_wait3A_126 = tpu.memref_slice %arg21[%dma_wait3A_124, %dma_wait3A_125] : memref<100096x16xf32, #tpu.memory_space<vmem_shared>> -> memref<100096x16xf32, #tpu.memory_space<vmem_shared>>
      tpu.wait_indirect_dma semaphore(%arg19 : memref<!tpu.dma_semaphore, #tpu.memory_space<semaphore_mem>>) src(%arg15 : memref<512x16xf32, #tpu.memory_space<vmem>>) dst(%dma_wait3A_126 : memref<100096x16xf32, #tpu.memory_space<vmem_shared>>)
      %dma_start3A_127 = arith.constant 0 : i32
      %dma_start3A_128 = arith.constant 0 : i32
      %dma_start3A_129 = tpu.memref_slice %arg4[%dma_start3A_127, %dma_start3A_128] : memref<100000x16xf32, #tpu.memory_space<hbm>> -> memref<100000x16xf32, #tpu.memory_space<hbm>>
      tpu.enqueue_indirect_dma source(%dma_start3A_129 : memref<100000x16xf32, #tpu.memory_space<hbm>>) target(%arg15 : memref<512x16xf32, #tpu.memory_space<vmem>>) offsets(%arg7 : memref<512xi32, #tpu.memory_space<vmem>>) semaphore(%arg17 : memref<!tpu.dma_semaphore, #tpu.memory_space<semaphore_mem>>)
      %add3A_130 = arith.constant 2 : i32
      %add3A_131 = arith.addi %add3A_117, %add3A_130 : i32
      %mul3A_132 = arith.constant 512 : i32
      %mul3A_133 = arith.muli %add3A_131, %mul3A_132 : i32
      %add3A_134 = arith.addi %mul3A_13, %mul3A_133 : i32
      "tpu.region"() ({
        %run_scoped3A = tpu.sem_alloc : memref<!tpu.dma_semaphore, #tpu.memory_space<semaphore_mem>>
        %dma_start3A_182 = tpu.memref_slice %arg2[%add3A_134] : memref<3212288xi32, #tpu.memory_space<hbm>> -> memref<512xi32, #tpu.memory_space<hbm>>
        %dma_start3A_183 = tpu.memref_slice %arg2[%add3A_134] : memref<3212288xi32, #tpu.memory_space<hbm>> -> memref<512xi32, #tpu.memory_space<hbm>>
        tpu.enqueue_dma source(%dma_start3A_183 : memref<512xi32, #tpu.memory_space<hbm>>) target(%arg8 : memref<512xi32, #tpu.memory_space<vmem>>) target_semaphore(%run_scoped3A : memref<!tpu.dma_semaphore, #tpu.memory_space<semaphore_mem>>)
        %dma_wait3A_184 = tpu.memref_slice %arg2[%add3A_134] : memref<3212288xi32, #tpu.memory_space<hbm>> -> memref<512xi32, #tpu.memory_space<hbm>>
        %dma_wait3A_185 = tpu.memref_slice %arg2[%add3A_134] : memref<3212288xi32, #tpu.memory_space<hbm>> -> memref<512xi32, #tpu.memory_space<hbm>>
        tpu.wait_dma2 semaphore(%run_scoped3A : memref<!tpu.dma_semaphore, #tpu.memory_space<semaphore_mem>>) src(%dma_wait3A_185 : memref<512xi32, #tpu.memory_space<hbm>>) dst(%arg8 : memref<512xi32, #tpu.memory_space<vmem>>)
        tpu.yield
      }) : () -> ()
      %mul3A_135 = arith.constant 512 : i32
      %mul3A_136 = arith.muli %add3A_131, %mul3A_135 : i32
      %add3A_137 = arith.addi %mul3A_13, %mul3A_136 : i32
      "tpu.region"() ({
        %run_scoped3A = tpu.sem_alloc : memref<!tpu.dma_semaphore, #tpu.memory_space<semaphore_mem>>
        %dma_start3A_182 = tpu.memref_slice %arg3[%add3A_137] : memref<3212288xi32, #tpu.memory_space<hbm>> -> memref<512xi32, #tpu.memory_space<hbm>>
        %dma_start3A_183 = tpu.memref_slice %arg3[%add3A_137] : memref<3212288xi32, #tpu.memory_space<hbm>> -> memref<512xi32, #tpu.memory_space<hbm>>
        tpu.enqueue_dma source(%dma_start3A_183 : memref<512xi32, #tpu.memory_space<hbm>>) target(%arg12 : memref<512xi32, #tpu.memory_space<vmem>>) target_semaphore(%run_scoped3A : memref<!tpu.dma_semaphore, #tpu.memory_space<semaphore_mem>>)
        %dma_wait3A_184 = tpu.memref_slice %arg3[%add3A_137] : memref<3212288xi32, #tpu.memory_space<hbm>> -> memref<512xi32, #tpu.memory_space<hbm>>
        %dma_wait3A_185 = tpu.memref_slice %arg3[%add3A_137] : memref<3212288xi32, #tpu.memory_space<hbm>> -> memref<512xi32, #tpu.memory_space<hbm>>
        tpu.wait_dma2 semaphore(%run_scoped3A : memref<!tpu.dma_semaphore, #tpu.memory_space<semaphore_mem>>) src(%dma_wait3A_185 : memref<512xi32, #tpu.memory_space<hbm>>) dst(%arg12 : memref<512xi32, #tpu.memory_space<vmem>>)
        tpu.yield
      }) : () -> ()
      %add3A_138 = arith.constant 2 : i32
      %add3A_139 = arith.addi %add3A_95, %add3A_138 : i32
      %dma_wait3A_140 = arith.constant 0 : i32
      %dma_wait3A_141 = arith.constant 0 : i32
      %dma_wait3A_142 = tpu.memref_slice %arg4[%dma_wait3A_140, %dma_wait3A_141] : memref<100000x16xf32, #tpu.memory_space<hbm>> -> memref<100000x16xf32, #tpu.memory_space<hbm>>
      tpu.wait_indirect_dma semaphore(%arg17 : memref<!tpu.dma_semaphore, #tpu.memory_space<semaphore_mem>>) src(%dma_wait3A_142 : memref<100000x16xf32, #tpu.memory_space<hbm>>) dst(%arg15 : memref<512x16xf32, #tpu.memory_space<vmem>>)
      %dma_start3A_143 = arith.constant 0 : i32
      %dma_start3A_144 = arith.constant 0 : i32
      %dma_start3A_145 = tpu.memref_slice %arg21[%dma_start3A_143, %dma_start3A_144] : memref<100096x16xf32, #tpu.memory_space<vmem_shared>> -> memref<100096x16xf32, #tpu.memory_space<vmem_shared>>
      tpu.enqueue_indirect_dma source(%arg15 : memref<512x16xf32, #tpu.memory_space<vmem>>) target(%dma_start3A_145 : memref<100096x16xf32, #tpu.memory_space<vmem_shared>>) offsets(%arg11 : memref<512xi32, #tpu.memory_space<vmem>>) semaphore(%arg19 : memref<!tpu.dma_semaphore, #tpu.memory_space<semaphore_mem>>) {add = true}
      %dma_wait3A_146 = arith.constant 0 : i32
      %dma_wait3A_147 = arith.constant 0 : i32
      %dma_wait3A_148 = tpu.memref_slice %arg21[%dma_wait3A_146, %dma_wait3A_147] : memref<100096x16xf32, #tpu.memory_space<vmem_shared>> -> memref<100096x16xf32, #tpu.memory_space<vmem_shared>>
      tpu.wait_indirect_dma semaphore(%arg20 : memref<!tpu.dma_semaphore, #tpu.memory_space<semaphore_mem>>) src(%arg16 : memref<512x16xf32, #tpu.memory_space<vmem>>) dst(%dma_wait3A_148 : memref<100096x16xf32, #tpu.memory_space<vmem_shared>>)
      %dma_start3A_149 = arith.constant 0 : i32
      %dma_start3A_150 = arith.constant 0 : i32
      %dma_start3A_151 = tpu.memref_slice %arg4[%dma_start3A_149, %dma_start3A_150] : memref<100000x16xf32, #tpu.memory_space<hbm>> -> memref<100000x16xf32, #tpu.memory_space<hbm>>
      tpu.enqueue_indirect_dma source(%dma_start3A_151 : memref<100000x16xf32, #tpu.memory_space<hbm>>) target(%arg16 : memref<512x16xf32, #tpu.memory_space<vmem>>) offsets(%arg8 : memref<512xi32, #tpu.memory_space<vmem>>) semaphore(%arg18 : memref<!tpu.dma_semaphore, #tpu.memory_space<semaphore_mem>>)
      %add3A_152 = arith.constant 2 : i32
      %add3A_153 = arith.addi %add3A_139, %add3A_152 : i32
      %mul3A_154 = arith.constant 512 : i32
      %mul3A_155 = arith.muli %add3A_153, %mul3A_154 : i32
      %add3A_156 = arith.addi %mul3A_13, %mul3A_155 : i32
      "tpu.region"() ({
        %run_scoped3A = tpu.sem_alloc : memref<!tpu.dma_semaphore, #tpu.memory_space<semaphore_mem>>
        %dma_start3A_182 = tpu.memref_slice %arg2[%add3A_156] : memref<3212288xi32, #tpu.memory_space<hbm>> -> memref<512xi32, #tpu.memory_space<hbm>>
        %dma_start3A_183 = tpu.memref_slice %arg2[%add3A_156] : memref<3212288xi32, #tpu.memory_space<hbm>> -> memref<512xi32, #tpu.memory_space<hbm>>
        tpu.enqueue_dma source(%dma_start3A_183 : memref<512xi32, #tpu.memory_space<hbm>>) target(%arg9 : memref<512xi32, #tpu.memory_space<vmem>>) target_semaphore(%run_scoped3A : memref<!tpu.dma_semaphore, #tpu.memory_space<semaphore_mem>>)
        %dma_wait3A_184 = tpu.memref_slice %arg2[%add3A_156] : memref<3212288xi32, #tpu.memory_space<hbm>> -> memref<512xi32, #tpu.memory_space<hbm>>
        %dma_wait3A_185 = tpu.memref_slice %arg2[%add3A_156] : memref<3212288xi32, #tpu.memory_space<hbm>> -> memref<512xi32, #tpu.memory_space<hbm>>
        tpu.wait_dma2 semaphore(%run_scoped3A : memref<!tpu.dma_semaphore, #tpu.memory_space<semaphore_mem>>) src(%dma_wait3A_185 : memref<512xi32, #tpu.memory_space<hbm>>) dst(%arg9 : memref<512xi32, #tpu.memory_space<vmem>>)
        tpu.yield
      }) : () -> ()
      %mul3A_157 = arith.constant 512 : i32
      %mul3A_158 = arith.muli %add3A_153, %mul3A_157 : i32
      %add3A_159 = arith.addi %mul3A_13, %mul3A_158 : i32
      "tpu.region"() ({
        %run_scoped3A = tpu.sem_alloc : memref<!tpu.dma_semaphore, #tpu.memory_space<semaphore_mem>>
        %dma_start3A_182 = tpu.memref_slice %arg3[%add3A_159] : memref<3212288xi32, #tpu.memory_space<hbm>> -> memref<512xi32, #tpu.memory_space<hbm>>
        %dma_start3A_183 = tpu.memref_slice %arg3[%add3A_159] : memref<3212288xi32, #tpu.memory_space<hbm>> -> memref<512xi32, #tpu.memory_space<hbm>>
        tpu.enqueue_dma source(%dma_start3A_183 : memref<512xi32, #tpu.memory_space<hbm>>) target(%arg13 : memref<512xi32, #tpu.memory_space<vmem>>) target_semaphore(%run_scoped3A : memref<!tpu.dma_semaphore, #tpu.memory_space<semaphore_mem>>)
        %dma_wait3A_184 = tpu.memref_slice %arg3[%add3A_159] : memref<3212288xi32, #tpu.memory_space<hbm>> -> memref<512xi32, #tpu.memory_space<hbm>>
        %dma_wait3A_185 = tpu.memref_slice %arg3[%add3A_159] : memref<3212288xi32, #tpu.memory_space<hbm>> -> memref<512xi32, #tpu.memory_space<hbm>>
        tpu.wait_dma2 semaphore(%run_scoped3A : memref<!tpu.dma_semaphore, #tpu.memory_space<semaphore_mem>>) src(%dma_wait3A_185 : memref<512xi32, #tpu.memory_space<hbm>>) dst(%arg13 : memref<512xi32, #tpu.memory_space<vmem>>)
        tpu.yield
      }) : () -> ()
      %add3A_160 = arith.constant 3 : i32
      %add3A_161 = arith.addi %add3A_95, %add3A_160 : i32
      %dma_wait3A_162 = arith.constant 0 : i32
      %dma_wait3A_163 = arith.constant 0 : i32
      %dma_wait3A_164 = tpu.memref_slice %arg4[%dma_wait3A_162, %dma_wait3A_163] : memref<100000x16xf32, #tpu.memory_space<hbm>> -> memref<100000x16xf32, #tpu.memory_space<hbm>>
      tpu.wait_indirect_dma semaphore(%arg18 : memref<!tpu.dma_semaphore, #tpu.memory_space<semaphore_mem>>) src(%dma_wait3A_164 : memref<100000x16xf32, #tpu.memory_space<hbm>>) dst(%arg16 : memref<512x16xf32, #tpu.memory_space<vmem>>)
      %dma_start3A_165 = arith.constant 0 : i32
      %dma_start3A_166 = arith.constant 0 : i32
      %dma_start3A_167 = tpu.memref_slice %arg21[%dma_start3A_165, %dma_start3A_166] : memref<100096x16xf32, #tpu.memory_space<vmem_shared>> -> memref<100096x16xf32, #tpu.memory_space<vmem_shared>>
      tpu.enqueue_indirect_dma source(%arg16 : memref<512x16xf32, #tpu.memory_space<vmem>>) target(%dma_start3A_167 : memref<100096x16xf32, #tpu.memory_space<vmem_shared>>) offsets(%arg12 : memref<512xi32, #tpu.memory_space<vmem>>) semaphore(%arg20 : memref<!tpu.dma_semaphore, #tpu.memory_space<semaphore_mem>>) {add = true}
      %dma_wait3A_168 = arith.constant 0 : i32
      %dma_wait3A_169 = arith.constant 0 : i32
      %dma_wait3A_170 = tpu.memref_slice %arg21[%dma_wait3A_168, %dma_wait3A_169] : memref<100096x16xf32, #tpu.memory_space<vmem_shared>> -> memref<100096x16xf32, #tpu.memory_space<vmem_shared>>
      tpu.wait_indirect_dma semaphore(%arg19 : memref<!tpu.dma_semaphore, #tpu.memory_space<semaphore_mem>>) src(%arg15 : memref<512x16xf32, #tpu.memory_space<vmem>>) dst(%dma_wait3A_170 : memref<100096x16xf32, #tpu.memory_space<vmem_shared>>)
      %dma_start3A_171 = arith.constant 0 : i32
      %dma_start3A_172 = arith.constant 0 : i32
      %dma_start3A_173 = tpu.memref_slice %arg4[%dma_start3A_171, %dma_start3A_172] : memref<100000x16xf32, #tpu.memory_space<hbm>> -> memref<100000x16xf32, #tpu.memory_space<hbm>>
      tpu.enqueue_indirect_dma source(%dma_start3A_173 : memref<100000x16xf32, #tpu.memory_space<hbm>>) target(%arg15 : memref<512x16xf32, #tpu.memory_space<vmem>>) offsets(%arg9 : memref<512xi32, #tpu.memory_space<vmem>>) semaphore(%arg17 : memref<!tpu.dma_semaphore, #tpu.memory_space<semaphore_mem>>)
      %add3A_174 = arith.constant 2 : i32
      %add3A_175 = arith.addi %add3A_161, %add3A_174 : i32
      %mul3A_176 = arith.constant 512 : i32
      %mul3A_177 = arith.muli %add3A_175, %mul3A_176 : i32
      %add3A_178 = arith.addi %mul3A_13, %mul3A_177 : i32
      "tpu.region"() ({
        %run_scoped3A = tpu.sem_alloc : memref<!tpu.dma_semaphore, #tpu.memory_space<semaphore_mem>>
        %dma_start3A_182 = tpu.memref_slice %arg2[%add3A_178] : memref<3212288xi32, #tpu.memory_space<hbm>> -> memref<512xi32, #tpu.memory_space<hbm>>
        %dma_start3A_183 = tpu.memref_slice %arg2[%add3A_178] : memref<3212288xi32, #tpu.memory_space<hbm>> -> memref<512xi32, #tpu.memory_space<hbm>>
        tpu.enqueue_dma source(%dma_start3A_183 : memref<512xi32, #tpu.memory_space<hbm>>) target(%arg10 : memref<512xi32, #tpu.memory_space<vmem>>) target_semaphore(%run_scoped3A : memref<!tpu.dma_semaphore, #tpu.memory_space<semaphore_mem>>)
        %dma_wait3A_184 = tpu.memref_slice %arg2[%add3A_178] : memref<3212288xi32, #tpu.memory_space<hbm>> -> memref<512xi32, #tpu.memory_space<hbm>>
        %dma_wait3A_185 = tpu.memref_slice %arg2[%add3A_178] : memref<3212288xi32, #tpu.memory_space<hbm>> -> memref<512xi32, #tpu.memory_space<hbm>>
        tpu.wait_dma2 semaphore(%run_scoped3A : memref<!tpu.dma_semaphore, #tpu.memory_space<semaphore_mem>>) src(%dma_wait3A_185 : memref<512xi32, #tpu.memory_space<hbm>>) dst(%arg10 : memref<512xi32, #tpu.memory_space<vmem>>)
        tpu.yield
      }) : () -> ()
      %mul3A_179 = arith.constant 512 : i32
      %mul3A_180 = arith.muli %add3A_175, %mul3A_179 : i32
      %add3A_181 = arith.addi %mul3A_13, %mul3A_180 : i32
      "tpu.region"() ({
        %run_scoped3A = tpu.sem_alloc : memref<!tpu.dma_semaphore, #tpu.memory_space<semaphore_mem>>
        %dma_start3A_182 = tpu.memref_slice %arg3[%add3A_181] : memref<3212288xi32, #tpu.memory_space<hbm>> -> memref<512xi32, #tpu.memory_space<hbm>>
        %dma_start3A_183 = tpu.memref_slice %arg3[%add3A_181] : memref<3212288xi32, #tpu.memory_space<hbm>> -> memref<512xi32, #tpu.memory_space<hbm>>
        tpu.enqueue_dma source(%dma_start3A_183 : memref<512xi32, #tpu.memory_space<hbm>>) target(%arg14 : memref<512xi32, #tpu.memory_space<vmem>>) target_semaphore(%run_scoped3A : memref<!tpu.dma_semaphore, #tpu.memory_space<semaphore_mem>>)
        %dma_wait3A_184 = tpu.memref_slice %arg3[%add3A_181] : memref<3212288xi32, #tpu.memory_space<hbm>> -> memref<512xi32, #tpu.memory_space<hbm>>
        %dma_wait3A_185 = tpu.memref_slice %arg3[%add3A_181] : memref<3212288xi32, #tpu.memory_space<hbm>> -> memref<512xi32, #tpu.memory_space<hbm>>
        tpu.wait_dma2 semaphore(%run_scoped3A : memref<!tpu.dma_semaphore, #tpu.memory_space<semaphore_mem>>) src(%dma_wait3A_185 : memref<512xi32, #tpu.memory_space<hbm>>) dst(%arg14 : memref<512xi32, #tpu.memory_space<vmem>>)
        tpu.yield
      }) : () -> ()
    }
    %while3A_79 = arith.constant 1 : i32
    scf.for %while3A_91 = %while3A_77 to %while3A_73 step %while3A_79  : i32 {
      %mul3A_92 = arith.constant 4 : i32
      %mul3A_93 = arith.muli %mul3A_92, %while3A_91 : i32
      %add3A_94 = arith.constant 2 : i32
      %add3A_95 = arith.addi %add3A_94, %mul3A_93 : i32
      %dma_wait3A_96 = arith.constant 0 : i32
      %dma_wait3A_97 = arith.constant 0 : i32
      %dma_wait3A_98 = tpu.memref_slice %arg4[%dma_wait3A_96, %dma_wait3A_97] : memref<100000x16xf32, #tpu.memory_space<hbm>> -> memref<100000x16xf32, #tpu.memory_space<hbm>>
      tpu.wait_indirect_dma semaphore(%arg17 : memref<!tpu.dma_semaphore, #tpu.memory_space<semaphore_mem>>) src(%dma_wait3A_98 : memref<100000x16xf32, #tpu.memory_space<hbm>>) dst(%arg15 : memref<512x16xf32, #tpu.memory_space<vmem>>)
      %dma_start3A_99 = arith.constant 0 : i32
      %dma_start3A_100 = arith.constant 0 : i32
      %dma_start3A_101 = tpu.memref_slice %arg21[%dma_start3A_99, %dma_start3A_100] : memref<100096x16xf32, #tpu.memory_space<vmem_shared>> -> memref<100096x16xf32, #tpu.memory_space<vmem_shared>>
      tpu.enqueue_indirect_dma source(%arg15 : memref<512x16xf32, #tpu.memory_space<vmem>>) target(%dma_start3A_101 : memref<100096x16xf32, #tpu.memory_space<vmem_shared>>) offsets(%arg13 : memref<512xi32, #tpu.memory_space<vmem>>) semaphore(%arg19 : memref<!tpu.dma_semaphore, #tpu.memory_space<semaphore_mem>>) {add = true}
      %dma_wait3A_102 = arith.constant 0 : i32
      %dma_wait3A_103 = arith.constant 0 : i32
      %dma_wait3A_104 = tpu.memref_slice %arg21[%dma_wait3A_102, %dma_wait3A_103] : memref<100096x16xf32, #tpu.memory_space<vmem_shared>> -> memref<100096x16xf32, #tpu.memory_space<vmem_shared>>
      tpu.wait_indirect_dma semaphore(%arg20 : memref<!tpu.dma_semaphore, #tpu.memory_space<semaphore_mem>>) src(%arg16 : memref<512x16xf32, #tpu.memory_space<vmem>>) dst(%dma_wait3A_104 : memref<100096x16xf32, #tpu.memory_space<vmem_shared>>)
      %dma_start3A_105 = arith.constant 0 : i32
      %dma_start3A_106 = arith.constant 0 : i32
      %dma_start3A_107 = tpu.memref_slice %arg4[%dma_start3A_105, %dma_start3A_106] : memref<100000x16xf32, #tpu.memory_space<hbm>> -> memref<100000x16xf32, #tpu.memory_space<hbm>>
      tpu.enqueue_indirect_dma source(%dma_start3A_107 : memref<100000x16xf32, #tpu.memory_space<hbm>>) target(%arg16 : memref<512x16xf32, #tpu.memory_space<vmem>>) offsets(%arg10 : memref<512xi32, #tpu.memory_space<vmem>>) semaphore(%arg18 : memref<!tpu.dma_semaphore, #tpu.memory_space<semaphore_mem>>)
      %add3A_108 = arith.constant 2 : i32
      %add3A_109 = arith.addi %add3A_95, %add3A_108 : i32
      %mul3A_110 = arith.constant 512 : i32
      %mul3A_111 = arith.muli %add3A_109, %mul3A_110 : i32
      %add3A_112 = arith.addi %mul3A_13, %mul3A_111 : i32
      "tpu.region"() ({
        %run_scoped3A = tpu.sem_alloc : memref<!tpu.dma_semaphore, #tpu.memory_space<semaphore_mem>>
        %dma_start3A_182 = tpu.memref_slice %arg2[%add3A_112] : memref<3212288xi32, #tpu.memory_space<hbm>> -> memref<512xi32, #tpu.memory_space<hbm>>
        %dma_start3A_183 = tpu.memref_slice %arg2[%add3A_112] : memref<3212288xi32, #tpu.memory_space<hbm>> -> memref<512xi32, #tpu.memory_space<hbm>>
        tpu.enqueue_dma source(%dma_start3A_183 : memref<512xi32, #tpu.memory_space<hbm>>) target(%arg7 : memref<512xi32, #tpu.memory_space<vmem>>) target_semaphore(%run_scoped3A : memref<!tpu.dma_semaphore, #tpu.memory_space<semaphore_mem>>)
        %dma_wait3A_184 = tpu.memref_slice %arg2[%add3A_112] : memref<3212288xi32, #tpu.memory_space<hbm>> -> memref<512xi32, #tpu.memory_space<hbm>>
        %dma_wait3A_185 = tpu.memref_slice %arg2[%add3A_112] : memref<3212288xi32, #tpu.memory_space<hbm>> -> memref<512xi32, #tpu.memory_space<hbm>>
        tpu.wait_dma2 semaphore(%run_scoped3A : memref<!tpu.dma_semaphore, #tpu.memory_space<semaphore_mem>>) src(%dma_wait3A_185 : memref<512xi32, #tpu.memory_space<hbm>>) dst(%arg7 : memref<512xi32, #tpu.memory_space<vmem>>)
        tpu.yield
      }) : () -> ()
      %mul3A_113 = arith.constant 512 : i32
      %mul3A_114 = arith.muli %add3A_109, %mul3A_113 : i32
      %add3A_115 = arith.addi %mul3A_13, %mul3A_114 : i32
      "tpu.region"() ({
        %run_scoped3A = tpu.sem_alloc : memref<!tpu.dma_semaphore, #tpu.memory_space<semaphore_mem>>
        %dma_start3A_182 = tpu.memref_slice %arg3[%add3A_115] : memref<3212288xi32, #tpu.memory_space<hbm>> -> memref<512xi32, #tpu.memory_space<hbm>>
        %dma_start3A_183 = tpu.memref_slice %arg3[%add3A_115] : memref<3212288xi32, #tpu.memory_space<hbm>> -> memref<512xi32, #tpu.memory_space<hbm>>
        tpu.enqueue_dma source(%dma_start3A_183 : memref<512xi32, #tpu.memory_space<hbm>>) target(%arg11 : memref<512xi32, #tpu.memory_space<vmem>>) target_semaphore(%run_scoped3A : memref<!tpu.dma_semaphore, #tpu.memory_space<semaphore_mem>>)
        %dma_wait3A_184 = tpu.memref_slice %arg3[%add3A_115] : memref<3212288xi32, #tpu.memory_space<hbm>> -> memref<512xi32, #tpu.memory_space<hbm>>
        %dma_wait3A_185 = tpu.memref_slice %arg3[%add3A_115] : memref<3212288xi32, #tpu.memory_space<hbm>> -> memref<512xi32, #tpu.memory_space<hbm>>
        tpu.wait_dma2 semaphore(%run_scoped3A : memref<!tpu.dma_semaphore, #tpu.memory_space<semaphore_mem>>) src(%dma_wait3A_185 : memref<512xi32, #tpu.memory_space<hbm>>) dst(%arg11 : memref<512xi32, #tpu.memory_space<vmem>>)
        tpu.yield
      }) : () -> ()
      %add3A_116 = arith.constant 1 : i32
      %add3A_117 = arith.addi %add3A_95, %add3A_116 : i32
      %dma_wait3A_118 = arith.constant 0 : i32
      %dma_wait3A_119 = arith.constant 0 : i32
      %dma_wait3A_120 = tpu.memref_slice %arg4[%dma_wait3A_118, %dma_wait3A_119] : memref<100000x16xf32, #tpu.memory_space<hbm>> -> memref<100000x16xf32, #tpu.memory_space<hbm>>
      tpu.wait_indirect_dma semaphore(%arg18 : memref<!tpu.dma_semaphore, #tpu.memory_space<semaphore_mem>>) src(%dma_wait3A_120 : memref<100000x16xf32, #tpu.memory_space<hbm>>) dst(%arg16 : memref<512x16xf32, #tpu.memory_space<vmem>>)
      %dma_start3A_121 = arith.constant 0 : i32
      %dma_start3A_122 = arith.constant 0 : i32
      %dma_start3A_123 = tpu.memref_slice %arg21[%dma_start3A_121, %dma_start3A_122] : memref<100096x16xf32, #tpu.memory_space<vmem_shared>> -> memref<100096x16xf32, #tpu.memory_space<vmem_shared>>
      tpu.enqueue_indirect_dma source(%arg16 : memref<512x16xf32, #tpu.memory_space<vmem>>) target(%dma_start3A_123 : memref<100096x16xf32, #tpu.memory_space<vmem_shared>>) offsets(%arg14 : memref<512xi32, #tpu.memory_space<vmem>>) semaphore(%arg20 : memref<!tpu.dma_semaphore, #tpu.memory_space<semaphore_mem>>) {add = true}
      %dma_wait3A_124 = arith.constant 0 : i32
      %dma_wait3A_125 = arith.constant 0 : i32
      %dma_wait3A_126 = tpu.memref_slice %arg21[%dma_wait3A_124, %dma_wait3A_125] : memref<100096x16xf32, #tpu.memory_space<vmem_shared>> -> memref<100096x16xf32, #tpu.memory_space<vmem_shared>>
      tpu.wait_indirect_dma semaphore(%arg19 : memref<!tpu.dma_semaphore, #tpu.memory_space<semaphore_mem>>) src(%arg15 : memref<512x16xf32, #tpu.memory_space<vmem>>) dst(%dma_wait3A_126 : memref<100096x16xf32, #tpu.memory_space<vmem_shared>>)
      %dma_start3A_127 = arith.constant 0 : i32
      %dma_start3A_128 = arith.constant 0 : i32
      %dma_start3A_129 = tpu.memref_slice %arg4[%dma_start3A_127, %dma_start3A_128] : memref<100000x16xf32, #tpu.memory_space<hbm>> -> memref<100000x16xf32, #tpu.memory_space<hbm>>
      tpu.enqueue_indirect_dma source(%dma_start3A_129 : memref<100000x16xf32, #tpu.memory_space<hbm>>) target(%arg15 : memref<512x16xf32, #tpu.memory_space<vmem>>) offsets(%arg7 : memref<512xi32, #tpu.memory_space<vmem>>) semaphore(%arg17 : memref<!tpu.dma_semaphore, #tpu.memory_space<semaphore_mem>>)
      %add3A_130 = arith.constant 2 : i32
      %add3A_131 = arith.addi %add3A_117, %add3A_130 : i32
      %mul3A_132 = arith.constant 512 : i32
      %mul3A_133 = arith.muli %add3A_131, %mul3A_132 : i32
      %add3A_134 = arith.addi %mul3A_13, %mul3A_133 : i32
      "tpu.region"() ({
        %run_scoped3A = tpu.sem_alloc : memref<!tpu.dma_semaphore, #tpu.memory_space<semaphore_mem>>
        %dma_start3A_182 = tpu.memref_slice %arg2[%add3A_134] : memref<3212288xi32, #tpu.memory_space<hbm>> -> memref<512xi32, #tpu.memory_space<hbm>>
        %dma_start3A_183 = tpu.memref_slice %arg2[%add3A_134] : memref<3212288xi32, #tpu.memory_space<hbm>> -> memref<512xi32, #tpu.memory_space<hbm>>
        tpu.enqueue_dma source(%dma_start3A_183 : memref<512xi32, #tpu.memory_space<hbm>>) target(%arg8 : memref<512xi32, #tpu.memory_space<vmem>>) target_semaphore(%run_scoped3A : memref<!tpu.dma_semaphore, #tpu.memory_space<semaphore_mem>>)
        %dma_wait3A_184 = tpu.memref_slice %arg2[%add3A_134] : memref<3212288xi32, #tpu.memory_space<hbm>> -> memref<512xi32, #tpu.memory_space<hbm>>
        %dma_wait3A_185 = tpu.memref_slice %arg2[%add3A_134] : memref<3212288xi32, #tpu.memory_space<hbm>> -> memref<512xi32, #tpu.memory_space<hbm>>
        tpu.wait_dma2 semaphore(%run_scoped3A : memref<!tpu.dma_semaphore, #tpu.memory_space<semaphore_mem>>) src(%dma_wait3A_185 : memref<512xi32, #tpu.memory_space<hbm>>) dst(%arg8 : memref<512xi32, #tpu.memory_space<vmem>>)
        tpu.yield
      }) : () -> ()
      %mul3A_135 = arith.constant 512 : i32
      %mul3A_136 = arith.muli %add3A_131, %mul3A_135 : i32
      %add3A_137 = arith.addi %mul3A_13, %mul3A_136 : i32
      "tpu.region"() ({
        %run_scoped3A = tpu.sem_alloc : memref<!tpu.dma_semaphore, #tpu.memory_space<semaphore_mem>>
        %dma_start3A_182 = tpu.memref_slice %arg3[%add3A_137] : memref<3212288xi32, #tpu.memory_space<hbm>> -> memref<512xi32, #tpu.memory_space<hbm>>
        %dma_start3A_183 = tpu.memref_slice %arg3[%add3A_137] : memref<3212288xi32, #tpu.memory_space<hbm>> -> memref<512xi32, #tpu.memory_space<hbm>>
        tpu.enqueue_dma source(%dma_start3A_183 : memref<512xi32, #tpu.memory_space<hbm>>) target(%arg12 : memref<512xi32, #tpu.memory_space<vmem>>) target_semaphore(%run_scoped3A : memref<!tpu.dma_semaphore, #tpu.memory_space<semaphore_mem>>)
        %dma_wait3A_184 = tpu.memref_slice %arg3[%add3A_137] : memref<3212288xi32, #tpu.memory_space<hbm>> -> memref<512xi32, #tpu.memory_space<hbm>>
        %dma_wait3A_185 = tpu.memref_slice %arg3[%add3A_137] : memref<3212288xi32, #tpu.memory_space<hbm>> -> memref<512xi32, #tpu.memory_space<hbm>>
        tpu.wait_dma2 semaphore(%run_scoped3A : memref<!tpu.dma_semaphore, #tpu.memory_space<semaphore_mem>>) src(%dma_wait3A_185 : memref<512xi32, #tpu.memory_space<hbm>>) dst(%arg12 : memref<512xi32, #tpu.memory_space<vmem>>)
        tpu.yield
      }) : () -> ()
      %add3A_138 = arith.constant 2 : i32
      %add3A_139 = arith.addi %add3A_95, %add3A_138 : i32
      %dma_wait3A_140 = arith.constant 0 : i32
      %dma_wait3A_141 = arith.constant 0 : i32
      %dma_wait3A_142 = tpu.memref_slice %arg4[%dma_wait3A_140, %dma_wait3A_141] : memref<100000x16xf32, #tpu.memory_space<hbm>> -> memref<100000x16xf32, #tpu.memory_space<hbm>>
      tpu.wait_indirect_dma semaphore(%arg17 : memref<!tpu.dma_semaphore, #tpu.memory_space<semaphore_mem>>) src(%dma_wait3A_142 : memref<100000x16xf32, #tpu.memory_space<hbm>>) dst(%arg15 : memref<512x16xf32, #tpu.memory_space<vmem>>)
      %dma_start3A_143 = arith.constant 0 : i32
      %dma_start3A_144 = arith.constant 0 : i32
      %dma_start3A_145 = tpu.memref_slice %arg21[%dma_start3A_143, %dma_start3A_144] : memref<100096x16xf32, #tpu.memory_space<vmem_shared>> -> memref<100096x16xf32, #tpu.memory_space<vmem_shared>>
      tpu.enqueue_indirect_dma source(%arg15 : memref<512x16xf32, #tpu.memory_space<vmem>>) target(%dma_start3A_145 : memref<100096x16xf32, #tpu.memory_space<vmem_shared>>) offsets(%arg11 : memref<512xi32, #tpu.memory_space<vmem>>) semaphore(%arg19 : memref<!tpu.dma_semaphore, #tpu.memory_space<semaphore_mem>>) {add = true}
      %dma_wait3A_146 = arith.constant 0 : i32
      %dma_wait3A_147 = arith.constant 0 : i32
      %dma_wait3A_148 = tpu.memref_slice %arg21[%dma_wait3A_146, %dma_wait3A_147] : memref<100096x16xf32, #tpu.memory_space<vmem_shared>> -> memref<100096x16xf32, #tpu.memory_space<vmem_shared>>
      tpu.wait_indirect_dma semaphore(%arg20 : memref<!tpu.dma_semaphore, #tpu.memory_space<semaphore_mem>>) src(%arg16 : memref<512x16xf32, #tpu.memory_space<vmem>>) dst(%dma_wait3A_148 : memref<100096x16xf32, #tpu.memory_space<vmem_shared>>)
      %dma_start3A_149 = arith.constant 0 : i32
      %dma_start3A_150 = arith.constant 0 : i32
      %dma_start3A_151 = tpu.memref_slice %arg4[%dma_start3A_149, %dma_start3A_150] : memref<100000x16xf32, #tpu.memory_space<hbm>> -> memref<100000x16xf32, #tpu.memory_space<hbm>>
      tpu.enqueue_indirect_dma source(%dma_start3A_151 : memref<100000x16xf32, #tpu.memory_space<hbm>>) target(%arg16 : memref<512x16xf32, #tpu.memory_space<vmem>>) offsets(%arg8 : memref<512xi32, #tpu.memory_space<vmem>>) semaphore(%arg18 : memref<!tpu.dma_semaphore, #tpu.memory_space<semaphore_mem>>)
      %add3A_152 = arith.constant 2 : i32
      %add3A_153 = arith.addi %add3A_139, %add3A_152 : i32
      %mul3A_154 = arith.constant 512 : i32
      %mul3A_155 = arith.muli %add3A_153, %mul3A_154 : i32
      %add3A_156 = arith.addi %mul3A_13, %mul3A_155 : i32
      "tpu.region"() ({
        %run_scoped3A = tpu.sem_alloc : memref<!tpu.dma_semaphore, #tpu.memory_space<semaphore_mem>>
        %dma_start3A_182 = tpu.memref_slice %arg2[%add3A_156] : memref<3212288xi32, #tpu.memory_space<hbm>> -> memref<512xi32, #tpu.memory_space<hbm>>
        %dma_start3A_183 = tpu.memref_slice %arg2[%add3A_156] : memref<3212288xi32, #tpu.memory_space<hbm>> -> memref<512xi32, #tpu.memory_space<hbm>>
        tpu.enqueue_dma source(%dma_start3A_183 : memref<512xi32, #tpu.memory_space<hbm>>) target(%arg9 : memref<512xi32, #tpu.memory_space<vmem>>) target_semaphore(%run_scoped3A : memref<!tpu.dma_semaphore, #tpu.memory_space<semaphore_mem>>)
        %dma_wait3A_184 = tpu.memref_slice %arg2[%add3A_156] : memref<3212288xi32, #tpu.memory_space<hbm>> -> memref<512xi32, #tpu.memory_space<hbm>>
        %dma_wait3A_185 = tpu.memref_slice %arg2[%add3A_156] : memref<3212288xi32, #tpu.memory_space<hbm>> -> memref<512xi32, #tpu.memory_space<hbm>>
        tpu.wait_dma2 semaphore(%run_scoped3A : memref<!tpu.dma_semaphore, #tpu.memory_space<semaphore_mem>>) src(%dma_wait3A_185 : memref<512xi32, #tpu.memory_space<hbm>>) dst(%arg9 : memref<512xi32, #tpu.memory_space<vmem>>)
        tpu.yield
      }) : () -> ()
      %mul3A_157 = arith.constant 512 : i32
      %mul3A_158 = arith.muli %add3A_153, %mul3A_157 : i32
      %add3A_159 = arith.addi %mul3A_13, %mul3A_158 : i32
      "tpu.region"() ({
        %run_scoped3A = tpu.sem_alloc : memref<!tpu.dma_semaphore, #tpu.memory_space<semaphore_mem>>
        %dma_start3A_182 = tpu.memref_slice %arg3[%add3A_159] : memref<3212288xi32, #tpu.memory_space<hbm>> -> memref<512xi32, #tpu.memory_space<hbm>>
        %dma_start3A_183 = tpu.memref_slice %arg3[%add3A_159] : memref<3212288xi32, #tpu.memory_space<hbm>> -> memref<512xi32, #tpu.memory_space<hbm>>
        tpu.enqueue_dma source(%dma_start3A_183 : memref<512xi32, #tpu.memory_space<hbm>>) target(%arg13 : memref<512xi32, #tpu.memory_space<vmem>>) target_semaphore(%run_scoped3A : memref<!tpu.dma_semaphore, #tpu.memory_space<semaphore_mem>>)
        %dma_wait3A_184 = tpu.memref_slice %arg3[%add3A_159] : memref<3212288xi32, #tpu.memory_space<hbm>> -> memref<512xi32, #tpu.memory_space<hbm>>
        %dma_wait3A_185 = tpu.memref_slice %arg3[%add3A_159] : memref<3212288xi32, #tpu.memory_space<hbm>> -> memref<512xi32, #tpu.memory_space<hbm>>
        tpu.wait_dma2 semaphore(%run_scoped3A : memref<!tpu.dma_semaphore, #tpu.memory_space<semaphore_mem>>) src(%dma_wait3A_185 : memref<512xi32, #tpu.memory_space<hbm>>) dst(%arg13 : memref<512xi32, #tpu.memory_space<vmem>>)
        tpu.yield
      }) : () -> ()
      %add3A_160 = arith.constant 3 : i32
      %add3A_161 = arith.addi %add3A_95, %add3A_160 : i32
      %dma_wait3A_162 = arith.constant 0 : i32
      %dma_wait3A_163 = arith.constant 0 : i32
      %dma_wait3A_164 = tpu.memref_slice %arg4[%dma_wait3A_162, %dma_wait3A_163] : memref<100000x16xf32, #tpu.memory_space<hbm>> -> memref<100000x16xf32, #tpu.memory_space<hbm>>
      tpu.wait_indirect_dma semaphore(%arg18 : memref<!tpu.dma_semaphore, #tpu.memory_space<semaphore_mem>>) src(%dma_wait3A_164 : memref<100000x16xf32, #tpu.memory_space<hbm>>) dst(%arg16 : memref<512x16xf32, #tpu.memory_space<vmem>>)
      %dma_start3A_165 = arith.constant 0 : i32
      %dma_start3A_166 = arith.constant 0 : i32
      %dma_start3A_167 = tpu.memref_slice %arg21[%dma_start3A_165, %dma_start3A_166] : memref<100096x16xf32, #tpu.memory_space<vmem_shared>> -> memref<100096x16xf32, #tpu.memory_space<vmem_shared>>
      tpu.enqueue_indirect_dma source(%arg16 : memref<512x16xf32, #tpu.memory_space<vmem>>) target(%dma_start3A_167 : memref<100096x16xf32, #tpu.memory_space<vmem_shared>>) offsets(%arg12 : memref<512xi32, #tpu.memory_space<vmem>>) semaphore(%arg20 : memref<!tpu.dma_semaphore, #tpu.memory_space<semaphore_mem>>) {add = true}
      %dma_wait3A_168 = arith.constant 0 : i32
      %dma_wait3A_169 = arith.constant 0 : i32
      %dma_wait3A_170 = tpu.memref_slice %arg21[%dma_wait3A_168, %dma_wait3A_169] : memref<100096x16xf32, #tpu.memory_space<vmem_shared>> -> memref<100096x16xf32, #tpu.memory_space<vmem_shared>>
      tpu.wait_indirect_dma semaphore(%arg19 : memref<!tpu.dma_semaphore, #tpu.memory_space<semaphore_mem>>) src(%arg15 : memref<512x16xf32, #tpu.memory_space<vmem>>) dst(%dma_wait3A_170 : memref<100096x16xf32, #tpu.memory_space<vmem_shared>>)
      %dma_start3A_171 = arith.constant 0 : i32
      %dma_start3A_172 = arith.constant 0 : i32
      %dma_start3A_173 = tpu.memref_slice %arg4[%dma_start3A_171, %dma_start3A_172] : memref<100000x16xf32, #tpu.memory_space<hbm>> -> memref<100000x16xf32, #tpu.memory_space<hbm>>
      tpu.enqueue_indirect_dma source(%dma_start3A_173 : memref<100000x16xf32, #tpu.memory_space<hbm>>) target(%arg15 : memref<512x16xf32, #tpu.memory_space<vmem>>) offsets(%arg9 : memref<512xi32, #tpu.memory_space<vmem>>) semaphore(%arg17 : memref<!tpu.dma_semaphore, #tpu.memory_space<semaphore_mem>>)
      %add3A_174 = arith.constant 2 : i32
      %add3A_175 = arith.addi %add3A_161, %add3A_174 : i32
      %mul3A_176 = arith.constant 512 : i32
      %mul3A_177 = arith.muli %add3A_175, %mul3A_176 : i32
      %add3A_178 = arith.addi %mul3A_13, %mul3A_177 : i32
      "tpu.region"() ({
        %run_scoped3A = tpu.sem_alloc : memref<!tpu.dma_semaphore, #tpu.memory_space<semaphore_mem>>
        %dma_start3A_182 = tpu.memref_slice %arg2[%add3A_178] : memref<3212288xi32, #tpu.memory_space<hbm>> -> memref<512xi32, #tpu.memory_space<hbm>>
        %dma_start3A_183 = tpu.memref_slice %arg2[%add3A_178] : memref<3212288xi32, #tpu.memory_space<hbm>> -> memref<512xi32, #tpu.memory_space<hbm>>
        tpu.enqueue_dma source(%dma_start3A_183 : memref<512xi32, #tpu.memory_space<hbm>>) target(%arg10 : memref<512xi32, #tpu.memory_space<vmem>>) target_semaphore(%run_scoped3A : memref<!tpu.dma_semaphore, #tpu.memory_space<semaphore_mem>>)
        %dma_wait3A_184 = tpu.memref_slice %arg2[%add3A_178] : memref<3212288xi32, #tpu.memory_space<hbm>> -> memref<512xi32, #tpu.memory_space<hbm>>
        %dma_wait3A_185 = tpu.memref_slice %arg2[%add3A_178] : memref<3212288xi32, #tpu.memory_space<hbm>> -> memref<512xi32, #tpu.memory_space<hbm>>
        tpu.wait_dma2 semaphore(%run_scoped3A : memref<!tpu.dma_semaphore, #tpu.memory_space<semaphore_mem>>) src(%dma_wait3A_185 : memref<512xi32, #tpu.memory_space<hbm>>) dst(%arg10 : memref<512xi32, #tpu.memory_space<vmem>>)
        tpu.yield
      }) : () -> ()
      %mul3A_179 = arith.constant 512 : i32
      %mul3A_180 = arith.muli %add3A_175, %mul3A_179 : i32
      %add3A_181 = arith.addi %mul3A_13, %mul3A_180 : i32
      "tpu.region"() ({
        %run_scoped3A = tpu.sem_alloc : memref<!tpu.dma_semaphore, #tpu.memory_space<semaphore_mem>>
        %dma_start3A_182 = tpu.memref_slice %arg3[%add3A_181] : memref<3212288xi32, #tpu.memory_space<hbm>> -> memref<512xi32, #tpu.memory_space<hbm>>
        %dma_start3A_183 = tpu.memref_slice %arg3[%add3A_181] : memref<3212288xi32, #tpu.memory_space<hbm>> -> memref<512xi32, #tpu.memory_space<hbm>>
        tpu.enqueue_dma source(%dma_start3A_183 : memref<512xi32, #tpu.memory_space<hbm>>) target(%arg14 : memref<512xi32, #tpu.memory_space<vmem>>) target_semaphore(%run_scoped3A : memref<!tpu.dma_semaphore, #tpu.memory_space<semaphore_mem>>)
        %dma_wait3A_184 = tpu.memref_slice %arg3[%add3A_181] : memref<3212288xi32, #tpu.memory_space<hbm>> -> memref<512xi32, #tpu.memory_space<hbm>>
        %dma_wait3A_185 = tpu.memref_slice %arg3[%add3A_181] : memref<3212288xi32, #tpu.memory_space<hbm>> -> memref<512xi32, #tpu.memory_space<hbm>>
        tpu.wait_dma2 semaphore(%run_scoped3A : memref<!tpu.dma_semaphore, #tpu.memory_space<semaphore_mem>>) src(%dma_wait3A_185 : memref<512xi32, #tpu.memory_space<hbm>>) dst(%arg14 : memref<512xi32, #tpu.memory_space<vmem>>)
        tpu.yield
      }) : () -> ()
    }
    %dma_wait3A_80 = arith.constant 0 : i32
    %dma_wait3A_81 = arith.constant 0 : i32
    %dma_wait3A_82 = tpu.memref_slice %arg4[%dma_wait3A_80, %dma_wait3A_81] : memref<100000x16xf32, #tpu.memory_space<hbm>> -> memref<100000x16xf32, #tpu.memory_space<hbm>>
    tpu.wait_indirect_dma semaphore(%arg17 : memref<!tpu.dma_semaphore, #tpu.memory_space<semaphore_mem>>) src(%dma_wait3A_82 : memref<100000x16xf32, #tpu.memory_space<hbm>>) dst(%arg15 : memref<512x16xf32, #tpu.memory_space<vmem>>)
    %dma_wait3A_83 = arith.constant 0 : i32
    %dma_wait3A_84 = arith.constant 0 : i32
    %dma_wait3A_85 = tpu.memref_slice %arg21[%dma_wait3A_83, %dma_wait3A_84] : memref<100096x16xf32, #tpu.memory_space<vmem_shared>> -> memref<100096x16xf32, #tpu.memory_space<vmem_shared>>
    tpu.wait_indirect_dma semaphore(%arg20 : memref<!tpu.dma_semaphore, #tpu.memory_space<semaphore_mem>>) src(%arg16 : memref<512x16xf32, #tpu.memory_space<vmem>>) dst(%dma_wait3A_85 : memref<100096x16xf32, #tpu.memory_space<vmem_shared>>)
    %barrier3A_86 = arith.constant 0 : index
    tpu.barrier barrier_id(%barrier3A_86)
    %mul3A_87 = arith.constant 6256 : i32
    %mul3A_88 = arith.muli %arg1, %mul3A_87 : i32
    %mul3A_89 = arith.constant 6256 : i32
    %mul3A_90 = arith.muli %arg1, %mul3A_89 : i32
    "tpu.region"() ({
      %run_scoped3A = tpu.sem_alloc : memref<!tpu.dma_semaphore, #tpu.memory_space<semaphore_mem>>
      %dma_start3A_91 = arith.constant 0 : i32
      %dma_start3A_92 = arith.constant 0 : i32
      %dma_start3A_93 = tpu.memref_slice %arg6[%arg0, %dma_start3A_91, %dma_start3A_92] : memref<2x100096x16xf32, #tpu.memory_space<hbm>> -> memref<1x100096x16xf32, #tpu.memory_space<hbm>>
      %dma_start3A_94 = tpu.memref_squeeze %dma_start3A_93 : memref<1x100096x16xf32, #tpu.memory_space<hbm>> -> memref<100096x16xf32, #tpu.memory_space<hbm>>
      %dma_start3A_95 = arith.constant 0 : i32
      %dma_start3A_96 = tpu.memref_slice %dma_start3A_94[%mul3A_90, %dma_start3A_95] : memref<100096x16xf32, #tpu.memory_space<hbm>> -> memref<6256x16xf32, #tpu.memory_space<hbm>>
      %dma_start3A_97 = arith.constant 0 : i32
      %dma_start3A_98 = tpu.memref_slice %arg21[%mul3A_88, %dma_start3A_97] : memref<100096x16xf32, #tpu.memory_space<vmem_shared>> -> memref<6256x16xf32, #tpu.memory_space<vmem_shared>>
      tpu.enqueue_dma source(%dma_start3A_98 : memref<6256x16xf32, #tpu.memory_space<vmem_shared>>) target(%dma_start3A_96 : memref<6256x16xf32, #tpu.memory_space<hbm>>) target_semaphore(%run_scoped3A : memref<!tpu.dma_semaphore, #tpu.memory_space<semaphore_mem>>)
      %dma_wait3A_99 = arith.constant 0 : i32
      %dma_wait3A_100 = arith.constant 0 : i32
      %dma_wait3A_101 = tpu.memref_slice %arg6[%arg0, %dma_wait3A_99, %dma_wait3A_100] : memref<2x100096x16xf32, #tpu.memory_space<hbm>> -> memref<1x100096x16xf32, #tpu.memory_space<hbm>>
      %dma_wait3A_102 = tpu.memref_squeeze %dma_wait3A_101 : memref<1x100096x16xf32, #tpu.memory_space<hbm>> -> memref<100096x16xf32, #tpu.memory_space<hbm>>
      %dma_wait3A_103 = arith.constant 0 : i32
      %dma_wait3A_104 = tpu.memref_slice %dma_wait3A_102[%mul3A_90, %dma_wait3A_103] : memref<100096x16xf32, #tpu.memory_space<hbm>> -> memref<6256x16xf32, #tpu.memory_space<hbm>>
      %dma_wait3A_105 = arith.constant 0 : i32
      %dma_wait3A_106 = tpu.memref_slice %arg21[%mul3A_88, %dma_wait3A_105] : memref<100096x16xf32, #tpu.memory_space<vmem_shared>> -> memref<6256x16xf32, #tpu.memory_space<vmem_shared>>
      tpu.wait_dma2 semaphore(%run_scoped3A : memref<!tpu.dma_semaphore, #tpu.memory_space<semaphore_mem>>) src(%dma_wait3A_106 : memref<6256x16xf32, #tpu.memory_space<vmem_shared>>) dst(%dma_wait3A_104 : memref<6256x16xf32, #tpu.memory_space<hbm>>)
      tpu.yield
    }) : () -> ()
    return
  }
}

#map = affine_map<(d0, d1) -> (0)>
#map1 = affine_map<(d0, d1) -> (0, 0)>
#map2 = affine_map<(d0, d1) -> (0, 0, 0)>
module attributes {stable_mosaic.version = 14 : i64} {
  func.func @edge_kernel(%arg0: i32, %arg1: i32, %arg2: memref<3212288xi32, #tpu.memory_space<hbm>>, %arg3: memref<3212288xi32, #tpu.memory_space<hbm>>, %arg4: memref<100000x16xf32, #tpu.memory_space<hbm>>, %arg5: memref<6256x16xf32, #tpu.memory_space<hbm>>, %arg6: memref<2x100096x16xf32, #tpu.memory_space<hbm>>, %arg7: memref<512xi32, #tpu.memory_space<vmem>>, %arg8: memref<512xi32, #tpu.memory_space<vmem>>, %arg9: memref<512xi32, #tpu.memory_space<vmem>>, %arg10: memref<512xi32, #tpu.memory_space<vmem>>, %arg11: memref<512xi32, #tpu.memory_space<vmem>>, %arg12: memref<512xi32, #tpu.memory_space<vmem>>, %arg13: memref<512xi32, #tpu.memory_space<vmem>>, %arg14: memref<512xi32, #tpu.memory_space<vmem>>, %arg15: memref<512x16xf32, #tpu.memory_space<vmem>>, %arg16: memref<512x16xf32, #tpu.memory_space<vmem>>, %arg17: memref<!tpu.dma_semaphore, #tpu.memory_space<semaphore_mem>>, %arg18: memref<!tpu.dma_semaphore, #tpu.memory_space<semaphore_mem>>, %arg19: memref<!tpu.dma_semaphore, #tpu.memory_space<semaphore_mem>>, %arg20: memref<!tpu.dma_semaphore, #tpu.memory_space<semaphore_mem>>, %arg21: memref<100096x16xf32, #tpu.memory_space<vmem_shared>>) attributes {dimension_semantics = [#tpu.dimension_semantics<core_parallel>, #tpu.dimension_semantics<subcore_parallel>], iteration_bounds = array<i64: 2, 16>, scalar_prefetch = 0 : i64, scratch_operands = 15 : i64, tpu.core_type = #tpu.core_type<sc_vector_subcore>, window_params = [{transform_indices = #map}, {transform_indices = #map}, {transform_indices = #map1}, {transform_indices = #map1}, {transform_indices = #map2}]} {
    %mul3A = arith.constant 6256 : i32
    %mul3A_0 = arith.muli %arg1, %mul3A : i32
    "tpu.region"() ({
      %run_scoped3A = tpu.sem_alloc : memref<!tpu.dma_semaphore, #tpu.memory_space<semaphore_mem>>
      %dma_start3A_91 = arith.constant 0 : i32
      %dma_start3A_92 = tpu.memref_slice %arg21[%mul3A_0, %dma_start3A_91] : memref<100096x16xf32, #tpu.memory_space<vmem_shared>> -> memref<6256x16xf32, #tpu.memory_space<vmem_shared>>
      tpu.enqueue_dma source(%arg5 : memref<6256x16xf32, #tpu.memory_space<hbm>>) target(%dma_start3A_92 : memref<6256x16xf32, #tpu.memory_space<vmem_shared>>) target_semaphore(%run_scoped3A : memref<!tpu.dma_semaphore, #tpu.memory_space<semaphore_mem>>)
      %dma_wait3A_93 = arith.constant 0 : i32
      %dma_wait3A_94 = tpu.memref_slice %arg21[%mul3A_0, %dma_wait3A_93] : memref<100096x16xf32, #tpu.memory_space<vmem_shared>> -> memref<6256x16xf32, #tpu.memory_space<vmem_shared>>
      tpu.wait_dma2 semaphore(%run_scoped3A : memref<!tpu.dma_semaphore, #tpu.memory_space<semaphore_mem>>) src(%arg5 : memref<6256x16xf32, #tpu.memory_space<hbm>>) dst(%dma_wait3A_94 : memref<6256x16xf32, #tpu.memory_space<vmem_shared>>)
      tpu.yield
    }) : () -> ()
    %barrier3A = arith.constant 0 : index
    tpu.barrier barrier_id(%barrier3A)
    %eq3A = arith.constant 0 : i32
    %eq3A_1 = arith.cmpi eq, %arg0, %eq3A : i32
    %select_n3A = arith.constant 182 : i32
    %select_n3A_2 = arith.constant 210 : i32
    %select_n3A_3 = arith.select %eq3A_1, %select_n3A_2, %select_n3A : i32
    %eq3A_4 = arith.constant 0 : i32
    %eq3A_5 = arith.cmpi eq, %arg0, %eq3A_4 : i32
    %mul3A_6 = arith.constant 210 : i32
    %mul3A_7 = arith.muli %arg1, %mul3A_6 : i32
    %mul3A_8 = arith.constant 182 : i32
    %mul3A_9 = arith.muli %arg1, %mul3A_8 : i32
    %add3A = arith.constant 3360 : i32
    %add3A_10 = arith.addi %add3A, %mul3A_9 : i32
    %select_n3A_11 = arith.select %eq3A_5, %mul3A_7, %add3A_10 : i32
    %mul3A_12 = arith.constant 512 : i32
    %mul3A_13 = arith.muli %select_n3A_11, %mul3A_12 : i32
    %add3A_14 = arith.constant 0 : i32
    %add3A_15 = arith.addi %mul3A_13, %add3A_14 : i32
    "tpu.region"() ({
      %run_scoped3A = tpu.sem_alloc : memref<!tpu.dma_semaphore, #tpu.memory_space<semaphore_mem>>
      %dma_start3A_91 = tpu.memref_slice %arg2[%add3A_15] : memref<3212288xi32, #tpu.memory_space<hbm>> -> memref<512xi32, #tpu.memory_space<hbm>>
      %dma_start3A_92 = tpu.memref_slice %arg2[%add3A_15] : memref<3212288xi32, #tpu.memory_space<hbm>> -> memref<512xi32, #tpu.memory_space<hbm>>
      tpu.enqueue_dma source(%dma_start3A_92 : memref<512xi32, #tpu.memory_space<hbm>>) target(%arg7 : memref<512xi32, #tpu.memory_space<vmem>>) target_semaphore(%run_scoped3A : memref<!tpu.dma_semaphore, #tpu.memory_space<semaphore_mem>>)
      %dma_wait3A_93 = tpu.memref_slice %arg2[%add3A_15] : memref<3212288xi32, #tpu.memory_space<hbm>> -> memref<512xi32, #tpu.memory_space<hbm>>
      %dma_wait3A_94 = tpu.memref_slice %arg2[%add3A_15] : memref<3212288xi32, #tpu.memory_space<hbm>> -> memref<512xi32, #tpu.memory_space<hbm>>
      tpu.wait_dma2 semaphore(%run_scoped3A : memref<!tpu.dma_semaphore, #tpu.memory_space<semaphore_mem>>) src(%dma_wait3A_94 : memref<512xi32, #tpu.memory_space<hbm>>) dst(%arg7 : memref<512xi32, #tpu.memory_space<vmem>>)
      tpu.yield
    }) : () -> ()
    %add3A_16 = arith.constant 0 : i32
    %add3A_17 = arith.addi %mul3A_13, %add3A_16 : i32
    "tpu.region"() ({
      %run_scoped3A = tpu.sem_alloc : memref<!tpu.dma_semaphore, #tpu.memory_space<semaphore_mem>>
      %dma_start3A_91 = tpu.memref_slice %arg3[%add3A_17] : memref<3212288xi32, #tpu.memory_space<hbm>> -> memref<512xi32, #tpu.memory_space<hbm>>
      %dma_start3A_92 = tpu.memref_slice %arg3[%add3A_17] : memref<3212288xi32, #tpu.memory_space<hbm>> -> memref<512xi32, #tpu.memory_space<hbm>>
      tpu.enqueue_dma source(%dma_start3A_92 : memref<512xi32, #tpu.memory_space<hbm>>) target(%arg11 : memref<512xi32, #tpu.memory_space<vmem>>) target_semaphore(%run_scoped3A : memref<!tpu.dma_semaphore, #tpu.memory_space<semaphore_mem>>)
      %dma_wait3A_93 = tpu.memref_slice %arg3[%add3A_17] : memref<3212288xi32, #tpu.memory_space<hbm>> -> memref<512xi32, #tpu.memory_space<hbm>>
      %dma_wait3A_94 = tpu.memref_slice %arg3[%add3A_17] : memref<3212288xi32, #tpu.memory_space<hbm>> -> memref<512xi32, #tpu.memory_space<hbm>>
      tpu.wait_dma2 semaphore(%run_scoped3A : memref<!tpu.dma_semaphore, #tpu.memory_space<semaphore_mem>>) src(%dma_wait3A_94 : memref<512xi32, #tpu.memory_space<hbm>>) dst(%arg11 : memref<512xi32, #tpu.memory_space<vmem>>)
      tpu.yield
    }) : () -> ()
    %add3A_18 = arith.constant 512 : i32
    %add3A_19 = arith.addi %mul3A_13, %add3A_18 : i32
    "tpu.region"() ({
      %run_scoped3A = tpu.sem_alloc : memref<!tpu.dma_semaphore, #tpu.memory_space<semaphore_mem>>
      %dma_start3A_91 = tpu.memref_slice %arg2[%add3A_19] : memref<3212288xi32, #tpu.memory_space<hbm>> -> memref<512xi32, #tpu.memory_space<hbm>>
      %dma_start3A_92 = tpu.memref_slice %arg2[%add3A_19] : memref<3212288xi32, #tpu.memory_space<hbm>> -> memref<512xi32, #tpu.memory_space<hbm>>
      tpu.enqueue_dma source(%dma_start3A_92 : memref<512xi32, #tpu.memory_space<hbm>>) target(%arg8 : memref<512xi32, #tpu.memory_space<vmem>>) target_semaphore(%run_scoped3A : memref<!tpu.dma_semaphore, #tpu.memory_space<semaphore_mem>>)
      %dma_wait3A_93 = tpu.memref_slice %arg2[%add3A_19] : memref<3212288xi32, #tpu.memory_space<hbm>> -> memref<512xi32, #tpu.memory_space<hbm>>
      %dma_wait3A_94 = tpu.memref_slice %arg2[%add3A_19] : memref<3212288xi32, #tpu.memory_space<hbm>> -> memref<512xi32, #tpu.memory_space<hbm>>
      tpu.wait_dma2 semaphore(%run_scoped3A : memref<!tpu.dma_semaphore, #tpu.memory_space<semaphore_mem>>) src(%dma_wait3A_94 : memref<512xi32, #tpu.memory_space<hbm>>) dst(%arg8 : memref<512xi32, #tpu.memory_space<vmem>>)
      tpu.yield
    }) : () -> ()
    %add3A_20 = arith.constant 512 : i32
    %add3A_21 = arith.addi %mul3A_13, %add3A_20 : i32
    "tpu.region"() ({
      %run_scoped3A = tpu.sem_alloc : memref<!tpu.dma_semaphore, #tpu.memory_space<semaphore_mem>>
      %dma_start3A_91 = tpu.memref_slice %arg3[%add3A_21] : memref<3212288xi32, #tpu.memory_space<hbm>> -> memref<512xi32, #tpu.memory_space<hbm>>
      %dma_start3A_92 = tpu.memref_slice %arg3[%add3A_21] : memref<3212288xi32, #tpu.memory_space<hbm>> -> memref<512xi32, #tpu.memory_space<hbm>>
      tpu.enqueue_dma source(%dma_start3A_92 : memref<512xi32, #tpu.memory_space<hbm>>) target(%arg12 : memref<512xi32, #tpu.memory_space<vmem>>) target_semaphore(%run_scoped3A : memref<!tpu.dma_semaphore, #tpu.memory_space<semaphore_mem>>)
      %dma_wait3A_93 = tpu.memref_slice %arg3[%add3A_21] : memref<3212288xi32, #tpu.memory_space<hbm>> -> memref<512xi32, #tpu.memory_space<hbm>>
      %dma_wait3A_94 = tpu.memref_slice %arg3[%add3A_21] : memref<3212288xi32, #tpu.memory_space<hbm>> -> memref<512xi32, #tpu.memory_space<hbm>>
      tpu.wait_dma2 semaphore(%run_scoped3A : memref<!tpu.dma_semaphore, #tpu.memory_space<semaphore_mem>>) src(%dma_wait3A_94 : memref<512xi32, #tpu.memory_space<hbm>>) dst(%arg12 : memref<512xi32, #tpu.memory_space<vmem>>)
      tpu.yield
    }) : () -> ()
    %dma_start3A = arith.constant 0 : i32
    %dma_start3A_22 = arith.constant 0 : i32
    %dma_start3A_23 = tpu.memref_slice %arg4[%dma_start3A, %dma_start3A_22] : memref<100000x16xf32, #tpu.memory_space<hbm>> -> memref<100000x16xf32, #tpu.memory_space<hbm>>
    tpu.enqueue_indirect_dma source(%dma_start3A_23 : memref<100000x16xf32, #tpu.memory_space<hbm>>) target(%arg15 : memref<512x16xf32, #tpu.memory_space<vmem>>) offsets(%arg7 : memref<512xi32, #tpu.memory_space<vmem>>) semaphore(%arg17 : memref<!tpu.dma_semaphore, #tpu.memory_space<semaphore_mem>>)
    %dma_wait3A = arith.constant 0 : i32
    %dma_wait3A_24 = arith.constant 0 : i32
    %dma_wait3A_25 = tpu.memref_slice %arg4[%dma_wait3A, %dma_wait3A_24] : memref<100000x16xf32, #tpu.memory_space<hbm>> -> memref<100000x16xf32, #tpu.memory_space<hbm>>
    tpu.wait_indirect_dma semaphore(%arg17 : memref<!tpu.dma_semaphore, #tpu.memory_space<semaphore_mem>>) src(%dma_wait3A_25 : memref<100000x16xf32, #tpu.memory_space<hbm>>) dst(%arg15 : memref<512x16xf32, #tpu.memory_space<vmem>>)
    %dma_start3A_26 = arith.constant 0 : i32
    %dma_start3A_27 = arith.constant 0 : i32
    %dma_start3A_28 = tpu.memref_slice %arg21[%dma_start3A_26, %dma_start3A_27] : memref<100096x16xf32, #tpu.memory_space<vmem_shared>> -> memref<100096x16xf32, #tpu.memory_space<vmem_shared>>
    tpu.enqueue_indirect_dma source(%arg15 : memref<512x16xf32, #tpu.memory_space<vmem>>) target(%dma_start3A_28 : memref<100096x16xf32, #tpu.memory_space<vmem_shared>>) offsets(%arg11 : memref<512xi32, #tpu.memory_space<vmem>>) semaphore(%arg19 : memref<!tpu.dma_semaphore, #tpu.memory_space<semaphore_mem>>) {add = true}
    %dma_start3A_29 = arith.constant 0 : i32
    %dma_start3A_30 = arith.constant 0 : i32
    %dma_start3A_31 = tpu.memref_slice %arg4[%dma_start3A_29, %dma_start3A_30] : memref<100000x16xf32, #tpu.memory_space<hbm>> -> memref<100000x16xf32, #tpu.memory_space<hbm>>
    tpu.enqueue_indirect_dma source(%dma_start3A_31 : memref<100000x16xf32, #tpu.memory_space<hbm>>) target(%arg16 : memref<512x16xf32, #tpu.memory_space<vmem>>) offsets(%arg8 : memref<512xi32, #tpu.memory_space<vmem>>) semaphore(%arg18 : memref<!tpu.dma_semaphore, #tpu.memory_space<semaphore_mem>>)
    %add3A_32 = arith.constant 1024 : i32
    %add3A_33 = arith.addi %mul3A_13, %add3A_32 : i32
    "tpu.region"() ({
      %run_scoped3A = tpu.sem_alloc : memref<!tpu.dma_semaphore, #tpu.memory_space<semaphore_mem>>
      %dma_start3A_91 = tpu.memref_slice %arg2[%add3A_33] : memref<3212288xi32, #tpu.memory_space<hbm>> -> memref<512xi32, #tpu.memory_space<hbm>>
      %dma_start3A_92 = tpu.memref_slice %arg2[%add3A_33] : memref<3212288xi32, #tpu.memory_space<hbm>> -> memref<512xi32, #tpu.memory_space<hbm>>
      tpu.enqueue_dma source(%dma_start3A_92 : memref<512xi32, #tpu.memory_space<hbm>>) target(%arg9 : memref<512xi32, #tpu.memory_space<vmem>>) target_semaphore(%run_scoped3A : memref<!tpu.dma_semaphore, #tpu.memory_space<semaphore_mem>>)
      %dma_wait3A_93 = tpu.memref_slice %arg2[%add3A_33] : memref<3212288xi32, #tpu.memory_space<hbm>> -> memref<512xi32, #tpu.memory_space<hbm>>
      %dma_wait3A_94 = tpu.memref_slice %arg2[%add3A_33] : memref<3212288xi32, #tpu.memory_space<hbm>> -> memref<512xi32, #tpu.memory_space<hbm>>
      tpu.wait_dma2 semaphore(%run_scoped3A : memref<!tpu.dma_semaphore, #tpu.memory_space<semaphore_mem>>) src(%dma_wait3A_94 : memref<512xi32, #tpu.memory_space<hbm>>) dst(%arg9 : memref<512xi32, #tpu.memory_space<vmem>>)
      tpu.yield
    }) : () -> ()
    %add3A_34 = arith.constant 1024 : i32
    %add3A_35 = arith.addi %mul3A_13, %add3A_34 : i32
    "tpu.region"() ({
      %run_scoped3A = tpu.sem_alloc : memref<!tpu.dma_semaphore, #tpu.memory_space<semaphore_mem>>
      %dma_start3A_91 = tpu.memref_slice %arg3[%add3A_35] : memref<3212288xi32, #tpu.memory_space<hbm>> -> memref<512xi32, #tpu.memory_space<hbm>>
      %dma_start3A_92 = tpu.memref_slice %arg3[%add3A_35] : memref<3212288xi32, #tpu.memory_space<hbm>> -> memref<512xi32, #tpu.memory_space<hbm>>
      tpu.enqueue_dma source(%dma_start3A_92 : memref<512xi32, #tpu.memory_space<hbm>>) target(%arg13 : memref<512xi32, #tpu.memory_space<vmem>>) target_semaphore(%run_scoped3A : memref<!tpu.dma_semaphore, #tpu.memory_space<semaphore_mem>>)
      %dma_wait3A_93 = tpu.memref_slice %arg3[%add3A_35] : memref<3212288xi32, #tpu.memory_space<hbm>> -> memref<512xi32, #tpu.memory_space<hbm>>
      %dma_wait3A_94 = tpu.memref_slice %arg3[%add3A_35] : memref<3212288xi32, #tpu.memory_space<hbm>> -> memref<512xi32, #tpu.memory_space<hbm>>
      tpu.wait_dma2 semaphore(%run_scoped3A : memref<!tpu.dma_semaphore, #tpu.memory_space<semaphore_mem>>) src(%dma_wait3A_94 : memref<512xi32, #tpu.memory_space<hbm>>) dst(%arg13 : memref<512xi32, #tpu.memory_space<vmem>>)
      tpu.yield
    }) : () -> ()
    %dma_wait3A_36 = arith.constant 0 : i32
    %dma_wait3A_37 = arith.constant 0 : i32
    %dma_wait3A_38 = tpu.memref_slice %arg4[%dma_wait3A_36, %dma_wait3A_37] : memref<100000x16xf32, #tpu.memory_space<hbm>> -> memref<100000x16xf32, #tpu.memory_space<hbm>>
    tpu.wait_indirect_dma semaphore(%arg18 : memref<!tpu.dma_semaphore, #tpu.memory_space<semaphore_mem>>) src(%dma_wait3A_38 : memref<100000x16xf32, #tpu.memory_space<hbm>>) dst(%arg16 : memref<512x16xf32, #tpu.memory_space<vmem>>)
    %dma_start3A_39 = arith.constant 0 : i32
    %dma_start3A_40 = arith.constant 0 : i32
    %dma_start3A_41 = tpu.memref_slice %arg21[%dma_start3A_39, %dma_start3A_40] : memref<100096x16xf32, #tpu.memory_space<vmem_shared>> -> memref<100096x16xf32, #tpu.memory_space<vmem_shared>>
    tpu.enqueue_indirect_dma source(%arg16 : memref<512x16xf32, #tpu.memory_space<vmem>>) target(%dma_start3A_41 : memref<100096x16xf32, #tpu.memory_space<vmem_shared>>) offsets(%arg12 : memref<512xi32, #tpu.memory_space<vmem>>) semaphore(%arg20 : memref<!tpu.dma_semaphore, #tpu.memory_space<semaphore_mem>>) {add = true}
    %dma_wait3A_42 = arith.constant 0 : i32
    %dma_wait3A_43 = arith.constant 0 : i32
    %dma_wait3A_44 = tpu.memref_slice %arg21[%dma_wait3A_42, %dma_wait3A_43] : memref<100096x16xf32, #tpu.memory_space<vmem_shared>> -> memref<100096x16xf32, #tpu.memory_space<vmem_shared>>
    tpu.wait_indirect_dma semaphore(%arg19 : memref<!tpu.dma_semaphore, #tpu.memory_space<semaphore_mem>>) src(%arg15 : memref<512x16xf32, #tpu.memory_space<vmem>>) dst(%dma_wait3A_44 : memref<100096x16xf32, #tpu.memory_space<vmem_shared>>)
    %dma_start3A_45 = arith.constant 0 : i32
    %dma_start3A_46 = arith.constant 0 : i32
    %dma_start3A_47 = tpu.memref_slice %arg4[%dma_start3A_45, %dma_start3A_46] : memref<100000x16xf32, #tpu.memory_space<hbm>> -> memref<100000x16xf32, #tpu.memory_space<hbm>>
    tpu.enqueue_indirect_dma source(%dma_start3A_47 : memref<100000x16xf32, #tpu.memory_space<hbm>>) target(%arg15 : memref<512x16xf32, #tpu.memory_space<vmem>>) offsets(%arg9 : memref<512xi32, #tpu.memory_space<vmem>>) semaphore(%arg17 : memref<!tpu.dma_semaphore, #tpu.memory_space<semaphore_mem>>)
    %add3A_48 = arith.constant 1536 : i32
    %add3A_49 = arith.addi %mul3A_13, %add3A_48 : i32
    "tpu.region"() ({
      %run_scoped3A = tpu.sem_alloc : memref<!tpu.dma_semaphore, #tpu.memory_space<semaphore_mem>>
      %dma_start3A_91 = tpu.memref_slice %arg2[%add3A_49] : memref<3212288xi32, #tpu.memory_space<hbm>> -> memref<512xi32, #tpu.memory_space<hbm>>
      %dma_start3A_92 = tpu.memref_slice %arg2[%add3A_49] : memref<3212288xi32, #tpu.memory_space<hbm>> -> memref<512xi32, #tpu.memory_space<hbm>>
      tpu.enqueue_dma source(%dma_start3A_92 : memref<512xi32, #tpu.memory_space<hbm>>) target(%arg10 : memref<512xi32, #tpu.memory_space<vmem>>) target_semaphore(%run_scoped3A : memref<!tpu.dma_semaphore, #tpu.memory_space<semaphore_mem>>)
      %dma_wait3A_93 = tpu.memref_slice %arg2[%add3A_49] : memref<3212288xi32, #tpu.memory_space<hbm>> -> memref<512xi32, #tpu.memory_space<hbm>>
      %dma_wait3A_94 = tpu.memref_slice %arg2[%add3A_49] : memref<3212288xi32, #tpu.memory_space<hbm>> -> memref<512xi32, #tpu.memory_space<hbm>>
      tpu.wait_dma2 semaphore(%run_scoped3A : memref<!tpu.dma_semaphore, #tpu.memory_space<semaphore_mem>>) src(%dma_wait3A_94 : memref<512xi32, #tpu.memory_space<hbm>>) dst(%arg10 : memref<512xi32, #tpu.memory_space<vmem>>)
      tpu.yield
    }) : () -> ()
    %add3A_50 = arith.constant 1536 : i32
    %add3A_51 = arith.addi %mul3A_13, %add3A_50 : i32
    "tpu.region"() ({
      %run_scoped3A = tpu.sem_alloc : memref<!tpu.dma_semaphore, #tpu.memory_space<semaphore_mem>>
      %dma_start3A_91 = tpu.memref_slice %arg3[%add3A_51] : memref<3212288xi32, #tpu.memory_space<hbm>> -> memref<512xi32, #tpu.memory_space<hbm>>
      %dma_start3A_92 = tpu.memref_slice %arg3[%add3A_51] : memref<3212288xi32, #tpu.memory_space<hbm>> -> memref<512xi32, #tpu.memory_space<hbm>>
      tpu.enqueue_dma source(%dma_start3A_92 : memref<512xi32, #tpu.memory_space<hbm>>) target(%arg14 : memref<512xi32, #tpu.memory_space<vmem>>) target_semaphore(%run_scoped3A : memref<!tpu.dma_semaphore, #tpu.memory_space<semaphore_mem>>)
      %dma_wait3A_93 = tpu.memref_slice %arg3[%add3A_51] : memref<3212288xi32, #tpu.memory_space<hbm>> -> memref<512xi32, #tpu.memory_space<hbm>>
      %dma_wait3A_94 = tpu.memref_slice %arg3[%add3A_51] : memref<3212288xi32, #tpu.memory_space<hbm>> -> memref<512xi32, #tpu.memory_space<hbm>>
      tpu.wait_dma2 semaphore(%run_scoped3A : memref<!tpu.dma_semaphore, #tpu.memory_space<semaphore_mem>>) src(%dma_wait3A_94 : memref<512xi32, #tpu.memory_space<hbm>>) dst(%arg14 : memref<512xi32, #tpu.memory_space<vmem>>)
      tpu.yield
    }) : () -> ()
    %sub3A = arith.constant 2 : i32
    %sub3A_52 = arith.subi %select_n3A_3, %sub3A : i32
    %jit3A = arith.constant 4 : i32
    %div3A = arith.divsi %sub3A_52, %jit3A : i32
    %sign3A = arith.constant 0 : i32
    %sign3A_53 = arith.cmpi sgt, %sub3A_52, %sign3A : i32
    %sign3A_54 = arith.extui %sign3A_53 : i1 to i32
    %sign3A_55 = arith.constant 0 : i32
    %sign3A_56 = arith.cmpi slt, %sub3A_52, %sign3A_55 : i32
    %sign3A_57 = arith.extui %sign3A_56 : i1 to i32
    %sign3A_58 = arith.subi %sign3A_54, %sign3A_57 : i32
    %sign3A_59 = arith.constant 0 : i32
    %sign3A_60 = arith.cmpi sgt, %jit3A, %sign3A_59 : i32
    %sign3A_61 = arith.extui %sign3A_60 : i1 to i32
    %sign3A_62 = arith.constant 0 : i32
    %sign3A_63 = arith.cmpi slt, %jit3A, %sign3A_62 : i32
    %sign3A_64 = arith.extui %sign3A_63 : i1 to i32
    %sign3A_65 = arith.subi %sign3A_61, %sign3A_64 : i32
    %ne3A = arith.cmpi ne, %sign3A_58, %sign3A_65 : i32
    %rem3A = arith.remsi %sub3A_52, %jit3A : i32
    %ne3A_66 = arith.constant 0 : i32
    %ne3A_67 = arith.cmpi ne, %rem3A, %ne3A_66 : i32
    %and3A = arith.andi %ne3A, %ne3A_67 : i1
    %sub3A_68 = arith.constant 1 : i32
    %sub3A_69 = arith.subi %div3A, %sub3A_68 : i32
    %select_n3A_70 = arith.select %and3A, %sub3A_69, %div3A : i32
    %while3A = arith.constant 0 : i32
    %while3A_71 = arith.constant 0 : i32
    %while3A_72 = arith.subi %select_n3A_70, %while3A_71 : i32
    %while3A_73 = arith.addi %while3A_71, %while3A_72 : i32
    %while3A_74 = arith.constant 1 : i32
    %while3A_75 = arith.divsi %while3A_72, %while3A_74 : i32
    %while3A_76 = arith.muli %while3A_75, %while3A_74 : i32
    %while3A_77 = arith.addi %while3A_71, %while3A_76 : i32
    %while3A_78 = arith.constant 1 : i32
    scf.for %while3A_91 = %while3A_71 to %while3A_77 step %while3A_78  : i32 {
      %mul3A_92 = arith.constant 4 : i32
      %mul3A_93 = arith.muli %mul3A_92, %while3A_91 : i32
      %add3A_94 = arith.constant 2 : i32
      %add3A_95 = arith.addi %add3A_94, %mul3A_93 : i32
      %dma_wait3A_96 = arith.constant 0 : i32
      %dma_wait3A_97 = arith.constant 0 : i32
      %dma_wait3A_98 = tpu.memref_slice %arg4[%dma_wait3A_96, %dma_wait3A_97] : memref<100000x16xf32, #tpu.memory_space<hbm>> -> memref<100000x16xf32, #tpu.memory_space<hbm>>
      tpu.wait_indirect_dma semaphore(%arg17 : memref<!tpu.dma_semaphore, #tpu.memory_space<semaphore_mem>>) src(%dma_wait3A_98 : memref<100000x16xf32, #tpu.memory_space<hbm>>) dst(%arg15 : memref<512x16xf32, #tpu.memory_space<vmem>>)
      %dma_start3A_99 = arith.constant 0 : i32
      %dma_start3A_100 = arith.constant 0 : i32
      %dma_start3A_101 = tpu.memref_slice %arg21[%dma_start3A_99, %dma_start3A_100] : memref<100096x16xf32, #tpu.memory_space<vmem_shared>> -> memref<100096x16xf32, #tpu.memory_space<vmem_shared>>
      tpu.enqueue_indirect_dma source(%arg15 : memref<512x16xf32, #tpu.memory_space<vmem>>) target(%dma_start3A_101 : memref<100096x16xf32, #tpu.memory_space<vmem_shared>>) offsets(%arg13 : memref<512xi32, #tpu.memory_space<vmem>>) semaphore(%arg19 : memref<!tpu.dma_semaphore, #tpu.memory_space<semaphore_mem>>) {add = true}
      %dma_wait3A_102 = arith.constant 0 : i32
      %dma_wait3A_103 = arith.constant 0 : i32
      %dma_wait3A_104 = tpu.memref_slice %arg21[%dma_wait3A_102, %dma_wait3A_103] : memref<100096x16xf32, #tpu.memory_space<vmem_shared>> -> memref<100096x16xf32, #tpu.memory_space<vmem_shared>>
      tpu.wait_indirect_dma semaphore(%arg20 : memref<!tpu.dma_semaphore, #tpu.memory_space<semaphore_mem>>) src(%arg16 : memref<512x16xf32, #tpu.memory_space<vmem>>) dst(%dma_wait3A_104 : memref<100096x16xf32, #tpu.memory_space<vmem_shared>>)
      %dma_start3A_105 = arith.constant 0 : i32
      %dma_start3A_106 = arith.constant 0 : i32
      %dma_start3A_107 = tpu.memref_slice %arg4[%dma_start3A_105, %dma_start3A_106] : memref<100000x16xf32, #tpu.memory_space<hbm>> -> memref<100000x16xf32, #tpu.memory_space<hbm>>
      tpu.enqueue_indirect_dma source(%dma_start3A_107 : memref<100000x16xf32, #tpu.memory_space<hbm>>) target(%arg16 : memref<512x16xf32, #tpu.memory_space<vmem>>) offsets(%arg10 : memref<512xi32, #tpu.memory_space<vmem>>) semaphore(%arg18 : memref<!tpu.dma_semaphore, #tpu.memory_space<semaphore_mem>>)
      %add3A_108 = arith.constant 2 : i32
      %add3A_109 = arith.addi %add3A_95, %add3A_108 : i32
      %mul3A_110 = arith.constant 512 : i32
      %mul3A_111 = arith.muli %add3A_109, %mul3A_110 : i32
      %add3A_112 = arith.addi %mul3A_13, %mul3A_111 : i32
      "tpu.region"() ({
        %run_scoped3A = tpu.sem_alloc : memref<!tpu.dma_semaphore, #tpu.memory_space<semaphore_mem>>
        %dma_start3A_182 = tpu.memref_slice %arg2[%add3A_112] : memref<3212288xi32, #tpu.memory_space<hbm>> -> memref<512xi32, #tpu.memory_space<hbm>>
        %dma_start3A_183 = tpu.memref_slice %arg2[%add3A_112] : memref<3212288xi32, #tpu.memory_space<hbm>> -> memref<512xi32, #tpu.memory_space<hbm>>
        tpu.enqueue_dma source(%dma_start3A_183 : memref<512xi32, #tpu.memory_space<hbm>>) target(%arg7 : memref<512xi32, #tpu.memory_space<vmem>>) target_semaphore(%run_scoped3A : memref<!tpu.dma_semaphore, #tpu.memory_space<semaphore_mem>>)
        %dma_wait3A_184 = tpu.memref_slice %arg2[%add3A_112] : memref<3212288xi32, #tpu.memory_space<hbm>> -> memref<512xi32, #tpu.memory_space<hbm>>
        %dma_wait3A_185 = tpu.memref_slice %arg2[%add3A_112] : memref<3212288xi32, #tpu.memory_space<hbm>> -> memref<512xi32, #tpu.memory_space<hbm>>
        tpu.wait_dma2 semaphore(%run_scoped3A : memref<!tpu.dma_semaphore, #tpu.memory_space<semaphore_mem>>) src(%dma_wait3A_185 : memref<512xi32, #tpu.memory_space<hbm>>) dst(%arg7 : memref<512xi32, #tpu.memory_space<vmem>>)
        tpu.yield
      }) : () -> ()
      %mul3A_113 = arith.constant 512 : i32
      %mul3A_114 = arith.muli %add3A_109, %mul3A_113 : i32
      %add3A_115 = arith.addi %mul3A_13, %mul3A_114 : i32
      "tpu.region"() ({
        %run_scoped3A = tpu.sem_alloc : memref<!tpu.dma_semaphore, #tpu.memory_space<semaphore_mem>>
        %dma_start3A_182 = tpu.memref_slice %arg3[%add3A_115] : memref<3212288xi32, #tpu.memory_space<hbm>> -> memref<512xi32, #tpu.memory_space<hbm>>
        %dma_start3A_183 = tpu.memref_slice %arg3[%add3A_115] : memref<3212288xi32, #tpu.memory_space<hbm>> -> memref<512xi32, #tpu.memory_space<hbm>>
        tpu.enqueue_dma source(%dma_start3A_183 : memref<512xi32, #tpu.memory_space<hbm>>) target(%arg11 : memref<512xi32, #tpu.memory_space<vmem>>) target_semaphore(%run_scoped3A : memref<!tpu.dma_semaphore, #tpu.memory_space<semaphore_mem>>)
        %dma_wait3A_184 = tpu.memref_slice %arg3[%add3A_115] : memref<3212288xi32, #tpu.memory_space<hbm>> -> memref<512xi32, #tpu.memory_space<hbm>>
        %dma_wait3A_185 = tpu.memref_slice %arg3[%add3A_115] : memref<3212288xi32, #tpu.memory_space<hbm>> -> memref<512xi32, #tpu.memory_space<hbm>>
        tpu.wait_dma2 semaphore(%run_scoped3A : memref<!tpu.dma_semaphore, #tpu.memory_space<semaphore_mem>>) src(%dma_wait3A_185 : memref<512xi32, #tpu.memory_space<hbm>>) dst(%arg11 : memref<512xi32, #tpu.memory_space<vmem>>)
        tpu.yield
      }) : () -> ()
      %add3A_116 = arith.constant 1 : i32
      %add3A_117 = arith.addi %add3A_95, %add3A_116 : i32
      %dma_wait3A_118 = arith.constant 0 : i32
      %dma_wait3A_119 = arith.constant 0 : i32
      %dma_wait3A_120 = tpu.memref_slice %arg4[%dma_wait3A_118, %dma_wait3A_119] : memref<100000x16xf32, #tpu.memory_space<hbm>> -> memref<100000x16xf32, #tpu.memory_space<hbm>>
      tpu.wait_indirect_dma semaphore(%arg18 : memref<!tpu.dma_semaphore, #tpu.memory_space<semaphore_mem>>) src(%dma_wait3A_120 : memref<100000x16xf32, #tpu.memory_space<hbm>>) dst(%arg16 : memref<512x16xf32, #tpu.memory_space<vmem>>)
      %dma_start3A_121 = arith.constant 0 : i32
      %dma_start3A_122 = arith.constant 0 : i32
      %dma_start3A_123 = tpu.memref_slice %arg21[%dma_start3A_121, %dma_start3A_122] : memref<100096x16xf32, #tpu.memory_space<vmem_shared>> -> memref<100096x16xf32, #tpu.memory_space<vmem_shared>>
      tpu.enqueue_indirect_dma source(%arg16 : memref<512x16xf32, #tpu.memory_space<vmem>>) target(%dma_start3A_123 : memref<100096x16xf32, #tpu.memory_space<vmem_shared>>) offsets(%arg14 : memref<512xi32, #tpu.memory_space<vmem>>) semaphore(%arg20 : memref<!tpu.dma_semaphore, #tpu.memory_space<semaphore_mem>>) {add = true}
      %dma_wait3A_124 = arith.constant 0 : i32
      %dma_wait3A_125 = arith.constant 0 : i32
      %dma_wait3A_126 = tpu.memref_slice %arg21[%dma_wait3A_124, %dma_wait3A_125] : memref<100096x16xf32, #tpu.memory_space<vmem_shared>> -> memref<100096x16xf32, #tpu.memory_space<vmem_shared>>
      tpu.wait_indirect_dma semaphore(%arg19 : memref<!tpu.dma_semaphore, #tpu.memory_space<semaphore_mem>>) src(%arg15 : memref<512x16xf32, #tpu.memory_space<vmem>>) dst(%dma_wait3A_126 : memref<100096x16xf32, #tpu.memory_space<vmem_shared>>)
      %dma_start3A_127 = arith.constant 0 : i32
      %dma_start3A_128 = arith.constant 0 : i32
      %dma_start3A_129 = tpu.memref_slice %arg4[%dma_start3A_127, %dma_start3A_128] : memref<100000x16xf32, #tpu.memory_space<hbm>> -> memref<100000x16xf32, #tpu.memory_space<hbm>>
      tpu.enqueue_indirect_dma source(%dma_start3A_129 : memref<100000x16xf32, #tpu.memory_space<hbm>>) target(%arg15 : memref<512x16xf32, #tpu.memory_space<vmem>>) offsets(%arg7 : memref<512xi32, #tpu.memory_space<vmem>>) semaphore(%arg17 : memref<!tpu.dma_semaphore, #tpu.memory_space<semaphore_mem>>)
      %add3A_130 = arith.constant 2 : i32
      %add3A_131 = arith.addi %add3A_117, %add3A_130 : i32
      %mul3A_132 = arith.constant 512 : i32
      %mul3A_133 = arith.muli %add3A_131, %mul3A_132 : i32
      %add3A_134 = arith.addi %mul3A_13, %mul3A_133 : i32
      "tpu.region"() ({
        %run_scoped3A = tpu.sem_alloc : memref<!tpu.dma_semaphore, #tpu.memory_space<semaphore_mem>>
        %dma_start3A_182 = tpu.memref_slice %arg2[%add3A_134] : memref<3212288xi32, #tpu.memory_space<hbm>> -> memref<512xi32, #tpu.memory_space<hbm>>
        %dma_start3A_183 = tpu.memref_slice %arg2[%add3A_134] : memref<3212288xi32, #tpu.memory_space<hbm>> -> memref<512xi32, #tpu.memory_space<hbm>>
        tpu.enqueue_dma source(%dma_start3A_183 : memref<512xi32, #tpu.memory_space<hbm>>) target(%arg8 : memref<512xi32, #tpu.memory_space<vmem>>) target_semaphore(%run_scoped3A : memref<!tpu.dma_semaphore, #tpu.memory_space<semaphore_mem>>)
        %dma_wait3A_184 = tpu.memref_slice %arg2[%add3A_134] : memref<3212288xi32, #tpu.memory_space<hbm>> -> memref<512xi32, #tpu.memory_space<hbm>>
        %dma_wait3A_185 = tpu.memref_slice %arg2[%add3A_134] : memref<3212288xi32, #tpu.memory_space<hbm>> -> memref<512xi32, #tpu.memory_space<hbm>>
        tpu.wait_dma2 semaphore(%run_scoped3A : memref<!tpu.dma_semaphore, #tpu.memory_space<semaphore_mem>>) src(%dma_wait3A_185 : memref<512xi32, #tpu.memory_space<hbm>>) dst(%arg8 : memref<512xi32, #tpu.memory_space<vmem>>)
        tpu.yield
      }) : () -> ()
      %mul3A_135 = arith.constant 512 : i32
      %mul3A_136 = arith.muli %add3A_131, %mul3A_135 : i32
      %add3A_137 = arith.addi %mul3A_13, %mul3A_136 : i32
      "tpu.region"() ({
        %run_scoped3A = tpu.sem_alloc : memref<!tpu.dma_semaphore, #tpu.memory_space<semaphore_mem>>
        %dma_start3A_182 = tpu.memref_slice %arg3[%add3A_137] : memref<3212288xi32, #tpu.memory_space<hbm>> -> memref<512xi32, #tpu.memory_space<hbm>>
        %dma_start3A_183 = tpu.memref_slice %arg3[%add3A_137] : memref<3212288xi32, #tpu.memory_space<hbm>> -> memref<512xi32, #tpu.memory_space<hbm>>
        tpu.enqueue_dma source(%dma_start3A_183 : memref<512xi32, #tpu.memory_space<hbm>>) target(%arg12 : memref<512xi32, #tpu.memory_space<vmem>>) target_semaphore(%run_scoped3A : memref<!tpu.dma_semaphore, #tpu.memory_space<semaphore_mem>>)
        %dma_wait3A_184 = tpu.memref_slice %arg3[%add3A_137] : memref<3212288xi32, #tpu.memory_space<hbm>> -> memref<512xi32, #tpu.memory_space<hbm>>
        %dma_wait3A_185 = tpu.memref_slice %arg3[%add3A_137] : memref<3212288xi32, #tpu.memory_space<hbm>> -> memref<512xi32, #tpu.memory_space<hbm>>
        tpu.wait_dma2 semaphore(%run_scoped3A : memref<!tpu.dma_semaphore, #tpu.memory_space<semaphore_mem>>) src(%dma_wait3A_185 : memref<512xi32, #tpu.memory_space<hbm>>) dst(%arg12 : memref<512xi32, #tpu.memory_space<vmem>>)
        tpu.yield
      }) : () -> ()
      %add3A_138 = arith.constant 2 : i32
      %add3A_139 = arith.addi %add3A_95, %add3A_138 : i32
      %dma_wait3A_140 = arith.constant 0 : i32
      %dma_wait3A_141 = arith.constant 0 : i32
      %dma_wait3A_142 = tpu.memref_slice %arg4[%dma_wait3A_140, %dma_wait3A_141] : memref<100000x16xf32, #tpu.memory_space<hbm>> -> memref<100000x16xf32, #tpu.memory_space<hbm>>
      tpu.wait_indirect_dma semaphore(%arg17 : memref<!tpu.dma_semaphore, #tpu.memory_space<semaphore_mem>>) src(%dma_wait3A_142 : memref<100000x16xf32, #tpu.memory_space<hbm>>) dst(%arg15 : memref<512x16xf32, #tpu.memory_space<vmem>>)
      %dma_start3A_143 = arith.constant 0 : i32
      %dma_start3A_144 = arith.constant 0 : i32
      %dma_start3A_145 = tpu.memref_slice %arg21[%dma_start3A_143, %dma_start3A_144] : memref<100096x16xf32, #tpu.memory_space<vmem_shared>> -> memref<100096x16xf32, #tpu.memory_space<vmem_shared>>
      tpu.enqueue_indirect_dma source(%arg15 : memref<512x16xf32, #tpu.memory_space<vmem>>) target(%dma_start3A_145 : memref<100096x16xf32, #tpu.memory_space<vmem_shared>>) offsets(%arg11 : memref<512xi32, #tpu.memory_space<vmem>>) semaphore(%arg19 : memref<!tpu.dma_semaphore, #tpu.memory_space<semaphore_mem>>) {add = true}
      %dma_wait3A_146 = arith.constant 0 : i32
      %dma_wait3A_147 = arith.constant 0 : i32
      %dma_wait3A_148 = tpu.memref_slice %arg21[%dma_wait3A_146, %dma_wait3A_147] : memref<100096x16xf32, #tpu.memory_space<vmem_shared>> -> memref<100096x16xf32, #tpu.memory_space<vmem_shared>>
      tpu.wait_indirect_dma semaphore(%arg20 : memref<!tpu.dma_semaphore, #tpu.memory_space<semaphore_mem>>) src(%arg16 : memref<512x16xf32, #tpu.memory_space<vmem>>) dst(%dma_wait3A_148 : memref<100096x16xf32, #tpu.memory_space<vmem_shared>>)
      %dma_start3A_149 = arith.constant 0 : i32
      %dma_start3A_150 = arith.constant 0 : i32
      %dma_start3A_151 = tpu.memref_slice %arg4[%dma_start3A_149, %dma_start3A_150] : memref<100000x16xf32, #tpu.memory_space<hbm>> -> memref<100000x16xf32, #tpu.memory_space<hbm>>
      tpu.enqueue_indirect_dma source(%dma_start3A_151 : memref<100000x16xf32, #tpu.memory_space<hbm>>) target(%arg16 : memref<512x16xf32, #tpu.memory_space<vmem>>) offsets(%arg8 : memref<512xi32, #tpu.memory_space<vmem>>) semaphore(%arg18 : memref<!tpu.dma_semaphore, #tpu.memory_space<semaphore_mem>>)
      %add3A_152 = arith.constant 2 : i32
      %add3A_153 = arith.addi %add3A_139, %add3A_152 : i32
      %mul3A_154 = arith.constant 512 : i32
      %mul3A_155 = arith.muli %add3A_153, %mul3A_154 : i32
      %add3A_156 = arith.addi %mul3A_13, %mul3A_155 : i32
      "tpu.region"() ({
        %run_scoped3A = tpu.sem_alloc : memref<!tpu.dma_semaphore, #tpu.memory_space<semaphore_mem>>
        %dma_start3A_182 = tpu.memref_slice %arg2[%add3A_156] : memref<3212288xi32, #tpu.memory_space<hbm>> -> memref<512xi32, #tpu.memory_space<hbm>>
        %dma_start3A_183 = tpu.memref_slice %arg2[%add3A_156] : memref<3212288xi32, #tpu.memory_space<hbm>> -> memref<512xi32, #tpu.memory_space<hbm>>
        tpu.enqueue_dma source(%dma_start3A_183 : memref<512xi32, #tpu.memory_space<hbm>>) target(%arg9 : memref<512xi32, #tpu.memory_space<vmem>>) target_semaphore(%run_scoped3A : memref<!tpu.dma_semaphore, #tpu.memory_space<semaphore_mem>>)
        %dma_wait3A_184 = tpu.memref_slice %arg2[%add3A_156] : memref<3212288xi32, #tpu.memory_space<hbm>> -> memref<512xi32, #tpu.memory_space<hbm>>
        %dma_wait3A_185 = tpu.memref_slice %arg2[%add3A_156] : memref<3212288xi32, #tpu.memory_space<hbm>> -> memref<512xi32, #tpu.memory_space<hbm>>
        tpu.wait_dma2 semaphore(%run_scoped3A : memref<!tpu.dma_semaphore, #tpu.memory_space<semaphore_mem>>) src(%dma_wait3A_185 : memref<512xi32, #tpu.memory_space<hbm>>) dst(%arg9 : memref<512xi32, #tpu.memory_space<vmem>>)
        tpu.yield
      }) : () -> ()
      %mul3A_157 = arith.constant 512 : i32
      %mul3A_158 = arith.muli %add3A_153, %mul3A_157 : i32
      %add3A_159 = arith.addi %mul3A_13, %mul3A_158 : i32
      "tpu.region"() ({
        %run_scoped3A = tpu.sem_alloc : memref<!tpu.dma_semaphore, #tpu.memory_space<semaphore_mem>>
        %dma_start3A_182 = tpu.memref_slice %arg3[%add3A_159] : memref<3212288xi32, #tpu.memory_space<hbm>> -> memref<512xi32, #tpu.memory_space<hbm>>
        %dma_start3A_183 = tpu.memref_slice %arg3[%add3A_159] : memref<3212288xi32, #tpu.memory_space<hbm>> -> memref<512xi32, #tpu.memory_space<hbm>>
        tpu.enqueue_dma source(%dma_start3A_183 : memref<512xi32, #tpu.memory_space<hbm>>) target(%arg13 : memref<512xi32, #tpu.memory_space<vmem>>) target_semaphore(%run_scoped3A : memref<!tpu.dma_semaphore, #tpu.memory_space<semaphore_mem>>)
        %dma_wait3A_184 = tpu.memref_slice %arg3[%add3A_159] : memref<3212288xi32, #tpu.memory_space<hbm>> -> memref<512xi32, #tpu.memory_space<hbm>>
        %dma_wait3A_185 = tpu.memref_slice %arg3[%add3A_159] : memref<3212288xi32, #tpu.memory_space<hbm>> -> memref<512xi32, #tpu.memory_space<hbm>>
        tpu.wait_dma2 semaphore(%run_scoped3A : memref<!tpu.dma_semaphore, #tpu.memory_space<semaphore_mem>>) src(%dma_wait3A_185 : memref<512xi32, #tpu.memory_space<hbm>>) dst(%arg13 : memref<512xi32, #tpu.memory_space<vmem>>)
        tpu.yield
      }) : () -> ()
      %add3A_160 = arith.constant 3 : i32
      %add3A_161 = arith.addi %add3A_95, %add3A_160 : i32
      %dma_wait3A_162 = arith.constant 0 : i32
      %dma_wait3A_163 = arith.constant 0 : i32
      %dma_wait3A_164 = tpu.memref_slice %arg4[%dma_wait3A_162, %dma_wait3A_163] : memref<100000x16xf32, #tpu.memory_space<hbm>> -> memref<100000x16xf32, #tpu.memory_space<hbm>>
      tpu.wait_indirect_dma semaphore(%arg18 : memref<!tpu.dma_semaphore, #tpu.memory_space<semaphore_mem>>) src(%dma_wait3A_164 : memref<100000x16xf32, #tpu.memory_space<hbm>>) dst(%arg16 : memref<512x16xf32, #tpu.memory_space<vmem>>)
      %dma_start3A_165 = arith.constant 0 : i32
      %dma_start3A_166 = arith.constant 0 : i32
      %dma_start3A_167 = tpu.memref_slice %arg21[%dma_start3A_165, %dma_start3A_166] : memref<100096x16xf32, #tpu.memory_space<vmem_shared>> -> memref<100096x16xf32, #tpu.memory_space<vmem_shared>>
      tpu.enqueue_indirect_dma source(%arg16 : memref<512x16xf32, #tpu.memory_space<vmem>>) target(%dma_start3A_167 : memref<100096x16xf32, #tpu.memory_space<vmem_shared>>) offsets(%arg12 : memref<512xi32, #tpu.memory_space<vmem>>) semaphore(%arg20 : memref<!tpu.dma_semaphore, #tpu.memory_space<semaphore_mem>>) {add = true}
      %dma_wait3A_168 = arith.constant 0 : i32
      %dma_wait3A_169 = arith.constant 0 : i32
      %dma_wait3A_170 = tpu.memref_slice %arg21[%dma_wait3A_168, %dma_wait3A_169] : memref<100096x16xf32, #tpu.memory_space<vmem_shared>> -> memref<100096x16xf32, #tpu.memory_space<vmem_shared>>
      tpu.wait_indirect_dma semaphore(%arg19 : memref<!tpu.dma_semaphore, #tpu.memory_space<semaphore_mem>>) src(%arg15 : memref<512x16xf32, #tpu.memory_space<vmem>>) dst(%dma_wait3A_170 : memref<100096x16xf32, #tpu.memory_space<vmem_shared>>)
      %dma_start3A_171 = arith.constant 0 : i32
      %dma_start3A_172 = arith.constant 0 : i32
      %dma_start3A_173 = tpu.memref_slice %arg4[%dma_start3A_171, %dma_start3A_172] : memref<100000x16xf32, #tpu.memory_space<hbm>> -> memref<100000x16xf32, #tpu.memory_space<hbm>>
      tpu.enqueue_indirect_dma source(%dma_start3A_173 : memref<100000x16xf32, #tpu.memory_space<hbm>>) target(%arg15 : memref<512x16xf32, #tpu.memory_space<vmem>>) offsets(%arg9 : memref<512xi32, #tpu.memory_space<vmem>>) semaphore(%arg17 : memref<!tpu.dma_semaphore, #tpu.memory_space<semaphore_mem>>)
      %add3A_174 = arith.constant 2 : i32
      %add3A_175 = arith.addi %add3A_161, %add3A_174 : i32
      %mul3A_176 = arith.constant 512 : i32
      %mul3A_177 = arith.muli %add3A_175, %mul3A_176 : i32
      %add3A_178 = arith.addi %mul3A_13, %mul3A_177 : i32
      "tpu.region"() ({
        %run_scoped3A = tpu.sem_alloc : memref<!tpu.dma_semaphore, #tpu.memory_space<semaphore_mem>>
        %dma_start3A_182 = tpu.memref_slice %arg2[%add3A_178] : memref<3212288xi32, #tpu.memory_space<hbm>> -> memref<512xi32, #tpu.memory_space<hbm>>
        %dma_start3A_183 = tpu.memref_slice %arg2[%add3A_178] : memref<3212288xi32, #tpu.memory_space<hbm>> -> memref<512xi32, #tpu.memory_space<hbm>>
        tpu.enqueue_dma source(%dma_start3A_183 : memref<512xi32, #tpu.memory_space<hbm>>) target(%arg10 : memref<512xi32, #tpu.memory_space<vmem>>) target_semaphore(%run_scoped3A : memref<!tpu.dma_semaphore, #tpu.memory_space<semaphore_mem>>)
        %dma_wait3A_184 = tpu.memref_slice %arg2[%add3A_178] : memref<3212288xi32, #tpu.memory_space<hbm>> -> memref<512xi32, #tpu.memory_space<hbm>>
        %dma_wait3A_185 = tpu.memref_slice %arg2[%add3A_178] : memref<3212288xi32, #tpu.memory_space<hbm>> -> memref<512xi32, #tpu.memory_space<hbm>>
        tpu.wait_dma2 semaphore(%run_scoped3A : memref<!tpu.dma_semaphore, #tpu.memory_space<semaphore_mem>>) src(%dma_wait3A_185 : memref<512xi32, #tpu.memory_space<hbm>>) dst(%arg10 : memref<512xi32, #tpu.memory_space<vmem>>)
        tpu.yield
      }) : () -> ()
      %mul3A_179 = arith.constant 512 : i32
      %mul3A_180 = arith.muli %add3A_175, %mul3A_179 : i32
      %add3A_181 = arith.addi %mul3A_13, %mul3A_180 : i32
      "tpu.region"() ({
        %run_scoped3A = tpu.sem_alloc : memref<!tpu.dma_semaphore, #tpu.memory_space<semaphore_mem>>
        %dma_start3A_182 = tpu.memref_slice %arg3[%add3A_181] : memref<3212288xi32, #tpu.memory_space<hbm>> -> memref<512xi32, #tpu.memory_space<hbm>>
        %dma_start3A_183 = tpu.memref_slice %arg3[%add3A_181] : memref<3212288xi32, #tpu.memory_space<hbm>> -> memref<512xi32, #tpu.memory_space<hbm>>
        tpu.enqueue_dma source(%dma_start3A_183 : memref<512xi32, #tpu.memory_space<hbm>>) target(%arg14 : memref<512xi32, #tpu.memory_space<vmem>>) target_semaphore(%run_scoped3A : memref<!tpu.dma_semaphore, #tpu.memory_space<semaphore_mem>>)
        %dma_wait3A_184 = tpu.memref_slice %arg3[%add3A_181] : memref<3212288xi32, #tpu.memory_space<hbm>> -> memref<512xi32, #tpu.memory_space<hbm>>
        %dma_wait3A_185 = tpu.memref_slice %arg3[%add3A_181] : memref<3212288xi32, #tpu.memory_space<hbm>> -> memref<512xi32, #tpu.memory_space<hbm>>
        tpu.wait_dma2 semaphore(%run_scoped3A : memref<!tpu.dma_semaphore, #tpu.memory_space<semaphore_mem>>) src(%dma_wait3A_185 : memref<512xi32, #tpu.memory_space<hbm>>) dst(%arg14 : memref<512xi32, #tpu.memory_space<vmem>>)
        tpu.yield
      }) : () -> ()
    }
    %while3A_79 = arith.constant 1 : i32
    scf.for %while3A_91 = %while3A_77 to %while3A_73 step %while3A_79  : i32 {
      %mul3A_92 = arith.constant 4 : i32
      %mul3A_93 = arith.muli %mul3A_92, %while3A_91 : i32
      %add3A_94 = arith.constant 2 : i32
      %add3A_95 = arith.addi %add3A_94, %mul3A_93 : i32
      %dma_wait3A_96 = arith.constant 0 : i32
      %dma_wait3A_97 = arith.constant 0 : i32
      %dma_wait3A_98 = tpu.memref_slice %arg4[%dma_wait3A_96, %dma_wait3A_97] : memref<100000x16xf32, #tpu.memory_space<hbm>> -> memref<100000x16xf32, #tpu.memory_space<hbm>>
      tpu.wait_indirect_dma semaphore(%arg17 : memref<!tpu.dma_semaphore, #tpu.memory_space<semaphore_mem>>) src(%dma_wait3A_98 : memref<100000x16xf32, #tpu.memory_space<hbm>>) dst(%arg15 : memref<512x16xf32, #tpu.memory_space<vmem>>)
      %dma_start3A_99 = arith.constant 0 : i32
      %dma_start3A_100 = arith.constant 0 : i32
      %dma_start3A_101 = tpu.memref_slice %arg21[%dma_start3A_99, %dma_start3A_100] : memref<100096x16xf32, #tpu.memory_space<vmem_shared>> -> memref<100096x16xf32, #tpu.memory_space<vmem_shared>>
      tpu.enqueue_indirect_dma source(%arg15 : memref<512x16xf32, #tpu.memory_space<vmem>>) target(%dma_start3A_101 : memref<100096x16xf32, #tpu.memory_space<vmem_shared>>) offsets(%arg13 : memref<512xi32, #tpu.memory_space<vmem>>) semaphore(%arg19 : memref<!tpu.dma_semaphore, #tpu.memory_space<semaphore_mem>>) {add = true}
      %dma_wait3A_102 = arith.constant 0 : i32
      %dma_wait3A_103 = arith.constant 0 : i32
      %dma_wait3A_104 = tpu.memref_slice %arg21[%dma_wait3A_102, %dma_wait3A_103] : memref<100096x16xf32, #tpu.memory_space<vmem_shared>> -> memref<100096x16xf32, #tpu.memory_space<vmem_shared>>
      tpu.wait_indirect_dma semaphore(%arg20 : memref<!tpu.dma_semaphore, #tpu.memory_space<semaphore_mem>>) src(%arg16 : memref<512x16xf32, #tpu.memory_space<vmem>>) dst(%dma_wait3A_104 : memref<100096x16xf32, #tpu.memory_space<vmem_shared>>)
      %dma_start3A_105 = arith.constant 0 : i32
      %dma_start3A_106 = arith.constant 0 : i32
      %dma_start3A_107 = tpu.memref_slice %arg4[%dma_start3A_105, %dma_start3A_106] : memref<100000x16xf32, #tpu.memory_space<hbm>> -> memref<100000x16xf32, #tpu.memory_space<hbm>>
      tpu.enqueue_indirect_dma source(%dma_start3A_107 : memref<100000x16xf32, #tpu.memory_space<hbm>>) target(%arg16 : memref<512x16xf32, #tpu.memory_space<vmem>>) offsets(%arg10 : memref<512xi32, #tpu.memory_space<vmem>>) semaphore(%arg18 : memref<!tpu.dma_semaphore, #tpu.memory_space<semaphore_mem>>)
      %add3A_108 = arith.constant 2 : i32
      %add3A_109 = arith.addi %add3A_95, %add3A_108 : i32
      %mul3A_110 = arith.constant 512 : i32
      %mul3A_111 = arith.muli %add3A_109, %mul3A_110 : i32
      %add3A_112 = arith.addi %mul3A_13, %mul3A_111 : i32
      "tpu.region"() ({
        %run_scoped3A = tpu.sem_alloc : memref<!tpu.dma_semaphore, #tpu.memory_space<semaphore_mem>>
        %dma_start3A_182 = tpu.memref_slice %arg2[%add3A_112] : memref<3212288xi32, #tpu.memory_space<hbm>> -> memref<512xi32, #tpu.memory_space<hbm>>
        %dma_start3A_183 = tpu.memref_slice %arg2[%add3A_112] : memref<3212288xi32, #tpu.memory_space<hbm>> -> memref<512xi32, #tpu.memory_space<hbm>>
        tpu.enqueue_dma source(%dma_start3A_183 : memref<512xi32, #tpu.memory_space<hbm>>) target(%arg7 : memref<512xi32, #tpu.memory_space<vmem>>) target_semaphore(%run_scoped3A : memref<!tpu.dma_semaphore, #tpu.memory_space<semaphore_mem>>)
        %dma_wait3A_184 = tpu.memref_slice %arg2[%add3A_112] : memref<3212288xi32, #tpu.memory_space<hbm>> -> memref<512xi32, #tpu.memory_space<hbm>>
        %dma_wait3A_185 = tpu.memref_slice %arg2[%add3A_112] : memref<3212288xi32, #tpu.memory_space<hbm>> -> memref<512xi32, #tpu.memory_space<hbm>>
        tpu.wait_dma2 semaphore(%run_scoped3A : memref<!tpu.dma_semaphore, #tpu.memory_space<semaphore_mem>>) src(%dma_wait3A_185 : memref<512xi32, #tpu.memory_space<hbm>>) dst(%arg7 : memref<512xi32, #tpu.memory_space<vmem>>)
        tpu.yield
      }) : () -> ()
      %mul3A_113 = arith.constant 512 : i32
      %mul3A_114 = arith.muli %add3A_109, %mul3A_113 : i32
      %add3A_115 = arith.addi %mul3A_13, %mul3A_114 : i32
      "tpu.region"() ({
        %run_scoped3A = tpu.sem_alloc : memref<!tpu.dma_semaphore, #tpu.memory_space<semaphore_mem>>
        %dma_start3A_182 = tpu.memref_slice %arg3[%add3A_115] : memref<3212288xi32, #tpu.memory_space<hbm>> -> memref<512xi32, #tpu.memory_space<hbm>>
        %dma_start3A_183 = tpu.memref_slice %arg3[%add3A_115] : memref<3212288xi32, #tpu.memory_space<hbm>> -> memref<512xi32, #tpu.memory_space<hbm>>
        tpu.enqueue_dma source(%dma_start3A_183 : memref<512xi32, #tpu.memory_space<hbm>>) target(%arg11 : memref<512xi32, #tpu.memory_space<vmem>>) target_semaphore(%run_scoped3A : memref<!tpu.dma_semaphore, #tpu.memory_space<semaphore_mem>>)
        %dma_wait3A_184 = tpu.memref_slice %arg3[%add3A_115] : memref<3212288xi32, #tpu.memory_space<hbm>> -> memref<512xi32, #tpu.memory_space<hbm>>
        %dma_wait3A_185 = tpu.memref_slice %arg3[%add3A_115] : memref<3212288xi32, #tpu.memory_space<hbm>> -> memref<512xi32, #tpu.memory_space<hbm>>
        tpu.wait_dma2 semaphore(%run_scoped3A : memref<!tpu.dma_semaphore, #tpu.memory_space<semaphore_mem>>) src(%dma_wait3A_185 : memref<512xi32, #tpu.memory_space<hbm>>) dst(%arg11 : memref<512xi32, #tpu.memory_space<vmem>>)
        tpu.yield
      }) : () -> ()
      %add3A_116 = arith.constant 1 : i32
      %add3A_117 = arith.addi %add3A_95, %add3A_116 : i32
      %dma_wait3A_118 = arith.constant 0 : i32
      %dma_wait3A_119 = arith.constant 0 : i32
      %dma_wait3A_120 = tpu.memref_slice %arg4[%dma_wait3A_118, %dma_wait3A_119] : memref<100000x16xf32, #tpu.memory_space<hbm>> -> memref<100000x16xf32, #tpu.memory_space<hbm>>
      tpu.wait_indirect_dma semaphore(%arg18 : memref<!tpu.dma_semaphore, #tpu.memory_space<semaphore_mem>>) src(%dma_wait3A_120 : memref<100000x16xf32, #tpu.memory_space<hbm>>) dst(%arg16 : memref<512x16xf32, #tpu.memory_space<vmem>>)
      %dma_start3A_121 = arith.constant 0 : i32
      %dma_start3A_122 = arith.constant 0 : i32
      %dma_start3A_123 = tpu.memref_slice %arg21[%dma_start3A_121, %dma_start3A_122] : memref<100096x16xf32, #tpu.memory_space<vmem_shared>> -> memref<100096x16xf32, #tpu.memory_space<vmem_shared>>
      tpu.enqueue_indirect_dma source(%arg16 : memref<512x16xf32, #tpu.memory_space<vmem>>) target(%dma_start3A_123 : memref<100096x16xf32, #tpu.memory_space<vmem_shared>>) offsets(%arg14 : memref<512xi32, #tpu.memory_space<vmem>>) semaphore(%arg20 : memref<!tpu.dma_semaphore, #tpu.memory_space<semaphore_mem>>) {add = true}
      %dma_wait3A_124 = arith.constant 0 : i32
      %dma_wait3A_125 = arith.constant 0 : i32
      %dma_wait3A_126 = tpu.memref_slice %arg21[%dma_wait3A_124, %dma_wait3A_125] : memref<100096x16xf32, #tpu.memory_space<vmem_shared>> -> memref<100096x16xf32, #tpu.memory_space<vmem_shared>>
      tpu.wait_indirect_dma semaphore(%arg19 : memref<!tpu.dma_semaphore, #tpu.memory_space<semaphore_mem>>) src(%arg15 : memref<512x16xf32, #tpu.memory_space<vmem>>) dst(%dma_wait3A_126 : memref<100096x16xf32, #tpu.memory_space<vmem_shared>>)
      %dma_start3A_127 = arith.constant 0 : i32
      %dma_start3A_128 = arith.constant 0 : i32
      %dma_start3A_129 = tpu.memref_slice %arg4[%dma_start3A_127, %dma_start3A_128] : memref<100000x16xf32, #tpu.memory_space<hbm>> -> memref<100000x16xf32, #tpu.memory_space<hbm>>
      tpu.enqueue_indirect_dma source(%dma_start3A_129 : memref<100000x16xf32, #tpu.memory_space<hbm>>) target(%arg15 : memref<512x16xf32, #tpu.memory_space<vmem>>) offsets(%arg7 : memref<512xi32, #tpu.memory_space<vmem>>) semaphore(%arg17 : memref<!tpu.dma_semaphore, #tpu.memory_space<semaphore_mem>>)
      %add3A_130 = arith.constant 2 : i32
      %add3A_131 = arith.addi %add3A_117, %add3A_130 : i32
      %mul3A_132 = arith.constant 512 : i32
      %mul3A_133 = arith.muli %add3A_131, %mul3A_132 : i32
      %add3A_134 = arith.addi %mul3A_13, %mul3A_133 : i32
      "tpu.region"() ({
        %run_scoped3A = tpu.sem_alloc : memref<!tpu.dma_semaphore, #tpu.memory_space<semaphore_mem>>
        %dma_start3A_182 = tpu.memref_slice %arg2[%add3A_134] : memref<3212288xi32, #tpu.memory_space<hbm>> -> memref<512xi32, #tpu.memory_space<hbm>>
        %dma_start3A_183 = tpu.memref_slice %arg2[%add3A_134] : memref<3212288xi32, #tpu.memory_space<hbm>> -> memref<512xi32, #tpu.memory_space<hbm>>
        tpu.enqueue_dma source(%dma_start3A_183 : memref<512xi32, #tpu.memory_space<hbm>>) target(%arg8 : memref<512xi32, #tpu.memory_space<vmem>>) target_semaphore(%run_scoped3A : memref<!tpu.dma_semaphore, #tpu.memory_space<semaphore_mem>>)
        %dma_wait3A_184 = tpu.memref_slice %arg2[%add3A_134] : memref<3212288xi32, #tpu.memory_space<hbm>> -> memref<512xi32, #tpu.memory_space<hbm>>
        %dma_wait3A_185 = tpu.memref_slice %arg2[%add3A_134] : memref<3212288xi32, #tpu.memory_space<hbm>> -> memref<512xi32, #tpu.memory_space<hbm>>
        tpu.wait_dma2 semaphore(%run_scoped3A : memref<!tpu.dma_semaphore, #tpu.memory_space<semaphore_mem>>) src(%dma_wait3A_185 : memref<512xi32, #tpu.memory_space<hbm>>) dst(%arg8 : memref<512xi32, #tpu.memory_space<vmem>>)
        tpu.yield
      }) : () -> ()
      %mul3A_135 = arith.constant 512 : i32
      %mul3A_136 = arith.muli %add3A_131, %mul3A_135 : i32
      %add3A_137 = arith.addi %mul3A_13, %mul3A_136 : i32
      "tpu.region"() ({
        %run_scoped3A = tpu.sem_alloc : memref<!tpu.dma_semaphore, #tpu.memory_space<semaphore_mem>>
        %dma_start3A_182 = tpu.memref_slice %arg3[%add3A_137] : memref<3212288xi32, #tpu.memory_space<hbm>> -> memref<512xi32, #tpu.memory_space<hbm>>
        %dma_start3A_183 = tpu.memref_slice %arg3[%add3A_137] : memref<3212288xi32, #tpu.memory_space<hbm>> -> memref<512xi32, #tpu.memory_space<hbm>>
        tpu.enqueue_dma source(%dma_start3A_183 : memref<512xi32, #tpu.memory_space<hbm>>) target(%arg12 : memref<512xi32, #tpu.memory_space<vmem>>) target_semaphore(%run_scoped3A : memref<!tpu.dma_semaphore, #tpu.memory_space<semaphore_mem>>)
        %dma_wait3A_184 = tpu.memref_slice %arg3[%add3A_137] : memref<3212288xi32, #tpu.memory_space<hbm>> -> memref<512xi32, #tpu.memory_space<hbm>>
        %dma_wait3A_185 = tpu.memref_slice %arg3[%add3A_137] : memref<3212288xi32, #tpu.memory_space<hbm>> -> memref<512xi32, #tpu.memory_space<hbm>>
        tpu.wait_dma2 semaphore(%run_scoped3A : memref<!tpu.dma_semaphore, #tpu.memory_space<semaphore_mem>>) src(%dma_wait3A_185 : memref<512xi32, #tpu.memory_space<hbm>>) dst(%arg12 : memref<512xi32, #tpu.memory_space<vmem>>)
        tpu.yield
      }) : () -> ()
      %add3A_138 = arith.constant 2 : i32
      %add3A_139 = arith.addi %add3A_95, %add3A_138 : i32
      %dma_wait3A_140 = arith.constant 0 : i32
      %dma_wait3A_141 = arith.constant 0 : i32
      %dma_wait3A_142 = tpu.memref_slice %arg4[%dma_wait3A_140, %dma_wait3A_141] : memref<100000x16xf32, #tpu.memory_space<hbm>> -> memref<100000x16xf32, #tpu.memory_space<hbm>>
      tpu.wait_indirect_dma semaphore(%arg17 : memref<!tpu.dma_semaphore, #tpu.memory_space<semaphore_mem>>) src(%dma_wait3A_142 : memref<100000x16xf32, #tpu.memory_space<hbm>>) dst(%arg15 : memref<512x16xf32, #tpu.memory_space<vmem>>)
      %dma_start3A_143 = arith.constant 0 : i32
      %dma_start3A_144 = arith.constant 0 : i32
      %dma_start3A_145 = tpu.memref_slice %arg21[%dma_start3A_143, %dma_start3A_144] : memref<100096x16xf32, #tpu.memory_space<vmem_shared>> -> memref<100096x16xf32, #tpu.memory_space<vmem_shared>>
      tpu.enqueue_indirect_dma source(%arg15 : memref<512x16xf32, #tpu.memory_space<vmem>>) target(%dma_start3A_145 : memref<100096x16xf32, #tpu.memory_space<vmem_shared>>) offsets(%arg11 : memref<512xi32, #tpu.memory_space<vmem>>) semaphore(%arg19 : memref<!tpu.dma_semaphore, #tpu.memory_space<semaphore_mem>>) {add = true}
      %dma_wait3A_146 = arith.constant 0 : i32
      %dma_wait3A_147 = arith.constant 0 : i32
      %dma_wait3A_148 = tpu.memref_slice %arg21[%dma_wait3A_146, %dma_wait3A_147] : memref<100096x16xf32, #tpu.memory_space<vmem_shared>> -> memref<100096x16xf32, #tpu.memory_space<vmem_shared>>
      tpu.wait_indirect_dma semaphore(%arg20 : memref<!tpu.dma_semaphore, #tpu.memory_space<semaphore_mem>>) src(%arg16 : memref<512x16xf32, #tpu.memory_space<vmem>>) dst(%dma_wait3A_148 : memref<100096x16xf32, #tpu.memory_space<vmem_shared>>)
      %dma_start3A_149 = arith.constant 0 : i32
      %dma_start3A_150 = arith.constant 0 : i32
      %dma_start3A_151 = tpu.memref_slice %arg4[%dma_start3A_149, %dma_start3A_150] : memref<100000x16xf32, #tpu.memory_space<hbm>> -> memref<100000x16xf32, #tpu.memory_space<hbm>>
      tpu.enqueue_indirect_dma source(%dma_start3A_151 : memref<100000x16xf32, #tpu.memory_space<hbm>>) target(%arg16 : memref<512x16xf32, #tpu.memory_space<vmem>>) offsets(%arg8 : memref<512xi32, #tpu.memory_space<vmem>>) semaphore(%arg18 : memref<!tpu.dma_semaphore, #tpu.memory_space<semaphore_mem>>)
      %add3A_152 = arith.constant 2 : i32
      %add3A_153 = arith.addi %add3A_139, %add3A_152 : i32
      %mul3A_154 = arith.constant 512 : i32
      %mul3A_155 = arith.muli %add3A_153, %mul3A_154 : i32
      %add3A_156 = arith.addi %mul3A_13, %mul3A_155 : i32
      "tpu.region"() ({
        %run_scoped3A = tpu.sem_alloc : memref<!tpu.dma_semaphore, #tpu.memory_space<semaphore_mem>>
        %dma_start3A_182 = tpu.memref_slice %arg2[%add3A_156] : memref<3212288xi32, #tpu.memory_space<hbm>> -> memref<512xi32, #tpu.memory_space<hbm>>
        %dma_start3A_183 = tpu.memref_slice %arg2[%add3A_156] : memref<3212288xi32, #tpu.memory_space<hbm>> -> memref<512xi32, #tpu.memory_space<hbm>>
        tpu.enqueue_dma source(%dma_start3A_183 : memref<512xi32, #tpu.memory_space<hbm>>) target(%arg9 : memref<512xi32, #tpu.memory_space<vmem>>) target_semaphore(%run_scoped3A : memref<!tpu.dma_semaphore, #tpu.memory_space<semaphore_mem>>)
        %dma_wait3A_184 = tpu.memref_slice %arg2[%add3A_156] : memref<3212288xi32, #tpu.memory_space<hbm>> -> memref<512xi32, #tpu.memory_space<hbm>>
        %dma_wait3A_185 = tpu.memref_slice %arg2[%add3A_156] : memref<3212288xi32, #tpu.memory_space<hbm>> -> memref<512xi32, #tpu.memory_space<hbm>>
        tpu.wait_dma2 semaphore(%run_scoped3A : memref<!tpu.dma_semaphore, #tpu.memory_space<semaphore_mem>>) src(%dma_wait3A_185 : memref<512xi32, #tpu.memory_space<hbm>>) dst(%arg9 : memref<512xi32, #tpu.memory_space<vmem>>)
        tpu.yield
      }) : () -> ()
      %mul3A_157 = arith.constant 512 : i32
      %mul3A_158 = arith.muli %add3A_153, %mul3A_157 : i32
      %add3A_159 = arith.addi %mul3A_13, %mul3A_158 : i32
      "tpu.region"() ({
        %run_scoped3A = tpu.sem_alloc : memref<!tpu.dma_semaphore, #tpu.memory_space<semaphore_mem>>
        %dma_start3A_182 = tpu.memref_slice %arg3[%add3A_159] : memref<3212288xi32, #tpu.memory_space<hbm>> -> memref<512xi32, #tpu.memory_space<hbm>>
        %dma_start3A_183 = tpu.memref_slice %arg3[%add3A_159] : memref<3212288xi32, #tpu.memory_space<hbm>> -> memref<512xi32, #tpu.memory_space<hbm>>
        tpu.enqueue_dma source(%dma_start3A_183 : memref<512xi32, #tpu.memory_space<hbm>>) target(%arg13 : memref<512xi32, #tpu.memory_space<vmem>>) target_semaphore(%run_scoped3A : memref<!tpu.dma_semaphore, #tpu.memory_space<semaphore_mem>>)
        %dma_wait3A_184 = tpu.memref_slice %arg3[%add3A_159] : memref<3212288xi32, #tpu.memory_space<hbm>> -> memref<512xi32, #tpu.memory_space<hbm>>
        %dma_wait3A_185 = tpu.memref_slice %arg3[%add3A_159] : memref<3212288xi32, #tpu.memory_space<hbm>> -> memref<512xi32, #tpu.memory_space<hbm>>
        tpu.wait_dma2 semaphore(%run_scoped3A : memref<!tpu.dma_semaphore, #tpu.memory_space<semaphore_mem>>) src(%dma_wait3A_185 : memref<512xi32, #tpu.memory_space<hbm>>) dst(%arg13 : memref<512xi32, #tpu.memory_space<vmem>>)
        tpu.yield
      }) : () -> ()
      %add3A_160 = arith.constant 3 : i32
      %add3A_161 = arith.addi %add3A_95, %add3A_160 : i32
      %dma_wait3A_162 = arith.constant 0 : i32
      %dma_wait3A_163 = arith.constant 0 : i32
      %dma_wait3A_164 = tpu.memref_slice %arg4[%dma_wait3A_162, %dma_wait3A_163] : memref<100000x16xf32, #tpu.memory_space<hbm>> -> memref<100000x16xf32, #tpu.memory_space<hbm>>
      tpu.wait_indirect_dma semaphore(%arg18 : memref<!tpu.dma_semaphore, #tpu.memory_space<semaphore_mem>>) src(%dma_wait3A_164 : memref<100000x16xf32, #tpu.memory_space<hbm>>) dst(%arg16 : memref<512x16xf32, #tpu.memory_space<vmem>>)
      %dma_start3A_165 = arith.constant 0 : i32
      %dma_start3A_166 = arith.constant 0 : i32
      %dma_start3A_167 = tpu.memref_slice %arg21[%dma_start3A_165, %dma_start3A_166] : memref<100096x16xf32, #tpu.memory_space<vmem_shared>> -> memref<100096x16xf32, #tpu.memory_space<vmem_shared>>
      tpu.enqueue_indirect_dma source(%arg16 : memref<512x16xf32, #tpu.memory_space<vmem>>) target(%dma_start3A_167 : memref<100096x16xf32, #tpu.memory_space<vmem_shared>>) offsets(%arg12 : memref<512xi32, #tpu.memory_space<vmem>>) semaphore(%arg20 : memref<!tpu.dma_semaphore, #tpu.memory_space<semaphore_mem>>) {add = true}
      %dma_wait3A_168 = arith.constant 0 : i32
      %dma_wait3A_169 = arith.constant 0 : i32
      %dma_wait3A_170 = tpu.memref_slice %arg21[%dma_wait3A_168, %dma_wait3A_169] : memref<100096x16xf32, #tpu.memory_space<vmem_shared>> -> memref<100096x16xf32, #tpu.memory_space<vmem_shared>>
      tpu.wait_indirect_dma semaphore(%arg19 : memref<!tpu.dma_semaphore, #tpu.memory_space<semaphore_mem>>) src(%arg15 : memref<512x16xf32, #tpu.memory_space<vmem>>) dst(%dma_wait3A_170 : memref<100096x16xf32, #tpu.memory_space<vmem_shared>>)
      %dma_start3A_171 = arith.constant 0 : i32
      %dma_start3A_172 = arith.constant 0 : i32
      %dma_start3A_173 = tpu.memref_slice %arg4[%dma_start3A_171, %dma_start3A_172] : memref<100000x16xf32, #tpu.memory_space<hbm>> -> memref<100000x16xf32, #tpu.memory_space<hbm>>
      tpu.enqueue_indirect_dma source(%dma_start3A_173 : memref<100000x16xf32, #tpu.memory_space<hbm>>) target(%arg15 : memref<512x16xf32, #tpu.memory_space<vmem>>) offsets(%arg9 : memref<512xi32, #tpu.memory_space<vmem>>) semaphore(%arg17 : memref<!tpu.dma_semaphore, #tpu.memory_space<semaphore_mem>>)
      %add3A_174 = arith.constant 2 : i32
      %add3A_175 = arith.addi %add3A_161, %add3A_174 : i32
      %mul3A_176 = arith.constant 512 : i32
      %mul3A_177 = arith.muli %add3A_175, %mul3A_176 : i32
      %add3A_178 = arith.addi %mul3A_13, %mul3A_177 : i32
      "tpu.region"() ({
        %run_scoped3A = tpu.sem_alloc : memref<!tpu.dma_semaphore, #tpu.memory_space<semaphore_mem>>
        %dma_start3A_182 = tpu.memref_slice %arg2[%add3A_178] : memref<3212288xi32, #tpu.memory_space<hbm>> -> memref<512xi32, #tpu.memory_space<hbm>>
        %dma_start3A_183 = tpu.memref_slice %arg2[%add3A_178] : memref<3212288xi32, #tpu.memory_space<hbm>> -> memref<512xi32, #tpu.memory_space<hbm>>
        tpu.enqueue_dma source(%dma_start3A_183 : memref<512xi32, #tpu.memory_space<hbm>>) target(%arg10 : memref<512xi32, #tpu.memory_space<vmem>>) target_semaphore(%run_scoped3A : memref<!tpu.dma_semaphore, #tpu.memory_space<semaphore_mem>>)
        %dma_wait3A_184 = tpu.memref_slice %arg2[%add3A_178] : memref<3212288xi32, #tpu.memory_space<hbm>> -> memref<512xi32, #tpu.memory_space<hbm>>
        %dma_wait3A_185 = tpu.memref_slice %arg2[%add3A_178] : memref<3212288xi32, #tpu.memory_space<hbm>> -> memref<512xi32, #tpu.memory_space<hbm>>
        tpu.wait_dma2 semaphore(%run_scoped3A : memref<!tpu.dma_semaphore, #tpu.memory_space<semaphore_mem>>) src(%dma_wait3A_185 : memref<512xi32, #tpu.memory_space<hbm>>) dst(%arg10 : memref<512xi32, #tpu.memory_space<vmem>>)
        tpu.yield
      }) : () -> ()
      %mul3A_179 = arith.constant 512 : i32
      %mul3A_180 = arith.muli %add3A_175, %mul3A_179 : i32
      %add3A_181 = arith.addi %mul3A_13, %mul3A_180 : i32
      "tpu.region"() ({
        %run_scoped3A = tpu.sem_alloc : memref<!tpu.dma_semaphore, #tpu.memory_space<semaphore_mem>>
        %dma_start3A_182 = tpu.memref_slice %arg3[%add3A_181] : memref<3212288xi32, #tpu.memory_space<hbm>> -> memref<512xi32, #tpu.memory_space<hbm>>
        %dma_start3A_183 = tpu.memref_slice %arg3[%add3A_181] : memref<3212288xi32, #tpu.memory_space<hbm>> -> memref<512xi32, #tpu.memory_space<hbm>>
        tpu.enqueue_dma source(%dma_start3A_183 : memref<512xi32, #tpu.memory_space<hbm>>) target(%arg14 : memref<512xi32, #tpu.memory_space<vmem>>) target_semaphore(%run_scoped3A : memref<!tpu.dma_semaphore, #tpu.memory_space<semaphore_mem>>)
        %dma_wait3A_184 = tpu.memref_slice %arg3[%add3A_181] : memref<3212288xi32, #tpu.memory_space<hbm>> -> memref<512xi32, #tpu.memory_space<hbm>>
        %dma_wait3A_185 = tpu.memref_slice %arg3[%add3A_181] : memref<3212288xi32, #tpu.memory_space<hbm>> -> memref<512xi32, #tpu.memory_space<hbm>>
        tpu.wait_dma2 semaphore(%run_scoped3A : memref<!tpu.dma_semaphore, #tpu.memory_space<semaphore_mem>>) src(%dma_wait3A_185 : memref<512xi32, #tpu.memory_space<hbm>>) dst(%arg14 : memref<512xi32, #tpu.memory_space<vmem>>)
        tpu.yield
      }) : () -> ()
    }
    %dma_wait3A_80 = arith.constant 0 : i32
    %dma_wait3A_81 = arith.constant 0 : i32
    %dma_wait3A_82 = tpu.memref_slice %arg4[%dma_wait3A_80, %dma_wait3A_81] : memref<100000x16xf32, #tpu.memory_space<hbm>> -> memref<100000x16xf32, #tpu.memory_space<hbm>>
    tpu.wait_indirect_dma semaphore(%arg17 : memref<!tpu.dma_semaphore, #tpu.memory_space<semaphore_mem>>) src(%dma_wait3A_82 : memref<100000x16xf32, #tpu.memory_space<hbm>>) dst(%arg15 : memref<512x16xf32, #tpu.memory_space<vmem>>)
    %dma_wait3A_83 = arith.constant 0 : i32
    %dma_wait3A_84 = arith.constant 0 : i32
    %dma_wait3A_85 = tpu.memref_slice %arg21[%dma_wait3A_83, %dma_wait3A_84] : memref<100096x16xf32, #tpu.memory_space<vmem_shared>> -> memref<100096x16xf32, #tpu.memory_space<vmem_shared>>
    tpu.wait_indirect_dma semaphore(%arg20 : memref<!tpu.dma_semaphore, #tpu.memory_space<semaphore_mem>>) src(%arg16 : memref<512x16xf32, #tpu.memory_space<vmem>>) dst(%dma_wait3A_85 : memref<100096x16xf32, #tpu.memory_space<vmem_shared>>)
    %barrier3A_86 = arith.constant 0 : index
    tpu.barrier barrier_id(%barrier3A_86)
    %mul3A_87 = arith.constant 6256 : i32
    %mul3A_88 = arith.muli %arg1, %mul3A_87 : i32
    %mul3A_89 = arith.constant 6256 : i32
    %mul3A_90 = arith.muli %arg1, %mul3A_89 : i32
    "tpu.region"() ({
      %run_scoped3A = tpu.sem_alloc : memref<!tpu.dma_semaphore, #tpu.memory_space<semaphore_mem>>
      %dma_start3A_91 = arith.constant 0 : i32
      %dma_start3A_92 = arith.constant 0 : i32
      %dma_start3A_93 = tpu.memref_slice %arg6[%arg0, %dma_start3A_91, %dma_start3A_92] : memref<2x100096x16xf32, #tpu.memory_space<hbm>> -> memref<1x100096x16xf32, #tpu.memory_space<hbm>>
      %dma_start3A_94 = tpu.memref_squeeze %dma_start3A_93 : memref<1x100096x16xf32, #tpu.memory_space<hbm>> -> memref<100096x16xf32, #tpu.memory_space<hbm>>
      %dma_start3A_95 = arith.constant 0 : i32
      %dma_start3A_96 = tpu.memref_slice %dma_start3A_94[%mul3A_90, %dma_start3A_95] : memref<100096x16xf32, #tpu.memory_space<hbm>> -> memref<6256x16xf32, #tpu.memory_space<hbm>>
      %dma_start3A_97 = arith.constant 0 : i32
      %dma_start3A_98 = tpu.memref_slice %arg21[%mul3A_88, %dma_start3A_97] : memref<100096x16xf32, #tpu.memory_space<vmem_shared>> -> memref<6256x16xf32, #tpu.memory_space<vmem_shared>>
      tpu.enqueue_dma source(%dma_start3A_98 : memref<6256x16xf32, #tpu.memory_space<vmem_shared>>) target(%dma_start3A_96 : memref<6256x16xf32, #tpu.memory_space<hbm>>) target_semaphore(%run_scoped3A : memref<!tpu.dma_semaphore, #tpu.memory_space<semaphore_mem>>)
      %dma_wait3A_99 = arith.constant 0 : i32
      %dma_wait3A_100 = arith.constant 0 : i32
      %dma_wait3A_101 = tpu.memref_slice %arg6[%arg0, %dma_wait3A_99, %dma_wait3A_100] : memref<2x100096x16xf32, #tpu.memory_space<hbm>> -> memref<1x100096x16xf32, #tpu.memory_space<hbm>>
      %dma_wait3A_102 = tpu.memref_squeeze %dma_wait3A_101 : memref<1x100096x16xf32, #tpu.memory_space<hbm>> -> memref<100096x16xf32, #tpu.memory_space<hbm>>
      %dma_wait3A_103 = arith.constant 0 : i32
      %dma_wait3A_104 = tpu.memref_slice %dma_wait3A_102[%mul3A_90, %dma_wait3A_103] : memref<100096x16xf32, #tpu.memory_space<hbm>> -> memref<6256x16xf32, #tpu.memory_space<hbm>>
      %dma_wait3A_105 = arith.constant 0 : i32
      %dma_wait3A_106 = tpu.memref_slice %arg21[%mul3A_88, %dma_wait3A_105] : memref<100096x16xf32, #tpu.memory_space<vmem_shared>> -> memref<6256x16xf32, #tpu.memory_space<vmem_shared>>
      tpu.wait_dma2 semaphore(%run_scoped3A : memref<!tpu.dma_semaphore, #tpu.memory_space<semaphore_mem>>) src(%dma_wait3A_106 : memref<6256x16xf32, #tpu.memory_space<vmem_shared>>) dst(%dma_wait3A_104 : memref<6256x16xf32, #tpu.memory_space<hbm>>)
      tpu.yield
    }) : () -> ()
    return
  }
}

#map = affine_map<(d0, d1) -> (0)>
#map1 = affine_map<(d0, d1) -> (0, 0)>
#map2 = affine_map<(d0, d1) -> (0, 0, 0)>
module attributes {stable_mosaic.version = 14 : i64} {
  func.func @edge_kernel(%arg0: i32, %arg1: i32, %arg2: memref<3212288xi32, #tpu.memory_space<hbm>>, %arg3: memref<3212288xi32, #tpu.memory_space<hbm>>, %arg4: memref<100000x16xf32, #tpu.memory_space<hbm>>, %arg5: memref<6256x16xf32, #tpu.memory_space<hbm>>, %arg6: memref<2x100096x16xf32, #tpu.memory_space<hbm>>, %arg7: memref<512xi32, #tpu.memory_space<vmem>>, %arg8: memref<512xi32, #tpu.memory_space<vmem>>, %arg9: memref<512xi32, #tpu.memory_space<vmem>>, %arg10: memref<512xi32, #tpu.memory_space<vmem>>, %arg11: memref<512xi32, #tpu.memory_space<vmem>>, %arg12: memref<512xi32, #tpu.memory_space<vmem>>, %arg13: memref<512xi32, #tpu.memory_space<vmem>>, %arg14: memref<512xi32, #tpu.memory_space<vmem>>, %arg15: memref<512x16xf32, #tpu.memory_space<vmem>>, %arg16: memref<512x16xf32, #tpu.memory_space<vmem>>, %arg17: memref<!tpu.dma_semaphore, #tpu.memory_space<semaphore_mem>>, %arg18: memref<!tpu.dma_semaphore, #tpu.memory_space<semaphore_mem>>, %arg19: memref<!tpu.dma_semaphore, #tpu.memory_space<semaphore_mem>>, %arg20: memref<!tpu.dma_semaphore, #tpu.memory_space<semaphore_mem>>, %arg21: memref<100096x16xf32, #tpu.memory_space<vmem_shared>>) attributes {dimension_semantics = [#tpu.dimension_semantics<core_parallel>, #tpu.dimension_semantics<subcore_parallel>], iteration_bounds = array<i64: 2, 16>, scalar_prefetch = 0 : i64, scratch_operands = 15 : i64, tpu.core_type = #tpu.core_type<sc_vector_subcore>, window_params = [{transform_indices = #map}, {transform_indices = #map}, {transform_indices = #map1}, {transform_indices = #map1}, {transform_indices = #map2}]} {
    %mul3A = arith.constant 6256 : i32
    %mul3A_0 = arith.muli %arg1, %mul3A : i32
    "tpu.region"() ({
      %run_scoped3A = tpu.sem_alloc : memref<!tpu.dma_semaphore, #tpu.memory_space<semaphore_mem>>
      %dma_start3A_91 = arith.constant 0 : i32
      %dma_start3A_92 = tpu.memref_slice %arg21[%mul3A_0, %dma_start3A_91] : memref<100096x16xf32, #tpu.memory_space<vmem_shared>> -> memref<6256x16xf32, #tpu.memory_space<vmem_shared>>
      tpu.enqueue_dma source(%arg5 : memref<6256x16xf32, #tpu.memory_space<hbm>>) target(%dma_start3A_92 : memref<6256x16xf32, #tpu.memory_space<vmem_shared>>) target_semaphore(%run_scoped3A : memref<!tpu.dma_semaphore, #tpu.memory_space<semaphore_mem>>)
      %dma_wait3A_93 = arith.constant 0 : i32
      %dma_wait3A_94 = tpu.memref_slice %arg21[%mul3A_0, %dma_wait3A_93] : memref<100096x16xf32, #tpu.memory_space<vmem_shared>> -> memref<6256x16xf32, #tpu.memory_space<vmem_shared>>
      tpu.wait_dma2 semaphore(%run_scoped3A : memref<!tpu.dma_semaphore, #tpu.memory_space<semaphore_mem>>) src(%arg5 : memref<6256x16xf32, #tpu.memory_space<hbm>>) dst(%dma_wait3A_94 : memref<6256x16xf32, #tpu.memory_space<vmem_shared>>)
      tpu.yield
    }) : () -> ()
    %barrier3A = arith.constant 0 : index
    tpu.barrier barrier_id(%barrier3A)
    %eq3A = arith.constant 0 : i32
    %eq3A_1 = arith.cmpi eq, %arg0, %eq3A : i32
    %select_n3A = arith.constant 182 : i32
    %select_n3A_2 = arith.constant 210 : i32
    %select_n3A_3 = arith.select %eq3A_1, %select_n3A_2, %select_n3A : i32
    %eq3A_4 = arith.constant 0 : i32
    %eq3A_5 = arith.cmpi eq, %arg0, %eq3A_4 : i32
    %mul3A_6 = arith.constant 210 : i32
    %mul3A_7 = arith.muli %arg1, %mul3A_6 : i32
    %mul3A_8 = arith.constant 182 : i32
    %mul3A_9 = arith.muli %arg1, %mul3A_8 : i32
    %add3A = arith.constant 3360 : i32
    %add3A_10 = arith.addi %add3A, %mul3A_9 : i32
    %select_n3A_11 = arith.select %eq3A_5, %mul3A_7, %add3A_10 : i32
    %mul3A_12 = arith.constant 512 : i32
    %mul3A_13 = arith.muli %select_n3A_11, %mul3A_12 : i32
    %add3A_14 = arith.constant 0 : i32
    %add3A_15 = arith.addi %mul3A_13, %add3A_14 : i32
    "tpu.region"() ({
      %run_scoped3A = tpu.sem_alloc : memref<!tpu.dma_semaphore, #tpu.memory_space<semaphore_mem>>
      %dma_start3A_91 = tpu.memref_slice %arg2[%add3A_15] : memref<3212288xi32, #tpu.memory_space<hbm>> -> memref<512xi32, #tpu.memory_space<hbm>>
      %dma_start3A_92 = tpu.memref_slice %arg2[%add3A_15] : memref<3212288xi32, #tpu.memory_space<hbm>> -> memref<512xi32, #tpu.memory_space<hbm>>
      tpu.enqueue_dma source(%dma_start3A_92 : memref<512xi32, #tpu.memory_space<hbm>>) target(%arg7 : memref<512xi32, #tpu.memory_space<vmem>>) target_semaphore(%run_scoped3A : memref<!tpu.dma_semaphore, #tpu.memory_space<semaphore_mem>>)
      %dma_wait3A_93 = tpu.memref_slice %arg2[%add3A_15] : memref<3212288xi32, #tpu.memory_space<hbm>> -> memref<512xi32, #tpu.memory_space<hbm>>
      %dma_wait3A_94 = tpu.memref_slice %arg2[%add3A_15] : memref<3212288xi32, #tpu.memory_space<hbm>> -> memref<512xi32, #tpu.memory_space<hbm>>
      tpu.wait_dma2 semaphore(%run_scoped3A : memref<!tpu.dma_semaphore, #tpu.memory_space<semaphore_mem>>) src(%dma_wait3A_94 : memref<512xi32, #tpu.memory_space<hbm>>) dst(%arg7 : memref<512xi32, #tpu.memory_space<vmem>>)
      tpu.yield
    }) : () -> ()
    %add3A_16 = arith.constant 0 : i32
    %add3A_17 = arith.addi %mul3A_13, %add3A_16 : i32
    "tpu.region"() ({
      %run_scoped3A = tpu.sem_alloc : memref<!tpu.dma_semaphore, #tpu.memory_space<semaphore_mem>>
      %dma_start3A_91 = tpu.memref_slice %arg3[%add3A_17] : memref<3212288xi32, #tpu.memory_space<hbm>> -> memref<512xi32, #tpu.memory_space<hbm>>
      %dma_start3A_92 = tpu.memref_slice %arg3[%add3A_17] : memref<3212288xi32, #tpu.memory_space<hbm>> -> memref<512xi32, #tpu.memory_space<hbm>>
      tpu.enqueue_dma source(%dma_start3A_92 : memref<512xi32, #tpu.memory_space<hbm>>) target(%arg11 : memref<512xi32, #tpu.memory_space<vmem>>) target_semaphore(%run_scoped3A : memref<!tpu.dma_semaphore, #tpu.memory_space<semaphore_mem>>)
      %dma_wait3A_93 = tpu.memref_slice %arg3[%add3A_17] : memref<3212288xi32, #tpu.memory_space<hbm>> -> memref<512xi32, #tpu.memory_space<hbm>>
      %dma_wait3A_94 = tpu.memref_slice %arg3[%add3A_17] : memref<3212288xi32, #tpu.memory_space<hbm>> -> memref<512xi32, #tpu.memory_space<hbm>>
      tpu.wait_dma2 semaphore(%run_scoped3A : memref<!tpu.dma_semaphore, #tpu.memory_space<semaphore_mem>>) src(%dma_wait3A_94 : memref<512xi32, #tpu.memory_space<hbm>>) dst(%arg11 : memref<512xi32, #tpu.memory_space<vmem>>)
      tpu.yield
    }) : () -> ()
    %add3A_18 = arith.constant 512 : i32
    %add3A_19 = arith.addi %mul3A_13, %add3A_18 : i32
    "tpu.region"() ({
      %run_scoped3A = tpu.sem_alloc : memref<!tpu.dma_semaphore, #tpu.memory_space<semaphore_mem>>
      %dma_start3A_91 = tpu.memref_slice %arg2[%add3A_19] : memref<3212288xi32, #tpu.memory_space<hbm>> -> memref<512xi32, #tpu.memory_space<hbm>>
      %dma_start3A_92 = tpu.memref_slice %arg2[%add3A_19] : memref<3212288xi32, #tpu.memory_space<hbm>> -> memref<512xi32, #tpu.memory_space<hbm>>
      tpu.enqueue_dma source(%dma_start3A_92 : memref<512xi32, #tpu.memory_space<hbm>>) target(%arg8 : memref<512xi32, #tpu.memory_space<vmem>>) target_semaphore(%run_scoped3A : memref<!tpu.dma_semaphore, #tpu.memory_space<semaphore_mem>>)
      %dma_wait3A_93 = tpu.memref_slice %arg2[%add3A_19] : memref<3212288xi32, #tpu.memory_space<hbm>> -> memref<512xi32, #tpu.memory_space<hbm>>
      %dma_wait3A_94 = tpu.memref_slice %arg2[%add3A_19] : memref<3212288xi32, #tpu.memory_space<hbm>> -> memref<512xi32, #tpu.memory_space<hbm>>
      tpu.wait_dma2 semaphore(%run_scoped3A : memref<!tpu.dma_semaphore, #tpu.memory_space<semaphore_mem>>) src(%dma_wait3A_94 : memref<512xi32, #tpu.memory_space<hbm>>) dst(%arg8 : memref<512xi32, #tpu.memory_space<vmem>>)
      tpu.yield
    }) : () -> ()
    %add3A_20 = arith.constant 512 : i32
    %add3A_21 = arith.addi %mul3A_13, %add3A_20 : i32
    "tpu.region"() ({
      %run_scoped3A = tpu.sem_alloc : memref<!tpu.dma_semaphore, #tpu.memory_space<semaphore_mem>>
      %dma_start3A_91 = tpu.memref_slice %arg3[%add3A_21] : memref<3212288xi32, #tpu.memory_space<hbm>> -> memref<512xi32, #tpu.memory_space<hbm>>
      %dma_start3A_92 = tpu.memref_slice %arg3[%add3A_21] : memref<3212288xi32, #tpu.memory_space<hbm>> -> memref<512xi32, #tpu.memory_space<hbm>>
      tpu.enqueue_dma source(%dma_start3A_92 : memref<512xi32, #tpu.memory_space<hbm>>) target(%arg12 : memref<512xi32, #tpu.memory_space<vmem>>) target_semaphore(%run_scoped3A : memref<!tpu.dma_semaphore, #tpu.memory_space<semaphore_mem>>)
      %dma_wait3A_93 = tpu.memref_slice %arg3[%add3A_21] : memref<3212288xi32, #tpu.memory_space<hbm>> -> memref<512xi32, #tpu.memory_space<hbm>>
      %dma_wait3A_94 = tpu.memref_slice %arg3[%add3A_21] : memref<3212288xi32, #tpu.memory_space<hbm>> -> memref<512xi32, #tpu.memory_space<hbm>>
      tpu.wait_dma2 semaphore(%run_scoped3A : memref<!tpu.dma_semaphore, #tpu.memory_space<semaphore_mem>>) src(%dma_wait3A_94 : memref<512xi32, #tpu.memory_space<hbm>>) dst(%arg12 : memref<512xi32, #tpu.memory_space<vmem>>)
      tpu.yield
    }) : () -> ()
    %dma_start3A = arith.constant 0 : i32
    %dma_start3A_22 = arith.constant 0 : i32
    %dma_start3A_23 = tpu.memref_slice %arg4[%dma_start3A, %dma_start3A_22] : memref<100000x16xf32, #tpu.memory_space<hbm>> -> memref<100000x16xf32, #tpu.memory_space<hbm>>
    tpu.enqueue_indirect_dma source(%dma_start3A_23 : memref<100000x16xf32, #tpu.memory_space<hbm>>) target(%arg15 : memref<512x16xf32, #tpu.memory_space<vmem>>) offsets(%arg7 : memref<512xi32, #tpu.memory_space<vmem>>) semaphore(%arg17 : memref<!tpu.dma_semaphore, #tpu.memory_space<semaphore_mem>>)
    %dma_wait3A = arith.constant 0 : i32
    %dma_wait3A_24 = arith.constant 0 : i32
    %dma_wait3A_25 = tpu.memref_slice %arg4[%dma_wait3A, %dma_wait3A_24] : memref<100000x16xf32, #tpu.memory_space<hbm>> -> memref<100000x16xf32, #tpu.memory_space<hbm>>
    tpu.wait_indirect_dma semaphore(%arg17 : memref<!tpu.dma_semaphore, #tpu.memory_space<semaphore_mem>>) src(%dma_wait3A_25 : memref<100000x16xf32, #tpu.memory_space<hbm>>) dst(%arg15 : memref<512x16xf32, #tpu.memory_space<vmem>>)
    %dma_start3A_26 = arith.constant 0 : i32
    %dma_start3A_27 = arith.constant 0 : i32
    %dma_start3A_28 = tpu.memref_slice %arg21[%dma_start3A_26, %dma_start3A_27] : memref<100096x16xf32, #tpu.memory_space<vmem_shared>> -> memref<100096x16xf32, #tpu.memory_space<vmem_shared>>
    tpu.enqueue_indirect_dma source(%arg15 : memref<512x16xf32, #tpu.memory_space<vmem>>) target(%dma_start3A_28 : memref<100096x16xf32, #tpu.memory_space<vmem_shared>>) offsets(%arg11 : memref<512xi32, #tpu.memory_space<vmem>>) semaphore(%arg19 : memref<!tpu.dma_semaphore, #tpu.memory_space<semaphore_mem>>) {add = true}
    %dma_start3A_29 = arith.constant 0 : i32
    %dma_start3A_30 = arith.constant 0 : i32
    %dma_start3A_31 = tpu.memref_slice %arg4[%dma_start3A_29, %dma_start3A_30] : memref<100000x16xf32, #tpu.memory_space<hbm>> -> memref<100000x16xf32, #tpu.memory_space<hbm>>
    tpu.enqueue_indirect_dma source(%dma_start3A_31 : memref<100000x16xf32, #tpu.memory_space<hbm>>) target(%arg16 : memref<512x16xf32, #tpu.memory_space<vmem>>) offsets(%arg8 : memref<512xi32, #tpu.memory_space<vmem>>) semaphore(%arg18 : memref<!tpu.dma_semaphore, #tpu.memory_space<semaphore_mem>>)
    %add3A_32 = arith.constant 1024 : i32
    %add3A_33 = arith.addi %mul3A_13, %add3A_32 : i32
    "tpu.region"() ({
      %run_scoped3A = tpu.sem_alloc : memref<!tpu.dma_semaphore, #tpu.memory_space<semaphore_mem>>
      %dma_start3A_91 = tpu.memref_slice %arg2[%add3A_33] : memref<3212288xi32, #tpu.memory_space<hbm>> -> memref<512xi32, #tpu.memory_space<hbm>>
      %dma_start3A_92 = tpu.memref_slice %arg2[%add3A_33] : memref<3212288xi32, #tpu.memory_space<hbm>> -> memref<512xi32, #tpu.memory_space<hbm>>
      tpu.enqueue_dma source(%dma_start3A_92 : memref<512xi32, #tpu.memory_space<hbm>>) target(%arg9 : memref<512xi32, #tpu.memory_space<vmem>>) target_semaphore(%run_scoped3A : memref<!tpu.dma_semaphore, #tpu.memory_space<semaphore_mem>>)
      %dma_wait3A_93 = tpu.memref_slice %arg2[%add3A_33] : memref<3212288xi32, #tpu.memory_space<hbm>> -> memref<512xi32, #tpu.memory_space<hbm>>
      %dma_wait3A_94 = tpu.memref_slice %arg2[%add3A_33] : memref<3212288xi32, #tpu.memory_space<hbm>> -> memref<512xi32, #tpu.memory_space<hbm>>
      tpu.wait_dma2 semaphore(%run_scoped3A : memref<!tpu.dma_semaphore, #tpu.memory_space<semaphore_mem>>) src(%dma_wait3A_94 : memref<512xi32, #tpu.memory_space<hbm>>) dst(%arg9 : memref<512xi32, #tpu.memory_space<vmem>>)
      tpu.yield
    }) : () -> ()
    %add3A_34 = arith.constant 1024 : i32
    %add3A_35 = arith.addi %mul3A_13, %add3A_34 : i32
    "tpu.region"() ({
      %run_scoped3A = tpu.sem_alloc : memref<!tpu.dma_semaphore, #tpu.memory_space<semaphore_mem>>
      %dma_start3A_91 = tpu.memref_slice %arg3[%add3A_35] : memref<3212288xi32, #tpu.memory_space<hbm>> -> memref<512xi32, #tpu.memory_space<hbm>>
      %dma_start3A_92 = tpu.memref_slice %arg3[%add3A_35] : memref<3212288xi32, #tpu.memory_space<hbm>> -> memref<512xi32, #tpu.memory_space<hbm>>
      tpu.enqueue_dma source(%dma_start3A_92 : memref<512xi32, #tpu.memory_space<hbm>>) target(%arg13 : memref<512xi32, #tpu.memory_space<vmem>>) target_semaphore(%run_scoped3A : memref<!tpu.dma_semaphore, #tpu.memory_space<semaphore_mem>>)
      %dma_wait3A_93 = tpu.memref_slice %arg3[%add3A_35] : memref<3212288xi32, #tpu.memory_space<hbm>> -> memref<512xi32, #tpu.memory_space<hbm>>
      %dma_wait3A_94 = tpu.memref_slice %arg3[%add3A_35] : memref<3212288xi32, #tpu.memory_space<hbm>> -> memref<512xi32, #tpu.memory_space<hbm>>
      tpu.wait_dma2 semaphore(%run_scoped3A : memref<!tpu.dma_semaphore, #tpu.memory_space<semaphore_mem>>) src(%dma_wait3A_94 : memref<512xi32, #tpu.memory_space<hbm>>) dst(%arg13 : memref<512xi32, #tpu.memory_space<vmem>>)
      tpu.yield
    }) : () -> ()
    %dma_wait3A_36 = arith.constant 0 : i32
    %dma_wait3A_37 = arith.constant 0 : i32
    %dma_wait3A_38 = tpu.memref_slice %arg4[%dma_wait3A_36, %dma_wait3A_37] : memref<100000x16xf32, #tpu.memory_space<hbm>> -> memref<100000x16xf32, #tpu.memory_space<hbm>>
    tpu.wait_indirect_dma semaphore(%arg18 : memref<!tpu.dma_semaphore, #tpu.memory_space<semaphore_mem>>) src(%dma_wait3A_38 : memref<100000x16xf32, #tpu.memory_space<hbm>>) dst(%arg16 : memref<512x16xf32, #tpu.memory_space<vmem>>)
    %dma_start3A_39 = arith.constant 0 : i32
    %dma_start3A_40 = arith.constant 0 : i32
    %dma_start3A_41 = tpu.memref_slice %arg21[%dma_start3A_39, %dma_start3A_40] : memref<100096x16xf32, #tpu.memory_space<vmem_shared>> -> memref<100096x16xf32, #tpu.memory_space<vmem_shared>>
    tpu.enqueue_indirect_dma source(%arg16 : memref<512x16xf32, #tpu.memory_space<vmem>>) target(%dma_start3A_41 : memref<100096x16xf32, #tpu.memory_space<vmem_shared>>) offsets(%arg12 : memref<512xi32, #tpu.memory_space<vmem>>) semaphore(%arg20 : memref<!tpu.dma_semaphore, #tpu.memory_space<semaphore_mem>>) {add = true}
    %dma_wait3A_42 = arith.constant 0 : i32
    %dma_wait3A_43 = arith.constant 0 : i32
    %dma_wait3A_44 = tpu.memref_slice %arg21[%dma_wait3A_42, %dma_wait3A_43] : memref<100096x16xf32, #tpu.memory_space<vmem_shared>> -> memref<100096x16xf32, #tpu.memory_space<vmem_shared>>
    tpu.wait_indirect_dma semaphore(%arg19 : memref<!tpu.dma_semaphore, #tpu.memory_space<semaphore_mem>>) src(%arg15 : memref<512x16xf32, #tpu.memory_space<vmem>>) dst(%dma_wait3A_44 : memref<100096x16xf32, #tpu.memory_space<vmem_shared>>)
    %dma_start3A_45 = arith.constant 0 : i32
    %dma_start3A_46 = arith.constant 0 : i32
    %dma_start3A_47 = tpu.memref_slice %arg4[%dma_start3A_45, %dma_start3A_46] : memref<100000x16xf32, #tpu.memory_space<hbm>> -> memref<100000x16xf32, #tpu.memory_space<hbm>>
    tpu.enqueue_indirect_dma source(%dma_start3A_47 : memref<100000x16xf32, #tpu.memory_space<hbm>>) target(%arg15 : memref<512x16xf32, #tpu.memory_space<vmem>>) offsets(%arg9 : memref<512xi32, #tpu.memory_space<vmem>>) semaphore(%arg17 : memref<!tpu.dma_semaphore, #tpu.memory_space<semaphore_mem>>)
    %add3A_48 = arith.constant 1536 : i32
    %add3A_49 = arith.addi %mul3A_13, %add3A_48 : i32
    "tpu.region"() ({
      %run_scoped3A = tpu.sem_alloc : memref<!tpu.dma_semaphore, #tpu.memory_space<semaphore_mem>>
      %dma_start3A_91 = tpu.memref_slice %arg2[%add3A_49] : memref<3212288xi32, #tpu.memory_space<hbm>> -> memref<512xi32, #tpu.memory_space<hbm>>
      %dma_start3A_92 = tpu.memref_slice %arg2[%add3A_49] : memref<3212288xi32, #tpu.memory_space<hbm>> -> memref<512xi32, #tpu.memory_space<hbm>>
      tpu.enqueue_dma source(%dma_start3A_92 : memref<512xi32, #tpu.memory_space<hbm>>) target(%arg10 : memref<512xi32, #tpu.memory_space<vmem>>) target_semaphore(%run_scoped3A : memref<!tpu.dma_semaphore, #tpu.memory_space<semaphore_mem>>)
      %dma_wait3A_93 = tpu.memref_slice %arg2[%add3A_49] : memref<3212288xi32, #tpu.memory_space<hbm>> -> memref<512xi32, #tpu.memory_space<hbm>>
      %dma_wait3A_94 = tpu.memref_slice %arg2[%add3A_49] : memref<3212288xi32, #tpu.memory_space<hbm>> -> memref<512xi32, #tpu.memory_space<hbm>>
      tpu.wait_dma2 semaphore(%run_scoped3A : memref<!tpu.dma_semaphore, #tpu.memory_space<semaphore_mem>>) src(%dma_wait3A_94 : memref<512xi32, #tpu.memory_space<hbm>>) dst(%arg10 : memref<512xi32, #tpu.memory_space<vmem>>)
      tpu.yield
    }) : () -> ()
    %add3A_50 = arith.constant 1536 : i32
    %add3A_51 = arith.addi %mul3A_13, %add3A_50 : i32
    "tpu.region"() ({
      %run_scoped3A = tpu.sem_alloc : memref<!tpu.dma_semaphore, #tpu.memory_space<semaphore_mem>>
      %dma_start3A_91 = tpu.memref_slice %arg3[%add3A_51] : memref<3212288xi32, #tpu.memory_space<hbm>> -> memref<512xi32, #tpu.memory_space<hbm>>
      %dma_start3A_92 = tpu.memref_slice %arg3[%add3A_51] : memref<3212288xi32, #tpu.memory_space<hbm>> -> memref<512xi32, #tpu.memory_space<hbm>>
      tpu.enqueue_dma source(%dma_start3A_92 : memref<512xi32, #tpu.memory_space<hbm>>) target(%arg14 : memref<512xi32, #tpu.memory_space<vmem>>) target_semaphore(%run_scoped3A : memref<!tpu.dma_semaphore, #tpu.memory_space<semaphore_mem>>)
      %dma_wait3A_93 = tpu.memref_slice %arg3[%add3A_51] : memref<3212288xi32, #tpu.memory_space<hbm>> -> memref<512xi32, #tpu.memory_space<hbm>>
      %dma_wait3A_94 = tpu.memref_slice %arg3[%add3A_51] : memref<3212288xi32, #tpu.memory_space<hbm>> -> memref<512xi32, #tpu.memory_space<hbm>>
      tpu.wait_dma2 semaphore(%run_scoped3A : memref<!tpu.dma_semaphore, #tpu.memory_space<semaphore_mem>>) src(%dma_wait3A_94 : memref<512xi32, #tpu.memory_space<hbm>>) dst(%arg14 : memref<512xi32, #tpu.memory_space<vmem>>)
      tpu.yield
    }) : () -> ()
    %sub3A = arith.constant 2 : i32
    %sub3A_52 = arith.subi %select_n3A_3, %sub3A : i32
    %jit3A = arith.constant 4 : i32
    %div3A = arith.divsi %sub3A_52, %jit3A : i32
    %sign3A = arith.constant 0 : i32
    %sign3A_53 = arith.cmpi sgt, %sub3A_52, %sign3A : i32
    %sign3A_54 = arith.extui %sign3A_53 : i1 to i32
    %sign3A_55 = arith.constant 0 : i32
    %sign3A_56 = arith.cmpi slt, %sub3A_52, %sign3A_55 : i32
    %sign3A_57 = arith.extui %sign3A_56 : i1 to i32
    %sign3A_58 = arith.subi %sign3A_54, %sign3A_57 : i32
    %sign3A_59 = arith.constant 0 : i32
    %sign3A_60 = arith.cmpi sgt, %jit3A, %sign3A_59 : i32
    %sign3A_61 = arith.extui %sign3A_60 : i1 to i32
    %sign3A_62 = arith.constant 0 : i32
    %sign3A_63 = arith.cmpi slt, %jit3A, %sign3A_62 : i32
    %sign3A_64 = arith.extui %sign3A_63 : i1 to i32
    %sign3A_65 = arith.subi %sign3A_61, %sign3A_64 : i32
    %ne3A = arith.cmpi ne, %sign3A_58, %sign3A_65 : i32
    %rem3A = arith.remsi %sub3A_52, %jit3A : i32
    %ne3A_66 = arith.constant 0 : i32
    %ne3A_67 = arith.cmpi ne, %rem3A, %ne3A_66 : i32
    %and3A = arith.andi %ne3A, %ne3A_67 : i1
    %sub3A_68 = arith.constant 1 : i32
    %sub3A_69 = arith.subi %div3A, %sub3A_68 : i32
    %select_n3A_70 = arith.select %and3A, %sub3A_69, %div3A : i32
    %while3A = arith.constant 0 : i32
    %while3A_71 = arith.constant 0 : i32
    %while3A_72 = arith.subi %select_n3A_70, %while3A_71 : i32
    %while3A_73 = arith.addi %while3A_71, %while3A_72 : i32
    %while3A_74 = arith.constant 1 : i32
    %while3A_75 = arith.divsi %while3A_72, %while3A_74 : i32
    %while3A_76 = arith.muli %while3A_75, %while3A_74 : i32
    %while3A_77 = arith.addi %while3A_71, %while3A_76 : i32
    %while3A_78 = arith.constant 1 : i32
    scf.for %while3A_91 = %while3A_71 to %while3A_77 step %while3A_78  : i32 {
      %mul3A_92 = arith.constant 4 : i32
      %mul3A_93 = arith.muli %mul3A_92, %while3A_91 : i32
      %add3A_94 = arith.constant 2 : i32
      %add3A_95 = arith.addi %add3A_94, %mul3A_93 : i32
      %dma_wait3A_96 = arith.constant 0 : i32
      %dma_wait3A_97 = arith.constant 0 : i32
      %dma_wait3A_98 = tpu.memref_slice %arg4[%dma_wait3A_96, %dma_wait3A_97] : memref<100000x16xf32, #tpu.memory_space<hbm>> -> memref<100000x16xf32, #tpu.memory_space<hbm>>
      tpu.wait_indirect_dma semaphore(%arg17 : memref<!tpu.dma_semaphore, #tpu.memory_space<semaphore_mem>>) src(%dma_wait3A_98 : memref<100000x16xf32, #tpu.memory_space<hbm>>) dst(%arg15 : memref<512x16xf32, #tpu.memory_space<vmem>>)
      %dma_start3A_99 = arith.constant 0 : i32
      %dma_start3A_100 = arith.constant 0 : i32
      %dma_start3A_101 = tpu.memref_slice %arg21[%dma_start3A_99, %dma_start3A_100] : memref<100096x16xf32, #tpu.memory_space<vmem_shared>> -> memref<100096x16xf32, #tpu.memory_space<vmem_shared>>
      tpu.enqueue_indirect_dma source(%arg15 : memref<512x16xf32, #tpu.memory_space<vmem>>) target(%dma_start3A_101 : memref<100096x16xf32, #tpu.memory_space<vmem_shared>>) offsets(%arg13 : memref<512xi32, #tpu.memory_space<vmem>>) semaphore(%arg19 : memref<!tpu.dma_semaphore, #tpu.memory_space<semaphore_mem>>) {add = true}
      %dma_wait3A_102 = arith.constant 0 : i32
      %dma_wait3A_103 = arith.constant 0 : i32
      %dma_wait3A_104 = tpu.memref_slice %arg21[%dma_wait3A_102, %dma_wait3A_103] : memref<100096x16xf32, #tpu.memory_space<vmem_shared>> -> memref<100096x16xf32, #tpu.memory_space<vmem_shared>>
      tpu.wait_indirect_dma semaphore(%arg20 : memref<!tpu.dma_semaphore, #tpu.memory_space<semaphore_mem>>) src(%arg16 : memref<512x16xf32, #tpu.memory_space<vmem>>) dst(%dma_wait3A_104 : memref<100096x16xf32, #tpu.memory_space<vmem_shared>>)
      %dma_start3A_105 = arith.constant 0 : i32
      %dma_start3A_106 = arith.constant 0 : i32
      %dma_start3A_107 = tpu.memref_slice %arg4[%dma_start3A_105, %dma_start3A_106] : memref<100000x16xf32, #tpu.memory_space<hbm>> -> memref<100000x16xf32, #tpu.memory_space<hbm>>
      tpu.enqueue_indirect_dma source(%dma_start3A_107 : memref<100000x16xf32, #tpu.memory_space<hbm>>) target(%arg16 : memref<512x16xf32, #tpu.memory_space<vmem>>) offsets(%arg10 : memref<512xi32, #tpu.memory_space<vmem>>) semaphore(%arg18 : memref<!tpu.dma_semaphore, #tpu.memory_space<semaphore_mem>>)
      %add3A_108 = arith.constant 2 : i32
      %add3A_109 = arith.addi %add3A_95, %add3A_108 : i32
      %mul3A_110 = arith.constant 512 : i32
      %mul3A_111 = arith.muli %add3A_109, %mul3A_110 : i32
      %add3A_112 = arith.addi %mul3A_13, %mul3A_111 : i32
      "tpu.region"() ({
        %run_scoped3A = tpu.sem_alloc : memref<!tpu.dma_semaphore, #tpu.memory_space<semaphore_mem>>
        %dma_start3A_182 = tpu.memref_slice %arg2[%add3A_112] : memref<3212288xi32, #tpu.memory_space<hbm>> -> memref<512xi32, #tpu.memory_space<hbm>>
        %dma_start3A_183 = tpu.memref_slice %arg2[%add3A_112] : memref<3212288xi32, #tpu.memory_space<hbm>> -> memref<512xi32, #tpu.memory_space<hbm>>
        tpu.enqueue_dma source(%dma_start3A_183 : memref<512xi32, #tpu.memory_space<hbm>>) target(%arg7 : memref<512xi32, #tpu.memory_space<vmem>>) target_semaphore(%run_scoped3A : memref<!tpu.dma_semaphore, #tpu.memory_space<semaphore_mem>>)
        %dma_wait3A_184 = tpu.memref_slice %arg2[%add3A_112] : memref<3212288xi32, #tpu.memory_space<hbm>> -> memref<512xi32, #tpu.memory_space<hbm>>
        %dma_wait3A_185 = tpu.memref_slice %arg2[%add3A_112] : memref<3212288xi32, #tpu.memory_space<hbm>> -> memref<512xi32, #tpu.memory_space<hbm>>
        tpu.wait_dma2 semaphore(%run_scoped3A : memref<!tpu.dma_semaphore, #tpu.memory_space<semaphore_mem>>) src(%dma_wait3A_185 : memref<512xi32, #tpu.memory_space<hbm>>) dst(%arg7 : memref<512xi32, #tpu.memory_space<vmem>>)
        tpu.yield
      }) : () -> ()
      %mul3A_113 = arith.constant 512 : i32
      %mul3A_114 = arith.muli %add3A_109, %mul3A_113 : i32
      %add3A_115 = arith.addi %mul3A_13, %mul3A_114 : i32
      "tpu.region"() ({
        %run_scoped3A = tpu.sem_alloc : memref<!tpu.dma_semaphore, #tpu.memory_space<semaphore_mem>>
        %dma_start3A_182 = tpu.memref_slice %arg3[%add3A_115] : memref<3212288xi32, #tpu.memory_space<hbm>> -> memref<512xi32, #tpu.memory_space<hbm>>
        %dma_start3A_183 = tpu.memref_slice %arg3[%add3A_115] : memref<3212288xi32, #tpu.memory_space<hbm>> -> memref<512xi32, #tpu.memory_space<hbm>>
        tpu.enqueue_dma source(%dma_start3A_183 : memref<512xi32, #tpu.memory_space<hbm>>) target(%arg11 : memref<512xi32, #tpu.memory_space<vmem>>) target_semaphore(%run_scoped3A : memref<!tpu.dma_semaphore, #tpu.memory_space<semaphore_mem>>)
        %dma_wait3A_184 = tpu.memref_slice %arg3[%add3A_115] : memref<3212288xi32, #tpu.memory_space<hbm>> -> memref<512xi32, #tpu.memory_space<hbm>>
        %dma_wait3A_185 = tpu.memref_slice %arg3[%add3A_115] : memref<3212288xi32, #tpu.memory_space<hbm>> -> memref<512xi32, #tpu.memory_space<hbm>>
        tpu.wait_dma2 semaphore(%run_scoped3A : memref<!tpu.dma_semaphore, #tpu.memory_space<semaphore_mem>>) src(%dma_wait3A_185 : memref<512xi32, #tpu.memory_space<hbm>>) dst(%arg11 : memref<512xi32, #tpu.memory_space<vmem>>)
        tpu.yield
      }) : () -> ()
      %add3A_116 = arith.constant 1 : i32
      %add3A_117 = arith.addi %add3A_95, %add3A_116 : i32
      %dma_wait3A_118 = arith.constant 0 : i32
      %dma_wait3A_119 = arith.constant 0 : i32
      %dma_wait3A_120 = tpu.memref_slice %arg4[%dma_wait3A_118, %dma_wait3A_119] : memref<100000x16xf32, #tpu.memory_space<hbm>> -> memref<100000x16xf32, #tpu.memory_space<hbm>>
      tpu.wait_indirect_dma semaphore(%arg18 : memref<!tpu.dma_semaphore, #tpu.memory_space<semaphore_mem>>) src(%dma_wait3A_120 : memref<100000x16xf32, #tpu.memory_space<hbm>>) dst(%arg16 : memref<512x16xf32, #tpu.memory_space<vmem>>)
      %dma_start3A_121 = arith.constant 0 : i32
      %dma_start3A_122 = arith.constant 0 : i32
      %dma_start3A_123 = tpu.memref_slice %arg21[%dma_start3A_121, %dma_start3A_122] : memref<100096x16xf32, #tpu.memory_space<vmem_shared>> -> memref<100096x16xf32, #tpu.memory_space<vmem_shared>>
      tpu.enqueue_indirect_dma source(%arg16 : memref<512x16xf32, #tpu.memory_space<vmem>>) target(%dma_start3A_123 : memref<100096x16xf32, #tpu.memory_space<vmem_shared>>) offsets(%arg14 : memref<512xi32, #tpu.memory_space<vmem>>) semaphore(%arg20 : memref<!tpu.dma_semaphore, #tpu.memory_space<semaphore_mem>>) {add = true}
      %dma_wait3A_124 = arith.constant 0 : i32
      %dma_wait3A_125 = arith.constant 0 : i32
      %dma_wait3A_126 = tpu.memref_slice %arg21[%dma_wait3A_124, %dma_wait3A_125] : memref<100096x16xf32, #tpu.memory_space<vmem_shared>> -> memref<100096x16xf32, #tpu.memory_space<vmem_shared>>
      tpu.wait_indirect_dma semaphore(%arg19 : memref<!tpu.dma_semaphore, #tpu.memory_space<semaphore_mem>>) src(%arg15 : memref<512x16xf32, #tpu.memory_space<vmem>>) dst(%dma_wait3A_126 : memref<100096x16xf32, #tpu.memory_space<vmem_shared>>)
      %dma_start3A_127 = arith.constant 0 : i32
      %dma_start3A_128 = arith.constant 0 : i32
      %dma_start3A_129 = tpu.memref_slice %arg4[%dma_start3A_127, %dma_start3A_128] : memref<100000x16xf32, #tpu.memory_space<hbm>> -> memref<100000x16xf32, #tpu.memory_space<hbm>>
      tpu.enqueue_indirect_dma source(%dma_start3A_129 : memref<100000x16xf32, #tpu.memory_space<hbm>>) target(%arg15 : memref<512x16xf32, #tpu.memory_space<vmem>>) offsets(%arg7 : memref<512xi32, #tpu.memory_space<vmem>>) semaphore(%arg17 : memref<!tpu.dma_semaphore, #tpu.memory_space<semaphore_mem>>)
      %add3A_130 = arith.constant 2 : i32
      %add3A_131 = arith.addi %add3A_117, %add3A_130 : i32
      %mul3A_132 = arith.constant 512 : i32
      %mul3A_133 = arith.muli %add3A_131, %mul3A_132 : i32
      %add3A_134 = arith.addi %mul3A_13, %mul3A_133 : i32
      "tpu.region"() ({
        %run_scoped3A = tpu.sem_alloc : memref<!tpu.dma_semaphore, #tpu.memory_space<semaphore_mem>>
        %dma_start3A_182 = tpu.memref_slice %arg2[%add3A_134] : memref<3212288xi32, #tpu.memory_space<hbm>> -> memref<512xi32, #tpu.memory_space<hbm>>
        %dma_start3A_183 = tpu.memref_slice %arg2[%add3A_134] : memref<3212288xi32, #tpu.memory_space<hbm>> -> memref<512xi32, #tpu.memory_space<hbm>>
        tpu.enqueue_dma source(%dma_start3A_183 : memref<512xi32, #tpu.memory_space<hbm>>) target(%arg8 : memref<512xi32, #tpu.memory_space<vmem>>) target_semaphore(%run_scoped3A : memref<!tpu.dma_semaphore, #tpu.memory_space<semaphore_mem>>)
        %dma_wait3A_184 = tpu.memref_slice %arg2[%add3A_134] : memref<3212288xi32, #tpu.memory_space<hbm>> -> memref<512xi32, #tpu.memory_space<hbm>>
        %dma_wait3A_185 = tpu.memref_slice %arg2[%add3A_134] : memref<3212288xi32, #tpu.memory_space<hbm>> -> memref<512xi32, #tpu.memory_space<hbm>>
        tpu.wait_dma2 semaphore(%run_scoped3A : memref<!tpu.dma_semaphore, #tpu.memory_space<semaphore_mem>>) src(%dma_wait3A_185 : memref<512xi32, #tpu.memory_space<hbm>>) dst(%arg8 : memref<512xi32, #tpu.memory_space<vmem>>)
        tpu.yield
      }) : () -> ()
      %mul3A_135 = arith.constant 512 : i32
      %mul3A_136 = arith.muli %add3A_131, %mul3A_135 : i32
      %add3A_137 = arith.addi %mul3A_13, %mul3A_136 : i32
      "tpu.region"() ({
        %run_scoped3A = tpu.sem_alloc : memref<!tpu.dma_semaphore, #tpu.memory_space<semaphore_mem>>
        %dma_start3A_182 = tpu.memref_slice %arg3[%add3A_137] : memref<3212288xi32, #tpu.memory_space<hbm>> -> memref<512xi32, #tpu.memory_space<hbm>>
        %dma_start3A_183 = tpu.memref_slice %arg3[%add3A_137] : memref<3212288xi32, #tpu.memory_space<hbm>> -> memref<512xi32, #tpu.memory_space<hbm>>
        tpu.enqueue_dma source(%dma_start3A_183 : memref<512xi32, #tpu.memory_space<hbm>>) target(%arg12 : memref<512xi32, #tpu.memory_space<vmem>>) target_semaphore(%run_scoped3A : memref<!tpu.dma_semaphore, #tpu.memory_space<semaphore_mem>>)
        %dma_wait3A_184 = tpu.memref_slice %arg3[%add3A_137] : memref<3212288xi32, #tpu.memory_space<hbm>> -> memref<512xi32, #tpu.memory_space<hbm>>
        %dma_wait3A_185 = tpu.memref_slice %arg3[%add3A_137] : memref<3212288xi32, #tpu.memory_space<hbm>> -> memref<512xi32, #tpu.memory_space<hbm>>
        tpu.wait_dma2 semaphore(%run_scoped3A : memref<!tpu.dma_semaphore, #tpu.memory_space<semaphore_mem>>) src(%dma_wait3A_185 : memref<512xi32, #tpu.memory_space<hbm>>) dst(%arg12 : memref<512xi32, #tpu.memory_space<vmem>>)
        tpu.yield
      }) : () -> ()
      %add3A_138 = arith.constant 2 : i32
      %add3A_139 = arith.addi %add3A_95, %add3A_138 : i32
      %dma_wait3A_140 = arith.constant 0 : i32
      %dma_wait3A_141 = arith.constant 0 : i32
      %dma_wait3A_142 = tpu.memref_slice %arg4[%dma_wait3A_140, %dma_wait3A_141] : memref<100000x16xf32, #tpu.memory_space<hbm>> -> memref<100000x16xf32, #tpu.memory_space<hbm>>
      tpu.wait_indirect_dma semaphore(%arg17 : memref<!tpu.dma_semaphore, #tpu.memory_space<semaphore_mem>>) src(%dma_wait3A_142 : memref<100000x16xf32, #tpu.memory_space<hbm>>) dst(%arg15 : memref<512x16xf32, #tpu.memory_space<vmem>>)
      %dma_start3A_143 = arith.constant 0 : i32
      %dma_start3A_144 = arith.constant 0 : i32
      %dma_start3A_145 = tpu.memref_slice %arg21[%dma_start3A_143, %dma_start3A_144] : memref<100096x16xf32, #tpu.memory_space<vmem_shared>> -> memref<100096x16xf32, #tpu.memory_space<vmem_shared>>
      tpu.enqueue_indirect_dma source(%arg15 : memref<512x16xf32, #tpu.memory_space<vmem>>) target(%dma_start3A_145 : memref<100096x16xf32, #tpu.memory_space<vmem_shared>>) offsets(%arg11 : memref<512xi32, #tpu.memory_space<vmem>>) semaphore(%arg19 : memref<!tpu.dma_semaphore, #tpu.memory_space<semaphore_mem>>) {add = true}
      %dma_wait3A_146 = arith.constant 0 : i32
      %dma_wait3A_147 = arith.constant 0 : i32
      %dma_wait3A_148 = tpu.memref_slice %arg21[%dma_wait3A_146, %dma_wait3A_147] : memref<100096x16xf32, #tpu.memory_space<vmem_shared>> -> memref<100096x16xf32, #tpu.memory_space<vmem_shared>>
      tpu.wait_indirect_dma semaphore(%arg20 : memref<!tpu.dma_semaphore, #tpu.memory_space<semaphore_mem>>) src(%arg16 : memref<512x16xf32, #tpu.memory_space<vmem>>) dst(%dma_wait3A_148 : memref<100096x16xf32, #tpu.memory_space<vmem_shared>>)
      %dma_start3A_149 = arith.constant 0 : i32
      %dma_start3A_150 = arith.constant 0 : i32
      %dma_start3A_151 = tpu.memref_slice %arg4[%dma_start3A_149, %dma_start3A_150] : memref<100000x16xf32, #tpu.memory_space<hbm>> -> memref<100000x16xf32, #tpu.memory_space<hbm>>
      tpu.enqueue_indirect_dma source(%dma_start3A_151 : memref<100000x16xf32, #tpu.memory_space<hbm>>) target(%arg16 : memref<512x16xf32, #tpu.memory_space<vmem>>) offsets(%arg8 : memref<512xi32, #tpu.memory_space<vmem>>) semaphore(%arg18 : memref<!tpu.dma_semaphore, #tpu.memory_space<semaphore_mem>>)
      %add3A_152 = arith.constant 2 : i32
      %add3A_153 = arith.addi %add3A_139, %add3A_152 : i32
      %mul3A_154 = arith.constant 512 : i32
      %mul3A_155 = arith.muli %add3A_153, %mul3A_154 : i32
      %add3A_156 = arith.addi %mul3A_13, %mul3A_155 : i32
      "tpu.region"() ({
        %run_scoped3A = tpu.sem_alloc : memref<!tpu.dma_semaphore, #tpu.memory_space<semaphore_mem>>
        %dma_start3A_182 = tpu.memref_slice %arg2[%add3A_156] : memref<3212288xi32, #tpu.memory_space<hbm>> -> memref<512xi32, #tpu.memory_space<hbm>>
        %dma_start3A_183 = tpu.memref_slice %arg2[%add3A_156] : memref<3212288xi32, #tpu.memory_space<hbm>> -> memref<512xi32, #tpu.memory_space<hbm>>
        tpu.enqueue_dma source(%dma_start3A_183 : memref<512xi32, #tpu.memory_space<hbm>>) target(%arg9 : memref<512xi32, #tpu.memory_space<vmem>>) target_semaphore(%run_scoped3A : memref<!tpu.dma_semaphore, #tpu.memory_space<semaphore_mem>>)
        %dma_wait3A_184 = tpu.memref_slice %arg2[%add3A_156] : memref<3212288xi32, #tpu.memory_space<hbm>> -> memref<512xi32, #tpu.memory_space<hbm>>
        %dma_wait3A_185 = tpu.memref_slice %arg2[%add3A_156] : memref<3212288xi32, #tpu.memory_space<hbm>> -> memref<512xi32, #tpu.memory_space<hbm>>
        tpu.wait_dma2 semaphore(%run_scoped3A : memref<!tpu.dma_semaphore, #tpu.memory_space<semaphore_mem>>) src(%dma_wait3A_185 : memref<512xi32, #tpu.memory_space<hbm>>) dst(%arg9 : memref<512xi32, #tpu.memory_space<vmem>>)
        tpu.yield
      }) : () -> ()
      %mul3A_157 = arith.constant 512 : i32
      %mul3A_158 = arith.muli %add3A_153, %mul3A_157 : i32
      %add3A_159 = arith.addi %mul3A_13, %mul3A_158 : i32
      "tpu.region"() ({
        %run_scoped3A = tpu.sem_alloc : memref<!tpu.dma_semaphore, #tpu.memory_space<semaphore_mem>>
        %dma_start3A_182 = tpu.memref_slice %arg3[%add3A_159] : memref<3212288xi32, #tpu.memory_space<hbm>> -> memref<512xi32, #tpu.memory_space<hbm>>
        %dma_start3A_183 = tpu.memref_slice %arg3[%add3A_159] : memref<3212288xi32, #tpu.memory_space<hbm>> -> memref<512xi32, #tpu.memory_space<hbm>>
        tpu.enqueue_dma source(%dma_start3A_183 : memref<512xi32, #tpu.memory_space<hbm>>) target(%arg13 : memref<512xi32, #tpu.memory_space<vmem>>) target_semaphore(%run_scoped3A : memref<!tpu.dma_semaphore, #tpu.memory_space<semaphore_mem>>)
        %dma_wait3A_184 = tpu.memref_slice %arg3[%add3A_159] : memref<3212288xi32, #tpu.memory_space<hbm>> -> memref<512xi32, #tpu.memory_space<hbm>>
        %dma_wait3A_185 = tpu.memref_slice %arg3[%add3A_159] : memref<3212288xi32, #tpu.memory_space<hbm>> -> memref<512xi32, #tpu.memory_space<hbm>>
        tpu.wait_dma2 semaphore(%run_scoped3A : memref<!tpu.dma_semaphore, #tpu.memory_space<semaphore_mem>>) src(%dma_wait3A_185 : memref<512xi32, #tpu.memory_space<hbm>>) dst(%arg13 : memref<512xi32, #tpu.memory_space<vmem>>)
        tpu.yield
      }) : () -> ()
      %add3A_160 = arith.constant 3 : i32
      %add3A_161 = arith.addi %add3A_95, %add3A_160 : i32
      %dma_wait3A_162 = arith.constant 0 : i32
      %dma_wait3A_163 = arith.constant 0 : i32
      %dma_wait3A_164 = tpu.memref_slice %arg4[%dma_wait3A_162, %dma_wait3A_163] : memref<100000x16xf32, #tpu.memory_space<hbm>> -> memref<100000x16xf32, #tpu.memory_space<hbm>>
      tpu.wait_indirect_dma semaphore(%arg18 : memref<!tpu.dma_semaphore, #tpu.memory_space<semaphore_mem>>) src(%dma_wait3A_164 : memref<100000x16xf32, #tpu.memory_space<hbm>>) dst(%arg16 : memref<512x16xf32, #tpu.memory_space<vmem>>)
      %dma_start3A_165 = arith.constant 0 : i32
      %dma_start3A_166 = arith.constant 0 : i32
      %dma_start3A_167 = tpu.memref_slice %arg21[%dma_start3A_165, %dma_start3A_166] : memref<100096x16xf32, #tpu.memory_space<vmem_shared>> -> memref<100096x16xf32, #tpu.memory_space<vmem_shared>>
      tpu.enqueue_indirect_dma source(%arg16 : memref<512x16xf32, #tpu.memory_space<vmem>>) target(%dma_start3A_167 : memref<100096x16xf32, #tpu.memory_space<vmem_shared>>) offsets(%arg12 : memref<512xi32, #tpu.memory_space<vmem>>) semaphore(%arg20 : memref<!tpu.dma_semaphore, #tpu.memory_space<semaphore_mem>>) {add = true}
      %dma_wait3A_168 = arith.constant 0 : i32
      %dma_wait3A_169 = arith.constant 0 : i32
      %dma_wait3A_170 = tpu.memref_slice %arg21[%dma_wait3A_168, %dma_wait3A_169] : memref<100096x16xf32, #tpu.memory_space<vmem_shared>> -> memref<100096x16xf32, #tpu.memory_space<vmem_shared>>
      tpu.wait_indirect_dma semaphore(%arg19 : memref<!tpu.dma_semaphore, #tpu.memory_space<semaphore_mem>>) src(%arg15 : memref<512x16xf32, #tpu.memory_space<vmem>>) dst(%dma_wait3A_170 : memref<100096x16xf32, #tpu.memory_space<vmem_shared>>)
      %dma_start3A_171 = arith.constant 0 : i32
      %dma_start3A_172 = arith.constant 0 : i32
      %dma_start3A_173 = tpu.memref_slice %arg4[%dma_start3A_171, %dma_start3A_172] : memref<100000x16xf32, #tpu.memory_space<hbm>> -> memref<100000x16xf32, #tpu.memory_space<hbm>>
      tpu.enqueue_indirect_dma source(%dma_start3A_173 : memref<100000x16xf32, #tpu.memory_space<hbm>>) target(%arg15 : memref<512x16xf32, #tpu.memory_space<vmem>>) offsets(%arg9 : memref<512xi32, #tpu.memory_space<vmem>>) semaphore(%arg17 : memref<!tpu.dma_semaphore, #tpu.memory_space<semaphore_mem>>)
      %add3A_174 = arith.constant 2 : i32
      %add3A_175 = arith.addi %add3A_161, %add3A_174 : i32
      %mul3A_176 = arith.constant 512 : i32
      %mul3A_177 = arith.muli %add3A_175, %mul3A_176 : i32
      %add3A_178 = arith.addi %mul3A_13, %mul3A_177 : i32
      "tpu.region"() ({
        %run_scoped3A = tpu.sem_alloc : memref<!tpu.dma_semaphore, #tpu.memory_space<semaphore_mem>>
        %dma_start3A_182 = tpu.memref_slice %arg2[%add3A_178] : memref<3212288xi32, #tpu.memory_space<hbm>> -> memref<512xi32, #tpu.memory_space<hbm>>
        %dma_start3A_183 = tpu.memref_slice %arg2[%add3A_178] : memref<3212288xi32, #tpu.memory_space<hbm>> -> memref<512xi32, #tpu.memory_space<hbm>>
        tpu.enqueue_dma source(%dma_start3A_183 : memref<512xi32, #tpu.memory_space<hbm>>) target(%arg10 : memref<512xi32, #tpu.memory_space<vmem>>) target_semaphore(%run_scoped3A : memref<!tpu.dma_semaphore, #tpu.memory_space<semaphore_mem>>)
        %dma_wait3A_184 = tpu.memref_slice %arg2[%add3A_178] : memref<3212288xi32, #tpu.memory_space<hbm>> -> memref<512xi32, #tpu.memory_space<hbm>>
        %dma_wait3A_185 = tpu.memref_slice %arg2[%add3A_178] : memref<3212288xi32, #tpu.memory_space<hbm>> -> memref<512xi32, #tpu.memory_space<hbm>>
        tpu.wait_dma2 semaphore(%run_scoped3A : memref<!tpu.dma_semaphore, #tpu.memory_space<semaphore_mem>>) src(%dma_wait3A_185 : memref<512xi32, #tpu.memory_space<hbm>>) dst(%arg10 : memref<512xi32, #tpu.memory_space<vmem>>)
        tpu.yield
      }) : () -> ()
      %mul3A_179 = arith.constant 512 : i32
      %mul3A_180 = arith.muli %add3A_175, %mul3A_179 : i32
      %add3A_181 = arith.addi %mul3A_13, %mul3A_180 : i32
      "tpu.region"() ({
        %run_scoped3A = tpu.sem_alloc : memref<!tpu.dma_semaphore, #tpu.memory_space<semaphore_mem>>
        %dma_start3A_182 = tpu.memref_slice %arg3[%add3A_181] : memref<3212288xi32, #tpu.memory_space<hbm>> -> memref<512xi32, #tpu.memory_space<hbm>>
        %dma_start3A_183 = tpu.memref_slice %arg3[%add3A_181] : memref<3212288xi32, #tpu.memory_space<hbm>> -> memref<512xi32, #tpu.memory_space<hbm>>
        tpu.enqueue_dma source(%dma_start3A_183 : memref<512xi32, #tpu.memory_space<hbm>>) target(%arg14 : memref<512xi32, #tpu.memory_space<vmem>>) target_semaphore(%run_scoped3A : memref<!tpu.dma_semaphore, #tpu.memory_space<semaphore_mem>>)
        %dma_wait3A_184 = tpu.memref_slice %arg3[%add3A_181] : memref<3212288xi32, #tpu.memory_space<hbm>> -> memref<512xi32, #tpu.memory_space<hbm>>
        %dma_wait3A_185 = tpu.memref_slice %arg3[%add3A_181] : memref<3212288xi32, #tpu.memory_space<hbm>> -> memref<512xi32, #tpu.memory_space<hbm>>
        tpu.wait_dma2 semaphore(%run_scoped3A : memref<!tpu.dma_semaphore, #tpu.memory_space<semaphore_mem>>) src(%dma_wait3A_185 : memref<512xi32, #tpu.memory_space<hbm>>) dst(%arg14 : memref<512xi32, #tpu.memory_space<vmem>>)
        tpu.yield
      }) : () -> ()
    }
    %while3A_79 = arith.constant 1 : i32
    scf.for %while3A_91 = %while3A_77 to %while3A_73 step %while3A_79  : i32 {
      %mul3A_92 = arith.constant 4 : i32
      %mul3A_93 = arith.muli %mul3A_92, %while3A_91 : i32
      %add3A_94 = arith.constant 2 : i32
      %add3A_95 = arith.addi %add3A_94, %mul3A_93 : i32
      %dma_wait3A_96 = arith.constant 0 : i32
      %dma_wait3A_97 = arith.constant 0 : i32
      %dma_wait3A_98 = tpu.memref_slice %arg4[%dma_wait3A_96, %dma_wait3A_97] : memref<100000x16xf32, #tpu.memory_space<hbm>> -> memref<100000x16xf32, #tpu.memory_space<hbm>>
      tpu.wait_indirect_dma semaphore(%arg17 : memref<!tpu.dma_semaphore, #tpu.memory_space<semaphore_mem>>) src(%dma_wait3A_98 : memref<100000x16xf32, #tpu.memory_space<hbm>>) dst(%arg15 : memref<512x16xf32, #tpu.memory_space<vmem>>)
      %dma_start3A_99 = arith.constant 0 : i32
      %dma_start3A_100 = arith.constant 0 : i32
      %dma_start3A_101 = tpu.memref_slice %arg21[%dma_start3A_99, %dma_start3A_100] : memref<100096x16xf32, #tpu.memory_space<vmem_shared>> -> memref<100096x16xf32, #tpu.memory_space<vmem_shared>>
      tpu.enqueue_indirect_dma source(%arg15 : memref<512x16xf32, #tpu.memory_space<vmem>>) target(%dma_start3A_101 : memref<100096x16xf32, #tpu.memory_space<vmem_shared>>) offsets(%arg13 : memref<512xi32, #tpu.memory_space<vmem>>) semaphore(%arg19 : memref<!tpu.dma_semaphore, #tpu.memory_space<semaphore_mem>>) {add = true}
      %dma_wait3A_102 = arith.constant 0 : i32
      %dma_wait3A_103 = arith.constant 0 : i32
      %dma_wait3A_104 = tpu.memref_slice %arg21[%dma_wait3A_102, %dma_wait3A_103] : memref<100096x16xf32, #tpu.memory_space<vmem_shared>> -> memref<100096x16xf32, #tpu.memory_space<vmem_shared>>
      tpu.wait_indirect_dma semaphore(%arg20 : memref<!tpu.dma_semaphore, #tpu.memory_space<semaphore_mem>>) src(%arg16 : memref<512x16xf32, #tpu.memory_space<vmem>>) dst(%dma_wait3A_104 : memref<100096x16xf32, #tpu.memory_space<vmem_shared>>)
      %dma_start3A_105 = arith.constant 0 : i32
      %dma_start3A_106 = arith.constant 0 : i32
      %dma_start3A_107 = tpu.memref_slice %arg4[%dma_start3A_105, %dma_start3A_106] : memref<100000x16xf32, #tpu.memory_space<hbm>> -> memref<100000x16xf32, #tpu.memory_space<hbm>>
      tpu.enqueue_indirect_dma source(%dma_start3A_107 : memref<100000x16xf32, #tpu.memory_space<hbm>>) target(%arg16 : memref<512x16xf32, #tpu.memory_space<vmem>>) offsets(%arg10 : memref<512xi32, #tpu.memory_space<vmem>>) semaphore(%arg18 : memref<!tpu.dma_semaphore, #tpu.memory_space<semaphore_mem>>)
      %add3A_108 = arith.constant 2 : i32
      %add3A_109 = arith.addi %add3A_95, %add3A_108 : i32
      %mul3A_110 = arith.constant 512 : i32
      %mul3A_111 = arith.muli %add3A_109, %mul3A_110 : i32
      %add3A_112 = arith.addi %mul3A_13, %mul3A_111 : i32
      "tpu.region"() ({
        %run_scoped3A = tpu.sem_alloc : memref<!tpu.dma_semaphore, #tpu.memory_space<semaphore_mem>>
        %dma_start3A_182 = tpu.memref_slice %arg2[%add3A_112] : memref<3212288xi32, #tpu.memory_space<hbm>> -> memref<512xi32, #tpu.memory_space<hbm>>
        %dma_start3A_183 = tpu.memref_slice %arg2[%add3A_112] : memref<3212288xi32, #tpu.memory_space<hbm>> -> memref<512xi32, #tpu.memory_space<hbm>>
        tpu.enqueue_dma source(%dma_start3A_183 : memref<512xi32, #tpu.memory_space<hbm>>) target(%arg7 : memref<512xi32, #tpu.memory_space<vmem>>) target_semaphore(%run_scoped3A : memref<!tpu.dma_semaphore, #tpu.memory_space<semaphore_mem>>)
        %dma_wait3A_184 = tpu.memref_slice %arg2[%add3A_112] : memref<3212288xi32, #tpu.memory_space<hbm>> -> memref<512xi32, #tpu.memory_space<hbm>>
        %dma_wait3A_185 = tpu.memref_slice %arg2[%add3A_112] : memref<3212288xi32, #tpu.memory_space<hbm>> -> memref<512xi32, #tpu.memory_space<hbm>>
        tpu.wait_dma2 semaphore(%run_scoped3A : memref<!tpu.dma_semaphore, #tpu.memory_space<semaphore_mem>>) src(%dma_wait3A_185 : memref<512xi32, #tpu.memory_space<hbm>>) dst(%arg7 : memref<512xi32, #tpu.memory_space<vmem>>)
        tpu.yield
      }) : () -> ()
      %mul3A_113 = arith.constant 512 : i32
      %mul3A_114 = arith.muli %add3A_109, %mul3A_113 : i32
      %add3A_115 = arith.addi %mul3A_13, %mul3A_114 : i32
      "tpu.region"() ({
        %run_scoped3A = tpu.sem_alloc : memref<!tpu.dma_semaphore, #tpu.memory_space<semaphore_mem>>
        %dma_start3A_182 = tpu.memref_slice %arg3[%add3A_115] : memref<3212288xi32, #tpu.memory_space<hbm>> -> memref<512xi32, #tpu.memory_space<hbm>>
        %dma_start3A_183 = tpu.memref_slice %arg3[%add3A_115] : memref<3212288xi32, #tpu.memory_space<hbm>> -> memref<512xi32, #tpu.memory_space<hbm>>
        tpu.enqueue_dma source(%dma_start3A_183 : memref<512xi32, #tpu.memory_space<hbm>>) target(%arg11 : memref<512xi32, #tpu.memory_space<vmem>>) target_semaphore(%run_scoped3A : memref<!tpu.dma_semaphore, #tpu.memory_space<semaphore_mem>>)
        %dma_wait3A_184 = tpu.memref_slice %arg3[%add3A_115] : memref<3212288xi32, #tpu.memory_space<hbm>> -> memref<512xi32, #tpu.memory_space<hbm>>
        %dma_wait3A_185 = tpu.memref_slice %arg3[%add3A_115] : memref<3212288xi32, #tpu.memory_space<hbm>> -> memref<512xi32, #tpu.memory_space<hbm>>
        tpu.wait_dma2 semaphore(%run_scoped3A : memref<!tpu.dma_semaphore, #tpu.memory_space<semaphore_mem>>) src(%dma_wait3A_185 : memref<512xi32, #tpu.memory_space<hbm>>) dst(%arg11 : memref<512xi32, #tpu.memory_space<vmem>>)
        tpu.yield
      }) : () -> ()
      %add3A_116 = arith.constant 1 : i32
      %add3A_117 = arith.addi %add3A_95, %add3A_116 : i32
      %dma_wait3A_118 = arith.constant 0 : i32
      %dma_wait3A_119 = arith.constant 0 : i32
      %dma_wait3A_120 = tpu.memref_slice %arg4[%dma_wait3A_118, %dma_wait3A_119] : memref<100000x16xf32, #tpu.memory_space<hbm>> -> memref<100000x16xf32, #tpu.memory_space<hbm>>
      tpu.wait_indirect_dma semaphore(%arg18 : memref<!tpu.dma_semaphore, #tpu.memory_space<semaphore_mem>>) src(%dma_wait3A_120 : memref<100000x16xf32, #tpu.memory_space<hbm>>) dst(%arg16 : memref<512x16xf32, #tpu.memory_space<vmem>>)
      %dma_start3A_121 = arith.constant 0 : i32
      %dma_start3A_122 = arith.constant 0 : i32
      %dma_start3A_123 = tpu.memref_slice %arg21[%dma_start3A_121, %dma_start3A_122] : memref<100096x16xf32, #tpu.memory_space<vmem_shared>> -> memref<100096x16xf32, #tpu.memory_space<vmem_shared>>
      tpu.enqueue_indirect_dma source(%arg16 : memref<512x16xf32, #tpu.memory_space<vmem>>) target(%dma_start3A_123 : memref<100096x16xf32, #tpu.memory_space<vmem_shared>>) offsets(%arg14 : memref<512xi32, #tpu.memory_space<vmem>>) semaphore(%arg20 : memref<!tpu.dma_semaphore, #tpu.memory_space<semaphore_mem>>) {add = true}
      %dma_wait3A_124 = arith.constant 0 : i32
      %dma_wait3A_125 = arith.constant 0 : i32
      %dma_wait3A_126 = tpu.memref_slice %arg21[%dma_wait3A_124, %dma_wait3A_125] : memref<100096x16xf32, #tpu.memory_space<vmem_shared>> -> memref<100096x16xf32, #tpu.memory_space<vmem_shared>>
      tpu.wait_indirect_dma semaphore(%arg19 : memref<!tpu.dma_semaphore, #tpu.memory_space<semaphore_mem>>) src(%arg15 : memref<512x16xf32, #tpu.memory_space<vmem>>) dst(%dma_wait3A_126 : memref<100096x16xf32, #tpu.memory_space<vmem_shared>>)
      %dma_start3A_127 = arith.constant 0 : i32
      %dma_start3A_128 = arith.constant 0 : i32
      %dma_start3A_129 = tpu.memref_slice %arg4[%dma_start3A_127, %dma_start3A_128] : memref<100000x16xf32, #tpu.memory_space<hbm>> -> memref<100000x16xf32, #tpu.memory_space<hbm>>
      tpu.enqueue_indirect_dma source(%dma_start3A_129 : memref<100000x16xf32, #tpu.memory_space<hbm>>) target(%arg15 : memref<512x16xf32, #tpu.memory_space<vmem>>) offsets(%arg7 : memref<512xi32, #tpu.memory_space<vmem>>) semaphore(%arg17 : memref<!tpu.dma_semaphore, #tpu.memory_space<semaphore_mem>>)
      %add3A_130 = arith.constant 2 : i32
      %add3A_131 = arith.addi %add3A_117, %add3A_130 : i32
      %mul3A_132 = arith.constant 512 : i32
      %mul3A_133 = arith.muli %add3A_131, %mul3A_132 : i32
      %add3A_134 = arith.addi %mul3A_13, %mul3A_133 : i32
      "tpu.region"() ({
        %run_scoped3A = tpu.sem_alloc : memref<!tpu.dma_semaphore, #tpu.memory_space<semaphore_mem>>
        %dma_start3A_182 = tpu.memref_slice %arg2[%add3A_134] : memref<3212288xi32, #tpu.memory_space<hbm>> -> memref<512xi32, #tpu.memory_space<hbm>>
        %dma_start3A_183 = tpu.memref_slice %arg2[%add3A_134] : memref<3212288xi32, #tpu.memory_space<hbm>> -> memref<512xi32, #tpu.memory_space<hbm>>
        tpu.enqueue_dma source(%dma_start3A_183 : memref<512xi32, #tpu.memory_space<hbm>>) target(%arg8 : memref<512xi32, #tpu.memory_space<vmem>>) target_semaphore(%run_scoped3A : memref<!tpu.dma_semaphore, #tpu.memory_space<semaphore_mem>>)
        %dma_wait3A_184 = tpu.memref_slice %arg2[%add3A_134] : memref<3212288xi32, #tpu.memory_space<hbm>> -> memref<512xi32, #tpu.memory_space<hbm>>
        %dma_wait3A_185 = tpu.memref_slice %arg2[%add3A_134] : memref<3212288xi32, #tpu.memory_space<hbm>> -> memref<512xi32, #tpu.memory_space<hbm>>
        tpu.wait_dma2 semaphore(%run_scoped3A : memref<!tpu.dma_semaphore, #tpu.memory_space<semaphore_mem>>) src(%dma_wait3A_185 : memref<512xi32, #tpu.memory_space<hbm>>) dst(%arg8 : memref<512xi32, #tpu.memory_space<vmem>>)
        tpu.yield
      }) : () -> ()
      %mul3A_135 = arith.constant 512 : i32
      %mul3A_136 = arith.muli %add3A_131, %mul3A_135 : i32
      %add3A_137 = arith.addi %mul3A_13, %mul3A_136 : i32
      "tpu.region"() ({
        %run_scoped3A = tpu.sem_alloc : memref<!tpu.dma_semaphore, #tpu.memory_space<semaphore_mem>>
        %dma_start3A_182 = tpu.memref_slice %arg3[%add3A_137] : memref<3212288xi32, #tpu.memory_space<hbm>> -> memref<512xi32, #tpu.memory_space<hbm>>
        %dma_start3A_183 = tpu.memref_slice %arg3[%add3A_137] : memref<3212288xi32, #tpu.memory_space<hbm>> -> memref<512xi32, #tpu.memory_space<hbm>>
        tpu.enqueue_dma source(%dma_start3A_183 : memref<512xi32, #tpu.memory_space<hbm>>) target(%arg12 : memref<512xi32, #tpu.memory_space<vmem>>) target_semaphore(%run_scoped3A : memref<!tpu.dma_semaphore, #tpu.memory_space<semaphore_mem>>)
        %dma_wait3A_184 = tpu.memref_slice %arg3[%add3A_137] : memref<3212288xi32, #tpu.memory_space<hbm>> -> memref<512xi32, #tpu.memory_space<hbm>>
        %dma_wait3A_185 = tpu.memref_slice %arg3[%add3A_137] : memref<3212288xi32, #tpu.memory_space<hbm>> -> memref<512xi32, #tpu.memory_space<hbm>>
        tpu.wait_dma2 semaphore(%run_scoped3A : memref<!tpu.dma_semaphore, #tpu.memory_space<semaphore_mem>>) src(%dma_wait3A_185 : memref<512xi32, #tpu.memory_space<hbm>>) dst(%arg12 : memref<512xi32, #tpu.memory_space<vmem>>)
        tpu.yield
      }) : () -> ()
      %add3A_138 = arith.constant 2 : i32
      %add3A_139 = arith.addi %add3A_95, %add3A_138 : i32
      %dma_wait3A_140 = arith.constant 0 : i32
      %dma_wait3A_141 = arith.constant 0 : i32
      %dma_wait3A_142 = tpu.memref_slice %arg4[%dma_wait3A_140, %dma_wait3A_141] : memref<100000x16xf32, #tpu.memory_space<hbm>> -> memref<100000x16xf32, #tpu.memory_space<hbm>>
      tpu.wait_indirect_dma semaphore(%arg17 : memref<!tpu.dma_semaphore, #tpu.memory_space<semaphore_mem>>) src(%dma_wait3A_142 : memref<100000x16xf32, #tpu.memory_space<hbm>>) dst(%arg15 : memref<512x16xf32, #tpu.memory_space<vmem>>)
      %dma_start3A_143 = arith.constant 0 : i32
      %dma_start3A_144 = arith.constant 0 : i32
      %dma_start3A_145 = tpu.memref_slice %arg21[%dma_start3A_143, %dma_start3A_144] : memref<100096x16xf32, #tpu.memory_space<vmem_shared>> -> memref<100096x16xf32, #tpu.memory_space<vmem_shared>>
      tpu.enqueue_indirect_dma source(%arg15 : memref<512x16xf32, #tpu.memory_space<vmem>>) target(%dma_start3A_145 : memref<100096x16xf32, #tpu.memory_space<vmem_shared>>) offsets(%arg11 : memref<512xi32, #tpu.memory_space<vmem>>) semaphore(%arg19 : memref<!tpu.dma_semaphore, #tpu.memory_space<semaphore_mem>>) {add = true}
      %dma_wait3A_146 = arith.constant 0 : i32
      %dma_wait3A_147 = arith.constant 0 : i32
      %dma_wait3A_148 = tpu.memref_slice %arg21[%dma_wait3A_146, %dma_wait3A_147] : memref<100096x16xf32, #tpu.memory_space<vmem_shared>> -> memref<100096x16xf32, #tpu.memory_space<vmem_shared>>
      tpu.wait_indirect_dma semaphore(%arg20 : memref<!tpu.dma_semaphore, #tpu.memory_space<semaphore_mem>>) src(%arg16 : memref<512x16xf32, #tpu.memory_space<vmem>>) dst(%dma_wait3A_148 : memref<100096x16xf32, #tpu.memory_space<vmem_shared>>)
      %dma_start3A_149 = arith.constant 0 : i32
      %dma_start3A_150 = arith.constant 0 : i32
      %dma_start3A_151 = tpu.memref_slice %arg4[%dma_start3A_149, %dma_start3A_150] : memref<100000x16xf32, #tpu.memory_space<hbm>> -> memref<100000x16xf32, #tpu.memory_space<hbm>>
      tpu.enqueue_indirect_dma source(%dma_start3A_151 : memref<100000x16xf32, #tpu.memory_space<hbm>>) target(%arg16 : memref<512x16xf32, #tpu.memory_space<vmem>>) offsets(%arg8 : memref<512xi32, #tpu.memory_space<vmem>>) semaphore(%arg18 : memref<!tpu.dma_semaphore, #tpu.memory_space<semaphore_mem>>)
      %add3A_152 = arith.constant 2 : i32
      %add3A_153 = arith.addi %add3A_139, %add3A_152 : i32
      %mul3A_154 = arith.constant 512 : i32
      %mul3A_155 = arith.muli %add3A_153, %mul3A_154 : i32
      %add3A_156 = arith.addi %mul3A_13, %mul3A_155 : i32
      "tpu.region"() ({
        %run_scoped3A = tpu.sem_alloc : memref<!tpu.dma_semaphore, #tpu.memory_space<semaphore_mem>>
        %dma_start3A_182 = tpu.memref_slice %arg2[%add3A_156] : memref<3212288xi32, #tpu.memory_space<hbm>> -> memref<512xi32, #tpu.memory_space<hbm>>
        %dma_start3A_183 = tpu.memref_slice %arg2[%add3A_156] : memref<3212288xi32, #tpu.memory_space<hbm>> -> memref<512xi32, #tpu.memory_space<hbm>>
        tpu.enqueue_dma source(%dma_start3A_183 : memref<512xi32, #tpu.memory_space<hbm>>) target(%arg9 : memref<512xi32, #tpu.memory_space<vmem>>) target_semaphore(%run_scoped3A : memref<!tpu.dma_semaphore, #tpu.memory_space<semaphore_mem>>)
        %dma_wait3A_184 = tpu.memref_slice %arg2[%add3A_156] : memref<3212288xi32, #tpu.memory_space<hbm>> -> memref<512xi32, #tpu.memory_space<hbm>>
        %dma_wait3A_185 = tpu.memref_slice %arg2[%add3A_156] : memref<3212288xi32, #tpu.memory_space<hbm>> -> memref<512xi32, #tpu.memory_space<hbm>>
        tpu.wait_dma2 semaphore(%run_scoped3A : memref<!tpu.dma_semaphore, #tpu.memory_space<semaphore_mem>>) src(%dma_wait3A_185 : memref<512xi32, #tpu.memory_space<hbm>>) dst(%arg9 : memref<512xi32, #tpu.memory_space<vmem>>)
        tpu.yield
      }) : () -> ()
      %mul3A_157 = arith.constant 512 : i32
      %mul3A_158 = arith.muli %add3A_153, %mul3A_157 : i32
      %add3A_159 = arith.addi %mul3A_13, %mul3A_158 : i32
      "tpu.region"() ({
        %run_scoped3A = tpu.sem_alloc : memref<!tpu.dma_semaphore, #tpu.memory_space<semaphore_mem>>
        %dma_start3A_182 = tpu.memref_slice %arg3[%add3A_159] : memref<3212288xi32, #tpu.memory_space<hbm>> -> memref<512xi32, #tpu.memory_space<hbm>>
        %dma_start3A_183 = tpu.memref_slice %arg3[%add3A_159] : memref<3212288xi32, #tpu.memory_space<hbm>> -> memref<512xi32, #tpu.memory_space<hbm>>
        tpu.enqueue_dma source(%dma_start3A_183 : memref<512xi32, #tpu.memory_space<hbm>>) target(%arg13 : memref<512xi32, #tpu.memory_space<vmem>>) target_semaphore(%run_scoped3A : memref<!tpu.dma_semaphore, #tpu.memory_space<semaphore_mem>>)
        %dma_wait3A_184 = tpu.memref_slice %arg3[%add3A_159] : memref<3212288xi32, #tpu.memory_space<hbm>> -> memref<512xi32, #tpu.memory_space<hbm>>
        %dma_wait3A_185 = tpu.memref_slice %arg3[%add3A_159] : memref<3212288xi32, #tpu.memory_space<hbm>> -> memref<512xi32, #tpu.memory_space<hbm>>
        tpu.wait_dma2 semaphore(%run_scoped3A : memref<!tpu.dma_semaphore, #tpu.memory_space<semaphore_mem>>) src(%dma_wait3A_185 : memref<512xi32, #tpu.memory_space<hbm>>) dst(%arg13 : memref<512xi32, #tpu.memory_space<vmem>>)
        tpu.yield
      }) : () -> ()
      %add3A_160 = arith.constant 3 : i32
      %add3A_161 = arith.addi %add3A_95, %add3A_160 : i32
      %dma_wait3A_162 = arith.constant 0 : i32
      %dma_wait3A_163 = arith.constant 0 : i32
      %dma_wait3A_164 = tpu.memref_slice %arg4[%dma_wait3A_162, %dma_wait3A_163] : memref<100000x16xf32, #tpu.memory_space<hbm>> -> memref<100000x16xf32, #tpu.memory_space<hbm>>
      tpu.wait_indirect_dma semaphore(%arg18 : memref<!tpu.dma_semaphore, #tpu.memory_space<semaphore_mem>>) src(%dma_wait3A_164 : memref<100000x16xf32, #tpu.memory_space<hbm>>) dst(%arg16 : memref<512x16xf32, #tpu.memory_space<vmem>>)
      %dma_start3A_165 = arith.constant 0 : i32
      %dma_start3A_166 = arith.constant 0 : i32
      %dma_start3A_167 = tpu.memref_slice %arg21[%dma_start3A_165, %dma_start3A_166] : memref<100096x16xf32, #tpu.memory_space<vmem_shared>> -> memref<100096x16xf32, #tpu.memory_space<vmem_shared>>
      tpu.enqueue_indirect_dma source(%arg16 : memref<512x16xf32, #tpu.memory_space<vmem>>) target(%dma_start3A_167 : memref<100096x16xf32, #tpu.memory_space<vmem_shared>>) offsets(%arg12 : memref<512xi32, #tpu.memory_space<vmem>>) semaphore(%arg20 : memref<!tpu.dma_semaphore, #tpu.memory_space<semaphore_mem>>) {add = true}
      %dma_wait3A_168 = arith.constant 0 : i32
      %dma_wait3A_169 = arith.constant 0 : i32
      %dma_wait3A_170 = tpu.memref_slice %arg21[%dma_wait3A_168, %dma_wait3A_169] : memref<100096x16xf32, #tpu.memory_space<vmem_shared>> -> memref<100096x16xf32, #tpu.memory_space<vmem_shared>>
      tpu.wait_indirect_dma semaphore(%arg19 : memref<!tpu.dma_semaphore, #tpu.memory_space<semaphore_mem>>) src(%arg15 : memref<512x16xf32, #tpu.memory_space<vmem>>) dst(%dma_wait3A_170 : memref<100096x16xf32, #tpu.memory_space<vmem_shared>>)
      %dma_start3A_171 = arith.constant 0 : i32
      %dma_start3A_172 = arith.constant 0 : i32
      %dma_start3A_173 = tpu.memref_slice %arg4[%dma_start3A_171, %dma_start3A_172] : memref<100000x16xf32, #tpu.memory_space<hbm>> -> memref<100000x16xf32, #tpu.memory_space<hbm>>
      tpu.enqueue_indirect_dma source(%dma_start3A_173 : memref<100000x16xf32, #tpu.memory_space<hbm>>) target(%arg15 : memref<512x16xf32, #tpu.memory_space<vmem>>) offsets(%arg9 : memref<512xi32, #tpu.memory_space<vmem>>) semaphore(%arg17 : memref<!tpu.dma_semaphore, #tpu.memory_space<semaphore_mem>>)
      %add3A_174 = arith.constant 2 : i32
      %add3A_175 = arith.addi %add3A_161, %add3A_174 : i32
      %mul3A_176 = arith.constant 512 : i32
      %mul3A_177 = arith.muli %add3A_175, %mul3A_176 : i32
      %add3A_178 = arith.addi %mul3A_13, %mul3A_177 : i32
      "tpu.region"() ({
        %run_scoped3A = tpu.sem_alloc : memref<!tpu.dma_semaphore, #tpu.memory_space<semaphore_mem>>
        %dma_start3A_182 = tpu.memref_slice %arg2[%add3A_178] : memref<3212288xi32, #tpu.memory_space<hbm>> -> memref<512xi32, #tpu.memory_space<hbm>>
        %dma_start3A_183 = tpu.memref_slice %arg2[%add3A_178] : memref<3212288xi32, #tpu.memory_space<hbm>> -> memref<512xi32, #tpu.memory_space<hbm>>
        tpu.enqueue_dma source(%dma_start3A_183 : memref<512xi32, #tpu.memory_space<hbm>>) target(%arg10 : memref<512xi32, #tpu.memory_space<vmem>>) target_semaphore(%run_scoped3A : memref<!tpu.dma_semaphore, #tpu.memory_space<semaphore_mem>>)
        %dma_wait3A_184 = tpu.memref_slice %arg2[%add3A_178] : memref<3212288xi32, #tpu.memory_space<hbm>> -> memref<512xi32, #tpu.memory_space<hbm>>
        %dma_wait3A_185 = tpu.memref_slice %arg2[%add3A_178] : memref<3212288xi32, #tpu.memory_space<hbm>> -> memref<512xi32, #tpu.memory_space<hbm>>
        tpu.wait_dma2 semaphore(%run_scoped3A : memref<!tpu.dma_semaphore, #tpu.memory_space<semaphore_mem>>) src(%dma_wait3A_185 : memref<512xi32, #tpu.memory_space<hbm>>) dst(%arg10 : memref<512xi32, #tpu.memory_space<vmem>>)
        tpu.yield
      }) : () -> ()
      %mul3A_179 = arith.constant 512 : i32
      %mul3A_180 = arith.muli %add3A_175, %mul3A_179 : i32
      %add3A_181 = arith.addi %mul3A_13, %mul3A_180 : i32
      "tpu.region"() ({
        %run_scoped3A = tpu.sem_alloc : memref<!tpu.dma_semaphore, #tpu.memory_space<semaphore_mem>>
        %dma_start3A_182 = tpu.memref_slice %arg3[%add3A_181] : memref<3212288xi32, #tpu.memory_space<hbm>> -> memref<512xi32, #tpu.memory_space<hbm>>
        %dma_start3A_183 = tpu.memref_slice %arg3[%add3A_181] : memref<3212288xi32, #tpu.memory_space<hbm>> -> memref<512xi32, #tpu.memory_space<hbm>>
        tpu.enqueue_dma source(%dma_start3A_183 : memref<512xi32, #tpu.memory_space<hbm>>) target(%arg14 : memref<512xi32, #tpu.memory_space<vmem>>) target_semaphore(%run_scoped3A : memref<!tpu.dma_semaphore, #tpu.memory_space<semaphore_mem>>)
        %dma_wait3A_184 = tpu.memref_slice %arg3[%add3A_181] : memref<3212288xi32, #tpu.memory_space<hbm>> -> memref<512xi32, #tpu.memory_space<hbm>>
        %dma_wait3A_185 = tpu.memref_slice %arg3[%add3A_181] : memref<3212288xi32, #tpu.memory_space<hbm>> -> memref<512xi32, #tpu.memory_space<hbm>>
        tpu.wait_dma2 semaphore(%run_scoped3A : memref<!tpu.dma_semaphore, #tpu.memory_space<semaphore_mem>>) src(%dma_wait3A_185 : memref<512xi32, #tpu.memory_space<hbm>>) dst(%arg14 : memref<512xi32, #tpu.memory_space<vmem>>)
        tpu.yield
      }) : () -> ()
    }
    %dma_wait3A_80 = arith.constant 0 : i32
    %dma_wait3A_81 = arith.constant 0 : i32
    %dma_wait3A_82 = tpu.memref_slice %arg4[%dma_wait3A_80, %dma_wait3A_81] : memref<100000x16xf32, #tpu.memory_space<hbm>> -> memref<100000x16xf32, #tpu.memory_space<hbm>>
    tpu.wait_indirect_dma semaphore(%arg17 : memref<!tpu.dma_semaphore, #tpu.memory_space<semaphore_mem>>) src(%dma_wait3A_82 : memref<100000x16xf32, #tpu.memory_space<hbm>>) dst(%arg15 : memref<512x16xf32, #tpu.memory_space<vmem>>)
    %dma_wait3A_83 = arith.constant 0 : i32
    %dma_wait3A_84 = arith.constant 0 : i32
    %dma_wait3A_85 = tpu.memref_slice %arg21[%dma_wait3A_83, %dma_wait3A_84] : memref<100096x16xf32, #tpu.memory_space<vmem_shared>> -> memref<100096x16xf32, #tpu.memory_space<vmem_shared>>
    tpu.wait_indirect_dma semaphore(%arg20 : memref<!tpu.dma_semaphore, #tpu.memory_space<semaphore_mem>>) src(%arg16 : memref<512x16xf32, #tpu.memory_space<vmem>>) dst(%dma_wait3A_85 : memref<100096x16xf32, #tpu.memory_space<vmem_shared>>)
    %barrier3A_86 = arith.constant 0 : index
    tpu.barrier barrier_id(%barrier3A_86)
    %mul3A_87 = arith.constant 6256 : i32
    %mul3A_88 = arith.muli %arg1, %mul3A_87 : i32
    %mul3A_89 = arith.constant 6256 : i32
    %mul3A_90 = arith.muli %arg1, %mul3A_89 : i32
    "tpu.region"() ({
      %run_scoped3A = tpu.sem_alloc : memref<!tpu.dma_semaphore, #tpu.memory_space<semaphore_mem>>
      %dma_start3A_91 = arith.constant 0 : i32
      %dma_start3A_92 = arith.constant 0 : i32
      %dma_start3A_93 = tpu.memref_slice %arg6[%arg0, %dma_start3A_91, %dma_start3A_92] : memref<2x100096x16xf32, #tpu.memory_space<hbm>> -> memref<1x100096x16xf32, #tpu.memory_space<hbm>>
      %dma_start3A_94 = tpu.memref_squeeze %dma_start3A_93 : memref<1x100096x16xf32, #tpu.memory_space<hbm>> -> memref<100096x16xf32, #tpu.memory_space<hbm>>
      %dma_start3A_95 = arith.constant 0 : i32
      %dma_start3A_96 = tpu.memref_slice %dma_start3A_94[%mul3A_90, %dma_start3A_95] : memref<100096x16xf32, #tpu.memory_space<hbm>> -> memref<6256x16xf32, #tpu.memory_space<hbm>>
      %dma_start3A_97 = arith.constant 0 : i32
      %dma_start3A_98 = tpu.memref_slice %arg21[%mul3A_88, %dma_start3A_97] : memref<100096x16xf32, #tpu.memory_space<vmem_shared>> -> memref<6256x16xf32, #tpu.memory_space<vmem_shared>>
      tpu.enqueue_dma source(%dma_start3A_98 : memref<6256x16xf32, #tpu.memory_space<vmem_shared>>) target(%dma_start3A_96 : memref<6256x16xf32, #tpu.memory_space<hbm>>) target_semaphore(%run_scoped3A : memref<!tpu.dma_semaphore, #tpu.memory_space<semaphore_mem>>)
      %dma_wait3A_99 = arith.constant 0 : i32
      %dma_wait3A_100 = arith.constant 0 : i32
      %dma_wait3A_101 = tpu.memref_slice %arg6[%arg0, %dma_wait3A_99, %dma_wait3A_100] : memref<2x100096x16xf32, #tpu.memory_space<hbm>> -> memref<1x100096x16xf32, #tpu.memory_space<hbm>>
      %dma_wait3A_102 = tpu.memref_squeeze %dma_wait3A_101 : memref<1x100096x16xf32, #tpu.memory_space<hbm>> -> memref<100096x16xf32, #tpu.memory_space<hbm>>
      %dma_wait3A_103 = arith.constant 0 : i32
      %dma_wait3A_104 = tpu.memref_slice %dma_wait3A_102[%mul3A_90, %dma_wait3A_103] : memref<100096x16xf32, #tpu.memory_space<hbm>> -> memref<6256x16xf32, #tpu.memory_space<hbm>>
      %dma_wait3A_105 = arith.constant 0 : i32
      %dma_wait3A_106 = tpu.memref_slice %arg21[%mul3A_88, %dma_wait3A_105] : memref<100096x16xf32, #tpu.memory_space<vmem_shared>> -> memref<6256x16xf32, #tpu.memory_space<vmem_shared>>
      tpu.wait_dma2 semaphore(%run_scoped3A : memref<!tpu.dma_semaphore, #tpu.memory_space<semaphore_mem>>) src(%dma_wait3A_106 : memref<6256x16xf32, #tpu.memory_space<vmem_shared>>) dst(%dma_wait3A_104 : memref<6256x16xf32, #tpu.memory_space<hbm>>)
      tpu.yield
    }) : () -> ()
    return
  }
}

module attributes {stable_mosaic.version = 14 : i64} {
  func.func @_prep_body(%arg0: i32, %arg1: memref<2x3128x128xf32, #tpu.memory_space<vmem>>, %arg2: memref<3128x128xf32, #tpu.memory_space<vmem>>, %arg3: memref<128x128xf32, #tpu.memory_space<vmem>>, %arg4: memref<3128x128xf32, #tpu.memory_space<vmem>>, %arg5: memref<3128x128xf32, #tpu.memory_space<vmem>>) attributes {dimension_semantics = [#tpu.dimension_semantics<arbitrary>], iteration_bounds = array<i64: 4>, scalar_prefetch = 0 : i64, scratch_operands = 0 : i64, tpu.core_type = #tpu.core_type<tc>, window_params = [{transform_indices = @transform_0, window_bounds = array<i64: 2, 3128, 128>}, {transform_indices = @transform_1, window_bounds = array<i64: 3128, 128>}, {pipeline_mode = #tpu.pipeline_mode<synchronous>, transform_indices = @transform_2, window_bounds = array<i64: 128, 128>}, {transform_indices = @transform_3, window_bounds = array<i64: 3128, 128>}, {transform_indices = @transform_4, window_bounds = array<i64: 3128, 128>}]} {
    %get3A = arith.constant 0 : index
    %get3A_0 = arith.constant 0 : index
    %get3A_1 = arith.constant 0 : index
    %get3A_2 = vector.load %arg1[%get3A, %get3A_0, %get3A_1] : memref<2x3128x128xf32, #tpu.memory_space<vmem>>, vector<1x3128x128xf32>
    %get3A_3 = vector.shape_cast %get3A_2 : vector<1x3128x128xf32> to vector<3128x128xf32>
    %get3A_4 = arith.constant 1 : index
    %get3A_5 = arith.constant 0 : index
    %get3A_6 = arith.constant 0 : index
    %get3A_7 = vector.load %arg1[%get3A_4, %get3A_5, %get3A_6] : memref<2x3128x128xf32, #tpu.memory_space<vmem>>, vector<1x3128x128xf32>
    %get3A_8 = vector.shape_cast %get3A_7 : vector<1x3128x128xf32> to vector<3128x128xf32>
    %add3A = arith.addf %get3A_3, %get3A_8 : vector<3128x128xf32>
    %add3A_9 = arith.constant 1.000000e+00 : f32
    %add3A_10 = vector.broadcast %add3A_9 : f32 to vector<3128x128xf32>
    %add3A_11 = arith.addf %add3A, %add3A_10 : vector<3128x128xf32>
    %rsqrt3A = math.rsqrt %add3A_11 : vector<3128x128xf32>
    %swap3A = arith.constant 0 : index
    %swap3A_12 = arith.constant 0 : index
    %swap3A_13 = vector.load %arg4[%swap3A, %swap3A_12] : memref<3128x128xf32, #tpu.memory_space<vmem>>, vector<3128x128xf32>
    tpu.vector_store %arg4[%swap3A, %swap3A_12], %rsqrt3A {strides = array<i32>} : memref<3128x128xf32, #tpu.memory_space<vmem>>, vector<3128x128xf32>,
    %get3A_14 = arith.constant 0 : index
    %get3A_15 = arith.constant 0 : index
    %get3A_16 = vector.load %arg2[%get3A_14, %get3A_15] : memref<3128x128xf32, #tpu.memory_space<vmem>>, vector<3128x128xf32>
    %get3A_17 = arith.constant 0 : index
    %get3A_18 = arith.constant 0 : index
    %get3A_19 = vector.load %arg3[%get3A_17, %get3A_18] : memref<128x128xf32, #tpu.memory_space<vmem>>, vector<128x128xf32>
    %dot_general3A = arith.constant dense<0.000000e+00> : vector<3128x128xf32>
    %dot_general3A_20 = tpu.matmul %get3A_16, %get3A_19, %dot_general3A {dimension_numbers = #tpu.dot_dimension_numbers<[1], [0], [0], [1], [0, 0, 1, 1], [], []>, transpose_lhs_hint = false} : vector<3128x128xf32>, vector<128x128xf32>, vector<3128x128xf32> -> vector<3128x128xf32>
    %mul3A = arith.mulf %rsqrt3A, %dot_general3A_20 : vector<3128x128xf32>
    %swap3A_21 = arith.constant 0 : index
    %swap3A_22 = arith.constant 0 : index
    %swap3A_23 = vector.load %arg5[%swap3A_21, %swap3A_22] : memref<3128x128xf32, #tpu.memory_space<vmem>>, vector<3128x128xf32>
    tpu.vector_store %arg5[%swap3A_21, %swap3A_22], %mul3A {strides = array<i32>} : memref<3128x128xf32, #tpu.memory_space<vmem>>, vector<3128x128xf32>,
    return
  }
  func.func @transform_0(%arg0: i32) -> (i32, i32, i32) {
    %c0_i32 = arith.constant 0 : i32
    %c0_i32_0 = arith.constant 0 : i32
    %c0_i32_1 = arith.constant 0 : i32
    return %c0_i32, %arg0, %c0_i32_0 : i32, i32, i32
  }
  func.func @transform_1(%arg0: i32) -> (i32, i32) {
    %c0_i32 = arith.constant 0 : i32
    %c0_i32_0 = arith.constant 0 : i32
    return %arg0, %c0_i32 : i32, i32
  }
  func.func @transform_2(%arg0: i32) -> (i32, i32) {
    %c0_i32 = arith.constant 0 : i32
    %c0_i32_0 = arith.constant 0 : i32
    %c0_i32_1 = arith.constant 0 : i32
    return %c0_i32, %c0_i32_0 : i32, i32
  }
  func.func @transform_3(%arg0: i32) -> (i32, i32) {
    %c0_i32 = arith.constant 0 : i32
    %c0_i32_0 = arith.constant 0 : i32
    return %arg0, %c0_i32 : i32, i32
  }
  func.func @transform_4(%arg0: i32) -> (i32, i32) {
    %c0_i32 = arith.constant 0 : i32
    %c0_i32_0 = arith.constant 0 : i32
    return %arg0, %c0_i32 : i32, i32
  }
}

module attributes {stable_mosaic.version = 14 : i64} {
  func.func @_layer_body(%arg0: i32, %arg1: memref<2x3128x128xf32, #tpu.memory_space<vmem>>, %arg2: memref<3128x128xf32, #tpu.memory_space<vmem>>, %arg3: memref<3128x128xf32, #tpu.memory_space<vmem>>, %arg4: memref<1x128xf32, #tpu.memory_space<vmem>>, %arg5: memref<128x128xf32, #tpu.memory_space<vmem>>, %arg6: memref<3128x128xf32, #tpu.memory_space<vmem>>) attributes {dimension_semantics = [#tpu.dimension_semantics<arbitrary>], iteration_bounds = array<i64: 4>, scalar_prefetch = 0 : i64, scratch_operands = 0 : i64, tpu.core_type = #tpu.core_type<tc>, window_params = [{transform_indices = @transform_0, window_bounds = array<i64: 2, 3128, 128>}, {transform_indices = @transform_1, window_bounds = array<i64: 3128, 128>}, {transform_indices = @transform_2, window_bounds = array<i64: 3128, 128>}, {pipeline_mode = #tpu.pipeline_mode<synchronous>, transform_indices = @transform_3, window_bounds = array<i64: 1, 128>}, {pipeline_mode = #tpu.pipeline_mode<synchronous>, transform_indices = @transform_4, window_bounds = array<i64: 128, 128>}, {transform_indices = @transform_5, window_bounds = array<i64: 3128, 128>}]} {
    %get3A = arith.constant 0 : index
    %get3A_0 = arith.constant 0 : index
    %get3A_1 = arith.constant 0 : index
    %get3A_2 = vector.load %arg1[%get3A, %get3A_0, %get3A_1] : memref<2x3128x128xf32, #tpu.memory_space<vmem>>, vector<1x3128x128xf32>
    %get3A_3 = vector.shape_cast %get3A_2 : vector<1x3128x128xf32> to vector<3128x128xf32>
    %get3A_4 = arith.constant 1 : index
    %get3A_5 = arith.constant 0 : index
    %get3A_6 = arith.constant 0 : index
    %get3A_7 = vector.load %arg1[%get3A_4, %get3A_5, %get3A_6] : memref<2x3128x128xf32, #tpu.memory_space<vmem>>, vector<1x3128x128xf32>
    %get3A_8 = vector.shape_cast %get3A_7 : vector<1x3128x128xf32> to vector<3128x128xf32>
    %add3A = arith.addf %get3A_3, %get3A_8 : vector<3128x128xf32>
    %get3A_9 = arith.constant 0 : index
    %get3A_10 = arith.constant 0 : index
    %get3A_11 = vector.load %arg2[%get3A_9, %get3A_10] : memref<3128x128xf32, #tpu.memory_space<vmem>>, vector<3128x128xf32>
    %add3A_12 = arith.addf %add3A, %get3A_11 : vector<3128x128xf32>
    %get3A_13 = arith.constant 0 : index
    %get3A_14 = arith.constant 0 : index
    %get3A_15 = vector.load %arg3[%get3A_13, %get3A_14] : memref<3128x128xf32, #tpu.memory_space<vmem>>, vector<3128x128xf32>
    %mul3A = arith.mulf %get3A_15, %add3A_12 : vector<3128x128xf32>
    %get3A_16 = arith.constant 0 : index
    %get3A_17 = arith.constant 0 : index
    %get3A_18 = vector.load %arg4[%get3A_16, %get3A_17] : memref<1x128xf32, #tpu.memory_space<vmem>>, vector<1x128xf32>
    %add3A_19 = vector.broadcast %get3A_18 : vector<1x128xf32> to vector<3128x128xf32>
    %add3A_20 = arith.addf %mul3A, %add3A_19 : vector<3128x128xf32>
    %max3A = arith.constant 0.000000e+00 : f32
    %max3A_21 = vector.broadcast %max3A : f32 to vector<3128x128xf32>
    %max3A_22 = arith.maximumf %add3A_20, %max3A_21 : vector<3128x128xf32>
    %get3A_23 = arith.constant 0 : index
    %get3A_24 = arith.constant 0 : index
    %get3A_25 = vector.load %arg3[%get3A_23, %get3A_24] : memref<3128x128xf32, #tpu.memory_space<vmem>>, vector<3128x128xf32>
    %get3A_26 = arith.constant 0 : index
    %get3A_27 = arith.constant 0 : index
    %get3A_28 = vector.load %arg5[%get3A_26, %get3A_27] : memref<128x128xf32, #tpu.memory_space<vmem>>, vector<128x128xf32>
    %dot_general3A = arith.constant dense<0.000000e+00> : vector<3128x128xf32>
    %dot_general3A_29 = tpu.matmul %max3A_22, %get3A_28, %dot_general3A {dimension_numbers = #tpu.dot_dimension_numbers<[1], [0], [0], [1], [0, 0, 1, 1], [], []>, transpose_lhs_hint = false} : vector<3128x128xf32>, vector<128x128xf32>, vector<3128x128xf32> -> vector<3128x128xf32>
    %mul3A_30 = arith.mulf %get3A_25, %dot_general3A_29 : vector<3128x128xf32>
    %swap3A = arith.constant 0 : index
    %swap3A_31 = arith.constant 0 : index
    %swap3A_32 = vector.load %arg6[%swap3A, %swap3A_31] : memref<3128x128xf32, #tpu.memory_space<vmem>>, vector<3128x128xf32>
    tpu.vector_store %arg6[%swap3A, %swap3A_31], %mul3A_30 {strides = array<i32>} : memref<3128x128xf32, #tpu.memory_space<vmem>>, vector<3128x128xf32>,
    return
  }
  func.func @transform_0(%arg0: i32) -> (i32, i32, i32) {
    %c0_i32 = arith.constant 0 : i32
    %c0_i32_0 = arith.constant 0 : i32
    %c0_i32_1 = arith.constant 0 : i32
    return %c0_i32, %arg0, %c0_i32_0 : i32, i32, i32
  }
  func.func @transform_1(%arg0: i32) -> (i32, i32) {
    %c0_i32 = arith.constant 0 : i32
    %c0_i32_0 = arith.constant 0 : i32
    return %arg0, %c0_i32 : i32, i32
  }
  func.func @transform_2(%arg0: i32) -> (i32, i32) {
    %c0_i32 = arith.constant 0 : i32
    %c0_i32_0 = arith.constant 0 : i32
    return %arg0, %c0_i32 : i32, i32
  }
  func.func @transform_3(%arg0: i32) -> (i32, i32) {
    %c0_i32 = arith.constant 0 : i32
    %c0_i32_0 = arith.constant 0 : i32
    %c0_i32_1 = arith.constant 0 : i32
    return %c0_i32, %c0_i32_0 : i32, i32
  }
  func.func @transform_4(%arg0: i32) -> (i32, i32) {
    %c0_i32 = arith.constant 0 : i32
    %c0_i32_0 = arith.constant 0 : i32
    %c0_i32_1 = arith.constant 0 : i32
    return %c0_i32, %c0_i32_0 : i32, i32
  }
  func.func @transform_5(%arg0: i32) -> (i32, i32) {
    %c0_i32 = arith.constant 0 : i32
    %c0_i32_0 = arith.constant 0 : i32
    return %arg0, %c0_i32 : i32, i32
  }
}

module attributes {stable_mosaic.version = 14 : i64} {
  func.func @_final_body(%arg0: i32, %arg1: memref<2x3128x128xf32, #tpu.memory_space<vmem>>, %arg2: memref<3128x128xf32, #tpu.memory_space<vmem>>, %arg3: memref<3128x128xf32, #tpu.memory_space<vmem>>, %arg4: memref<1x128xf32, #tpu.memory_space<vmem>>, %arg5: memref<3128x8xi32, #tpu.memory_space<vmem>>, %arg6: memref<16x2xf32, #tpu.memory_space<vmem>>, %arg7: memref<1x2xf32, #tpu.memory_space<vmem>>, %arg8: memref<64x2xf32, #tpu.memory_space<vmem>>, %arg9: memref<64x32xf32, #tpu.memory_space<vmem>>) attributes {dimension_semantics = [#tpu.dimension_semantics<arbitrary>], iteration_bounds = array<i64: 4>, scalar_prefetch = 0 : i64, scratch_operands = 1 : i64, tpu.core_type = #tpu.core_type<tc>, window_params = [{transform_indices = @transform_0, window_bounds = array<i64: 2, 3128, 128>}, {transform_indices = @transform_1, window_bounds = array<i64: 3128, 128>}, {transform_indices = @transform_2, window_bounds = array<i64: 3128, 128>}, {pipeline_mode = #tpu.pipeline_mode<synchronous>, transform_indices = @transform_3, window_bounds = array<i64: 1, 128>}, {transform_indices = @transform_4, window_bounds = array<i64: 3128, 8>}, {pipeline_mode = #tpu.pipeline_mode<synchronous>, transform_indices = @transform_5, window_bounds = array<i64: 16, 2>}, {pipeline_mode = #tpu.pipeline_mode<synchronous>, transform_indices = @transform_6, window_bounds = array<i64: 1, 2>}, {pipeline_mode = #tpu.pipeline_mode<synchronous>, transform_indices = @transform_7, window_bounds = array<i64: 64, 2>}]} {
    %get3A = arith.constant 0 : index
    %get3A_0 = arith.constant 0 : index
    %get3A_1 = arith.constant 0 : index
    %get3A_2 = vector.load %arg1[%get3A, %get3A_0, %get3A_1] : memref<2x3128x128xf32, #tpu.memory_space<vmem>>, vector<1x3128x128xf32>
    %get3A_3 = vector.shape_cast %get3A_2 : vector<1x3128x128xf32> to vector<3128x128xf32>
    %get3A_4 = arith.constant 1 : index
    %get3A_5 = arith.constant 0 : index
    %get3A_6 = arith.constant 0 : index
    %get3A_7 = vector.load %arg1[%get3A_4, %get3A_5, %get3A_6] : memref<2x3128x128xf32, #tpu.memory_space<vmem>>, vector<1x3128x128xf32>
    %get3A_8 = vector.shape_cast %get3A_7 : vector<1x3128x128xf32> to vector<3128x128xf32>
    %add3A = arith.addf %get3A_3, %get3A_8 : vector<3128x128xf32>
    %get3A_9 = arith.constant 0 : index
    %get3A_10 = arith.constant 0 : index
    %get3A_11 = vector.load %arg2[%get3A_9, %get3A_10] : memref<3128x128xf32, #tpu.memory_space<vmem>>, vector<3128x128xf32>
    %add3A_12 = arith.addf %add3A, %get3A_11 : vector<3128x128xf32>
    %get3A_13 = arith.constant 0 : index
    %get3A_14 = arith.constant 0 : index
    %get3A_15 = vector.load %arg3[%get3A_13, %get3A_14] : memref<3128x128xf32, #tpu.memory_space<vmem>>, vector<3128x128xf32>
    %mul3A = arith.mulf %get3A_15, %add3A_12 : vector<3128x128xf32>
    %get3A_16 = arith.constant 0 : index
    %get3A_17 = arith.constant 0 : index
    %get3A_18 = vector.load %arg4[%get3A_16, %get3A_17] : memref<1x128xf32, #tpu.memory_space<vmem>>, vector<1x128xf32>
    %add3A_19 = vector.broadcast %get3A_18 : vector<1x128xf32> to vector<3128x128xf32>
    %add3A_20 = arith.addf %mul3A, %add3A_19 : vector<3128x128xf32>
    %max3A = arith.constant 0.000000e+00 : f32
    %max3A_21 = vector.broadcast %max3A : f32 to vector<3128x128xf32>
    %max3A_22 = arith.maximumf %add3A_20, %max3A_21 : vector<3128x128xf32>
    %iota3A = tpu.iota {dimensions = array<i32: 0>} : vector<3128x1xi32>
    %mul3A_23 = arith.constant 3128 : i32
    %mul3A_24 = arith.muli %arg0, %mul3A_23 : i32
    %add3A_25 = vector.broadcast %mul3A_24 : i32 to vector<3128x1xi32>
    %add3A_26 = arith.addi %iota3A, %add3A_25 : vector<3128x1xi32>
    %lt3A = arith.constant 12500 : i32
    %lt3A_27 = vector.broadcast %lt3A : i32 to vector<3128x1xi32>
    %lt3A_28 = arith.cmpi slt, %add3A_26, %lt3A_27 : vector<3128x1xi32>
    %jit3A = arith.constant 0.000000e+00 : f32
    %broadcast_in_dim3A = vector.shape_cast %lt3A_28 : vector<3128x1xi1> to vector<3128x1xi1>
    %broadcast_in_dim3A_29 = vector.broadcast %broadcast_in_dim3A : vector<3128x1xi1> to vector<3128x128xi1>
    %broadcast_in_dim3A_30 = vector.broadcast %jit3A : f32 to vector<3128x128xf32>
    %select_n3A = arith.select %broadcast_in_dim3A_29, %max3A_22, %broadcast_in_dim3A_30 : vector<3128x128xi1>, vector<3128x128xf32>
    %iota3A_31 = tpu.iota {dimensions = array<i32: 1>} : vector<1x64xi32>
    %broadcast_in_dim3A_32 = arith.constant 1.000000e+00 : f32
    %broadcast_in_dim3A_33 = vector.broadcast %broadcast_in_dim3A_32 : f32 to vector<3128x16xf32>
    %broadcast_in_dim3A_34 = arith.constant 0.000000e+00 : f32
    %broadcast_in_dim3A_35 = vector.broadcast %broadcast_in_dim3A_34 : f32 to vector<64x32xf32>
    %get3A_36 = arith.constant 0 : index
    %get3A_37 = arith.constant 0 : index
    %get3A_38 = vector.load %arg5[%get3A_36, %get3A_37] : memref<3128x8xi32, #tpu.memory_space<vmem>>, vector<3128x1xi32>
    %eq3A = vector.broadcast %get3A_38 : vector<3128x1xi32> to vector<3128x64xi32>
    %eq3A_39 = vector.broadcast %iota3A_31 : vector<1x64xi32> to vector<3128x64xi32>
    %eq3A_40 = arith.cmpi eq, %eq3A, %eq3A_39 : vector<3128x64xi32>
    %convert_element_type3A = arith.extui %eq3A_40 : vector<3128x64xi1> to vector<3128x64xi32>
    %convert_element_type3A_41 = arith.sitofp %convert_element_type3A : vector<3128x64xi32> to vector<3128x64xf32>
    %slice3A = vector.extract_strided_slice %select_n3A {offsets = [0, 0], sizes = [3128, 16], strides = [1, 1]} : vector<3128x128xf32> to vector<3128x16xf32>
    %concatenate3A = tpu.concatenate %slice3A, %broadcast_in_dim3A_33 in 1 : vector<3128x16xf32>, vector<3128x16xf32> -> vector<3128x32xf32>
    %dot_general3A = arith.constant dense<0.000000e+00> : vector<64x32xf32>
    %dot_general3A_42 = tpu.matmul %convert_element_type3A_41, %concatenate3A, %dot_general3A {dimension_numbers = #tpu.dot_dimension_numbers<[0], [0], [1], [1], [0, 1, 1, 1], [], []>, transpose_lhs_hint = false} : vector<3128x64xf32>, vector<3128x32xf32>, vector<64x32xf32> -> vector<64x32xf32>
    %add3A_43 = arith.addf %broadcast_in_dim3A_35, %dot_general3A_42 : vector<64x32xf32>
    %get3A_44 = arith.constant 0 : index
    %get3A_45 = arith.constant 1 : index
    %get3A_46 = vector.load %arg5[%get3A_44, %get3A_45] : memref<3128x8xi32, #tpu.memory_space<vmem>>, vector<3128x1xi32>
    %eq3A_47 = vector.broadcast %get3A_46 : vector<3128x1xi32> to vector<3128x64xi32>
    %eq3A_48 = vector.broadcast %iota3A_31 : vector<1x64xi32> to vector<3128x64xi32>
    %eq3A_49 = arith.cmpi eq, %eq3A_47, %eq3A_48 : vector<3128x64xi32>
    %convert_element_type3A_50 = arith.extui %eq3A_49 : vector<3128x64xi1> to vector<3128x64xi32>
    %convert_element_type3A_51 = arith.sitofp %convert_element_type3A_50 : vector<3128x64xi32> to vector<3128x64xf32>
    %slice3A_52 = vector.extract_strided_slice %select_n3A {offsets = [0, 16], sizes = [3128, 16], strides = [1, 1]} : vector<3128x128xf32> to vector<3128x16xf32>
    %concatenate3A_53 = tpu.concatenate %slice3A_52, %broadcast_in_dim3A_33 in 1 : vector<3128x16xf32>, vector<3128x16xf32> -> vector<3128x32xf32>
    %dot_general3A_54 = arith.constant dense<0.000000e+00> : vector<64x32xf32>
    %dot_general3A_55 = tpu.matmul %convert_element_type3A_51, %concatenate3A_53, %dot_general3A_54 {dimension_numbers = #tpu.dot_dimension_numbers<[0], [0], [1], [1], [0, 1, 1, 1], [], []>, transpose_lhs_hint = false} : vector<3128x64xf32>, vector<3128x32xf32>, vector<64x32xf32> -> vector<64x32xf32>
    %add3A_56 = arith.addf %add3A_43, %dot_general3A_55 : vector<64x32xf32>
    %get3A_57 = arith.constant 0 : index
    %get3A_58 = arith.constant 2 : index
    %get3A_59 = vector.load %arg5[%get3A_57, %get3A_58] : memref<3128x8xi32, #tpu.memory_space<vmem>>, vector<3128x1xi32>
    %eq3A_60 = vector.broadcast %get3A_59 : vector<3128x1xi32> to vector<3128x64xi32>
    %eq3A_61 = vector.broadcast %iota3A_31 : vector<1x64xi32> to vector<3128x64xi32>
    %eq3A_62 = arith.cmpi eq, %eq3A_60, %eq3A_61 : vector<3128x64xi32>
    %convert_element_type3A_63 = arith.extui %eq3A_62 : vector<3128x64xi1> to vector<3128x64xi32>
    %convert_element_type3A_64 = arith.sitofp %convert_element_type3A_63 : vector<3128x64xi32> to vector<3128x64xf32>
    %slice3A_65 = vector.extract_strided_slice %select_n3A {offsets = [0, 32], sizes = [3128, 16], strides = [1, 1]} : vector<3128x128xf32> to vector<3128x16xf32>
    %concatenate3A_66 = tpu.concatenate %slice3A_65, %broadcast_in_dim3A_33 in 1 : vector<3128x16xf32>, vector<3128x16xf32> -> vector<3128x32xf32>
    %dot_general3A_67 = arith.constant dense<0.000000e+00> : vector<64x32xf32>
    %dot_general3A_68 = tpu.matmul %convert_element_type3A_64, %concatenate3A_66, %dot_general3A_67 {dimension_numbers = #tpu.dot_dimension_numbers<[0], [0], [1], [1], [0, 1, 1, 1], [], []>, transpose_lhs_hint = false} : vector<3128x64xf32>, vector<3128x32xf32>, vector<64x32xf32> -> vector<64x32xf32>
    %add3A_69 = arith.addf %add3A_56, %dot_general3A_68 : vector<64x32xf32>
    %get3A_70 = arith.constant 0 : index
    %get3A_71 = arith.constant 3 : index
    %get3A_72 = vector.load %arg5[%get3A_70, %get3A_71] : memref<3128x8xi32, #tpu.memory_space<vmem>>, vector<3128x1xi32>
    %eq3A_73 = vector.broadcast %get3A_72 : vector<3128x1xi32> to vector<3128x64xi32>
    %eq3A_74 = vector.broadcast %iota3A_31 : vector<1x64xi32> to vector<3128x64xi32>
    %eq3A_75 = arith.cmpi eq, %eq3A_73, %eq3A_74 : vector<3128x64xi32>
    %convert_element_type3A_76 = arith.extui %eq3A_75 : vector<3128x64xi1> to vector<3128x64xi32>
    %convert_element_type3A_77 = arith.sitofp %convert_element_type3A_76 : vector<3128x64xi32> to vector<3128x64xf32>
    %slice3A_78 = vector.extract_strided_slice %select_n3A {offsets = [0, 48], sizes = [3128, 16], strides = [1, 1]} : vector<3128x128xf32> to vector<3128x16xf32>
    %concatenate3A_79 = tpu.concatenate %slice3A_78, %broadcast_in_dim3A_33 in 1 : vector<3128x16xf32>, vector<3128x16xf32> -> vector<3128x32xf32>
    %dot_general3A_80 = arith.constant dense<0.000000e+00> : vector<64x32xf32>
    %dot_general3A_81 = tpu.matmul %convert_element_type3A_77, %concatenate3A_79, %dot_general3A_80 {dimension_numbers = #tpu.dot_dimension_numbers<[0], [0], [1], [1], [0, 1, 1, 1], [], []>, transpose_lhs_hint = false} : vector<3128x64xf32>, vector<3128x32xf32>, vector<64x32xf32> -> vector<64x32xf32>
    %add3A_82 = arith.addf %add3A_69, %dot_general3A_81 : vector<64x32xf32>
    %get3A_83 = arith.constant 0 : index
    %get3A_84 = arith.constant 4 : index
    %get3A_85 = vector.load %arg5[%get3A_83, %get3A_84] : memref<3128x8xi32, #tpu.memory_space<vmem>>, vector<3128x1xi32>
    %eq3A_86 = vector.broadcast %get3A_85 : vector<3128x1xi32> to vector<3128x64xi32>
    %eq3A_87 = vector.broadcast %iota3A_31 : vector<1x64xi32> to vector<3128x64xi32>
    %eq3A_88 = arith.cmpi eq, %eq3A_86, %eq3A_87 : vector<3128x64xi32>
    %convert_element_type3A_89 = arith.extui %eq3A_88 : vector<3128x64xi1> to vector<3128x64xi32>
    %convert_element_type3A_90 = arith.sitofp %convert_element_type3A_89 : vector<3128x64xi32> to vector<3128x64xf32>
    %slice3A_91 = vector.extract_strided_slice %select_n3A {offsets = [0, 64], sizes = [3128, 16], strides = [1, 1]} : vector<3128x128xf32> to vector<3128x16xf32>
    %concatenate3A_92 = tpu.concatenate %slice3A_91, %broadcast_in_dim3A_33 in 1 : vector<3128x16xf32>, vector<3128x16xf32> -> vector<3128x32xf32>
    %dot_general3A_93 = arith.constant dense<0.000000e+00> : vector<64x32xf32>
    %dot_general3A_94 = tpu.matmul %convert_element_type3A_90, %concatenate3A_92, %dot_general3A_93 {dimension_numbers = #tpu.dot_dimension_numbers<[0], [0], [1], [1], [0, 1, 1, 1], [], []>, transpose_lhs_hint = false} : vector<3128x64xf32>, vector<3128x32xf32>, vector<64x32xf32> -> vector<64x32xf32>
    %add3A_95 = arith.addf %add3A_82, %dot_general3A_94 : vector<64x32xf32>
    %get3A_96 = arith.constant 0 : index
    %get3A_97 = arith.constant 5 : index
    %get3A_98 = vector.load %arg5[%get3A_96, %get3A_97] : memref<3128x8xi32, #tpu.memory_space<vmem>>, vector<3128x1xi32>
    %eq3A_99 = vector.broadcast %get3A_98 : vector<3128x1xi32> to vector<3128x64xi32>
    %eq3A_100 = vector.broadcast %iota3A_31 : vector<1x64xi32> to vector<3128x64xi32>
    %eq3A_101 = arith.cmpi eq, %eq3A_99, %eq3A_100 : vector<3128x64xi32>
    %convert_element_type3A_102 = arith.extui %eq3A_101 : vector<3128x64xi1> to vector<3128x64xi32>
    %convert_element_type3A_103 = arith.sitofp %convert_element_type3A_102 : vector<3128x64xi32> to vector<3128x64xf32>
    %slice3A_104 = vector.extract_strided_slice %select_n3A {offsets = [0, 80], sizes = [3128, 16], strides = [1, 1]} : vector<3128x128xf32> to vector<3128x16xf32>
    %concatenate3A_105 = tpu.concatenate %slice3A_104, %broadcast_in_dim3A_33 in 1 : vector<3128x16xf32>, vector<3128x16xf32> -> vector<3128x32xf32>
    %dot_general3A_106 = arith.constant dense<0.000000e+00> : vector<64x32xf32>
    %dot_general3A_107 = tpu.matmul %convert_element_type3A_103, %concatenate3A_105, %dot_general3A_106 {dimension_numbers = #tpu.dot_dimension_numbers<[0], [0], [1], [1], [0, 1, 1, 1], [], []>, transpose_lhs_hint = false} : vector<3128x64xf32>, vector<3128x32xf32>, vector<64x32xf32> -> vector<64x32xf32>
    %add3A_108 = arith.addf %add3A_95, %dot_general3A_107 : vector<64x32xf32>
    %get3A_109 = arith.constant 0 : index
    %get3A_110 = arith.constant 6 : index
    %get3A_111 = vector.load %arg5[%get3A_109, %get3A_110] : memref<3128x8xi32, #tpu.memory_space<vmem>>, vector<3128x1xi32>
    %eq3A_112 = vector.broadcast %get3A_111 : vector<3128x1xi32> to vector<3128x64xi32>
    %eq3A_113 = vector.broadcast %iota3A_31 : vector<1x64xi32> to vector<3128x64xi32>
    %eq3A_114 = arith.cmpi eq, %eq3A_112, %eq3A_113 : vector<3128x64xi32>
    %convert_element_type3A_115 = arith.extui %eq3A_114 : vector<3128x64xi1> to vector<3128x64xi32>
    %convert_element_type3A_116 = arith.sitofp %convert_element_type3A_115 : vector<3128x64xi32> to vector<3128x64xf32>
    %slice3A_117 = vector.extract_strided_slice %select_n3A {offsets = [0, 96], sizes = [3128, 16], strides = [1, 1]} : vector<3128x128xf32> to vector<3128x16xf32>
    %concatenate3A_118 = tpu.concatenate %slice3A_117, %broadcast_in_dim3A_33 in 1 : vector<3128x16xf32>, vector<3128x16xf32> -> vector<3128x32xf32>
    %dot_general3A_119 = arith.constant dense<0.000000e+00> : vector<64x32xf32>
    %dot_general3A_120 = tpu.matmul %convert_element_type3A_116, %concatenate3A_118, %dot_general3A_119 {dimension_numbers = #tpu.dot_dimension_numbers<[0], [0], [1], [1], [0, 1, 1, 1], [], []>, transpose_lhs_hint = false} : vector<3128x64xf32>, vector<3128x32xf32>, vector<64x32xf32> -> vector<64x32xf32>
    %add3A_121 = arith.addf %add3A_108, %dot_general3A_120 : vector<64x32xf32>
    %get3A_122 = arith.constant 0 : index
    %get3A_123 = arith.constant 7 : index
    %get3A_124 = vector.load %arg5[%get3A_122, %get3A_123] : memref<3128x8xi32, #tpu.memory_space<vmem>>, vector<3128x1xi32>
    %eq3A_125 = vector.broadcast %get3A_124 : vector<3128x1xi32> to vector<3128x64xi32>
    %eq3A_126 = vector.broadcast %iota3A_31 : vector<1x64xi32> to vector<3128x64xi32>
    %eq3A_127 = arith.cmpi eq, %eq3A_125, %eq3A_126 : vector<3128x64xi32>
    %convert_element_type3A_128 = arith.extui %eq3A_127 : vector<3128x64xi1> to vector<3128x64xi32>
    %convert_element_type3A_129 = arith.sitofp %convert_element_type3A_128 : vector<3128x64xi32> to vector<3128x64xf32>
    %slice3A_130 = vector.extract_strided_slice %select_n3A {offsets = [0, 112], sizes = [3128, 16], strides = [1, 1]} : vector<3128x128xf32> to vector<3128x16xf32>
    %concatenate3A_131 = tpu.concatenate %slice3A_130, %broadcast_in_dim3A_33 in 1 : vector<3128x16xf32>, vector<3128x16xf32> -> vector<3128x32xf32>
    %dot_general3A_132 = arith.constant dense<0.000000e+00> : vector<64x32xf32>
    %dot_general3A_133 = tpu.matmul %convert_element_type3A_129, %concatenate3A_131, %dot_general3A_132 {dimension_numbers = #tpu.dot_dimension_numbers<[0], [0], [1], [1], [0, 1, 1, 1], [], []>, transpose_lhs_hint = false} : vector<3128x64xf32>, vector<3128x32xf32>, vector<64x32xf32> -> vector<64x32xf32>
    %add3A_134 = arith.addf %add3A_121, %dot_general3A_133 : vector<64x32xf32>
    %eq3A_135 = arith.constant 0 : i32
    %eq3A_136 = arith.cmpi eq, %arg0, %eq3A_135 : i32
    %convert_element_type3A_137 = arith.extui %eq3A_136 : i1 to i32
    %cond3A = arith.constant 0 : i32
    %cond3A_138 = arith.cmpi ne, %convert_element_type3A_137, %cond3A : i32
    scf.if %cond3A_138 {
      %broadcast_in_dim3A_150 = arith.constant 0.000000e+00 : f32
      %broadcast_in_dim3A_151 = vector.broadcast %broadcast_in_dim3A_150 : f32 to vector<64x32xf32>
      %swap3A_152 = arith.constant 0 : index
      %swap3A_153 = arith.constant 0 : index
      %swap3A_154 = vector.load %arg9[%swap3A_152, %swap3A_153] : memref<64x32xf32, #tpu.memory_space<vmem>>, vector<64x32xf32>
      tpu.vector_store %arg9[%swap3A_152, %swap3A_153], %broadcast_in_dim3A_151 {strides = array<i32>} : memref<64x32xf32, #tpu.memory_space<vmem>>, vector<64x32xf32>,
    } else {
    }
    %get3A_139 = arith.constant 0 : index
    %get3A_140 = arith.constant 0 : index
    %get3A_141 = vector.load %arg9[%get3A_139, %get3A_140] : memref<64x32xf32, #tpu.memory_space<vmem>>, vector<64x32xf32>
    %add3A_142 = arith.addf %get3A_141, %add3A_134 : vector<64x32xf32>
    %swap3A = arith.constant 0 : index
    %swap3A_143 = arith.constant 0 : index
    %swap3A_144 = vector.load %arg9[%swap3A, %swap3A_143] : memref<64x32xf32, #tpu.memory_space<vmem>>, vector<64x32xf32>
    tpu.vector_store %arg9[%swap3A, %swap3A_143], %add3A_142 {strides = array<i32>} : memref<64x32xf32, #tpu.memory_space<vmem>>, vector<64x32xf32>,
    %eq3A_145 = arith.constant 3 : i32
    %eq3A_146 = arith.cmpi eq, %arg0, %eq3A_145 : i32
    %convert_element_type3A_147 = arith.extui %eq3A_146 : i1 to i32
    %cond3A_148 = arith.constant 0 : i32
    %cond3A_149 = arith.cmpi ne, %convert_element_type3A_147, %cond3A_148 : i32
    scf.if %cond3A_149 {
      %get3A_150 = arith.constant 0 : index
      %get3A_151 = arith.constant 0 : index
      %get3A_152 = vector.load %arg9[%get3A_150, %get3A_151] : memref<64x32xf32, #tpu.memory_space<vmem>>, vector<64x16xf32>
      %get3A_153 = arith.constant 0 : index
      %get3A_154 = arith.constant 16 : index
      %get3A_155 = vector.load %arg9[%get3A_153, %get3A_154] : memref<64x32xf32, #tpu.memory_space<vmem>>, vector<64x1xf32>
      %max3A_156 = arith.constant 1.000000e+00 : f32
      %max3A_157 = vector.broadcast %max3A_156 : f32 to vector<64x1xf32>
      %max3A_158 = arith.maximumf %get3A_155, %max3A_157 : vector<64x1xf32>
      %div3A = vector.broadcast %max3A_158 : vector<64x1xf32> to vector<64x16xf32>
      %div3A_159 = arith.divf %get3A_152, %div3A : vector<64x16xf32>
      %get3A_160 = arith.constant 0 : index
      %get3A_161 = arith.constant 0 : index
      %get3A_162 = vector.load %arg6[%get3A_160, %get3A_161] : memref<16x2xf32, #tpu.memory_space<vmem>>, vector<16x2xf32>
      %dot_general3A_163 = arith.constant dense<0.000000e+00> : vector<64x2xf32>
      %dot_general3A_164 = tpu.matmul %div3A_159, %get3A_162, %dot_general3A_163 {dimension_numbers = #tpu.dot_dimension_numbers<[1], [0], [0], [1], [0, 0, 1, 1], [], []>, transpose_lhs_hint = false} : vector<64x16xf32>, vector<16x2xf32>, vector<64x2xf32> -> vector<64x2xf32>
      %get3A_165 = arith.constant 0 : index
      %get3A_166 = arith.constant 0 : index
      %get3A_167 = vector.load %arg7[%get3A_165, %get3A_166] : memref<1x2xf32, #tpu.memory_space<vmem>>, vector<1x2xf32>
      %add3A_168 = vector.broadcast %get3A_167 : vector<1x2xf32> to vector<64x2xf32>
      %add3A_169 = arith.addf %dot_general3A_164, %add3A_168 : vector<64x2xf32>
      %swap3A_170 = arith.constant 0 : index
      %swap3A_171 = arith.constant 0 : index
      %swap3A_172 = vector.load %arg8[%swap3A_170, %swap3A_171] : memref<64x2xf32, #tpu.memory_space<vmem>>, vector<64x2xf32>
      tpu.vector_store %arg8[%swap3A_170, %swap3A_171], %add3A_169 {strides = array<i32>} : memref<64x2xf32, #tpu.memory_space<vmem>>, vector<64x2xf32>,
    } else {
    }
    return
  }
  func.func @transform_0(%arg0: i32) -> (i32, i32, i32) {
    %c0_i32 = arith.constant 0 : i32
    %c0_i32_0 = arith.constant 0 : i32
    %c0_i32_1 = arith.constant 0 : i32
    return %c0_i32, %arg0, %c0_i32_0 : i32, i32, i32
  }
  func.func @transform_1(%arg0: i32) -> (i32, i32) {
    %c0_i32 = arith.constant 0 : i32
    %c0_i32_0 = arith.constant 0 : i32
    return %arg0, %c0_i32 : i32, i32
  }
  func.func @transform_2(%arg0: i32) -> (i32, i32) {
    %c0_i32 = arith.constant 0 : i32
    %c0_i32_0 = arith.constant 0 : i32
    return %arg0, %c0_i32 : i32, i32
  }
  func.func @transform_3(%arg0: i32) -> (i32, i32) {
    %c0_i32 = arith.constant 0 : i32
    %c0_i32_0 = arith.constant 0 : i32
    %c0_i32_1 = arith.constant 0 : i32
    return %c0_i32, %c0_i32_0 : i32, i32
  }
  func.func @transform_4(%arg0: i32) -> (i32, i32) {
    %c0_i32 = arith.constant 0 : i32
    %c0_i32_0 = arith.constant 0 : i32
    return %arg0, %c0_i32 : i32, i32
  }
  func.func @transform_5(%arg0: i32) -> (i32, i32) {
    %c0_i32 = arith.constant 0 : i32
    %c0_i32_0 = arith.constant 0 : i32
    %c0_i32_1 = arith.constant 0 : i32
    return %c0_i32, %c0_i32_0 : i32, i32
  }
  func.func @transform_6(%arg0: i32) -> (i32, i32) {
    %c0_i32 = arith.constant 0 : i32
    %c0_i32_0 = arith.constant 0 : i32
    %c0_i32_1 = arith.constant 0 : i32
    return %c0_i32, %c0_i32_0 : i32, i32
  }
  func.func @transform_7(%arg0: i32) -> (i32, i32) {
    %c0_i32 = arith.constant 0 : i32
    %c0_i32_0 = arith.constant 0 : i32
    %c0_i32_1 = arith.constant 0 : i32
    return %c0_i32, %c0_i32_0 : i32, i32
  }
}

</mosaic_0001>

<sc_bundles>
// kernel: kernel.10.cloned.1.call-start
scs
__scs_entry_jumppad:
0x0: {  	(pc) =	sbr.rel $0x88, $3  }
0x1: {  	(tag) =	ssettag $0x0;
	lr =	simm.s32 $0x1  }
0x2: {  	[smem:$0x3F96] =	sst lr;
	_ =	strace $0xD0000000  }
0x3: {  	_ = 	snop  }
0x4: {  	_ = 	snop  }
0x5: {  	_ = 	snop  }
0x6: {  	_ = 	snop  }
0x7: {  	_ = 	snop  }
__scs_overlays_trampoline_lowered:
0x8: {  	[smem:$0x3FA5] =	sst s0  }
0x9: {  	[smem:$0x3FA6] =	sst s1  }
0xa: {  	[smem:$0x3FA7] =	sst s2  }
0xb: {  	[smem:$0x3FA8] =	sst s3  }
0xc: {  	[smem:$0x3FA9] =	sst s4  }
0xd: {  	[smem:$0x3FAA] =	sst s5  }
0xe: {  	[smem:$0x3FAB] =	sst s6  }
0xf: {  	[smem:$0x3FAC] =	sst s7  }
0x10: {  	[smem:$0x3FAD] =	sst s8  }
0x11: {  	[smem:$0x3FAE] =	sst s9;
	s0 =	simm.s32 @!p0 $0x0  }
0x12: {  	s1 =	sld [smem:$0x3F94];
	s0 =	simm.s32 @p0 $0x1  }
0x13: {  	[smem:$0x3FAF] =	sst s0;
	s0 =	simm.s32 @!p1 $0x0  }
0x14: {  	s2 =	sld [smem:$0x3F93];
	s0 =	simm.s32 @p1 $0x1  }
0x15: {  	[smem:$0x3FB0] =	sst s0;
	s0 =	simm.s32 @!p2 $0x0  }
0x16: {  	s3 =	sld [smem:$0x3FDB];
	s0 =	simm.s32 @p2 $0x1  }
0x17: {  	s4 =	simm.s32 $0x1BF5;
	[smem:$0x3FB2] =	sst s0  }
0x18: {  	s0 =	sld [smem:$0x3F95];
	_ =	swait.ge [sflag:s4], $0x0  }
0x19: {  	s7 =	sld [smem:$0x3F96]  }
0x1a: {  	s8 =	sadd.s32 $0xFFFFE003, lr  }
0x1b: {  	s9 =	sadd.s32 $0xFFFFFEF7, lr;
	s5 =	simm.s32 $0xFFFFFFFF;
	p2 =	slt.u32 s8, $0xFFFFF086  }
0x1c: {  	p1 =	slt.u32 s9, $0xF7A;
	s5 =	simm.s32 @!p2 $0x0  }
0x1d: {  	s5 =	simm.s32 @p1 $0x1;
	p0 =	seq.s32 s7, s2  }
0x1e: {  	s7 =	smul.u32 @!p0 $0xF7A, s2;
	p2 =	seq.s32 @!p0 s5, $0x0  }
0x1f: {  	s9 =	smul.u32 $0xF7A, s1;
	s8 =	simm.s32 @!p0 $0x1BF5;
	p2 =	por !p2, p0  }
0x20: {  	[sflag:s8] =	ssyncset.s32 @!p0 $0xFFFFF086;
	s6 =	sadd.s32 @!p0 s3, s7;
	s7 =	simm.s32 @!p0 $0x108  }
0x21: {  	s3 =	sadd.s32 s3, s9;
	s6 =	sadd.s32 @!p0 $0x88, s6;
	s7 =	simm.s32 @p2 $0x1082  }
0x22: {  	[simem:s7], [sflag:s8] =	dma.local @!p0 [hbm:s6], $0xF7A  }
0x23: {  	s9 =	sor.u32 $0xD0000000, s2;
	s6 =	simm.s32 $0x108;
	_ =	swait.ge @!p0 [sflag:s8], $0x0  }
0x24: {  	s3 =	sadd.s32 $0x88, s3;
	s6 =	simm.s32 @!p1 $0x1082;
	[sflag:s4] =	ssyncset.s32 $0xFFFFF086  }
0x25: {  	[simem:s6], [sflag:s4] =	dma.local [hbm:s3], $0xF7A  }
0x26: {  	[smem:$0x3F96] =	sst s1;
	(tag) =	ssettag s2;
	_ =	strace s9  }
0x27: {  	s1 =	sld [smem:$0x3FA6]  }
0x28: {  	s2 =	sld [smem:$0x3FA7]  }
0x29: {  	s4 =	sld [smem:$0x3FA9]  }
0x2a: {  	p0 =	seq.s32 s5, $0x0;
	s5 =	sld [smem:$0x3FAA]  }
0x2b: {  	s6 =	sld [smem:$0x3FAB]  }
0x2c: {  	s7 =	sld [smem:$0x3FAC]  }
0x2d: {  	s3 =	simm.s32 $0x108;
	s8 =	sld [smem:$0x3FAD]  }
0x2e: {  	s3 =	simm.s32 @!p0 $0x1082;
	s9 =	sld [smem:$0x3FAE]  }
0x2f: {  	lr =	sadd.s32 s0, s3;
	s0 =	sld [smem:$0x3FA5]  }
0x30: {  	s3 =	sld [smem:$0x3FA8]  }
0x31: {  	[smem:$0x3FB1] =	sst s10  }
0x32: {  	s10 =	sld [smem:$0x3FAF];
	_ =	sdelay $0x3  }
0x33: {  	p0 =	seq.s32 s10, $0x1;
	s10 =	sld [smem:$0x3FB1];
	_ =	sdelay $0x3  }
0x34: {  	[smem:$0x3FB1] =	sst s10  }
0x35: {  	s10 =	sld [smem:$0x3FB0];
	_ =	sdelay $0x3  }
0x36: {  	p1 =	seq.s32 s10, $0x1;
	s10 =	sld [smem:$0x3FB1];
	_ =	sdelay $0x3  }
0x37: {  	[smem:$0x3FB1] =	sst s10  }
0x38: {  	s10 =	sld [smem:$0x3FB2]  }
0x39: {  	_ = 	snop;
	(pc) =	sbr.ind lr, $3  }
0x3a: {  	_ = 	snop  }
0x3b: {  	_ = 	snop  }
0x3c: {  	p2 =	seq.s32 s10, $0x1;
	s10 =	sld [smem:$0x3FB1]  }
0x3d: {  	_ =	shalt  }
0x3e: {  	_ =	shalt  }
0x3f: {  	_ =	shalt  }
0x40: {  	_ =	shalt  }
0x41: {  	_ =	shalt  }
0x42: {  	_ =	shalt  }
0x43: {  	_ =	shalt  }
0x44: {  	_ =	shalt  }
0x45: {  	_ =	shalt  }
0x46: {  	_ =	shalt  }
0x47: {  	_ =	shalt  }
0x48: {  	_ =	shalt  }
0x49: {  	_ =	shalt  }
0x4a: {  	_ =	shalt  }
0x4b: {  	_ =	shalt  }
0x4c: {  	_ =	shalt  }
0x4d: {  	_ =	shalt  }
0x4e: {  	_ =	shalt  }
0x4f: {  	_ =	shalt  }
0x50: {  	_ =	shalt  }
0x51: {  	_ =	shalt  }
0x52: {  	_ =	shalt  }
0x53: {  	_ =	shalt  }
0x54: {  	_ =	shalt  }
0x55: {  	_ =	shalt  }
0x56: {  	_ =	shalt  }
0x57: {  	_ =	shalt  }
0x58: {  	_ =	shalt  }
0x59: {  	_ =	shalt  }
0x5a: {  	_ =	shalt  }
0x5b: {  	_ =	shalt  }
0x5c: {  	_ =	shalt  }
0x5d: {  	_ =	shalt  }
0x5e: {  	_ =	shalt  }
0x5f: {  	_ =	shalt  }
0x60: {  	_ =	shalt  }
0x61: {  	_ =	shalt  }
0x62: {  	_ =	shalt  }
0x63: {  	_ =	shalt  }
0x64: {  	_ =	shalt  }
0x65: {  	_ =	shalt  }
0x66: {  	_ =	shalt  }
0x67: {  	_ =	shalt  }
0x68: {  	_ =	shalt  }
0x69: {  	_ =	shalt  }
0x6a: {  	_ =	shalt  }
0x6b: {  	_ =	shalt  }
0x6c: {  	_ =	shalt  }
0x6d: {  	_ =	shalt  }
0x6e: {  	_ =	shalt  }
0x6f: {  	_ =	shalt  }
0x70: {  	_ =	shalt  }
0x71: {  	_ =	shalt  }
0x72: {  	_ =	shalt  }
0x73: {  	_ =	shalt  }
0x74: {  	_ =	shalt  }
0x75: {  	_ =	shalt  }
0x76: {  	_ =	shalt  }
0x77: {  	_ =	shalt  }
0x78: {  	_ =	shalt  }
0x79: {  	_ =	shalt  }
0x7a: {  	_ =	shalt  }
0x7b: {  	_ =	shalt  }
0x7c: {  	_ =	shalt  }
0x7d: {  	_ =	shalt  }
0x7e: {  	_ =	shalt  }
0x7f: {  	_ =	shalt  }
0x80: {  	_ =	shalt  }
0x81: {  	_ =	shalt  }
0x82: {  	_ =	shalt  }
0x83: {  	_ =	shalt  }
0x84: {  	_ =	shalt  }
0x85: {  	_ =	shalt  }
0x86: {  	_ =	shalt  }
0x87: {  	_ =	shalt  }
.Lfunc_end0:
.L_simem_size_0:
called_computation_lowered:
.L_overlay_start_0:
0x88: {  	s2 =	sld [smem:$0x3FD9]  }
0x89: {  	s3 =	sld [smem:$0x3FFE];
	_ =	sdelay $0x1  }
0x8a: {  	s1 =	srdreg.scid  }
0x8b: {  	s0 =	sand.u32 $0x1, s1  }
0x8c: {  	s16 =	sshll.u32 s0, $0xA;
	s2 =	sadd.s32 s3, s2  }
0x8d: {  	s2 =	sadd.s32 s2, s16  }
0x8e: {  	[smem:$0x3FBD] =	sst s2  }
0x8f: {  	_ = 	snop  }
0x90: {  	(tm) =	ssettm $0x1  }
0x91: {  	s17 =	sld [smem:$0x3FFB];
	_ =	sdelay $0x3  }
0x92: {  	_ =	strace s17  }
0x93: {  	s2 =	sld [smem:$0x3FFC];
	_ =	sdelay $0x3  }
0x94: {  	_ =	strace s2  }
0x95: {  	s2 =	sld [smem:$0x3FFD];
	_ =	sdelay $0x3  }
0x96: {  	_ =	strace s2  }
0x97: {  	_ =	strace $0x8FFFFFFF  }
0x98: {  	s18 =	sld [smem:$0x3FDB];
	_ =	sdelay $0x1  }
0x99: {  	s19 =	simm.s32 $_scs_section_size  }
0x9a: {  	s4 =	simm.s32 $_size__tile_overlayer_lowered;
	s5 =	simm.s32 $_tile_overlayer_lowered  }
0x9b: {  	s22 =	simm.s32 $0x1BFF;
	s21 =	sshll.u32 s5, $0x1;
	s2 =	sadd.s32 s19, s18  }
0x9c: {  	s6 =	simm.s32 $0x0;
	s20 =	sshll.u32 s4, $0x1;
	s4 =	sadd.s32 s21, s2  }
0x9d: {  	[timem:s6], [sflag:s22] =	dma.local [hbm:s4], s20  }
0x9e: {  	_ =	swait.ge [sflag:s22], s20  }
0x9f: {  	s3 =	ssub.s32 $0x0, s20;
	[sflag:s22] =	ssyncset.done $0x0  }
0xa0: {  	[sflag:s22] =	ssyncadd.s32 s3;
	_ =	sdelay $0x1  }
0xa1: {  	s23 =	simm.s32 $0x1B8B  }
0xa2: {  	_ =	swait.ge [sflag:s23], $0x1  }
0xa3: {  	[sflag:s23] =	ssyncset.done $0x0  }
0xa4: {  	s25 =	simm.s32 $0x1B8E;
	s24 =	sld [smem:$0x3FFE];
	[sflag:s23] =	ssyncadd.s32 $0xFFFFFFFF  }
0xa5: {  	s26 =	simm.s32 $execute0_lowered;
	[smem:$0x3FD2] =	sst s25  }
0xa6: {  	s4 =	sshll.u32 s26, $0x1;
	_ =	strace $0x80000046;
	[dreg:$0x1] =	wrdreg $0xFFFFFFFF  }
0xa7: {  	s28 =	simm.s32 $_size_execute0_lowered;
	s2 =	sadd.s32 s2, s4;
	[dreg:$0x0] =	wrdreg $0x0  }
0xa8: {  	s4 =	sshll.u32 s28, $0x1;
	[dreg:$0x2] =	wrdreg s2  }
0xa9: {  	[dreg:$0x3] =	wrdreg s4  }
0xaa: {  	[dreg:$0x4] =	wrdreg $0xC0  }
0xab: {  	_ =	task [dreg:s6], $0x5FFFF  }
0xac: {  	[dreg:$0x1] =	wrdreg $0xFFFFFFFF  }
0xad: {  	[dreg:$0x0] =	wrdreg $0x60  }
0xae: {  	[dreg:$0x2] =	wrdreg s24  }
0xaf: {  	[dreg:$0x3] =	wrdreg $0x24000  }
0xb0: {  	[dreg:$0x4] =	wrdreg $0x9  }
0xb1: {  	_ =	task.clear_ibuf [dreg:s6], $0x5FFFF;
	_ =	strace $0x90000046  }
0xb2: {  	s29 =	simm.s32 $0x9;
	_ =	strace $0x80000048  }
0xb3: {  	_ =	swait.ge [sflag:s29], $0x1  }
0xb4: {  	[sflag:s29] =	ssyncadd.s32 $0xFFFFFFFF  }
0xb5: {  	_ =	strace $0x90000048  }
0xb6: {  	_ =	sfence  }
0xb7: {  	s30 =	sld [smem:$0x0];
	_ =	sdelay $0x2  }
0xb8: {  	s31 =	sshll.u32 s1, $0xD;
	s1 =	sshrl.u32 s1, $0x2  }
0xb9: {  	s3 =	sand.u32 $0x4000, s31;
	s1 =	sadd.s32 s1, s30  }
0xba: {  	s0 =	sor.u32 s3, s0;
	s1 =	sshll.u32 s1, $0x11  }
0xbb: {  	s0 =	sor.u32 s1, s0  }
0xbc: {  	s0 =	sadd.s32 $0x8F2B, s0  }
0xbd: {  	[sflag:s0] =	ssyncadd.remote.s32 $0x1  }
0xbe: {  	_ =	sfence.sel $0xFFFF  }
0xbf: {  	[dreg:$0x0] =	wrdreg $0xFFFFFFFF;
	(pc) =	sbr.abs _section_cstart, $3  }
0xc0: {  	[dreg:$0x1] =	wrdreg $0xFFFFFFFF  }
0xc1: {  	_ =	task.clear_ibuf [dreg:s6], $0x2FFFF;
	_ =	strace $0x9FFFFFFF  }
0xc2: {  	(tm) =	ssettm $0x7FFFFFFF  }
0xc3: {  	_ =	shalt  }
tec
execute0_lowered:
.L_overlay_start_1:
0x0: {  	(tag) =	ssettag $0x1  }
0x1: {  	s6 =	rddreg [dreg:$0x0]  }
0x2: {  	s1 =	rddreg [dreg:$0x1]  }
0x3: {  	s0 =	rddreg [dreg:$0x2];
	s2 =	simm.s32 $0x0;
	s3 =	srdreg.scid  }
0x4: {  	s16 =	simm.s32 $0x1;
	[smem:$0x7FF] =	sst s2;
	s7 =	sand.u32 $0x1, s3  }
0x5: {  	s17 =	simm.s32 $0x2;
	s3 =	stileid.u32;
	s8 =	smul.u32 $0x30E00, s7  }
0x6: {  	s10 =	sadd.s32 $0x3400, s6;
	s5 =	sadd.s32 $0x65A00, s6;
	s9 =	smul.u32 $0x18700, s3  }
0x7: {  	_ =	strace $0x80000047;
	s4 =	sshll.u32 s7, $0x4;
	s12 =	smul.u32 $0x188000, s7  }
0x8: {  	s25 =	ssub.s32 $0x2, s7;
	s13 =	smul.u32 $0x18800, s3;
	s31 =	sshll.u32 s3, $0x6  }
0x9: {  	s11 =	sor.u32 s3, s4;
	s4 =	sadd.s32 $0x65600, s6;
	s26 =	sshrl.u32 s25, $0x1  }
0xa: {  	s11 =	smul.u32 $0x18800, s11;
	s8 =	sadd.s32 s8, s6;
	s14 =	ssub.s32 s25, s26  }
0xb: {  	s15 =	sadd.s32 s9, s1;
	s28 =	sadd.s32 s13, s12;
	s19 =	sshrl.u32 s9, $0x3  }
0xc: {  	s12 =	simm.s32 $0x3;
	s13 =	sor.u32 $0x1C03, s31;
	s18 =	sadd.s32 $0x68C00, s8  }
0xd: {  	s29 =	sor.u32 $0x600, s28;
	s30 =	sor.u32 $0x400, s28;
	s8 =	smax.u32 s14, $0x1  }
0xe: {  	s14 =	sshrl.u32 s15, $0x3;
	s15 =	simm.s32 $0x200;
	s11 =	sshrl.u32 s11, $0x3  }
0xf: {  	s9 =	sshrl.u32 s29, $0x3;
	s18 =	sadd.s32 s19, s18;
	s19 =	simm.s32 $0x0  }
0x10: {  	s6 =	sadd.s32 s10, s11;
	s11 =	sshrl.u32 s30, $0x3;
	s9 =	sadd.s32 s9, s10  }
0x11: {  	s7 =	sadd.s32 $0x40, s6;
	s10 =	sadd.s32 s11, s10;
	s11 =	simm.s32 $0x400  }
.LBB2_1:
0x12: {  	[tilespmem:s11], [sflag:$0x3] =	stream.linear.gather [hbm4b:s4+s2], $0x2000, $0x38;
	[tilespmem:$0x1AB00] =	vst v63  }
0x13: {  	_ =	swait.ge [sflag:s12], $0x2000  }
0x14: {  	[sflag:s12] =	ssyncset.done $0x0  }
0x15: {  	[sflag:s12] =	ssyncadd.s32 $0xFFFFE000  }
0x16: {  	[spmem:s14], [sflag:s13] =	dma.local [hbm:s5], $0x30E0  }
0x17: {  	_ =	swait.ge [sflag:s12], $0x30E0  }
0x18: {  	[sflag:s12] =	ssyncset.done $0x0  }
0x19: {  	[sflag:s12] =	ssyncadd.s32 $0xFFFFCF20  }
0x1a: {  	[bflag:$0x0] =	sbarrier.arrive $0xFFFF  }
0x1b: {  	[tilespmem:s2], [sflag:$0x3] =	stream.linear.gather [hbm4b:s6+s2], $0x200, $0x38;
	[tilespmem:$0x1AB00] =	vst v63  }
0x1c: {  	_ =	swait.ge [sflag:s12], $0x200  }
0x1d: {  	[sflag:s12] =	ssyncset.done $0x0  }
0x1e: {  	[sflag:s12] =	ssyncadd.s32 $0xFFFFFE00  }
0x1f: {  	[spmem:s1] =	stream.indirect.scatter.add.f32 [tilespmem:s11], [sflag:$0x1], $0x10, s2, s15, $0xb8;
	[tilespmem:$0x1AB00] =	vst v63  }
0x20: {  	_ = 	snop  }
0x21: {  	[tilespmem:s15], [sflag:$0x3] =	stream.linear.gather [hbm4b:s7+s2], $0x200, $0x38;
	[tilespmem:$0x1AB00] =	vst v63  }
0x22: {  	_ =	swait.ge [sflag:s12], $0x200  }
0x23: {  	[sflag:s12] =	ssyncset.done $0x0  }
0x24: {  	[sflag:s12] =	ssyncadd.s32 $0xFFFFFE00  }
0x25: {  	[spmem:s1] =	stream.indirect.scatter.add.f32 [tilespmem:s11], [sflag:$0x2], $0x10, s15, s15, $0xb8;
	[tilespmem:$0x1AB00] =	vst v63  }
0x26: {  	_ =	swait.ge [sflag:s16], $0x2000  }
0x27: {  	[sflag:s16] =	ssyncset.done $0x0  }
0x28: {  	s20 =	sadd.s32 $0x0, s10;
	[sflag:s16] =	ssyncadd.s32 $0xFFFFE000  }
0x29: {  	[tilespmem:s2], [sflag:$0x3] =	stream.linear.gather [hbm4b:s20+s2], $0x200, $0x38;
	[tilespmem:$0x1AB00] =	vst v63  }
0x2a: {  	_ =	swait.ge [sflag:s12], $0x200  }
0x2b: {  	[sflag:s12] =	ssyncset.done $0x0  }
0x2c: {  	[sflag:s12] =	ssyncadd.s32 $0xFFFFFE00  }
0x2d: {  	[spmem:s1] =	stream.indirect.scatter.add.f32 [tilespmem:s11], [sflag:$0x1], $0x10, s2, s15, $0xb8;
	[tilespmem:$0x1AB00] =	vst v63  }
0x2e: {  	_ =	swait.ge [sflag:s17], $0x2000  }
0x2f: {  	[sflag:s17] =	ssyncset.done $0x0  }
0x30: {  	s31 =	sadd.s32 $0x0, s9;
	[sflag:s17] =	ssyncadd.s32 $0xFFFFE000  }
0x31: {  	[tilespmem:s15], [sflag:$0x3] =	stream.linear.gather [hbm4b:s31+s2], $0x200, $0x38;
	[tilespmem:$0x1AB00] =	vst v63  }
0x32: {  	_ =	swait.ge [sflag:s12], $0x200  }
0x33: {  	[sflag:s12] =	ssyncset.done $0x0  }
0x34: {  	s20 =	simm.s32 $0x80;
	[sflag:s12] =	ssyncadd.s32 $0xFFFFFE00  }
.LBB2_2:
0x35: {  	[spmem:s1] =	stream.indirect.scatter.add.f32 [tilespmem:s11], [sflag:$0x2], $0x10, s15, s15, $0xb8;
	[tilespmem:$0x1AB00] =	vst v63  }
0x36: {  	s21 =	smov.u32 s20  }
0x37: {  	p0 =	sne.s32 s20, $0x3000;
	s20 =	sadd.s32 $0x80, s20;
	_ =	swait.ge [sflag:s16], $0x2000  }
0x38: {  	[sflag:s16] =	ssyncset.done $0x0  }
0x39: {  	s22 =	sadd.s32 s21, s10;
	[sflag:s16] =	ssyncadd.s32 $0xFFFFE000  }
0x3a: {  	[tilespmem:s2], [sflag:$0x3] =	stream.linear.gather [hbm4b:s22+s2], $0x200, $0x38;
	[tilespmem:$0x1AB00] =	vst v63  }
0x3b: {  	_ =	swait.ge [sflag:s12], $0x200  }
0x3c: {  	[sflag:s12] =	ssyncset.done $0x0  }
0x3d: {  	[sflag:s12] =	ssyncadd.s32 $0xFFFFFE00  }
0x3e: {  	[spmem:s1] =	stream.indirect.scatter.add.f32 [tilespmem:s11], [sflag:$0x1], $0x10, s2, s15, $0xb8;
	[tilespmem:$0x1AB00] =	vst v63  }
0x3f: {  	_ =	swait.ge [sflag:s17], $0x2000  }
0x40: {  	[sflag:s17] =	ssyncset.done $0x0  }
.Ltmp0:
0x41: {  	s21 =	sadd.s32 s21, s9;
	[sflag:s17] =	ssyncadd.s32 $0xFFFFE000;
	(pc) =	sbr.rel @p0 .LBB2_2-.Ltmp0, $4  }
0x42: {  	[tilespmem:s15], [sflag:$0x3] =	stream.linear.gather [hbm4b:s21+s2], $0x200, $0x38;
	[tilespmem:$0x1AB00] =	vst v63  }
0x43: {  	_ =	swait.ge [sflag:s12], $0x200  }
0x44: {  	[sflag:s12] =	ssyncset.done $0x0  }
0x45: {  	[sflag:s12] =	ssyncadd.s32 $0xFFFFFE00  }
0x46: {  	[spmem:s1] =	stream.indirect.scatter.add.f32 [tilespmem:s11], [sflag:$0x2], $0x10, s15, s15, $0xb8;
	[tilespmem:$0x1AB00] =	vst v63  }
0x47: {  	_ =	swait.ge [sflag:s16], $0x2000  }
0x48: {  	[sflag:s16] =	ssyncset.done $0x0  }
0x49: {  	[sflag:s16] =	ssyncadd.s32 $0xFFFFE000  }
0x4a: {  	_ =	swait.ge [sflag:s17], $0x2000  }
0x4b: {  	s19 =	sadd.s32 $0x1, s19;
	[sflag:s17] =	ssyncset.done $0x0  }
0x4c: {  	p0 =	sne.s32 s19, s8;
	[sflag:s17] =	ssyncadd.s32 $0xFFFFE000  }
.Ltmp1:
0x4d: {  	[bflag:$0x0] =	sbarrier.arrive $0xFFFF;
	(pc) =	sbr.rel @p0 .LBB2_1-.Ltmp1, $4  }
0x4e: {  	[hbm:s18], [sflag:s13] =	dma.local [spmem:s14], $0x30E0  }
0x4f: {  	_ =	swait.ge [sflag:s12], $0x30E0  }
0x50: {  	[sflag:s12] =	ssyncset.done $0x0  }
0x51: {  	[sflag:s12] =	ssyncadd.s32 $0xFFFFCF20  }
0x52: {  	_ =	sfence.sel $0x180000  }
0x53: {  	[bflag:$0x0] =	sbarrier.arrive $0xFFFF  }
0x54: {  	p0 =	sne.s32 s3, $0x0;
	_ =	strace $0x90000047  }
0x55: {  	s0 =	sadd.s32 @!p0 $0x100000, s0;
	[bflag:$0x2] =	sbarrier.arrive $0xFFFF  }
0x56: {  	[sflag:s0] =	ssyncadd.tile.s32 @!p0 $0x1;
	_ =	shalt  }
.Lfunc_end2:
_tile_overlayer_lowered:
.L_overlay_start_2:
0x57: {  	(tag) =	ssettag $0x2  }
0x58: {  	s0 =	rddreg [dreg:$0x0];
	s2 =	stileid.u32  }
0x59: {  	s1 =	rddreg [dreg:$0x1];
	p0 =	sne.s32 s2, $0x0  }
0x5a: {  	s3 =	rddreg [dreg:$0x2];
	[bflag:$0x3] =	sbarrier.arrive $0xFFFF;
	s2 =	simm.s32 @!p0 $0x1C03  }
0x5b: {  	[timem:s3], [sflag:s2] =	dma.local @!p0 [hbm:s0], s1  }
0x5c: {  	s0 =	simm.s32 @!p0 $0x3  }
0x5d: {  	_ =	swait.ge @!p0 [sflag:s0], s1  }
0x5e: {  	s1 =	ssub.s32 @!p0 $0x0, s1;
	[sflag:s0] =	ssyncset.done @!p0 $0x0  }
0x5f: {  	[sflag:s0] =	ssyncadd.s32 @!p0 s1  }
0x60: {  	[bflag:$0x3] =	sbarrier.arrive $0xFFFF  }
0x61: {  	_ =	shalt  }

// kernel: kernel.13.cloned.1.call-start
scs
__scs_entry_jumppad:
0x0: {  	(pc) =	sbr.rel $0x88, $3  }
0x1: {  	(tag) =	ssettag $0x0;
	lr =	simm.s32 $0x1  }
0x2: {  	[smem:$0x3F96] =	sst lr;
	_ =	strace $0xD0000000  }
0x3: {  	_ = 	snop  }
0x4: {  	_ = 	snop  }
0x5: {  	_ = 	snop  }
0x6: {  	_ = 	snop  }
0x7: {  	_ = 	snop  }
__scs_overlays_trampoline_lowered:
0x8: {  	[smem:$0x3FA5] =	sst s0  }
0x9: {  	[smem:$0x3FA6] =	sst s1  }
0xa: {  	[smem:$0x3FA7] =	sst s2  }
0xb: {  	[smem:$0x3FA8] =	sst s3  }
0xc: {  	[smem:$0x3FA9] =	sst s4  }
0xd: {  	[smem:$0x3FAA] =	sst s5  }
0xe: {  	[smem:$0x3FAB] =	sst s6  }
0xf: {  	[smem:$0x3FAC] =	sst s7  }
0x10: {  	[smem:$0x3FAD] =	sst s8  }
0x11: {  	[smem:$0x3FAE] =	sst s9;
	s0 =	simm.s32 @!p0 $0x0  }
0x12: {  	s1 =	sld [smem:$0x3F94];
	s0 =	simm.s32 @p0 $0x1  }
0x13: {  	[smem:$0x3FAF] =	sst s0;
	s0 =	simm.s32 @!p1 $0x0  }
0x14: {  	s2 =	sld [smem:$0x3F93];
	s0 =	simm.s32 @p1 $0x1  }
0x15: {  	[smem:$0x3FB0] =	sst s0;
	s0 =	simm.s32 @!p2 $0x0  }
0x16: {  	s3 =	sld [smem:$0x3FDB];
	s0 =	simm.s32 @p2 $0x1  }
0x17: {  	s4 =	simm.s32 $0x1BF5;
	[smem:$0x3FB2] =	sst s0  }
0x18: {  	s0 =	sld [smem:$0x3F95];
	_ =	swait.ge [sflag:s4], $0x0  }
0x19: {  	s7 =	sld [smem:$0x3F96]  }
0x1a: {  	s8 =	sadd.s32 $0xFFFFE003, lr  }
0x1b: {  	s9 =	sadd.s32 $0xFFFFFEF7, lr;
	s5 =	simm.s32 $0xFFFFFFFF;
	p2 =	slt.u32 s8, $0xFFFFF086  }
0x1c: {  	p1 =	slt.u32 s9, $0xF7A;
	s5 =	simm.s32 @!p2 $0x0  }
0x1d: {  	s5 =	simm.s32 @p1 $0x1;
	p0 =	seq.s32 s7, s2  }
0x1e: {  	s7 =	smul.u32 @!p0 $0xF7A, s2;
	p2 =	seq.s32 @!p0 s5, $0x0  }
0x1f: {  	s9 =	smul.u32 $0xF7A, s1;
	s8 =	simm.s32 @!p0 $0x1BF5;
	p2 =	por !p2, p0  }
0x20: {  	[sflag:s8] =	ssyncset.s32 @!p0 $0xFFFFF086;
	s6 =	sadd.s32 @!p0 s3, s7;
	s7 =	simm.s32 @!p0 $0x108  }
0x21: {  	s3 =	sadd.s32 s3, s9;
	s6 =	sadd.s32 @!p0 $0x88, s6;
	s7 =	simm.s32 @p2 $0x1082  }
0x22: {  	[simem:s7], [sflag:s8] =	dma.local @!p0 [hbm:s6], $0xF7A  }
0x23: {  	s9 =	sor.u32 $0xD0000000, s2;
	s6 =	simm.s32 $0x108;
	_ =	swait.ge @!p0 [sflag:s8], $0x0  }
0x24: {  	s3 =	sadd.s32 $0x88, s3;
	s6 =	simm.s32 @!p1 $0x1082;
	[sflag:s4] =	ssyncset.s32 $0xFFFFF086  }
0x25: {  	[simem:s6], [sflag:s4] =	dma.local [hbm:s3], $0xF7A  }
0x26: {  	[smem:$0x3F96] =	sst s1;
	(tag) =	ssettag s2;
	_ =	strace s9  }
0x27: {  	s1 =	sld [smem:$0x3FA6]  }
0x28: {  	s2 =	sld [smem:$0x3FA7]  }
0x29: {  	s4 =	sld [smem:$0x3FA9]  }
0x2a: {  	p0 =	seq.s32 s5, $0x0;
	s5 =	sld [smem:$0x3FAA]  }
0x2b: {  	s6 =	sld [smem:$0x3FAB]  }
0x2c: {  	s7 =	sld [smem:$0x3FAC]  }
0x2d: {  	s3 =	simm.s32 $0x108;
	s8 =	sld [smem:$0x3FAD]  }
0x2e: {  	s3 =	simm.s32 @!p0 $0x1082;
	s9 =	sld [smem:$0x3FAE]  }
0x2f: {  	lr =	sadd.s32 s0, s3;
	s0 =	sld [smem:$0x3FA5]  }
0x30: {  	s3 =	sld [smem:$0x3FA8]  }
0x31: {  	[smem:$0x3FB1] =	sst s10  }
0x32: {  	s10 =	sld [smem:$0x3FAF];
	_ =	sdelay $0x3  }
0x33: {  	p0 =	seq.s32 s10, $0x1;
	s10 =	sld [smem:$0x3FB1];
	_ =	sdelay $0x3  }
0x34: {  	[smem:$0x3FB1] =	sst s10  }
0x35: {  	s10 =	sld [smem:$0x3FB0];
	_ =	sdelay $0x3  }
0x36: {  	p1 =	seq.s32 s10, $0x1;
	s10 =	sld [smem:$0x3FB1];
	_ =	sdelay $0x3  }
0x37: {  	[smem:$0x3FB1] =	sst s10  }
0x38: {  	s10 =	sld [smem:$0x3FB2]  }
0x39: {  	_ = 	snop;
	(pc) =	sbr.ind lr, $3  }
0x3a: {  	_ = 	snop  }
0x3b: {  	_ = 	snop  }
0x3c: {  	p2 =	seq.s32 s10, $0x1;
	s10 =	sld [smem:$0x3FB1]  }
0x3d: {  	_ =	shalt  }
0x3e: {  	_ =	shalt  }
0x3f: {  	_ =	shalt  }
0x40: {  	_ =	shalt  }
0x41: {  	_ =	shalt  }
0x42: {  	_ =	shalt  }
0x43: {  	_ =	shalt  }
0x44: {  	_ =	shalt  }
0x45: {  	_ =	shalt  }
0x46: {  	_ =	shalt  }
0x47: {  	_ =	shalt  }
0x48: {  	_ =	shalt  }
0x49: {  	_ =	shalt  }
0x4a: {  	_ =	shalt  }
0x4b: {  	_ =	shalt  }
0x4c: {  	_ =	shalt  }
0x4d: {  	_ =	shalt  }
0x4e: {  	_ =	shalt  }
0x4f: {  	_ =	shalt  }
0x50: {  	_ =	shalt  }
0x51: {  	_ =	shalt  }
0x52: {  	_ =	shalt  }
0x53: {  	_ =	shalt  }
0x54: {  	_ =	shalt  }
0x55: {  	_ =	shalt  }
0x56: {  	_ =	shalt  }
0x57: {  	_ =	shalt  }
0x58: {  	_ =	shalt  }
0x59: {  	_ =	shalt  }
0x5a: {  	_ =	shalt  }
0x5b: {  	_ =	shalt  }
0x5c: {  	_ =	shalt  }
0x5d: {  	_ =	shalt  }
0x5e: {  	_ =	shalt  }
0x5f: {  	_ =	shalt  }
0x60: {  	_ =	shalt  }
0x61: {  	_ =	shalt  }
0x62: {  	_ =	shalt  }
0x63: {  	_ =	shalt  }
0x64: {  	_ =	shalt  }
0x65: {  	_ =	shalt  }
0x66: {  	_ =	shalt  }
0x67: {  	_ =	shalt  }
0x68: {  	_ =	shalt  }
0x69: {  	_ =	shalt  }
0x6a: {  	_ =	shalt  }
0x6b: {  	_ =	shalt  }
0x6c: {  	_ =	shalt  }
0x6d: {  	_ =	shalt  }
0x6e: {  	_ =	shalt  }
0x6f: {  	_ =	shalt  }
0x70: {  	_ =	shalt  }
0x71: {  	_ =	shalt  }
0x72: {  	_ =	shalt  }
0x73: {  	_ =	shalt  }
0x74: {  	_ =	shalt  }
0x75: {  	_ =	shalt  }
0x76: {  	_ =	shalt  }
0x77: {  	_ =	shalt  }
0x78: {  	_ =	shalt  }
0x79: {  	_ =	shalt  }
0x7a: {  	_ =	shalt  }
0x7b: {  	_ =	shalt  }
0x7c: {  	_ =	shalt  }
0x7d: {  	_ =	shalt  }
0x7e: {  	_ =	shalt  }
0x7f: {  	_ =	shalt  }
0x80: {  	_ =	shalt  }
0x81: {  	_ =	shalt  }
0x82: {  	_ =	shalt  }
0x83: {  	_ =	shalt  }
0x84: {  	_ =	shalt  }
0x85: {  	_ =	shalt  }
0x86: {  	_ =	shalt  }
0x87: {  	_ =	shalt  }
.Lfunc_end0:
.L_simem_size_0:
called_computation.1_lowered:
.L_overlay_start_0:
0x88: {  	s2 =	sld [smem:$0x3FD9]  }
0x89: {  	s3 =	sld [smem:$0x3FFE];
	_ =	sdelay $0x1  }
0x8a: {  	s1 =	srdreg.scid  }
0x8b: {  	s0 =	sand.u32 $0x1, s1  }
0x8c: {  	s16 =	sshll.u32 s0, $0xA;
	s2 =	sadd.s32 s3, s2  }
0x8d: {  	s2 =	sadd.s32 s2, s16  }
0x8e: {  	[smem:$0x3FBD] =	sst s2  }
0x8f: {  	_ = 	snop  }
0x90: {  	(tm) =	ssettm $0x1  }
0x91: {  	s17 =	sld [smem:$0x3FFB];
	_ =	sdelay $0x3  }
0x92: {  	_ =	strace s17  }
0x93: {  	s2 =	sld [smem:$0x3FFC];
	_ =	sdelay $0x3  }
0x94: {  	_ =	strace s2  }
0x95: {  	s2 =	sld [smem:$0x3FFD];
	_ =	sdelay $0x3  }
0x96: {  	_ =	strace s2  }
0x97: {  	_ =	strace $0x8FFFFFFF  }
0x98: {  	s18 =	sld [smem:$0x3FDB];
	_ =	sdelay $0x1  }
0x99: {  	s19 =	simm.s32 $_scs_section_size  }
0x9a: {  	s4 =	simm.s32 $_size__tile_overlayer_lowered;
	s5 =	simm.s32 $_tile_overlayer_lowered  }
0x9b: {  	s22 =	simm.s32 $0x1BFF;
	s21 =	sshll.u32 s5, $0x1;
	s2 =	sadd.s32 s19, s18  }
0x9c: {  	s6 =	simm.s32 $0x0;
	s20 =	sshll.u32 s4, $0x1;
	s4 =	sadd.s32 s21, s2  }
0x9d: {  	[timem:s6], [sflag:s22] =	dma.local [hbm:s4], s20  }
0x9e: {  	_ =	swait.ge [sflag:s22], s20  }
0x9f: {  	s3 =	ssub.s32 $0x0, s20;
	[sflag:s22] =	ssyncset.done $0x0  }
0xa0: {  	[sflag:s22] =	ssyncadd.s32 s3;
	_ =	sdelay $0x1  }
0xa1: {  	s23 =	simm.s32 $0x1B8B  }
0xa2: {  	_ =	swait.ge [sflag:s23], $0x1  }
0xa3: {  	[sflag:s23] =	ssyncset.done $0x0  }
0xa4: {  	s25 =	simm.s32 $0x1B8E;
	s24 =	sld [smem:$0x3FFE];
	[sflag:s23] =	ssyncadd.s32 $0xFFFFFFFF  }
0xa5: {  	s26 =	simm.s32 $execute0_lowered;
	[smem:$0x3FD2] =	sst s25  }
0xa6: {  	s4 =	sshll.u32 s26, $0x1;
	_ =	strace $0x80000049;
	[dreg:$0x1] =	wrdreg $0xFFFFFFFF  }
0xa7: {  	s28 =	simm.s32 $_size_execute0_lowered;
	s2 =	sadd.s32 s2, s4;
	[dreg:$0x0] =	wrdreg $0x0  }
0xa8: {  	s4 =	sshll.u32 s28, $0x1;
	[dreg:$0x2] =	wrdreg s2  }
0xa9: {  	[dreg:$0x3] =	wrdreg s4  }
0xaa: {  	[dreg:$0x4] =	wrdreg $0xC0  }
0xab: {  	_ =	task [dreg:s6], $0x5FFFF  }
0xac: {  	[dreg:$0x1] =	wrdreg $0xFFFFFFFF  }
0xad: {  	[dreg:$0x0] =	wrdreg $0x60  }
0xae: {  	[dreg:$0x2] =	wrdreg s24  }
0xaf: {  	[dreg:$0x3] =	wrdreg $0x50000  }
0xb0: {  	[dreg:$0x4] =	wrdreg $0x9  }
0xb1: {  	_ =	task.clear_ibuf [dreg:s6], $0x5FFFF;
	_ =	strace $0x90000049  }
0xb2: {  	s29 =	simm.s32 $0x9;
	_ =	strace $0x8000004B  }
0xb3: {  	_ =	swait.ge [sflag:s29], $0x1  }
0xb4: {  	[sflag:s29] =	ssyncadd.s32 $0xFFFFFFFF  }
0xb5: {  	_ =	strace $0x9000004B  }
0xb6: {  	_ =	sfence  }
0xb7: {  	s30 =	sld [smem:$0x0];
	_ =	sdelay $0x2  }
0xb8: {  	s31 =	sshll.u32 s1, $0xD;
	s1 =	sshrl.u32 s1, $0x2  }
0xb9: {  	s3 =	sand.u32 $0x4000, s31;
	s1 =	sadd.s32 s1, s30  }
0xba: {  	s0 =	sor.u32 s3, s0;
	s1 =	sshll.u32 s1, $0x11  }
0xbb: {  	s0 =	sor.u32 s1, s0  }
0xbc: {  	s0 =	sadd.s32 $0x8F2B, s0  }
0xbd: {  	[sflag:s0] =	ssyncadd.remote.s32 $0x1  }
0xbe: {  	_ =	sfence.sel $0xFFFF  }
0xbf: {  	[dreg:$0x0] =	wrdreg $0xFFFFFFFF;
	(pc) =	sbr.abs _section_cstart, $3  }
0xc0: {  	[dreg:$0x1] =	wrdreg $0xFFFFFFFF  }
0xc1: {  	_ =	task.clear_ibuf [dreg:s6], $0x2FFFF;
	_ =	strace $0x9FFFFFFF  }
0xc2: {  	(tm) =	ssettm $0x7FFFFFFF  }
0xc3: {  	_ =	shalt  }
tec
execute0_lowered:
.L_overlay_start_1:
0x0: {  	(tag) =	ssettag $0x1  }
0x1: {  	s0 =	rddreg [dreg:$0x0]  }
0x2: {  	s1 =	rddreg [dreg:$0x1]  }
0x3: {  	s2 =	simm.s32 $0x0;
	s3 =	srdreg.scid;
	s12 =	stileid.u32  }
0x4: {  	s15 =	simm.s32 $0x3400;
	s18 =	simm.s32 $0x5;
	s28 =	simm.s32 $0xC00  }
0x5: {  	s29 =	simm.s32 $0x2;
	s30 =	simm.s32 $0x3;
	s31 =	simm.s32 $0x600  }
0x6: {  	[smem:$0x7FF] =	sst s2;
	s5 =	sadd.s32 $0xCA800, s0;
	s8 =	smul.u32 $0xB6, s12  }
0x7: {  	s9 =	sadd.s32 $0x3400, s0;
	s3 =	sand.u32 $0x1, s3;
	s10 =	smul.u32 $0xD2, s12  }
0x8: {  	s4 =	sadd.s32 $0x68C00, s0;
	s7 =	sadd.s32 $0x65A00, s0;
	s11 =	smul.u32 $0x18700, s12  }
0x9: {  	s21 =	sshll.u32 s12, $0x6;
	_ =	strace $0x8000004A;
	s6 =	smul.u32 $0x30E00, s3  }
0xa: {  	[dreg:$0x3] =	wrdreg s7;
	s19 =	ssub.s32 $0x2, s3;
	p0 =	seq.s32 s3, $0x0  }
0xb: {  	s20 =	sshrl.u32 s19, $0x1;
	s3 =	sadd.s32 $0xD20, s8;
	s22 =	sadd.s32 s11, s1  }
0xc: {  	s15 =	simm.s32 @!p0 $0x2D00;
	s26 =	sshrl.u32 s11, $0x3;
	s0 =	sadd.s32 s6, s0  }
0xd: {  	s16 =	ssub.s32 s19, s20;
	s3 =	smov.u32 @p0 s10;
	s6 =	sor.u32 $0x1C05, s21  }
0xe: {  	s17 =	sshrl.u32 s22, $0x3;
	s19 =	simm.s32 $0x800;
	s20 =	simm.s32 $0x200  }
0xf: {  	s21 =	simm.s32 $0xA00;
	s22 =	simm.s32 $0x1000;
	s3 =	sshll.u32 s3, $0x6  }
0x10: {  	s0 =	sadd.s32 $0x12CA00, s0;
	s16 =	smax.u32 s16, $0x1;
	s23 =	sor.u32 $0x40, s3  }
0x11: {  	s7 =	sadd.s32 s5, s3;
	s8 =	sadd.s32 s9, s3;
	s13 =	sadd.s32 s5, s23  }
0x12: {  	s24 =	sadd.s32 $0x80, s3;
	s12 =	sadd.s32 s9, s23;
	[dreg:$0x4] =	wrdreg s13  }
0x13: {  	s3 =	sadd.s32 $0xC0, s3;
	s25 =	sadd.s32 s5, s24;
	[dreg:$0x5] =	wrdreg s12  }
0x14: {  	s14 =	sadd.s32 s9, s3;
	s23 =	simm.s32 $0x1;
	[dreg:$0x6] =	wrdreg s25  }
0x15: {  	s12 =	sadd.s32 s9, s24;
	s13 =	sadd.s32 s5, s3;
	s24 =	sadd.s32 s26, s0  }
0x16: {  	s25 =	simm.s32 $0x3000;
	s26 =	simm.s32 $0x400;
	s0 =	simm.s32 $0xE00  }
0x17: {  	s3 =	simm.s32 $0x4;
	s5 =	simm.s32 $0x0;
	[dreg:$0x7] =	wrdreg s12  }
.LBB2_1:
0x18: {  	s9 =	rddreg [dreg:$0x3]  }
0x19: {  	[spmem:s17], [sflag:s6] =	dma.local [hbm:s9], $0x30E0  }
0x1a: {  	_ =	swait.ge [sflag:s18], $0x30E0  }
0x1b: {  	[sflag:s18] =	ssyncset.done $0x0  }
0x1c: {  	[sflag:s18] =	ssyncadd.s32 $0xFFFFCF20  }
0x1d: {  	[bflag:$0x0] =	sbarrier.arrive $0xFFFF  }
0x1e: {  	[tilespmem:s2], [sflag:$0x5] =	stream.linear.gather [hbm4b:s7+s2], $0x200, $0x38;
	[tilespmem:$0x1D700] =	vst v63  }
0x1f: {  	_ =	swait.ge [sflag:s18], $0x200  }
0x20: {  	[sflag:s18] =	ssyncset.done $0x0  }
0x21: {  	[sflag:s18] =	ssyncadd.s32 $0xFFFFFE00  }
0x22: {  	[tilespmem:s19], [sflag:$0x5] =	stream.linear.gather [hbm4b:s8+s2], $0x200, $0x38;
	[tilespmem:$0x1D700] =	vst v63  }
0x23: {  	_ =	swait.ge [sflag:s18], $0x200  }
0x24: {  	[sflag:s18] =	ssyncset.done $0x0  }
0x25: {  	s11 =	rddreg [dreg:$0x4];
	[sflag:s18] =	ssyncadd.s32 $0xFFFFFE00  }
0x26: {  	[tilespmem:s20], [sflag:$0x5] =	stream.linear.gather [hbm4b:s11+s2], $0x200, $0x38;
	[tilespmem:$0x1D700] =	vst v63  }
0x27: {  	_ =	swait.ge [sflag:s18], $0x200  }
0x28: {  	[sflag:s18] =	ssyncset.done $0x0  }
0x29: {  	s12 =	rddreg [dreg:$0x5];
	[sflag:s18] =	ssyncadd.s32 $0xFFFFFE00  }
0x2a: {  	[tilespmem:s21], [sflag:$0x5] =	stream.linear.gather [hbm4b:s12+s2], $0x200, $0x38;
	[tilespmem:$0x1D700] =	vst v63  }
0x2b: {  	_ =	swait.ge [sflag:s18], $0x200  }
0x2c: {  	[sflag:s18] =	ssyncset.done $0x0  }
0x2d: {  	[sflag:s18] =	ssyncadd.s32 $0xFFFFFE00  }
0x2e: {  	[tilespmem:s22], [sflag:$0x1] =	stream.indirect.gather [hbm4b:s4+s20], $0x10, s2, s20, $0xb8;
	[tilespmem:$0x1D700] =	vst v63  }
0x2f: {  	_ =	swait.ge [sflag:s23], $0x2000  }
0x30: {  	[sflag:s23] =	ssyncset.done $0x0  }
0x31: {  	[sflag:s23] =	ssyncadd.s32 $0xFFFFE000  }
0x32: {  	[spmem:s1] =	stream.indirect.scatter.add.f32 [tilespmem:s22], [sflag:$0x3], $0x10, s19, s20, $0xb8;
	[tilespmem:$0x1D700] =	vst v63  }
0x33: {  	_ = 	snop  }
0x34: {  	[tilespmem:s25], [sflag:$0x2] =	stream.indirect.gather [hbm4b:s4+s20], $0x10, s20, s20, $0xb8;
	[tilespmem:$0x1D700] =	vst v63  }
0x35: {  	s10 =	rddreg [dreg:$0x6]  }
0x36: {  	[tilespmem:s26], [sflag:$0x5] =	stream.linear.gather [hbm4b:s10+s2], $0x200, $0x38;
	[tilespmem:$0x1D700] =	vst v63  }
0x37: {  	_ =	swait.ge [sflag:s18], $0x200  }
0x38: {  	[sflag:s18] =	ssyncset.done $0x0  }
0x39: {  	s11 =	rddreg [dreg:$0x7];
	[sflag:s18] =	ssyncadd.s32 $0xFFFFFE00  }
0x3a: {  	[tilespmem:s28], [sflag:$0x5] =	stream.linear.gather [hbm4b:s11+s2], $0x200, $0x38;
	[tilespmem:$0x1D700] =	vst v63  }
0x3b: {  	_ =	swait.ge [sflag:s18], $0x200  }
0x3c: {  	[sflag:s18] =	ssyncset.done $0x0  }
0x3d: {  	[sflag:s18] =	ssyncadd.s32 $0xFFFFFE00  }
0x3e: {  	_ =	swait.ge [sflag:s29], $0x2000  }
0x3f: {  	[sflag:s29] =	ssyncset.done $0x0  }
0x40: {  	[sflag:s29] =	ssyncadd.s32 $0xFFFFE000  }
0x41: {  	[spmem:s1] =	stream.indirect.scatter.add.f32 [tilespmem:s25], [sflag:$0x4], $0x10, s21, s20, $0xb8;
	[tilespmem:$0x1D700] =	vst v63  }
0x42: {  	_ =	swait.ge [sflag:s30], $0x2000  }
0x43: {  	[sflag:s30] =	ssyncset.done $0x0  }
0x44: {  	[sflag:s30] =	ssyncadd.s32 $0xFFFFE000  }
0x45: {  	[tilespmem:s22], [sflag:$0x1] =	stream.indirect.gather [hbm4b:s4+s20], $0x10, s26, s20, $0xb8;
	[tilespmem:$0x1D700] =	vst v63  }
0x46: {  	_ = 	snop  }
0x47: {  	[tilespmem:s31], [sflag:$0x5] =	stream.linear.gather [hbm4b:s13+s2], $0x200, $0x38;
	[tilespmem:$0x1D700] =	vst v63  }
0x48: {  	_ =	swait.ge [sflag:s18], $0x200  }
0x49: {  	[sflag:s18] =	ssyncset.done $0x0  }
0x4a: {  	[sflag:s18] =	ssyncadd.s32 $0xFFFFFE00  }
0x4b: {  	[tilespmem:s0], [sflag:$0x5] =	stream.linear.gather [hbm4b:s14+s2], $0x200, $0x38;
	[tilespmem:$0x1D700] =	vst v63  }
0x4c: {  	_ =	swait.ge [sflag:s18], $0x200  }
0x4d: {  	[sflag:s18] =	ssyncset.done $0x0  }
0x4e: {  	[sflag:s18] =	ssyncadd.s32 $0xFFFFFE00  }
0x4f: {  	_ =	swait.ge [sflag:s23], $0x2000  }
0x50: {  	[sflag:s23] =	ssyncset.done $0x0  }
0x51: {  	[sflag:s23] =	ssyncadd.s32 $0xFFFFE000  }
0x52: {  	[spmem:s1] =	stream.indirect.scatter.add.f32 [tilespmem:s22], [sflag:$0x3], $0x10, s28, s20, $0xb8;
	[tilespmem:$0x1D700] =	vst v63  }
0x53: {  	_ =	swait.ge [sflag:s3], $0x2000  }
0x54: {  	[sflag:s3] =	ssyncset.done $0x0  }
0x55: {  	s9 =	sadd.s32 $0x0, s7;
	[sflag:s3] =	ssyncadd.s32 $0xFFFFE000  }
0x56: {  	[tilespmem:s25], [sflag:$0x2] =	stream.indirect.gather [hbm4b:s4+s20], $0x10, s31, s20, $0xb8;
	[tilespmem:$0x1D700] =	vst v63  }
0x57: {  	s10 =	sadd.s32 $0x100, s9  }
0x58: {  	[tilespmem:s2], [sflag:$0x5] =	stream.linear.gather [hbm4b:s10+s2], $0x200, $0x38;
	[tilespmem:$0x1D700] =	vst v63  }
0x59: {  	_ =	swait.ge [sflag:s18], $0x200  }
0x5a: {  	s10 =	sadd.s32 $0x0, s8;
	[sflag:s18] =	ssyncset.done $0x0  }
0x5b: {  	s11 =	sadd.s32 $0x100, s10;
	[sflag:s18] =	ssyncadd.s32 $0xFFFFFE00  }
0x5c: {  	[tilespmem:s19], [sflag:$0x5] =	stream.linear.gather [hbm4b:s11+s2], $0x200, $0x38;
	[tilespmem:$0x1D700] =	vst v63  }
0x5d: {  	_ =	swait.ge [sflag:s18], $0x200  }
0x5e: {  	[sflag:s18] =	ssyncset.done $0x0  }
0x5f: {  	[sflag:s18] =	ssyncadd.s32 $0xFFFFFE00  }
0x60: {  	_ =	swait.ge [sflag:s29], $0x2000  }
0x61: {  	[sflag:s29] =	ssyncset.done $0x0  }
0x62: {  	[sflag:s29] =	ssyncadd.s32 $0xFFFFE000  }
0x63: {  	[spmem:s1] =	stream.indirect.scatter.add.f32 [tilespmem:s25], [sflag:$0x4], $0x10, s0, s20, $0xb8;
	[tilespmem:$0x1D700] =	vst v63  }
0x64: {  	_ =	swait.ge [sflag:s30], $0x2000  }
0x65: {  	[sflag:s30] =	ssyncset.done $0x0  }
0x66: {  	[sflag:s30] =	ssyncadd.s32 $0xFFFFE000  }
0x67: {  	[tilespmem:s22], [sflag:$0x1] =	stream.indirect.gather [hbm4b:s4+s20], $0x10, s2, s20, $0xb8;
	[tilespmem:$0x1D700] =	vst v63  }
0x68: {  	s12 =	sadd.s32 $0x140, s9  }
0x69: {  	[tilespmem:s20], [sflag:$0x5] =	stream.linear.gather [hbm4b:s12+s2], $0x200, $0x38;
	[tilespmem:$0x1D700] =	vst v63  }
0x6a: {  	_ =	swait.ge [sflag:s18], $0x200  }
0x6b: {  	[sflag:s18] =	ssyncset.done $0x0  }
0x6c: {  	s12 =	sadd.s32 $0x140, s10;
	[sflag:s18] =	ssyncadd.s32 $0xFFFFFE00  }
0x6d: {  	[tilespmem:s21], [sflag:$0x5] =	stream.linear.gather [hbm4b:s12+s2], $0x200, $0x38;
	[tilespmem:$0x1D700] =	vst v63  }
0x6e: {  	_ =	swait.ge [sflag:s18], $0x200  }
0x6f: {  	[sflag:s18] =	ssyncset.done $0x0  }
0x70: {  	[sflag:s18] =	ssyncadd.s32 $0xFFFFFE00  }
0x71: {  	_ =	swait.ge [sflag:s23], $0x2000  }
0x72: {  	[sflag:s23] =	ssyncset.done $0x0  }
0x73: {  	[sflag:s23] =	ssyncadd.s32 $0xFFFFE000  }
0x74: {  	[spmem:s1] =	stream.indirect.scatter.add.f32 [tilespmem:s22], [sflag:$0x3], $0x10, s19, s20, $0xb8;
	[tilespmem:$0x1D700] =	vst v63  }
0x75: {  	_ =	swait.ge [sflag:s3], $0x2000  }
0x76: {  	[sflag:s3] =	ssyncset.done $0x0  }
0x77: {  	[sflag:s3] =	ssyncadd.s32 $0xFFFFE000  }
0x78: {  	[tilespmem:s25], [sflag:$0x2] =	stream.indirect.gather [hbm4b:s4+s20], $0x10, s20, s20, $0xb8;
	[tilespmem:$0x1D700] =	vst v63  }
0x79: {  	s12 =	sadd.s32 $0x180, s9  }
0x7a: {  	[tilespmem:s26], [sflag:$0x5] =	stream.linear.gather [hbm4b:s12+s2], $0x200, $0x38;
	[tilespmem:$0x1D700] =	vst v63  }
0x7b: {  	_ =	swait.ge [sflag:s18], $0x200  }
0x7c: {  	[sflag:s18] =	ssyncset.done $0x0  }
0x7d: {  	s12 =	sadd.s32 $0x180, s10;
	[sflag:s18] =	ssyncadd.s32 $0xFFFFFE00  }
0x7e: {  	[tilespmem:s28], [sflag:$0x5] =	stream.linear.gather [hbm4b:s12+s2], $0x200, $0x38;
	[tilespmem:$0x1D700] =	vst v63  }
0x7f: {  	_ =	swait.ge [sflag:s18], $0x200  }
0x80: {  	[sflag:s18] =	ssyncset.done $0x0  }
0x81: {  	[sflag:s18] =	ssyncadd.s32 $0xFFFFFE00  }
0x82: {  	_ =	swait.ge [sflag:s29], $0x2000  }
0x83: {  	[sflag:s29] =	ssyncset.done $0x0  }
0x84: {  	[sflag:s29] =	ssyncadd.s32 $0xFFFFE000  }
0x85: {  	[spmem:s1] =	stream.indirect.scatter.add.f32 [tilespmem:s25], [sflag:$0x4], $0x10, s21, s20, $0xb8;
	[tilespmem:$0x1D700] =	vst v63  }
0x86: {  	_ =	swait.ge [sflag:s30], $0x2000  }
0x87: {  	[sflag:s30] =	ssyncset.done $0x0  }
0x88: {  	[sflag:s30] =	ssyncadd.s32 $0xFFFFE000  }
0x89: {  	[tilespmem:s22], [sflag:$0x1] =	stream.indirect.gather [hbm4b:s4+s20], $0x10, s26, s20, $0xb8;
	[tilespmem:$0x1D700] =	vst v63  }
0x8a: {  	s9 =	sadd.s32 $0x1C0, s9  }
0x8b: {  	[tilespmem:s31], [sflag:$0x5] =	stream.linear.gather [hbm4b:s9+s2], $0x200, $0x38;
	[tilespmem:$0x1D700] =	vst v63  }
0x8c: {  	p0 =	sne.s32 s15, $0x100;
	_ =	swait.ge [sflag:s18], $0x200  }
.Ltmp0:
0x8d: {  	[sflag:s18] =	ssyncset.done $0x0;
	(pc) =	sbr.rel @!p0 .LBB2_3-.Ltmp0, $4  }
0x8e: {  	s12 =	sadd.s32 $0x1C0, s10;
	[sflag:s18] =	ssyncadd.s32 $0xFFFFFE00  }
0x8f: {  	[tilespmem:s0], [sflag:$0x5] =	stream.linear.gather [hbm4b:s12+s2], $0x200, $0x38;
	[tilespmem:$0x1D700] =	vst v63  }
0x90: {  	_ =	swait.ge [sflag:s18], $0x200  }
0x91: {  	s9 =	simm.s32 $0x100;
	[sflag:s18] =	ssyncset.done $0x0  }
.LBB2_2:
0x92: {  	[sflag:s18] =	ssyncadd.s32 $0xFFFFFE00;
	s11 =	smov.u32 s9;
	s9 =	sadd.s32 $0x100, s9  }
0x93: {  	_ =	swait.ge [sflag:s23], $0x2000;
	p0 =	sne.s32 s15, s9  }
0x94: {  	[sflag:s23] =	ssyncset.done $0x0  }
0x95: {  	[sflag:s23] =	ssyncadd.s32 $0xFFFFE000  }
0x96: {  	[spmem:s1] =	stream.indirect.scatter.add.f32 [tilespmem:s22], [sflag:$0x3], $0x10, s28, s20, $0xb8;
	[tilespmem:$0x1D700] =	vst v63  }
0x97: {  	_ =	swait.ge [sflag:s3], $0x2000  }
0x98: {  	[sflag:s3] =	ssyncset.done $0x0  }
0x99: {  	s10 =	sadd.s32 s11, s7;
	[sflag:s3] =	ssyncadd.s32 $0xFFFFE000  }
0x9a: {  	[tilespmem:s25], [sflag:$0x2] =	stream.indirect.gather [hbm4b:s4+s20], $0x10, s31, s20, $0xb8;
	[tilespmem:$0x1D700] =	vst v63  }
0x9b: {  	s12 =	sadd.s32 $0x100, s10  }
0x9c: {  	[tilespmem:s2], [sflag:$0x5] =	stream.linear.gather [hbm4b:s12+s2], $0x200, $0x38;
	[tilespmem:$0x1D700] =	vst v63  }
0x9d: {  	_ =	swait.ge [sflag:s18], $0x200  }
0x9e: {  	s11 =	sadd.s32 s11, s8;
	[sflag:s18] =	ssyncset.done $0x0  }
0x9f: {  	s12 =	sadd.s32 $0x100, s11;
	[sflag:s18] =	ssyncadd.s32 $0xFFFFFE00  }
0xa0: {  	[tilespmem:s19], [sflag:$0x5] =	stream.linear.gather [hbm4b:s12+s2], $0x200, $0x38;
	[tilespmem:$0x1D700] =	vst v63  }
0xa1: {  	_ =	swait.ge [sflag:s18], $0x200  }
0xa2: {  	[sflag:s18] =	ssyncset.done $0x0  }
0xa3: {  	[sflag:s18] =	ssyncadd.s32 $0xFFFFFE00  }
0xa4: {  	_ =	swait.ge [sflag:s29], $0x2000  }
0xa5: {  	[sflag:s29] =	ssyncset.done $0x0  }
0xa6: {  	[sflag:s29] =	ssyncadd.s32 $0xFFFFE000  }
0xa7: {  	[spmem:s1] =	stream.indirect.scatter.add.f32 [tilespmem:s25], [sflag:$0x4], $0x10, s0, s20, $0xb8;
	[tilespmem:$0x1D700] =	vst v63  }
0xa8: {  	_ =	swait.ge [sflag:s30], $0x2000  }
0xa9: {  	[sflag:s30] =	ssyncset.done $0x0  }
0xaa: {  	[sflag:s30] =	ssyncadd.s32 $0xFFFFE000  }
0xab: {  	[tilespmem:s22], [sflag:$0x1] =	stream.indirect.gather [hbm4b:s4+s20], $0x10, s2, s20, $0xb8;
	[tilespmem:$0x1D700] =	vst v63  }
0xac: {  	s12 =	sadd.s32 $0x140, s10  }
0xad: {  	[tilespmem:s20], [sflag:$0x5] =	stream.linear.gather [hbm4b:s12+s2], $0x200, $0x38;
	[tilespmem:$0x1D700] =	vst v63  }
0xae: {  	_ =	swait.ge [sflag:s18], $0x200  }
0xaf: {  	[sflag:s18] =	ssyncset.done $0x0  }
0xb0: {  	s12 =	sadd.s32 $0x140, s11;
	[sflag:s18] =	ssyncadd.s32 $0xFFFFFE00  }
0xb1: {  	[tilespmem:s21], [sflag:$0x5] =	stream.linear.gather [hbm4b:s12+s2], $0x200, $0x38;
	[tilespmem:$0x1D700] =	vst v63  }
0xb2: {  	_ =	swait.ge [sflag:s18], $0x200  }
0xb3: {  	[sflag:s18] =	ssyncset.done $0x0  }
0xb4: {  	[sflag:s18] =	ssyncadd.s32 $0xFFFFFE00  }
0xb5: {  	_ =	swait.ge [sflag:s23], $0x2000  }
0xb6: {  	[sflag:s23] =	ssyncset.done $0x0  }
0xb7: {  	[sflag:s23] =	ssyncadd.s32 $0xFFFFE000  }
0xb8: {  	[spmem:s1] =	stream.indirect.scatter.add.f32 [tilespmem:s22], [sflag:$0x3], $0x10, s19, s20, $0xb8;
	[tilespmem:$0x1D700] =	vst v63  }
0xb9: {  	_ =	swait.ge [sflag:s3], $0x2000  }
0xba: {  	[sflag:s3] =	ssyncset.done $0x0  }
0xbb: {  	[sflag:s3] =	ssyncadd.s32 $0xFFFFE000  }
0xbc: {  	[tilespmem:s25], [sflag:$0x2] =	stream.indirect.gather [hbm4b:s4+s20], $0x10, s20, s20, $0xb8;
	[tilespmem:$0x1D700] =	vst v63  }
0xbd: {  	s12 =	sadd.s32 $0x180, s10  }
0xbe: {  	[tilespmem:s26], [sflag:$0x5] =	stream.linear.gather [hbm4b:s12+s2], $0x200, $0x38;
	[tilespmem:$0x1D700] =	vst v63  }
0xbf: {  	_ =	swait.ge [sflag:s18], $0x200  }
0xc0: {  	[sflag:s18] =	ssyncset.done $0x0  }
0xc1: {  	s12 =	sadd.s32 $0x180, s11;
	[sflag:s18] =	ssyncadd.s32 $0xFFFFFE00  }
0xc2: {  	[tilespmem:s28], [sflag:$0x5] =	stream.linear.gather [hbm4b:s12+s2], $0x200, $0x38;
	[tilespmem:$0x1D700] =	vst v63  }
0xc3: {  	_ =	swait.ge [sflag:s18], $0x200  }
0xc4: {  	[sflag:s18] =	ssyncset.done $0x0  }
0xc5: {  	[sflag:s18] =	ssyncadd.s32 $0xFFFFFE00  }
0xc6: {  	_ =	swait.ge [sflag:s29], $0x2000  }
0xc7: {  	[sflag:s29] =	ssyncset.done $0x0  }
0xc8: {  	[sflag:s29] =	ssyncadd.s32 $0xFFFFE000  }
0xc9: {  	[spmem:s1] =	stream.indirect.scatter.add.f32 [tilespmem:s25], [sflag:$0x4], $0x10, s21, s20, $0xb8;
	[tilespmem:$0x1D700] =	vst v63  }
0xca: {  	_ =	swait.ge [sflag:s30], $0x2000  }
0xcb: {  	[sflag:s30] =	ssyncset.done $0x0  }
0xcc: {  	[sflag:s30] =	ssyncadd.s32 $0xFFFFE000  }
0xcd: {  	[tilespmem:s22], [sflag:$0x1] =	stream.indirect.gather [hbm4b:s4+s20], $0x10, s26, s20, $0xb8;
	[tilespmem:$0x1D700] =	vst v63  }
0xce: {  	s10 =	sadd.s32 $0x1C0, s10  }
0xcf: {  	[tilespmem:s31], [sflag:$0x5] =	stream.linear.gather [hbm4b:s10+s2], $0x200, $0x38;
	[tilespmem:$0x1D700] =	vst v63  }
0xd0: {  	_ =	swait.ge [sflag:s18], $0x200  }
.Ltmp1:
0xd1: {  	[sflag:s18] =	ssyncset.done $0x0;
	(pc) =	sbr.rel @p0 .LBB2_2-.Ltmp1, $4  }
0xd2: {  	s10 =	sadd.s32 $0x1C0, s11;
	[sflag:s18] =	ssyncadd.s32 $0xFFFFFE00  }
0xd3: {  	[tilespmem:s0], [sflag:$0x5] =	stream.linear.gather [hbm4b:s10+s2], $0x200, $0x38;
	[tilespmem:$0x1D700] =	vst v63  }
0xd4: {  	_ =	swait.ge [sflag:s18], $0x200  }
0xd5: {  	[sflag:s18] =	ssyncset.done $0x0  }
.LBB2_3:
0xd6: {  	[sflag:s18] =	ssyncadd.s32 $0xFFFFFE00  }
0xd7: {  	_ =	swait.ge [sflag:s23], $0x2000  }
0xd8: {  	[sflag:s23] =	ssyncset.done $0x0  }
0xd9: {  	[sflag:s23] =	ssyncadd.s32 $0xFFFFE000  }
0xda: {  	_ =	swait.ge [sflag:s3], $0x2000  }
0xdb: {  	s5 =	sadd.s32 $0x1, s5;
	[sflag:s3] =	ssyncset.done $0x0  }
0xdc: {  	p0 =	sne.s32 s5, s16;
	[sflag:s3] =	ssyncadd.s32 $0xFFFFE000  }
.Ltmp2:
0xdd: {  	[bflag:$0x0] =	sbarrier.arrive $0xFFFF;
	(pc) =	sbr.rel @p0 .LBB2_1-.Ltmp2, $4  }
0xde: {  	[hbm:s24], [sflag:s6] =	dma.local [spmem:s17], $0x30E0  }
0xdf: {  	_ =	swait.ge [sflag:s18], $0x30E0  }
0xe0: {  	[sflag:s18] =	ssyncset.done $0x0  }
0xe1: {  	[sflag:s18] =	ssyncadd.s32 $0xFFFFCF20  }
0xe2: {  	_ =	sfence.sel $0x180000  }
0xe3: {  	[bflag:$0x0] =	sbarrier.arrive $0xFFFF  }
0xe4: {  	_ =	strace $0x9000004A  }
0xe5: {  	s0 =	stileid.u32;
	[bflag:$0x2] =	sbarrier.arrive $0xFFFF  }
0xe6: {  	p0 =	sne.s32 s0, $0x0;
	s0 =	rddreg [dreg:$0x2]  }
0xe7: {  	s0 =	sadd.s32 @!p0 $0x100000, s0  }
0xe8: {  	[sflag:s0] =	ssyncadd.tile.s32 @!p0 $0x1;
	_ =	shalt  }
.Lfunc_end2:
_tile_overlayer_lowered:
.L_overlay_start_2:
0xe9: {  	(tag) =	ssettag $0x2  }
0xea: {  	s0 =	rddreg [dreg:$0x0];
	s2 =	stileid.u32  }
0xeb: {  	s1 =	rddreg [dreg:$0x1];
	p0 =	sne.s32 s2, $0x0  }
0xec: {  	s3 =	rddreg [dreg:$0x2];
	[bflag:$0x3] =	sbarrier.arrive $0xFFFF;
	s2 =	simm.s32 @!p0 $0x1C05  }
0xed: {  	[timem:s3], [sflag:s2] =	dma.local @!p0 [hbm:s0], s1  }
0xee: {  	s0 =	simm.s32 @!p0 $0x5  }
0xef: {  	_ =	swait.ge @!p0 [sflag:s0], s1  }
0xf0: {  	s1 =	ssub.s32 @!p0 $0x0, s1;
	[sflag:s0] =	ssyncset.done @!p0 $0x0  }
0xf1: {  	[sflag:s0] =	ssyncadd.s32 @!p0 s1  }
0xf2: {  	[bflag:$0x3] =	sbarrier.arrive $0xFFFF  }
0xf3: {  	_ =	shalt  }

// kernel: kernel.16.cloned.1.call-start
scs
__scs_entry_jumppad:
0x0: {  	(pc) =	sbr.rel $0x88, $3  }
0x1: {  	(tag) =	ssettag $0x0;
	lr =	simm.s32 $0x1  }
0x2: {  	[smem:$0x3F96] =	sst lr;
	_ =	strace $0xD0000000  }
0x3: {  	_ = 	snop  }
0x4: {  	_ = 	snop  }
0x5: {  	_ = 	snop  }
0x6: {  	_ = 	snop  }
0x7: {  	_ = 	snop  }
__scs_overlays_trampoline_lowered:
0x8: {  	[smem:$0x3FA5] =	sst s0  }
0x9: {  	[smem:$0x3FA6] =	sst s1  }
0xa: {  	[smem:$0x3FA7] =	sst s2  }
0xb: {  	[smem:$0x3FA8] =	sst s3  }
0xc: {  	[smem:$0x3FA9] =	sst s4  }
0xd: {  	[smem:$0x3FAA] =	sst s5  }
0xe: {  	[smem:$0x3FAB] =	sst s6  }
0xf: {  	[smem:$0x3FAC] =	sst s7  }
0x10: {  	[smem:$0x3FAD] =	sst s8  }
0x11: {  	[smem:$0x3FAE] =	sst s9;
	s0 =	simm.s32 @!p0 $0x0  }
0x12: {  	s1 =	sld [smem:$0x3F94];
	s0 =	simm.s32 @p0 $0x1  }
0x13: {  	[smem:$0x3FAF] =	sst s0;
	s0 =	simm.s32 @!p1 $0x0  }
0x14: {  	s2 =	sld [smem:$0x3F93];
	s0 =	simm.s32 @p1 $0x1  }
0x15: {  	[smem:$0x3FB0] =	sst s0;
	s0 =	simm.s32 @!p2 $0x0  }
0x16: {  	s3 =	sld [smem:$0x3FDB];
	s0 =	simm.s32 @p2 $0x1  }
0x17: {  	s4 =	simm.s32 $0x1BF5;
	[smem:$0x3FB2] =	sst s0  }
0x18: {  	s0 =	sld [smem:$0x3F95];
	_ =	swait.ge [sflag:s4], $0x0  }
0x19: {  	s7 =	sld [smem:$0x3F96]  }
0x1a: {  	s8 =	sadd.s32 $0xFFFFE003, lr  }
0x1b: {  	s9 =	sadd.s32 $0xFFFFFEF7, lr;
	s5 =	simm.s32 $0xFFFFFFFF;
	p2 =	slt.u32 s8, $0xFFFFF086  }
0x1c: {  	p1 =	slt.u32 s9, $0xF7A;
	s5 =	simm.s32 @!p2 $0x0  }
0x1d: {  	s5 =	simm.s32 @p1 $0x1;
	p0 =	seq.s32 s7, s2  }
0x1e: {  	s7 =	smul.u32 @!p0 $0xF7A, s2;
	p2 =	seq.s32 @!p0 s5, $0x0  }
0x1f: {  	s9 =	smul.u32 $0xF7A, s1;
	s8 =	simm.s32 @!p0 $0x1BF5;
	p2 =	por !p2, p0  }
0x20: {  	[sflag:s8] =	ssyncset.s32 @!p0 $0xFFFFF086;
	s6 =	sadd.s32 @!p0 s3, s7;
	s7 =	simm.s32 @!p0 $0x108  }
0x21: {  	s3 =	sadd.s32 s3, s9;
	s6 =	sadd.s32 @!p0 $0x88, s6;
	s7 =	simm.s32 @p2 $0x1082  }
0x22: {  	[simem:s7], [sflag:s8] =	dma.local @!p0 [hbm:s6], $0xF7A  }
0x23: {  	s9 =	sor.u32 $0xD0000000, s2;
	s6 =	simm.s32 $0x108;
	_ =	swait.ge @!p0 [sflag:s8], $0x0  }
0x24: {  	s3 =	sadd.s32 $0x88, s3;
	s6 =	simm.s32 @!p1 $0x1082;
	[sflag:s4] =	ssyncset.s32 $0xFFFFF086  }
0x25: {  	[simem:s6], [sflag:s4] =	dma.local [hbm:s3], $0xF7A  }
0x26: {  	[smem:$0x3F96] =	sst s1;
	(tag) =	ssettag s2;
	_ =	strace s9  }
0x27: {  	s1 =	sld [smem:$0x3FA6]  }
0x28: {  	s2 =	sld [smem:$0x3FA7]  }
0x29: {  	s4 =	sld [smem:$0x3FA9]  }
0x2a: {  	p0 =	seq.s32 s5, $0x0;
	s5 =	sld [smem:$0x3FAA]  }
0x2b: {  	s6 =	sld [smem:$0x3FAB]  }
0x2c: {  	s7 =	sld [smem:$0x3FAC]  }
0x2d: {  	s3 =	simm.s32 $0x108;
	s8 =	sld [smem:$0x3FAD]  }
0x2e: {  	s3 =	simm.s32 @!p0 $0x1082;
	s9 =	sld [smem:$0x3FAE]  }
0x2f: {  	lr =	sadd.s32 s0, s3;
	s0 =	sld [smem:$0x3FA5]  }
0x30: {  	s3 =	sld [smem:$0x3FA8]  }
0x31: {  	[smem:$0x3FB1] =	sst s10  }
0x32: {  	s10 =	sld [smem:$0x3FAF];
	_ =	sdelay $0x3  }
0x33: {  	p0 =	seq.s32 s10, $0x1;
	s10 =	sld [smem:$0x3FB1];
	_ =	sdelay $0x3  }
0x34: {  	[smem:$0x3FB1] =	sst s10  }
0x35: {  	s10 =	sld [smem:$0x3FB0];
	_ =	sdelay $0x3  }
0x36: {  	p1 =	seq.s32 s10, $0x1;
	s10 =	sld [smem:$0x3FB1];
	_ =	sdelay $0x3  }
0x37: {  	[smem:$0x3FB1] =	sst s10  }
0x38: {  	s10 =	sld [smem:$0x3FB2]  }
0x39: {  	_ = 	snop;
	(pc) =	sbr.ind lr, $3  }
0x3a: {  	_ = 	snop  }
0x3b: {  	_ = 	snop  }
0x3c: {  	p2 =	seq.s32 s10, $0x1;
	s10 =	sld [smem:$0x3FB1]  }
0x3d: {  	_ =	shalt  }
0x3e: {  	_ =	shalt  }
0x3f: {  	_ =	shalt  }
0x40: {  	_ =	shalt  }
0x41: {  	_ =	shalt  }
0x42: {  	_ =	shalt  }
0x43: {  	_ =	shalt  }
0x44: {  	_ =	shalt  }
0x45: {  	_ =	shalt  }
0x46: {  	_ =	shalt  }
0x47: {  	_ =	shalt  }
0x48: {  	_ =	shalt  }
0x49: {  	_ =	shalt  }
0x4a: {  	_ =	shalt  }
0x4b: {  	_ =	shalt  }
0x4c: {  	_ =	shalt  }
0x4d: {  	_ =	shalt  }
0x4e: {  	_ =	shalt  }
0x4f: {  	_ =	shalt  }
0x50: {  	_ =	shalt  }
0x51: {  	_ =	shalt  }
0x52: {  	_ =	shalt  }
0x53: {  	_ =	shalt  }
0x54: {  	_ =	shalt  }
0x55: {  	_ =	shalt  }
0x56: {  	_ =	shalt  }
0x57: {  	_ =	shalt  }
0x58: {  	_ =	shalt  }
0x59: {  	_ =	shalt  }
0x5a: {  	_ =	shalt  }
0x5b: {  	_ =	shalt  }
0x5c: {  	_ =	shalt  }
0x5d: {  	_ =	shalt  }
0x5e: {  	_ =	shalt  }
0x5f: {  	_ =	shalt  }
0x60: {  	_ =	shalt  }
0x61: {  	_ =	shalt  }
0x62: {  	_ =	shalt  }
0x63: {  	_ =	shalt  }
0x64: {  	_ =	shalt  }
0x65: {  	_ =	shalt  }
0x66: {  	_ =	shalt  }
0x67: {  	_ =	shalt  }
0x68: {  	_ =	shalt  }
0x69: {  	_ =	shalt  }
0x6a: {  	_ =	shalt  }
0x6b: {  	_ =	shalt  }
0x6c: {  	_ =	shalt  }
0x6d: {  	_ =	shalt  }
0x6e: {  	_ =	shalt  }
0x6f: {  	_ =	shalt  }
0x70: {  	_ =	shalt  }
0x71: {  	_ =	shalt  }
0x72: {  	_ =	shalt  }
0x73: {  	_ =	shalt  }
0x74: {  	_ =	shalt  }
0x75: {  	_ =	shalt  }
0x76: {  	_ =	shalt  }
0x77: {  	_ =	shalt  }
0x78: {  	_ =	shalt  }
0x79: {  	_ =	shalt  }
0x7a: {  	_ =	shalt  }
0x7b: {  	_ =	shalt  }
0x7c: {  	_ =	shalt  }
0x7d: {  	_ =	shalt  }
0x7e: {  	_ =	shalt  }
0x7f: {  	_ =	shalt  }
0x80: {  	_ =	shalt  }
0x81: {  	_ =	shalt  }
0x82: {  	_ =	shalt  }
0x83: {  	_ =	shalt  }
0x84: {  	_ =	shalt  }
0x85: {  	_ =	shalt  }
0x86: {  	_ =	shalt  }
0x87: {  	_ =	shalt  }
.Lfunc_end0:
.L_simem_size_0:
called_computation.2_lowered:
.L_overlay_start_0:
0x88: {  	s2 =	sld [smem:$0x3FD9]  }
0x89: {  	s3 =	sld [smem:$0x3FFE];
	_ =	sdelay $0x1  }
0x8a: {  	s1 =	srdreg.scid  }
0x8b: {  	s0 =	sand.u32 $0x1, s1  }
0x8c: {  	s16 =	sshll.u32 s0, $0xA;
	s2 =	sadd.s32 s3, s2  }
0x8d: {  	s2 =	sadd.s32 s2, s16  }
0x8e: {  	[smem:$0x3FBD] =	sst s2  }
0x8f: {  	_ = 	snop  }
0x90: {  	(tm) =	ssettm $0x1  }
0x91: {  	s17 =	sld [smem:$0x3FFB];
	_ =	sdelay $0x3  }
0x92: {  	_ =	strace s17  }
0x93: {  	s2 =	sld [smem:$0x3FFC];
	_ =	sdelay $0x3  }
0x94: {  	_ =	strace s2  }
0x95: {  	s2 =	sld [smem:$0x3FFD];
	_ =	sdelay $0x3  }
0x96: {  	_ =	strace s2  }
0x97: {  	_ =	strace $0x8FFFFFFF  }
0x98: {  	s18 =	sld [smem:$0x3FDB];
	_ =	sdelay $0x1  }
0x99: {  	s19 =	simm.s32 $_scs_section_size  }
0x9a: {  	s4 =	simm.s32 $_size__tile_overlayer_lowered;
	s5 =	simm.s32 $_tile_overlayer_lowered  }
0x9b: {  	s22 =	simm.s32 $0x1BFF;
	s21 =	sshll.u32 s5, $0x1;
	s2 =	sadd.s32 s19, s18  }
0x9c: {  	s6 =	simm.s32 $0x0;
	s20 =	sshll.u32 s4, $0x1;
	s4 =	sadd.s32 s21, s2  }
0x9d: {  	[timem:s6], [sflag:s22] =	dma.local [hbm:s4], s20  }
0x9e: {  	_ =	swait.ge [sflag:s22], s20  }
0x9f: {  	s3 =	ssub.s32 $0x0, s20;
	[sflag:s22] =	ssyncset.done $0x0  }
0xa0: {  	[sflag:s22] =	ssyncadd.s32 s3;
	_ =	sdelay $0x1  }
0xa1: {  	s23 =	simm.s32 $0x1B8B  }
0xa2: {  	_ =	swait.ge [sflag:s23], $0x1  }
0xa3: {  	[sflag:s23] =	ssyncset.done $0x0  }
0xa4: {  	s25 =	simm.s32 $0x1B8E;
	s24 =	sld [smem:$0x3FFE];
	[sflag:s23] =	ssyncadd.s32 $0xFFFFFFFF  }
0xa5: {  	s26 =	simm.s32 $execute0_lowered;
	[smem:$0x3FD2] =	sst s25  }
0xa6: {  	s4 =	sshll.u32 s26, $0x1;
	_ =	strace $0x8000004C;
	[dreg:$0x1] =	wrdreg $0xFFFFFFFF  }
0xa7: {  	s28 =	simm.s32 $_size_execute0_lowered;
	s2 =	sadd.s32 s2, s4;
	[dreg:$0x0] =	wrdreg $0x0  }
0xa8: {  	s4 =	sshll.u32 s28, $0x1;
	[dreg:$0x2] =	wrdreg s2  }
0xa9: {  	[dreg:$0x3] =	wrdreg s4  }
0xaa: {  	[dreg:$0x4] =	wrdreg $0xC0  }
0xab: {  	_ =	task [dreg:s6], $0x5FFFF  }
0xac: {  	[dreg:$0x1] =	wrdreg $0xFFFFFFFF  }
0xad: {  	[dreg:$0x0] =	wrdreg $0x60  }
0xae: {  	[dreg:$0x2] =	wrdreg s24  }
0xaf: {  	[dreg:$0x3] =	wrdreg $0x50000  }
0xb0: {  	[dreg:$0x4] =	wrdreg $0x9  }
0xb1: {  	_ =	task.clear_ibuf [dreg:s6], $0x5FFFF;
	_ =	strace $0x9000004C  }
0xb2: {  	s29 =	simm.s32 $0x9;
	_ =	strace $0x8000004E  }
0xb3: {  	_ =	swait.ge [sflag:s29], $0x1  }
0xb4: {  	[sflag:s29] =	ssyncadd.s32 $0xFFFFFFFF  }
0xb5: {  	_ =	strace $0x9000004E  }
0xb6: {  	_ =	sfence  }
0xb7: {  	s30 =	sld [smem:$0x0];
	_ =	sdelay $0x2  }
0xb8: {  	s31 =	sshll.u32 s1, $0xD;
	s1 =	sshrl.u32 s1, $0x2  }
0xb9: {  	s3 =	sand.u32 $0x4000, s31;
	s1 =	sadd.s32 s1, s30  }
0xba: {  	s0 =	sor.u32 s3, s0;
	s1 =	sshll.u32 s1, $0x11  }
0xbb: {  	s0 =	sor.u32 s1, s0  }
0xbc: {  	s0 =	sadd.s32 $0x8F2B, s0  }
0xbd: {  	[sflag:s0] =	ssyncadd.remote.s32 $0x1  }
0xbe: {  	_ =	sfence.sel $0xFFFF  }
0xbf: {  	[dreg:$0x0] =	wrdreg $0xFFFFFFFF;
	(pc) =	sbr.abs _section_cstart, $3  }
0xc0: {  	[dreg:$0x1] =	wrdreg $0xFFFFFFFF  }
0xc1: {  	_ =	task.clear_ibuf [dreg:s6], $0x2FFFF;
	_ =	strace $0x9FFFFFFF  }
0xc2: {  	(tm) =	ssettm $0x7FFFFFFF  }
0xc3: {  	_ =	shalt  }
tec
execute0_lowered:
.L_overlay_start_1:
0x0: {  	(tag) =	ssettag $0x1  }
0x1: {  	s0 =	rddreg [dreg:$0x0]  }
0x2: {  	s1 =	rddreg [dreg:$0x1]  }
0x3: {  	s2 =	simm.s32 $0x0;
	s3 =	srdreg.scid;
	s12 =	stileid.u32  }
0x4: {  	s15 =	simm.s32 $0x3400;
	s18 =	simm.s32 $0x5;
	s28 =	simm.s32 $0xC00  }
0x5: {  	s29 =	simm.s32 $0x2;
	s30 =	simm.s32 $0x3;
	s31 =	simm.s32 $0x600  }
0x6: {  	[smem:$0x7FF] =	sst s2;
	s5 =	sadd.s32 $0xCA800, s0;
	s8 =	smul.u32 $0xB6, s12  }
0x7: {  	s9 =	sadd.s32 $0x3400, s0;
	s3 =	sand.u32 $0x1, s3;
	s10 =	smul.u32 $0xD2, s12  }
0x8: {  	s4 =	sadd.s32 $0x68C00, s0;
	s7 =	sadd.s32 $0x65A00, s0;
	s11 =	smul.u32 $0x18700, s12  }
0x9: {  	s21 =	sshll.u32 s12, $0x6;
	_ =	strace $0x8000004D;
	s6 =	smul.u32 $0x30E00, s3  }
0xa: {  	[dreg:$0x3] =	wrdreg s7;
	s19 =	ssub.s32 $0x2, s3;
	p0 =	seq.s32 s3, $0x0  }
0xb: {  	s20 =	sshrl.u32 s19, $0x1;
	s3 =	sadd.s32 $0xD20, s8;
	s22 =	sadd.s32 s11, s1  }
0xc: {  	s15 =	simm.s32 @!p0 $0x2D00;
	s26 =	sshrl.u32 s11, $0x3;
	s0 =	sadd.s32 s6, s0  }
0xd: {  	s16 =	ssub.s32 s19, s20;
	s3 =	smov.u32 @p0 s10;
	s6 =	sor.u32 $0x1C05, s21  }
0xe: {  	s17 =	sshrl.u32 s22, $0x3;
	s19 =	simm.s32 $0x800;
	s20 =	simm.s32 $0x200  }
0xf: {  	s21 =	simm.s32 $0xA00;
	s22 =	simm.s32 $0x1000;
	s3 =	sshll.u32 s3, $0x6  }
0x10: {  	s0 =	sadd.s32 $0x12CA00, s0;
	s16 =	smax.u32 s16, $0x1;
	s23 =	sor.u32 $0x40, s3  }
0x11: {  	s7 =	sadd.s32 s5, s3;
	s8 =	sadd.s32 s9, s3;
	s13 =	sadd.s32 s5, s23  }
0x12: {  	s24 =	sadd.s32 $0x80, s3;
	s12 =	sadd.s32 s9, s23;
	[dreg:$0x4] =	wrdreg s13  }
0x13: {  	s3 =	sadd.s32 $0xC0, s3;
	s25 =	sadd.s32 s5, s24;
	[dreg:$0x5] =	wrdreg s12  }
0x14: {  	s14 =	sadd.s32 s9, s3;
	s23 =	simm.s32 $0x1;
	[dreg:$0x6] =	wrdreg s25  }
0x15: {  	s12 =	sadd.s32 s9, s24;
	s13 =	sadd.s32 s5, s3;
	s24 =	sadd.s32 s26, s0  }
0x16: {  	s25 =	simm.s32 $0x3000;
	s26 =	simm.s32 $0x400;
	s0 =	simm.s32 $0xE00  }
0x17: {  	s3 =	simm.s32 $0x4;
	s5 =	simm.s32 $0x0;
	[dreg:$0x7] =	wrdreg s12  }
.LBB2_1:
0x18: {  	s9 =	rddreg [dreg:$0x3]  }
0x19: {  	[spmem:s17], [sflag:s6] =	dma.local [hbm:s9], $0x30E0  }
0x1a: {  	_ =	swait.ge [sflag:s18], $0x30E0  }
0x1b: {  	[sflag:s18] =	ssyncset.done $0x0  }
0x1c: {  	[sflag:s18] =	ssyncadd.s32 $0xFFFFCF20  }
0x1d: {  	[bflag:$0x0] =	sbarrier.arrive $0xFFFF  }
0x1e: {  	[tilespmem:s2], [sflag:$0x5] =	stream.linear.gather [hbm4b:s7+s2], $0x200, $0x38;
	[tilespmem:$0x1D700] =	vst v63  }
0x1f: {  	_ =	swait.ge [sflag:s18], $0x200  }
0x20: {  	[sflag:s18] =	ssyncset.done $0x0  }
0x21: {  	[sflag:s18] =	ssyncadd.s32 $0xFFFFFE00  }
0x22: {  	[tilespmem:s19], [sflag:$0x5] =	stream.linear.gather [hbm4b:s8+s2], $0x200, $0x38;
	[tilespmem:$0x1D700] =	vst v63  }
0x23: {  	_ =	swait.ge [sflag:s18], $0x200  }
0x24: {  	[sflag:s18] =	ssyncset.done $0x0  }
0x25: {  	s11 =	rddreg [dreg:$0x4];
	[sflag:s18] =	ssyncadd.s32 $0xFFFFFE00  }
0x26: {  	[tilespmem:s20], [sflag:$0x5] =	stream.linear.gather [hbm4b:s11+s2], $0x200, $0x38;
	[tilespmem:$0x1D700] =	vst v63  }
0x27: {  	_ =	swait.ge [sflag:s18], $0x200  }
0x28: {  	[sflag:s18] =	ssyncset.done $0x0  }
0x29: {  	s12 =	rddreg [dreg:$0x5];
	[sflag:s18] =	ssyncadd.s32 $0xFFFFFE00  }
0x2a: {  	[tilespmem:s21], [sflag:$0x5] =	stream.linear.gather [hbm4b:s12+s2], $0x200, $0x38;
	[tilespmem:$0x1D700] =	vst v63  }
0x2b: {  	_ =	swait.ge [sflag:s18], $0x200  }
0x2c: {  	[sflag:s18] =	ssyncset.done $0x0  }
0x2d: {  	[sflag:s18] =	ssyncadd.s32 $0xFFFFFE00  }
0x2e: {  	[tilespmem:s22], [sflag:$0x1] =	stream.indirect.gather [hbm4b:s4+s20], $0x10, s2, s20, $0xb8;
	[tilespmem:$0x1D700] =	vst v63  }
0x2f: {  	_ =	swait.ge [sflag:s23], $0x2000  }
0x30: {  	[sflag:s23] =	ssyncset.done $0x0  }
0x31: {  	[sflag:s23] =	ssyncadd.s32 $0xFFFFE000  }
0x32: {  	[spmem:s1] =	stream.indirect.scatter.add.f32 [tilespmem:s22], [sflag:$0x3], $0x10, s19, s20, $0xb8;
	[tilespmem:$0x1D700] =	vst v63  }
0x33: {  	_ = 	snop  }
0x34: {  	[tilespmem:s25], [sflag:$0x2] =	stream.indirect.gather [hbm4b:s4+s20], $0x10, s20, s20, $0xb8;
	[tilespmem:$0x1D700] =	vst v63  }
0x35: {  	s10 =	rddreg [dreg:$0x6]  }
0x36: {  	[tilespmem:s26], [sflag:$0x5] =	stream.linear.gather [hbm4b:s10+s2], $0x200, $0x38;
	[tilespmem:$0x1D700] =	vst v63  }
0x37: {  	_ =	swait.ge [sflag:s18], $0x200  }
0x38: {  	[sflag:s18] =	ssyncset.done $0x0  }
0x39: {  	s11 =	rddreg [dreg:$0x7];
	[sflag:s18] =	ssyncadd.s32 $0xFFFFFE00  }
0x3a: {  	[tilespmem:s28], [sflag:$0x5] =	stream.linear.gather [hbm4b:s11+s2], $0x200, $0x38;
	[tilespmem:$0x1D700] =	vst v63  }
0x3b: {  	_ =	swait.ge [sflag:s18], $0x200  }
0x3c: {  	[sflag:s18] =	ssyncset.done $0x0  }
0x3d: {  	[sflag:s18] =	ssyncadd.s32 $0xFFFFFE00  }
0x3e: {  	_ =	swait.ge [sflag:s29], $0x2000  }
0x3f: {  	[sflag:s29] =	ssyncset.done $0x0  }
0x40: {  	[sflag:s29] =	ssyncadd.s32 $0xFFFFE000  }
0x41: {  	[spmem:s1] =	stream.indirect.scatter.add.f32 [tilespmem:s25], [sflag:$0x4], $0x10, s21, s20, $0xb8;
	[tilespmem:$0x1D700] =	vst v63  }
0x42: {  	_ =	swait.ge [sflag:s30], $0x2000  }
0x43: {  	[sflag:s30] =	ssyncset.done $0x0  }
0x44: {  	[sflag:s30] =	ssyncadd.s32 $0xFFFFE000  }
0x45: {  	[tilespmem:s22], [sflag:$0x1] =	stream.indirect.gather [hbm4b:s4+s20], $0x10, s26, s20, $0xb8;
	[tilespmem:$0x1D700] =	vst v63  }
0x46: {  	_ = 	snop  }
0x47: {  	[tilespmem:s31], [sflag:$0x5] =	stream.linear.gather [hbm4b:s13+s2], $0x200, $0x38;
	[tilespmem:$0x1D700] =	vst v63  }
0x48: {  	_ =	swait.ge [sflag:s18], $0x200  }
0x49: {  	[sflag:s18] =	ssyncset.done $0x0  }
0x4a: {  	[sflag:s18] =	ssyncadd.s32 $0xFFFFFE00  }
0x4b: {  	[tilespmem:s0], [sflag:$0x5] =	stream.linear.gather [hbm4b:s14+s2], $0x200, $0x38;
	[tilespmem:$0x1D700] =	vst v63  }
0x4c: {  	_ =	swait.ge [sflag:s18], $0x200  }
0x4d: {  	[sflag:s18] =	ssyncset.done $0x0  }
0x4e: {  	[sflag:s18] =	ssyncadd.s32 $0xFFFFFE00  }
0x4f: {  	_ =	swait.ge [sflag:s23], $0x2000  }
0x50: {  	[sflag:s23] =	ssyncset.done $0x0  }
0x51: {  	[sflag:s23] =	ssyncadd.s32 $0xFFFFE000  }
0x52: {  	[spmem:s1] =	stream.indirect.scatter.add.f32 [tilespmem:s22], [sflag:$0x3], $0x10, s28, s20, $0xb8;
	[tilespmem:$0x1D700] =	vst v63  }
0x53: {  	_ =	swait.ge [sflag:s3], $0x2000  }
0x54: {  	[sflag:s3] =	ssyncset.done $0x0  }
0x55: {  	s9 =	sadd.s32 $0x0, s7;
	[sflag:s3] =	ssyncadd.s32 $0xFFFFE000  }
0x56: {  	[tilespmem:s25], [sflag:$0x2] =	stream.indirect.gather [hbm4b:s4+s20], $0x10, s31, s20, $0xb8;
	[tilespmem:$0x1D700] =	vst v63  }
0x57: {  	s10 =	sadd.s32 $0x100, s9  }
0x58: {  	[tilespmem:s2], [sflag:$0x5] =	stream.linear.gather [hbm4b:s10+s2], $0x200, $0x38;
	[tilespmem:$0x1D700] =	vst v63  }
0x59: {  	_ =	swait.ge [sflag:s18], $0x200  }
0x5a: {  	s10 =	sadd.s32 $0x0, s8;
	[sflag:s18] =	ssyncset.done $0x0  }
0x5b: {  	s11 =	sadd.s32 $0x100, s10;
	[sflag:s18] =	ssyncadd.s32 $0xFFFFFE00  }
0x5c: {  	[tilespmem:s19], [sflag:$0x5] =	stream.linear.gather [hbm4b:s11+s2], $0x200, $0x38;
	[tilespmem:$0x1D700] =	vst v63  }
0x5d: {  	_ =	swait.ge [sflag:s18], $0x200  }
0x5e: {  	[sflag:s18] =	ssyncset.done $0x0  }
0x5f: {  	[sflag:s18] =	ssyncadd.s32 $0xFFFFFE00  }
0x60: {  	_ =	swait.ge [sflag:s29], $0x2000  }
0x61: {  	[sflag:s29] =	ssyncset.done $0x0  }
0x62: {  	[sflag:s29] =	ssyncadd.s32 $0xFFFFE000  }
0x63: {  	[spmem:s1] =	stream.indirect.scatter.add.f32 [tilespmem:s25], [sflag:$0x4], $0x10, s0, s20, $0xb8;
	[tilespmem:$0x1D700] =	vst v63  }
0x64: {  	_ =	swait.ge [sflag:s30], $0x2000  }
0x65: {  	[sflag:s30] =	ssyncset.done $0x0  }
0x66: {  	[sflag:s30] =	ssyncadd.s32 $0xFFFFE000  }
0x67: {  	[tilespmem:s22], [sflag:$0x1] =	stream.indirect.gather [hbm4b:s4+s20], $0x10, s2, s20, $0xb8;
	[tilespmem:$0x1D700] =	vst v63  }
0x68: {  	s12 =	sadd.s32 $0x140, s9  }
0x69: {  	[tilespmem:s20], [sflag:$0x5] =	stream.linear.gather [hbm4b:s12+s2], $0x200, $0x38;
	[tilespmem:$0x1D700] =	vst v63  }
0x6a: {  	_ =	swait.ge [sflag:s18], $0x200  }
0x6b: {  	[sflag:s18] =	ssyncset.done $0x0  }
0x6c: {  	s12 =	sadd.s32 $0x140, s10;
	[sflag:s18] =	ssyncadd.s32 $0xFFFFFE00  }
0x6d: {  	[tilespmem:s21], [sflag:$0x5] =	stream.linear.gather [hbm4b:s12+s2], $0x200, $0x38;
	[tilespmem:$0x1D700] =	vst v63  }
0x6e: {  	_ =	swait.ge [sflag:s18], $0x200  }
0x6f: {  	[sflag:s18] =	ssyncset.done $0x0  }
0x70: {  	[sflag:s18] =	ssyncadd.s32 $0xFFFFFE00  }
0x71: {  	_ =	swait.ge [sflag:s23], $0x2000  }
0x72: {  	[sflag:s23] =	ssyncset.done $0x0  }
0x73: {  	[sflag:s23] =	ssyncadd.s32 $0xFFFFE000  }
0x74: {  	[spmem:s1] =	stream.indirect.scatter.add.f32 [tilespmem:s22], [sflag:$0x3], $0x10, s19, s20, $0xb8;
	[tilespmem:$0x1D700] =	vst v63  }
0x75: {  	_ =	swait.ge [sflag:s3], $0x2000  }
0x76: {  	[sflag:s3] =	ssyncset.done $0x0  }
0x77: {  	[sflag:s3] =	ssyncadd.s32 $0xFFFFE000  }
0x78: {  	[tilespmem:s25], [sflag:$0x2] =	stream.indirect.gather [hbm4b:s4+s20], $0x10, s20, s20, $0xb8;
	[tilespmem:$0x1D700] =	vst v63  }
0x79: {  	s12 =	sadd.s32 $0x180, s9  }
0x7a: {  	[tilespmem:s26], [sflag:$0x5] =	stream.linear.gather [hbm4b:s12+s2], $0x200, $0x38;
	[tilespmem:$0x1D700] =	vst v63  }
0x7b: {  	_ =	swait.ge [sflag:s18], $0x200  }
0x7c: {  	[sflag:s18] =	ssyncset.done $0x0  }
0x7d: {  	s12 =	sadd.s32 $0x180, s10;
	[sflag:s18] =	ssyncadd.s32 $0xFFFFFE00  }
0x7e: {  	[tilespmem:s28], [sflag:$0x5] =	stream.linear.gather [hbm4b:s12+s2], $0x200, $0x38;
	[tilespmem:$0x1D700] =	vst v63  }
0x7f: {  	_ =	swait.ge [sflag:s18], $0x200  }
0x80: {  	[sflag:s18] =	ssyncset.done $0x0  }
0x81: {  	[sflag:s18] =	ssyncadd.s32 $0xFFFFFE00  }
0x82: {  	_ =	swait.ge [sflag:s29], $0x2000  }
0x83: {  	[sflag:s29] =	ssyncset.done $0x0  }
0x84: {  	[sflag:s29] =	ssyncadd.s32 $0xFFFFE000  }
0x85: {  	[spmem:s1] =	stream.indirect.scatter.add.f32 [tilespmem:s25], [sflag:$0x4], $0x10, s21, s20, $0xb8;
	[tilespmem:$0x1D700] =	vst v63  }
0x86: {  	_ =	swait.ge [sflag:s30], $0x2000  }
0x87: {  	[sflag:s30] =	ssyncset.done $0x0  }
0x88: {  	[sflag:s30] =	ssyncadd.s32 $0xFFFFE000  }
0x89: {  	[tilespmem:s22], [sflag:$0x1] =	stream.indirect.gather [hbm4b:s4+s20], $0x10, s26, s20, $0xb8;
	[tilespmem:$0x1D700] =	vst v63  }
0x8a: {  	s9 =	sadd.s32 $0x1C0, s9  }
0x8b: {  	[tilespmem:s31], [sflag:$0x5] =	stream.linear.gather [hbm4b:s9+s2], $0x200, $0x38;
	[tilespmem:$0x1D700] =	vst v63  }
0x8c: {  	p0 =	sne.s32 s15, $0x100;
	_ =	swait.ge [sflag:s18], $0x200  }
.Ltmp0:
0x8d: {  	[sflag:s18] =	ssyncset.done $0x0;
	(pc) =	sbr.rel @!p0 .LBB2_3-.Ltmp0, $4  }
0x8e: {  	s12 =	sadd.s32 $0x1C0, s10;
	[sflag:s18] =	ssyncadd.s32 $0xFFFFFE00  }
0x8f: {  	[tilespmem:s0], [sflag:$0x5] =	stream.linear.gather [hbm4b:s12+s2], $0x200, $0x38;
	[tilespmem:$0x1D700] =	vst v63  }
0x90: {  	_ =	swait.ge [sflag:s18], $0x200  }
0x91: {  	s9 =	simm.s32 $0x100;
	[sflag:s18] =	ssyncset.done $0x0  }
.LBB2_2:
0x92: {  	[sflag:s18] =	ssyncadd.s32 $0xFFFFFE00;
	s11 =	smov.u32 s9;
	s9 =	sadd.s32 $0x100, s9  }
0x93: {  	_ =	swait.ge [sflag:s23], $0x2000;
	p0 =	sne.s32 s15, s9  }
0x94: {  	[sflag:s23] =	ssyncset.done $0x0  }
0x95: {  	[sflag:s23] =	ssyncadd.s32 $0xFFFFE000  }
0x96: {  	[spmem:s1] =	stream.indirect.scatter.add.f32 [tilespmem:s22], [sflag:$0x3], $0x10, s28, s20, $0xb8;
	[tilespmem:$0x1D700] =	vst v63  }
0x97: {  	_ =	swait.ge [sflag:s3], $0x2000  }
0x98: {  	[sflag:s3] =	ssyncset.done $0x0  }
0x99: {  	s10 =	sadd.s32 s11, s7;
	[sflag:s3] =	ssyncadd.s32 $0xFFFFE000  }
0x9a: {  	[tilespmem:s25], [sflag:$0x2] =	stream.indirect.gather [hbm4b:s4+s20], $0x10, s31, s20, $0xb8;
	[tilespmem:$0x1D700] =	vst v63  }
0x9b: {  	s12 =	sadd.s32 $0x100, s10  }
0x9c: {  	[tilespmem:s2], [sflag:$0x5] =	stream.linear.gather [hbm4b:s12+s2], $0x200, $0x38;
	[tilespmem:$0x1D700] =	vst v63  }
0x9d: {  	_ =	swait.ge [sflag:s18], $0x200  }
0x9e: {  	s11 =	sadd.s32 s11, s8;
	[sflag:s18] =	ssyncset.done $0x0  }
0x9f: {  	s12 =	sadd.s32 $0x100, s11;
	[sflag:s18] =	ssyncadd.s32 $0xFFFFFE00  }
0xa0: {  	[tilespmem:s19], [sflag:$0x5] =	stream.linear.gather [hbm4b:s12+s2], $0x200, $0x38;
	[tilespmem:$0x1D700] =	vst v63  }
0xa1: {  	_ =	swait.ge [sflag:s18], $0x200  }
0xa2: {  	[sflag:s18] =	ssyncset.done $0x0  }
0xa3: {  	[sflag:s18] =	ssyncadd.s32 $0xFFFFFE00  }
0xa4: {  	_ =	swait.ge [sflag:s29], $0x2000  }
0xa5: {  	[sflag:s29] =	ssyncset.done $0x0  }
0xa6: {  	[sflag:s29] =	ssyncadd.s32 $0xFFFFE000  }
0xa7: {  	[spmem:s1] =	stream.indirect.scatter.add.f32 [tilespmem:s25], [sflag:$0x4], $0x10, s0, s20, $0xb8;
	[tilespmem:$0x1D700] =	vst v63  }
0xa8: {  	_ =	swait.ge [sflag:s30], $0x2000  }
0xa9: {  	[sflag:s30] =	ssyncset.done $0x0  }
0xaa: {  	[sflag:s30] =	ssyncadd.s32 $0xFFFFE000  }
0xab: {  	[tilespmem:s22], [sflag:$0x1] =	stream.indirect.gather [hbm4b:s4+s20], $0x10, s2, s20, $0xb8;
	[tilespmem:$0x1D700] =	vst v63  }
0xac: {  	s12 =	sadd.s32 $0x140, s10  }
0xad: {  	[tilespmem:s20], [sflag:$0x5] =	stream.linear.gather [hbm4b:s12+s2], $0x200, $0x38;
	[tilespmem:$0x1D700] =	vst v63  }
0xae: {  	_ =	swait.ge [sflag:s18], $0x200  }
0xaf: {  	[sflag:s18] =	ssyncset.done $0x0  }
0xb0: {  	s12 =	sadd.s32 $0x140, s11;
	[sflag:s18] =	ssyncadd.s32 $0xFFFFFE00  }
0xb1: {  	[tilespmem:s21], [sflag:$0x5] =	stream.linear.gather [hbm4b:s12+s2], $0x200, $0x38;
	[tilespmem:$0x1D700] =	vst v63  }
0xb2: {  	_ =	swait.ge [sflag:s18], $0x200  }
0xb3: {  	[sflag:s18] =	ssyncset.done $0x0  }
0xb4: {  	[sflag:s18] =	ssyncadd.s32 $0xFFFFFE00  }
0xb5: {  	_ =	swait.ge [sflag:s23], $0x2000  }
0xb6: {  	[sflag:s23] =	ssyncset.done $0x0  }
0xb7: {  	[sflag:s23] =	ssyncadd.s32 $0xFFFFE000  }
0xb8: {  	[spmem:s1] =	stream.indirect.scatter.add.f32 [tilespmem:s22], [sflag:$0x3], $0x10, s19, s20, $0xb8;
	[tilespmem:$0x1D700] =	vst v63  }
0xb9: {  	_ =	swait.ge [sflag:s3], $0x2000  }
0xba: {  	[sflag:s3] =	ssyncset.done $0x0  }
0xbb: {  	[sflag:s3] =	ssyncadd.s32 $0xFFFFE000  }
0xbc: {  	[tilespmem:s25], [sflag:$0x2] =	stream.indirect.gather [hbm4b:s4+s20], $0x10, s20, s20, $0xb8;
	[tilespmem:$0x1D700] =	vst v63  }
0xbd: {  	s12 =	sadd.s32 $0x180, s10  }
0xbe: {  	[tilespmem:s26], [sflag:$0x5] =	stream.linear.gather [hbm4b:s12+s2], $0x200, $0x38;
	[tilespmem:$0x1D700] =	vst v63  }
0xbf: {  	_ =	swait.ge [sflag:s18], $0x200  }
0xc0: {  	[sflag:s18] =	ssyncset.done $0x0  }
0xc1: {  	s12 =	sadd.s32 $0x180, s11;
	[sflag:s18] =	ssyncadd.s32 $0xFFFFFE00  }
0xc2: {  	[tilespmem:s28], [sflag:$0x5] =	stream.linear.gather [hbm4b:s12+s2], $0x200, $0x38;
	[tilespmem:$0x1D700] =	vst v63  }
0xc3: {  	_ =	swait.ge [sflag:s18], $0x200  }
0xc4: {  	[sflag:s18] =	ssyncset.done $0x0  }
0xc5: {  	[sflag:s18] =	ssyncadd.s32 $0xFFFFFE00  }
0xc6: {  	_ =	swait.ge [sflag:s29], $0x2000  }
0xc7: {  	[sflag:s29] =	ssyncset.done $0x0  }
0xc8: {  	[sflag:s29] =	ssyncadd.s32 $0xFFFFE000  }
0xc9: {  	[spmem:s1] =	stream.indirect.scatter.add.f32 [tilespmem:s25], [sflag:$0x4], $0x10, s21, s20, $0xb8;
	[tilespmem:$0x1D700] =	vst v63  }
0xca: {  	_ =	swait.ge [sflag:s30], $0x2000  }
0xcb: {  	[sflag:s30] =	ssyncset.done $0x0  }
0xcc: {  	[sflag:s30] =	ssyncadd.s32 $0xFFFFE000  }
0xcd: {  	[tilespmem:s22], [sflag:$0x1] =	stream.indirect.gather [hbm4b:s4+s20], $0x10, s26, s20, $0xb8;
	[tilespmem:$0x1D700] =	vst v63  }
0xce: {  	s10 =	sadd.s32 $0x1C0, s10  }
0xcf: {  	[tilespmem:s31], [sflag:$0x5] =	stream.linear.gather [hbm4b:s10+s2], $0x200, $0x38;
	[tilespmem:$0x1D700] =	vst v63  }
0xd0: {  	_ =	swait.ge [sflag:s18], $0x200  }
.Ltmp1:
0xd1: {  	[sflag:s18] =	ssyncset.done $0x0;
	(pc) =	sbr.rel @p0 .LBB2_2-.Ltmp1, $4  }
0xd2: {  	s10 =	sadd.s32 $0x1C0, s11;
	[sflag:s18] =	ssyncadd.s32 $0xFFFFFE00  }
0xd3: {  	[tilespmem:s0], [sflag:$0x5] =	stream.linear.gather [hbm4b:s10+s2], $0x200, $0x38;
	[tilespmem:$0x1D700] =	vst v63  }
0xd4: {  	_ =	swait.ge [sflag:s18], $0x200  }
0xd5: {  	[sflag:s18] =	ssyncset.done $0x0  }
.LBB2_3:
0xd6: {  	[sflag:s18] =	ssyncadd.s32 $0xFFFFFE00  }
0xd7: {  	_ =	swait.ge [sflag:s23], $0x2000  }
0xd8: {  	[sflag:s23] =	ssyncset.done $0x0  }
0xd9: {  	[sflag:s23] =	ssyncadd.s32 $0xFFFFE000  }
0xda: {  	_ =	swait.ge [sflag:s3], $0x2000  }
0xdb: {  	s5 =	sadd.s32 $0x1, s5;
	[sflag:s3] =	ssyncset.done $0x0  }
0xdc: {  	p0 =	sne.s32 s5, s16;
	[sflag:s3] =	ssyncadd.s32 $0xFFFFE000  }
.Ltmp2:
0xdd: {  	[bflag:$0x0] =	sbarrier.arrive $0xFFFF;
	(pc) =	sbr.rel @p0 .LBB2_1-.Ltmp2, $4  }
0xde: {  	[hbm:s24], [sflag:s6] =	dma.local [spmem:s17], $0x30E0  }
0xdf: {  	_ =	swait.ge [sflag:s18], $0x30E0  }
0xe0: {  	[sflag:s18] =	ssyncset.done $0x0  }
0xe1: {  	[sflag:s18] =	ssyncadd.s32 $0xFFFFCF20  }
0xe2: {  	_ =	sfence.sel $0x180000  }
0xe3: {  	[bflag:$0x0] =	sbarrier.arrive $0xFFFF  }
0xe4: {  	_ =	strace $0x9000004D  }
0xe5: {  	s0 =	stileid.u32;
	[bflag:$0x2] =	sbarrier.arrive $0xFFFF  }
0xe6: {  	p0 =	sne.s32 s0, $0x0;
	s0 =	rddreg [dreg:$0x2]  }
0xe7: {  	s0 =	sadd.s32 @!p0 $0x100000, s0  }
0xe8: {  	[sflag:s0] =	ssyncadd.tile.s32 @!p0 $0x1;
	_ =	shalt  }
.Lfunc_end2:
_tile_overlayer_lowered:
.L_overlay_start_2:
0xe9: {  	(tag) =	ssettag $0x2  }
0xea: {  	s0 =	rddreg [dreg:$0x0];
	s2 =	stileid.u32  }
0xeb: {  	s1 =	rddreg [dreg:$0x1];
	p0 =	sne.s32 s2, $0x0  }
0xec: {  	s3 =	rddreg [dreg:$0x2];
	[bflag:$0x3] =	sbarrier.arrive $0xFFFF;
	s2 =	simm.s32 @!p0 $0x1C05  }
0xed: {  	[timem:s3], [sflag:s2] =	dma.local @!p0 [hbm:s0], s1  }
0xee: {  	s0 =	simm.s32 @!p0 $0x5  }
0xef: {  	_ =	swait.ge @!p0 [sflag:s0], s1  }
0xf0: {  	s1 =	ssub.s32 @!p0 $0x0, s1;
	[sflag:s0] =	ssyncset.done @!p0 $0x0  }
0xf1: {  	[sflag:s0] =	ssyncadd.s32 @!p0 s1  }
0xf2: {  	[bflag:$0x3] =	sbarrier.arrive $0xFFFF  }
0xf3: {  	_ =	shalt  }

// kernel: kernel.19.cloned.1.call-start
scs
__scs_entry_jumppad:
0x0: {  	(pc) =	sbr.rel $0x88, $3  }
0x1: {  	(tag) =	ssettag $0x0;
	lr =	simm.s32 $0x1  }
0x2: {  	[smem:$0x3F96] =	sst lr;
	_ =	strace $0xD0000000  }
0x3: {  	_ = 	snop  }
0x4: {  	_ = 	snop  }
0x5: {  	_ = 	snop  }
0x6: {  	_ = 	snop  }
0x7: {  	_ = 	snop  }
__scs_overlays_trampoline_lowered:
0x8: {  	[smem:$0x3FA5] =	sst s0  }
0x9: {  	[smem:$0x3FA6] =	sst s1  }
0xa: {  	[smem:$0x3FA7] =	sst s2  }
0xb: {  	[smem:$0x3FA8] =	sst s3  }
0xc: {  	[smem:$0x3FA9] =	sst s4  }
0xd: {  	[smem:$0x3FAA] =	sst s5  }
0xe: {  	[smem:$0x3FAB] =	sst s6  }
0xf: {  	[smem:$0x3FAC] =	sst s7  }
0x10: {  	[smem:$0x3FAD] =	sst s8  }
0x11: {  	[smem:$0x3FAE] =	sst s9;
	s0 =	simm.s32 @!p0 $0x0  }
0x12: {  	s1 =	sld [smem:$0x3F94];
	s0 =	simm.s32 @p0 $0x1  }
0x13: {  	[smem:$0x3FAF] =	sst s0;
	s0 =	simm.s32 @!p1 $0x0  }
0x14: {  	s2 =	sld [smem:$0x3F93];
	s0 =	simm.s32 @p1 $0x1  }
0x15: {  	[smem:$0x3FB0] =	sst s0;
	s0 =	simm.s32 @!p2 $0x0  }
0x16: {  	s3 =	sld [smem:$0x3FDB];
	s0 =	simm.s32 @p2 $0x1  }
0x17: {  	s4 =	simm.s32 $0x1BF5;
	[smem:$0x3FB2] =	sst s0  }
0x18: {  	s0 =	sld [smem:$0x3F95];
	_ =	swait.ge [sflag:s4], $0x0  }
0x19: {  	s7 =	sld [smem:$0x3F96]  }
0x1a: {  	s8 =	sadd.s32 $0xFFFFE003, lr  }
0x1b: {  	s9 =	sadd.s32 $0xFFFFFEF7, lr;
	s5 =	simm.s32 $0xFFFFFFFF;
	p2 =	slt.u32 s8, $0xFFFFF086  }
0x1c: {  	p1 =	slt.u32 s9, $0xF7A;
	s5 =	simm.s32 @!p2 $0x0  }
0x1d: {  	s5 =	simm.s32 @p1 $0x1;
	p0 =	seq.s32 s7, s2  }
0x1e: {  	s7 =	smul.u32 @!p0 $0xF7A, s2;
	p2 =	seq.s32 @!p0 s5, $0x0  }
0x1f: {  	s9 =	smul.u32 $0xF7A, s1;
	s8 =	simm.s32 @!p0 $0x1BF5;
	p2 =	por !p2, p0  }
0x20: {  	[sflag:s8] =	ssyncset.s32 @!p0 $0xFFFFF086;
	s6 =	sadd.s32 @!p0 s3, s7;
	s7 =	simm.s32 @!p0 $0x108  }
0x21: {  	s3 =	sadd.s32 s3, s9;
	s6 =	sadd.s32 @!p0 $0x88, s6;
	s7 =	simm.s32 @p2 $0x1082  }
0x22: {  	[simem:s7], [sflag:s8] =	dma.local @!p0 [hbm:s6], $0xF7A  }
0x23: {  	s9 =	sor.u32 $0xD0000000, s2;
	s6 =	simm.s32 $0x108;
	_ =	swait.ge @!p0 [sflag:s8], $0x0  }
0x24: {  	s3 =	sadd.s32 $0x88, s3;
	s6 =	simm.s32 @!p1 $0x1082;
	[sflag:s4] =	ssyncset.s32 $0xFFFFF086  }
0x25: {  	[simem:s6], [sflag:s4] =	dma.local [hbm:s3], $0xF7A  }
0x26: {  	[smem:$0x3F96] =	sst s1;
	(tag) =	ssettag s2;
	_ =	strace s9  }
0x27: {  	s1 =	sld [smem:$0x3FA6]  }
0x28: {  	s2 =	sld [smem:$0x3FA7]  }
0x29: {  	s4 =	sld [smem:$0x3FA9]  }
0x2a: {  	p0 =	seq.s32 s5, $0x0;
	s5 =	sld [smem:$0x3FAA]  }
0x2b: {  	s6 =	sld [smem:$0x3FAB]  }
0x2c: {  	s7 =	sld [smem:$0x3FAC]  }
0x2d: {  	s3 =	simm.s32 $0x108;
	s8 =	sld [smem:$0x3FAD]  }
0x2e: {  	s3 =	simm.s32 @!p0 $0x1082;
	s9 =	sld [smem:$0x3FAE]  }
0x2f: {  	lr =	sadd.s32 s0, s3;
	s0 =	sld [smem:$0x3FA5]  }
0x30: {  	s3 =	sld [smem:$0x3FA8]  }
0x31: {  	[smem:$0x3FB1] =	sst s10  }
0x32: {  	s10 =	sld [smem:$0x3FAF];
	_ =	sdelay $0x3  }
0x33: {  	p0 =	seq.s32 s10, $0x1;
	s10 =	sld [smem:$0x3FB1];
	_ =	sdelay $0x3  }
0x34: {  	[smem:$0x3FB1] =	sst s10  }
0x35: {  	s10 =	sld [smem:$0x3FB0];
	_ =	sdelay $0x3  }
0x36: {  	p1 =	seq.s32 s10, $0x1;
	s10 =	sld [smem:$0x3FB1];
	_ =	sdelay $0x3  }
0x37: {  	[smem:$0x3FB1] =	sst s10  }
0x38: {  	s10 =	sld [smem:$0x3FB2]  }
0x39: {  	_ = 	snop;
	(pc) =	sbr.ind lr, $3  }
0x3a: {  	_ = 	snop  }
0x3b: {  	_ = 	snop  }
0x3c: {  	p2 =	seq.s32 s10, $0x1;
	s10 =	sld [smem:$0x3FB1]  }
0x3d: {  	_ =	shalt  }
0x3e: {  	_ =	shalt  }
0x3f: {  	_ =	shalt  }
0x40: {  	_ =	shalt  }
0x41: {  	_ =	shalt  }
0x42: {  	_ =	shalt  }
0x43: {  	_ =	shalt  }
0x44: {  	_ =	shalt  }
0x45: {  	_ =	shalt  }
0x46: {  	_ =	shalt  }
0x47: {  	_ =	shalt  }
0x48: {  	_ =	shalt  }
0x49: {  	_ =	shalt  }
0x4a: {  	_ =	shalt  }
0x4b: {  	_ =	shalt  }
0x4c: {  	_ =	shalt  }
0x4d: {  	_ =	shalt  }
0x4e: {  	_ =	shalt  }
0x4f: {  	_ =	shalt  }
0x50: {  	_ =	shalt  }
0x51: {  	_ =	shalt  }
0x52: {  	_ =	shalt  }
0x53: {  	_ =	shalt  }
0x54: {  	_ =	shalt  }
0x55: {  	_ =	shalt  }
0x56: {  	_ =	shalt  }
0x57: {  	_ =	shalt  }
0x58: {  	_ =	shalt  }
0x59: {  	_ =	shalt  }
0x5a: {  	_ =	shalt  }
0x5b: {  	_ =	shalt  }
0x5c: {  	_ =	shalt  }
0x5d: {  	_ =	shalt  }
0x5e: {  	_ =	shalt  }
0x5f: {  	_ =	shalt  }
0x60: {  	_ =	shalt  }
0x61: {  	_ =	shalt  }
0x62: {  	_ =	shalt  }
0x63: {  	_ =	shalt  }
0x64: {  	_ =	shalt  }
0x65: {  	_ =	shalt  }
0x66: {  	_ =	shalt  }
0x67: {  	_ =	shalt  }
0x68: {  	_ =	shalt  }
0x69: {  	_ =	shalt  }
0x6a: {  	_ =	shalt  }
0x6b: {  	_ =	shalt  }
0x6c: {  	_ =	shalt  }
0x6d: {  	_ =	shalt  }
0x6e: {  	_ =	shalt  }
0x6f: {  	_ =	shalt  }
0x70: {  	_ =	shalt  }
0x71: {  	_ =	shalt  }
0x72: {  	_ =	shalt  }
0x73: {  	_ =	shalt  }
0x74: {  	_ =	shalt  }
0x75: {  	_ =	shalt  }
0x76: {  	_ =	shalt  }
0x77: {  	_ =	shalt  }
0x78: {  	_ =	shalt  }
0x79: {  	_ =	shalt  }
0x7a: {  	_ =	shalt  }
0x7b: {  	_ =	shalt  }
0x7c: {  	_ =	shalt  }
0x7d: {  	_ =	shalt  }
0x7e: {  	_ =	shalt  }
0x7f: {  	_ =	shalt  }
0x80: {  	_ =	shalt  }
0x81: {  	_ =	shalt  }
0x82: {  	_ =	shalt  }
0x83: {  	_ =	shalt  }
0x84: {  	_ =	shalt  }
0x85: {  	_ =	shalt  }
0x86: {  	_ =	shalt  }
0x87: {  	_ =	shalt  }
.Lfunc_end0:
.L_simem_size_0:
called_computation.3_lowered:
.L_overlay_start_0:
0x88: {  	s2 =	sld [smem:$0x3FD9]  }
0x89: {  	s3 =	sld [smem:$0x3FFE];
	_ =	sdelay $0x1  }
0x8a: {  	s1 =	srdreg.scid  }
0x8b: {  	s0 =	sand.u32 $0x1, s1  }
0x8c: {  	s16 =	sshll.u32 s0, $0xA;
	s2 =	sadd.s32 s3, s2  }
0x8d: {  	s2 =	sadd.s32 s2, s16  }
0x8e: {  	[smem:$0x3FBD] =	sst s2  }
0x8f: {  	_ = 	snop  }
0x90: {  	(tm) =	ssettm $0x1  }
0x91: {  	s17 =	sld [smem:$0x3FFB];
	_ =	sdelay $0x3  }
0x92: {  	_ =	strace s17  }
0x93: {  	s2 =	sld [smem:$0x3FFC];
	_ =	sdelay $0x3  }
0x94: {  	_ =	strace s2  }
0x95: {  	s2 =	sld [smem:$0x3FFD];
	_ =	sdelay $0x3  }
0x96: {  	_ =	strace s2  }
0x97: {  	_ =	strace $0x8FFFFFFF  }
0x98: {  	s18 =	sld [smem:$0x3FDB];
	_ =	sdelay $0x1  }
0x99: {  	s19 =	simm.s32 $_scs_section_size  }
0x9a: {  	s4 =	simm.s32 $_size__tile_overlayer_lowered;
	s5 =	simm.s32 $_tile_overlayer_lowered  }
0x9b: {  	s22 =	simm.s32 $0x1BFF;
	s21 =	sshll.u32 s5, $0x1;
	s2 =	sadd.s32 s19, s18  }
0x9c: {  	s6 =	simm.s32 $0x0;
	s20 =	sshll.u32 s4, $0x1;
	s4 =	sadd.s32 s21, s2  }
0x9d: {  	[timem:s6], [sflag:s22] =	dma.local [hbm:s4], s20  }
0x9e: {  	_ =	swait.ge [sflag:s22], s20  }
0x9f: {  	s3 =	ssub.s32 $0x0, s20;
	[sflag:s22] =	ssyncset.done $0x0  }
0xa0: {  	[sflag:s22] =	ssyncadd.s32 s3;
	_ =	sdelay $0x1  }
0xa1: {  	s23 =	simm.s32 $0x1B8B  }
0xa2: {  	_ =	swait.ge [sflag:s23], $0x1  }
0xa3: {  	[sflag:s23] =	ssyncset.done $0x0  }
0xa4: {  	s25 =	simm.s32 $0x1B8E;
	s24 =	sld [smem:$0x3FFE];
	[sflag:s23] =	ssyncadd.s32 $0xFFFFFFFF  }
0xa5: {  	s26 =	simm.s32 $execute0_lowered;
	[smem:$0x3FD2] =	sst s25  }
0xa6: {  	s4 =	sshll.u32 s26, $0x1;
	_ =	strace $0x8000004F;
	[dreg:$0x1] =	wrdreg $0xFFFFFFFF  }
0xa7: {  	s28 =	simm.s32 $_size_execute0_lowered;
	s2 =	sadd.s32 s2, s4;
	[dreg:$0x0] =	wrdreg $0x0  }
0xa8: {  	s4 =	sshll.u32 s28, $0x1;
	[dreg:$0x2] =	wrdreg s2  }
0xa9: {  	[dreg:$0x3] =	wrdreg s4  }
0xaa: {  	[dreg:$0x4] =	wrdreg $0xC0  }
0xab: {  	_ =	task [dreg:s6], $0x5FFFF  }
0xac: {  	[dreg:$0x1] =	wrdreg $0xFFFFFFFF  }
0xad: {  	[dreg:$0x0] =	wrdreg $0x60  }
0xae: {  	[dreg:$0x2] =	wrdreg s24  }
0xaf: {  	[dreg:$0x3] =	wrdreg $0x50000  }
0xb0: {  	[dreg:$0x4] =	wrdreg $0x9  }
0xb1: {  	_ =	task.clear_ibuf [dreg:s6], $0x5FFFF;
	_ =	strace $0x9000004F  }
0xb2: {  	s29 =	simm.s32 $0x9;
	_ =	strace $0x80000051  }
0xb3: {  	_ =	swait.ge [sflag:s29], $0x1  }
0xb4: {  	[sflag:s29] =	ssyncadd.s32 $0xFFFFFFFF  }
0xb5: {  	_ =	strace $0x90000051  }
0xb6: {  	_ =	sfence  }
0xb7: {  	s30 =	sld [smem:$0x0];
	_ =	sdelay $0x2  }
0xb8: {  	s31 =	sshll.u32 s1, $0xD;
	s1 =	sshrl.u32 s1, $0x2  }
0xb9: {  	s3 =	sand.u32 $0x4000, s31;
	s1 =	sadd.s32 s1, s30  }
0xba: {  	s0 =	sor.u32 s3, s0;
	s1 =	sshll.u32 s1, $0x11  }
0xbb: {  	s0 =	sor.u32 s1, s0  }
0xbc: {  	s0 =	sadd.s32 $0x8F2B, s0  }
0xbd: {  	[sflag:s0] =	ssyncadd.remote.s32 $0x1  }
0xbe: {  	_ =	sfence.sel $0xFFFF  }
0xbf: {  	[dreg:$0x0] =	wrdreg $0xFFFFFFFF;
	(pc) =	sbr.abs _section_cstart, $3  }
0xc0: {  	[dreg:$0x1] =	wrdreg $0xFFFFFFFF  }
0xc1: {  	_ =	task.clear_ibuf [dreg:s6], $0x2FFFF;
	_ =	strace $0x9FFFFFFF  }
0xc2: {  	(tm) =	ssettm $0x7FFFFFFF  }
0xc3: {  	_ =	shalt  }
tec
execute0_lowered:
.L_overlay_start_1:
0x0: {  	(tag) =	ssettag $0x1  }
0x1: {  	s0 =	rddreg [dreg:$0x0]  }
0x2: {  	s1 =	rddreg [dreg:$0x1]  }
0x3: {  	s2 =	simm.s32 $0x0;
	s3 =	srdreg.scid;
	s12 =	stileid.u32  }
0x4: {  	s15 =	simm.s32 $0x3400;
	s18 =	simm.s32 $0x5;
	s28 =	simm.s32 $0xC00  }
0x5: {  	s29 =	simm.s32 $0x2;
	s30 =	simm.s32 $0x3;
	s31 =	simm.s32 $0x600  }
0x6: {  	[smem:$0x7FF] =	sst s2;
	s5 =	sadd.s32 $0xCA800, s0;
	s8 =	smul.u32 $0xB6, s12  }
0x7: {  	s9 =	sadd.s32 $0x3400, s0;
	s3 =	sand.u32 $0x1, s3;
	s10 =	smul.u32 $0xD2, s12  }
0x8: {  	s4 =	sadd.s32 $0x68C00, s0;
	s7 =	sadd.s32 $0x65A00, s0;
	s11 =	smul.u32 $0x18700, s12  }
0x9: {  	s21 =	sshll.u32 s12, $0x6;
	_ =	strace $0x80000050;
	s6 =	smul.u32 $0x30E00, s3  }
0xa: {  	[dreg:$0x3] =	wrdreg s7;
	s19 =	ssub.s32 $0x2, s3;
	p0 =	seq.s32 s3, $0x0  }
0xb: {  	s20 =	sshrl.u32 s19, $0x1;
	s3 =	sadd.s32 $0xD20, s8;
	s22 =	sadd.s32 s11, s1  }
0xc: {  	s15 =	simm.s32 @!p0 $0x2D00;
	s26 =	sshrl.u32 s11, $0x3;
	s0 =	sadd.s32 s6, s0  }
0xd: {  	s16 =	ssub.s32 s19, s20;
	s3 =	smov.u32 @p0 s10;
	s6 =	sor.u32 $0x1C05, s21  }
0xe: {  	s17 =	sshrl.u32 s22, $0x3;
	s19 =	simm.s32 $0x800;
	s20 =	simm.s32 $0x200  }
0xf: {  	s21 =	simm.s32 $0xA00;
	s22 =	simm.s32 $0x1000;
	s3 =	sshll.u32 s3, $0x6  }
0x10: {  	s0 =	sadd.s32 $0x12CA00, s0;
	s16 =	smax.u32 s16, $0x1;
	s23 =	sor.u32 $0x40, s3  }
0x11: {  	s7 =	sadd.s32 s5, s3;
	s8 =	sadd.s32 s9, s3;
	s13 =	sadd.s32 s5, s23  }
0x12: {  	s24 =	sadd.s32 $0x80, s3;
	s12 =	sadd.s32 s9, s23;
	[dreg:$0x4] =	wrdreg s13  }
0x13: {  	s3 =	sadd.s32 $0xC0, s3;
	s25 =	sadd.s32 s5, s24;
	[dreg:$0x5] =	wrdreg s12  }
0x14: {  	s14 =	sadd.s32 s9, s3;
	s23 =	simm.s32 $0x1;
	[dreg:$0x6] =	wrdreg s25  }
0x15: {  	s12 =	sadd.s32 s9, s24;
	s13 =	sadd.s32 s5, s3;
	s24 =	sadd.s32 s26, s0  }
0x16: {  	s25 =	simm.s32 $0x3000;
	s26 =	simm.s32 $0x400;
	s0 =	simm.s32 $0xE00  }
0x17: {  	s3 =	simm.s32 $0x4;
	s5 =	simm.s32 $0x0;
	[dreg:$0x7] =	wrdreg s12  }
.LBB2_1:
0x18: {  	s9 =	rddreg [dreg:$0x3]  }
0x19: {  	[spmem:s17], [sflag:s6] =	dma.local [hbm:s9], $0x30E0  }
0x1a: {  	_ =	swait.ge [sflag:s18], $0x30E0  }
0x1b: {  	[sflag:s18] =	ssyncset.done $0x0  }
0x1c: {  	[sflag:s18] =	ssyncadd.s32 $0xFFFFCF20  }
0x1d: {  	[bflag:$0x0] =	sbarrier.arrive $0xFFFF  }
0x1e: {  	[tilespmem:s2], [sflag:$0x5] =	stream.linear.gather [hbm4b:s7+s2], $0x200, $0x38;
	[tilespmem:$0x1D700] =	vst v63  }
0x1f: {  	_ =	swait.ge [sflag:s18], $0x200  }
0x20: {  	[sflag:s18] =	ssyncset.done $0x0  }
0x21: {  	[sflag:s18] =	ssyncadd.s32 $0xFFFFFE00  }
0x22: {  	[tilespmem:s19], [sflag:$0x5] =	stream.linear.gather [hbm4b:s8+s2], $0x200, $0x38;
	[tilespmem:$0x1D700] =	vst v63  }
0x23: {  	_ =	swait.ge [sflag:s18], $0x200  }
0x24: {  	[sflag:s18] =	ssyncset.done $0x0  }
0x25: {  	s11 =	rddreg [dreg:$0x4];
	[sflag:s18] =	ssyncadd.s32 $0xFFFFFE00  }
0x26: {  	[tilespmem:s20], [sflag:$0x5] =	stream.linear.gather [hbm4b:s11+s2], $0x200, $0x38;
	[tilespmem:$0x1D700] =	vst v63  }
0x27: {  	_ =	swait.ge [sflag:s18], $0x200  }
0x28: {  	[sflag:s18] =	ssyncset.done $0x0  }
0x29: {  	s12 =	rddreg [dreg:$0x5];
	[sflag:s18] =	ssyncadd.s32 $0xFFFFFE00  }
0x2a: {  	[tilespmem:s21], [sflag:$0x5] =	stream.linear.gather [hbm4b:s12+s2], $0x200, $0x38;
	[tilespmem:$0x1D700] =	vst v63  }
0x2b: {  	_ =	swait.ge [sflag:s18], $0x200  }
0x2c: {  	[sflag:s18] =	ssyncset.done $0x0  }
0x2d: {  	[sflag:s18] =	ssyncadd.s32 $0xFFFFFE00  }
0x2e: {  	[tilespmem:s22], [sflag:$0x1] =	stream.indirect.gather [hbm4b:s4+s20], $0x10, s2, s20, $0xb8;
	[tilespmem:$0x1D700] =	vst v63  }
0x2f: {  	_ =	swait.ge [sflag:s23], $0x2000  }
0x30: {  	[sflag:s23] =	ssyncset.done $0x0  }
0x31: {  	[sflag:s23] =	ssyncadd.s32 $0xFFFFE000  }
0x32: {  	[spmem:s1] =	stream.indirect.scatter.add.f32 [tilespmem:s22], [sflag:$0x3], $0x10, s19, s20, $0xb8;
	[tilespmem:$0x1D700] =	vst v63  }
0x33: {  	_ = 	snop  }
0x34: {  	[tilespmem:s25], [sflag:$0x2] =	stream.indirect.gather [hbm4b:s4+s20], $0x10, s20, s20, $0xb8;
	[tilespmem:$0x1D700] =	vst v63  }
0x35: {  	s10 =	rddreg [dreg:$0x6]  }
0x36: {  	[tilespmem:s26], [sflag:$0x5] =	stream.linear.gather [hbm4b:s10+s2], $0x200, $0x38;
	[tilespmem:$0x1D700] =	vst v63  }
0x37: {  	_ =	swait.ge [sflag:s18], $0x200  }
0x38: {  	[sflag:s18] =	ssyncset.done $0x0  }
0x39: {  	s11 =	rddreg [dreg:$0x7];
	[sflag:s18] =	ssyncadd.s32 $0xFFFFFE00  }
0x3a: {  	[tilespmem:s28], [sflag:$0x5] =	stream.linear.gather [hbm4b:s11+s2], $0x200, $0x38;
	[tilespmem:$0x1D700] =	vst v63  }
0x3b: {  	_ =	swait.ge [sflag:s18], $0x200  }
0x3c: {  	[sflag:s18] =	ssyncset.done $0x0  }
0x3d: {  	[sflag:s18] =	ssyncadd.s32 $0xFFFFFE00  }
0x3e: {  	_ =	swait.ge [sflag:s29], $0x2000  }
0x3f: {  	[sflag:s29] =	ssyncset.done $0x0  }
0x40: {  	[sflag:s29] =	ssyncadd.s32 $0xFFFFE000  }
0x41: {  	[spmem:s1] =	stream.indirect.scatter.add.f32 [tilespmem:s25], [sflag:$0x4], $0x10, s21, s20, $0xb8;
	[tilespmem:$0x1D700] =	vst v63  }
0x42: {  	_ =	swait.ge [sflag:s30], $0x2000  }
0x43: {  	[sflag:s30] =	ssyncset.done $0x0  }
0x44: {  	[sflag:s30] =	ssyncadd.s32 $0xFFFFE000  }
0x45: {  	[tilespmem:s22], [sflag:$0x1] =	stream.indirect.gather [hbm4b:s4+s20], $0x10, s26, s20, $0xb8;
	[tilespmem:$0x1D700] =	vst v63  }
0x46: {  	_ = 	snop  }
0x47: {  	[tilespmem:s31], [sflag:$0x5] =	stream.linear.gather [hbm4b:s13+s2], $0x200, $0x38;
	[tilespmem:$0x1D700] =	vst v63  }
0x48: {  	_ =	swait.ge [sflag:s18], $0x200  }
0x49: {  	[sflag:s18] =	ssyncset.done $0x0  }
0x4a: {  	[sflag:s18] =	ssyncadd.s32 $0xFFFFFE00  }
0x4b: {  	[tilespmem:s0], [sflag:$0x5] =	stream.linear.gather [hbm4b:s14+s2], $0x200, $0x38;
	[tilespmem:$0x1D700] =	vst v63  }
0x4c: {  	_ =	swait.ge [sflag:s18], $0x200  }
0x4d: {  	[sflag:s18] =	ssyncset.done $0x0  }
0x4e: {  	[sflag:s18] =	ssyncadd.s32 $0xFFFFFE00  }
0x4f: {  	_ =	swait.ge [sflag:s23], $0x2000  }
0x50: {  	[sflag:s23] =	ssyncset.done $0x0  }
0x51: {  	[sflag:s23] =	ssyncadd.s32 $0xFFFFE000  }
0x52: {  	[spmem:s1] =	stream.indirect.scatter.add.f32 [tilespmem:s22], [sflag:$0x3], $0x10, s28, s20, $0xb8;
	[tilespmem:$0x1D700] =	vst v63  }
0x53: {  	_ =	swait.ge [sflag:s3], $0x2000  }
0x54: {  	[sflag:s3] =	ssyncset.done $0x0  }
0x55: {  	s9 =	sadd.s32 $0x0, s7;
	[sflag:s3] =	ssyncadd.s32 $0xFFFFE000  }
0x56: {  	[tilespmem:s25], [sflag:$0x2] =	stream.indirect.gather [hbm4b:s4+s20], $0x10, s31, s20, $0xb8;
	[tilespmem:$0x1D700] =	vst v63  }
0x57: {  	s10 =	sadd.s32 $0x100, s9  }
0x58: {  	[tilespmem:s2], [sflag:$0x5] =	stream.linear.gather [hbm4b:s10+s2], $0x200, $0x38;
	[tilespmem:$0x1D700] =	vst v63  }
0x59: {  	_ =	swait.ge [sflag:s18], $0x200  }
0x5a: {  	s10 =	sadd.s32 $0x0, s8;
	[sflag:s18] =	ssyncset.done $0x0  }
0x5b: {  	s11 =	sadd.s32 $0x100, s10;
	[sflag:s18] =	ssyncadd.s32 $0xFFFFFE00  }
0x5c: {  	[tilespmem:s19], [sflag:$0x5] =	stream.linear.gather [hbm4b:s11+s2], $0x200, $0x38;
	[tilespmem:$0x1D700] =	vst v63  }
0x5d: {  	_ =	swait.ge [sflag:s18], $0x200  }
0x5e: {  	[sflag:s18] =	ssyncset.done $0x0  }
0x5f: {  	[sflag:s18] =	ssyncadd.s32 $0xFFFFFE00  }
0x60: {  	_ =	swait.ge [sflag:s29], $0x2000  }
0x61: {  	[sflag:s29] =	ssyncset.done $0x0  }
0x62: {  	[sflag:s29] =	ssyncadd.s32 $0xFFFFE000  }
0x63: {  	[spmem:s1] =	stream.indirect.scatter.add.f32 [tilespmem:s25], [sflag:$0x4], $0x10, s0, s20, $0xb8;
	[tilespmem:$0x1D700] =	vst v63  }
0x64: {  	_ =	swait.ge [sflag:s30], $0x2000  }
0x65: {  	[sflag:s30] =	ssyncset.done $0x0  }
0x66: {  	[sflag:s30] =	ssyncadd.s32 $0xFFFFE000  }
0x67: {  	[tilespmem:s22], [sflag:$0x1] =	stream.indirect.gather [hbm4b:s4+s20], $0x10, s2, s20, $0xb8;
	[tilespmem:$0x1D700] =	vst v63  }
0x68: {  	s12 =	sadd.s32 $0x140, s9  }
0x69: {  	[tilespmem:s20], [sflag:$0x5] =	stream.linear.gather [hbm4b:s12+s2], $0x200, $0x38;
	[tilespmem:$0x1D700] =	vst v63  }
0x6a: {  	_ =	swait.ge [sflag:s18], $0x200  }
0x6b: {  	[sflag:s18] =	ssyncset.done $0x0  }
0x6c: {  	s12 =	sadd.s32 $0x140, s10;
	[sflag:s18] =	ssyncadd.s32 $0xFFFFFE00  }
0x6d: {  	[tilespmem:s21], [sflag:$0x5] =	stream.linear.gather [hbm4b:s12+s2], $0x200, $0x38;
	[tilespmem:$0x1D700] =	vst v63  }
0x6e: {  	_ =	swait.ge [sflag:s18], $0x200  }
0x6f: {  	[sflag:s18] =	ssyncset.done $0x0  }
0x70: {  	[sflag:s18] =	ssyncadd.s32 $0xFFFFFE00  }
0x71: {  	_ =	swait.ge [sflag:s23], $0x2000  }
0x72: {  	[sflag:s23] =	ssyncset.done $0x0  }
0x73: {  	[sflag:s23] =	ssyncadd.s32 $0xFFFFE000  }
0x74: {  	[spmem:s1] =	stream.indirect.scatter.add.f32 [tilespmem:s22], [sflag:$0x3], $0x10, s19, s20, $0xb8;
	[tilespmem:$0x1D700] =	vst v63  }
0x75: {  	_ =	swait.ge [sflag:s3], $0x2000  }
0x76: {  	[sflag:s3] =	ssyncset.done $0x0  }
0x77: {  	[sflag:s3] =	ssyncadd.s32 $0xFFFFE000  }
0x78: {  	[tilespmem:s25], [sflag:$0x2] =	stream.indirect.gather [hbm4b:s4+s20], $0x10, s20, s20, $0xb8;
	[tilespmem:$0x1D700] =	vst v63  }
0x79: {  	s12 =	sadd.s32 $0x180, s9  }
0x7a: {  	[tilespmem:s26], [sflag:$0x5] =	stream.linear.gather [hbm4b:s12+s2], $0x200, $0x38;
	[tilespmem:$0x1D700] =	vst v63  }
0x7b: {  	_ =	swait.ge [sflag:s18], $0x200  }
0x7c: {  	[sflag:s18] =	ssyncset.done $0x0  }
0x7d: {  	s12 =	sadd.s32 $0x180, s10;
	[sflag:s18] =	ssyncadd.s32 $0xFFFFFE00  }
0x7e: {  	[tilespmem:s28], [sflag:$0x5] =	stream.linear.gather [hbm4b:s12+s2], $0x200, $0x38;
	[tilespmem:$0x1D700] =	vst v63  }
0x7f: {  	_ =	swait.ge [sflag:s18], $0x200  }
0x80: {  	[sflag:s18] =	ssyncset.done $0x0  }
0x81: {  	[sflag:s18] =	ssyncadd.s32 $0xFFFFFE00  }
0x82: {  	_ =	swait.ge [sflag:s29], $0x2000  }
0x83: {  	[sflag:s29] =	ssyncset.done $0x0  }
0x84: {  	[sflag:s29] =	ssyncadd.s32 $0xFFFFE000  }
0x85: {  	[spmem:s1] =	stream.indirect.scatter.add.f32 [tilespmem:s25], [sflag:$0x4], $0x10, s21, s20, $0xb8;
	[tilespmem:$0x1D700] =	vst v63  }
0x86: {  	_ =	swait.ge [sflag:s30], $0x2000  }
0x87: {  	[sflag:s30] =	ssyncset.done $0x0  }
0x88: {  	[sflag:s30] =	ssyncadd.s32 $0xFFFFE000  }
0x89: {  	[tilespmem:s22], [sflag:$0x1] =	stream.indirect.gather [hbm4b:s4+s20], $0x10, s26, s20, $0xb8;
	[tilespmem:$0x1D700] =	vst v63  }
0x8a: {  	s9 =	sadd.s32 $0x1C0, s9  }
0x8b: {  	[tilespmem:s31], [sflag:$0x5] =	stream.linear.gather [hbm4b:s9+s2], $0x200, $0x38;
	[tilespmem:$0x1D700] =	vst v63  }
0x8c: {  	p0 =	sne.s32 s15, $0x100;
	_ =	swait.ge [sflag:s18], $0x200  }
.Ltmp0:
0x8d: {  	[sflag:s18] =	ssyncset.done $0x0;
	(pc) =	sbr.rel @!p0 .LBB2_3-.Ltmp0, $4  }
0x8e: {  	s12 =	sadd.s32 $0x1C0, s10;
	[sflag:s18] =	ssyncadd.s32 $0xFFFFFE00  }
0x8f: {  	[tilespmem:s0], [sflag:$0x5] =	stream.linear.gather [hbm4b:s12+s2], $0x200, $0x38;
	[tilespmem:$0x1D700] =	vst v63  }
0x90: {  	_ =	swait.ge [sflag:s18], $0x200  }
0x91: {  	s9 =	simm.s32 $0x100;
	[sflag:s18] =	ssyncset.done $0x0  }
.LBB2_2:
0x92: {  	[sflag:s18] =	ssyncadd.s32 $0xFFFFFE00;
	s11 =	smov.u32 s9;
	s9 =	sadd.s32 $0x100, s9  }
0x93: {  	_ =	swait.ge [sflag:s23], $0x2000;
	p0 =	sne.s32 s15, s9  }
0x94: {  	[sflag:s23] =	ssyncset.done $0x0  }
0x95: {  	[sflag:s23] =	ssyncadd.s32 $0xFFFFE000  }
0x96: {  	[spmem:s1] =	stream.indirect.scatter.add.f32 [tilespmem:s22], [sflag:$0x3], $0x10, s28, s20, $0xb8;
	[tilespmem:$0x1D700] =	vst v63  }
0x97: {  	_ =	swait.ge [sflag:s3], $0x2000  }
0x98: {  	[sflag:s3] =	ssyncset.done $0x0  }
0x99: {  	s10 =	sadd.s32 s11, s7;
	[sflag:s3] =	ssyncadd.s32 $0xFFFFE000  }
0x9a: {  	[tilespmem:s25], [sflag:$0x2] =	stream.indirect.gather [hbm4b:s4+s20], $0x10, s31, s20, $0xb8;
	[tilespmem:$0x1D700] =	vst v63  }
0x9b: {  	s12 =	sadd.s32 $0x100, s10  }
0x9c: {  	[tilespmem:s2], [sflag:$0x5] =	stream.linear.gather [hbm4b:s12+s2], $0x200, $0x38;
	[tilespmem:$0x1D700] =	vst v63  }
0x9d: {  	_ =	swait.ge [sflag:s18], $0x200  }
0x9e: {  	s11 =	sadd.s32 s11, s8;
	[sflag:s18] =	ssyncset.done $0x0  }
0x9f: {  	s12 =	sadd.s32 $0x100, s11;
	[sflag:s18] =	ssyncadd.s32 $0xFFFFFE00  }
0xa0: {  	[tilespmem:s19], [sflag:$0x5] =	stream.linear.gather [hbm4b:s12+s2], $0x200, $0x38;
	[tilespmem:$0x1D700] =	vst v63  }
0xa1: {  	_ =	swait.ge [sflag:s18], $0x200  }
0xa2: {  	[sflag:s18] =	ssyncset.done $0x0  }
0xa3: {  	[sflag:s18] =	ssyncadd.s32 $0xFFFFFE00  }
0xa4: {  	_ =	swait.ge [sflag:s29], $0x2000  }
0xa5: {  	[sflag:s29] =	ssyncset.done $0x0  }
0xa6: {  	[sflag:s29] =	ssyncadd.s32 $0xFFFFE000  }
0xa7: {  	[spmem:s1] =	stream.indirect.scatter.add.f32 [tilespmem:s25], [sflag:$0x4], $0x10, s0, s20, $0xb8;
	[tilespmem:$0x1D700] =	vst v63  }
0xa8: {  	_ =	swait.ge [sflag:s30], $0x2000  }
0xa9: {  	[sflag:s30] =	ssyncset.done $0x0  }
0xaa: {  	[sflag:s30] =	ssyncadd.s32 $0xFFFFE000  }
0xab: {  	[tilespmem:s22], [sflag:$0x1] =	stream.indirect.gather [hbm4b:s4+s20], $0x10, s2, s20, $0xb8;
	[tilespmem:$0x1D700] =	vst v63  }
0xac: {  	s12 =	sadd.s32 $0x140, s10  }
0xad: {  	[tilespmem:s20], [sflag:$0x5] =	stream.linear.gather [hbm4b:s12+s2], $0x200, $0x38;
	[tilespmem:$0x1D700] =	vst v63  }
0xae: {  	_ =	swait.ge [sflag:s18], $0x200  }
0xaf: {  	[sflag:s18] =	ssyncset.done $0x0  }
0xb0: {  	s12 =	sadd.s32 $0x140, s11;
	[sflag:s18] =	ssyncadd.s32 $0xFFFFFE00  }
0xb1: {  	[tilespmem:s21], [sflag:$0x5] =	stream.linear.gather [hbm4b:s12+s2], $0x200, $0x38;
	[tilespmem:$0x1D700] =	vst v63  }
0xb2: {  	_ =	swait.ge [sflag:s18], $0x200  }
0xb3: {  	[sflag:s18] =	ssyncset.done $0x0  }
0xb4: {  	[sflag:s18] =	ssyncadd.s32 $0xFFFFFE00  }
0xb5: {  	_ =	swait.ge [sflag:s23], $0x2000  }
0xb6: {  	[sflag:s23] =	ssyncset.done $0x0  }
0xb7: {  	[sflag:s23] =	ssyncadd.s32 $0xFFFFE000  }
0xb8: {  	[spmem:s1] =	stream.indirect.scatter.add.f32 [tilespmem:s22], [sflag:$0x3], $0x10, s19, s20, $0xb8;
	[tilespmem:$0x1D700] =	vst v63  }
0xb9: {  	_ =	swait.ge [sflag:s3], $0x2000  }
0xba: {  	[sflag:s3] =	ssyncset.done $0x0  }
0xbb: {  	[sflag:s3] =	ssyncadd.s32 $0xFFFFE000  }
0xbc: {  	[tilespmem:s25], [sflag:$0x2] =	stream.indirect.gather [hbm4b:s4+s20], $0x10, s20, s20, $0xb8;
	[tilespmem:$0x1D700] =	vst v63  }
0xbd: {  	s12 =	sadd.s32 $0x180, s10  }
0xbe: {  	[tilespmem:s26], [sflag:$0x5] =	stream.linear.gather [hbm4b:s12+s2], $0x200, $0x38;
	[tilespmem:$0x1D700] =	vst v63  }
0xbf: {  	_ =	swait.ge [sflag:s18], $0x200  }
0xc0: {  	[sflag:s18] =	ssyncset.done $0x0  }
0xc1: {  	s12 =	sadd.s32 $0x180, s11;
	[sflag:s18] =	ssyncadd.s32 $0xFFFFFE00  }
0xc2: {  	[tilespmem:s28], [sflag:$0x5] =	stream.linear.gather [hbm4b:s12+s2], $0x200, $0x38;
	[tilespmem:$0x1D700] =	vst v63  }
0xc3: {  	_ =	swait.ge [sflag:s18], $0x200  }
0xc4: {  	[sflag:s18] =	ssyncset.done $0x0  }
0xc5: {  	[sflag:s18] =	ssyncadd.s32 $0xFFFFFE00  }
0xc6: {  	_ =	swait.ge [sflag:s29], $0x2000  }
0xc7: {  	[sflag:s29] =	ssyncset.done $0x0  }
0xc8: {  	[sflag:s29] =	ssyncadd.s32 $0xFFFFE000  }
0xc9: {  	[spmem:s1] =	stream.indirect.scatter.add.f32 [tilespmem:s25], [sflag:$0x4], $0x10, s21, s20, $0xb8;
	[tilespmem:$0x1D700] =	vst v63  }
0xca: {  	_ =	swait.ge [sflag:s30], $0x2000  }
0xcb: {  	[sflag:s30] =	ssyncset.done $0x0  }
0xcc: {  	[sflag:s30] =	ssyncadd.s32 $0xFFFFE000  }
0xcd: {  	[tilespmem:s22], [sflag:$0x1] =	stream.indirect.gather [hbm4b:s4+s20], $0x10, s26, s20, $0xb8;
	[tilespmem:$0x1D700] =	vst v63  }
0xce: {  	s10 =	sadd.s32 $0x1C0, s10  }
0xcf: {  	[tilespmem:s31], [sflag:$0x5] =	stream.linear.gather [hbm4b:s10+s2], $0x200, $0x38;
	[tilespmem:$0x1D700] =	vst v63  }
0xd0: {  	_ =	swait.ge [sflag:s18], $0x200  }
.Ltmp1:
0xd1: {  	[sflag:s18] =	ssyncset.done $0x0;
	(pc) =	sbr.rel @p0 .LBB2_2-.Ltmp1, $4  }
0xd2: {  	s10 =	sadd.s32 $0x1C0, s11;
	[sflag:s18] =	ssyncadd.s32 $0xFFFFFE00  }
0xd3: {  	[tilespmem:s0], [sflag:$0x5] =	stream.linear.gather [hbm4b:s10+s2], $0x200, $0x38;
	[tilespmem:$0x1D700] =	vst v63  }
0xd4: {  	_ =	swait.ge [sflag:s18], $0x200  }
0xd5: {  	[sflag:s18] =	ssyncset.done $0x0  }
.LBB2_3:
0xd6: {  	[sflag:s18] =	ssyncadd.s32 $0xFFFFFE00  }
0xd7: {  	_ =	swait.ge [sflag:s23], $0x2000  }
0xd8: {  	[sflag:s23] =	ssyncset.done $0x0  }
0xd9: {  	[sflag:s23] =	ssyncadd.s32 $0xFFFFE000  }
0xda: {  	_ =	swait.ge [sflag:s3], $0x2000  }
0xdb: {  	s5 =	sadd.s32 $0x1, s5;
	[sflag:s3] =	ssyncset.done $0x0  }
0xdc: {  	p0 =	sne.s32 s5, s16;
	[sflag:s3] =	ssyncadd.s32 $0xFFFFE000  }
.Ltmp2:
0xdd: {  	[bflag:$0x0] =	sbarrier.arrive $0xFFFF;
	(pc) =	sbr.rel @p0 .LBB2_1-.Ltmp2, $4  }
0xde: {  	[hbm:s24], [sflag:s6] =	dma.local [spmem:s17], $0x30E0  }
0xdf: {  	_ =	swait.ge [sflag:s18], $0x30E0  }
0xe0: {  	[sflag:s18] =	ssyncset.done $0x0  }
0xe1: {  	[sflag:s18] =	ssyncadd.s32 $0xFFFFCF20  }
0xe2: {  	_ =	sfence.sel $0x180000  }
0xe3: {  	[bflag:$0x0] =	sbarrier.arrive $0xFFFF  }
0xe4: {  	_ =	strace $0x90000050  }
0xe5: {  	s0 =	stileid.u32;
	[bflag:$0x2] =	sbarrier.arrive $0xFFFF  }
0xe6: {  	p0 =	sne.s32 s0, $0x0;
	s0 =	rddreg [dreg:$0x2]  }
0xe7: {  	s0 =	sadd.s32 @!p0 $0x100000, s0  }
0xe8: {  	[sflag:s0] =	ssyncadd.tile.s32 @!p0 $0x1;
	_ =	shalt  }
.Lfunc_end2:
_tile_overlayer_lowered:
.L_overlay_start_2:
0xe9: {  	(tag) =	ssettag $0x2  }
0xea: {  	s0 =	rddreg [dreg:$0x0];
	s2 =	stileid.u32  }
0xeb: {  	s1 =	rddreg [dreg:$0x1];
	p0 =	sne.s32 s2, $0x0  }
0xec: {  	s3 =	rddreg [dreg:$0x2];
	[bflag:$0x3] =	sbarrier.arrive $0xFFFF;
	s2 =	simm.s32 @!p0 $0x1C05  }
0xed: {  	[timem:s3], [sflag:s2] =	dma.local @!p0 [hbm:s0], s1  }
0xee: {  	s0 =	simm.s32 @!p0 $0x5  }
0xef: {  	_ =	swait.ge @!p0 [sflag:s0], s1  }
0xf0: {  	s1 =	ssub.s32 @!p0 $0x0, s1;
	[sflag:s0] =	ssyncset.done @!p0 $0x0  }
0xf1: {  	[sflag:s0] =	ssyncadd.s32 @!p0 s1  }
0xf2: {  	[bflag:$0x3] =	sbarrier.arrive $0xFFFF  }
0xf3: {  	_ =	shalt  }

</sc_bundles>
